<compile_context>
chip_gen: v7x
topology: tpu7x:2x2x1
jax: 0.10.2.dev20260603
libtpu: 0.0.44.dev20260713+nightly
codegen_flags: <defaults>
</compile_context>

<pallas_src>
import functools

import jax
import jax.numpy as jnp
from jax import lax
from jax.experimental import pallas as pl
from jax.experimental.pallas import tpu as pltpu
from jax.experimental.pallas import tpu_sc as plsc

N = 10000
D = 128
E = 320000

NC = 2
NS = 16
NW = NC * NS
CHUNK = 120
NCHUNK = 84
EPT = NCHUNK * CHUNK
E_PAD = NW * EPT
N_PAD = 10112
RPT = N_PAD // NS
DEGW = 8

_mesh = plsc.VectorSubcoreMesh(core_axis_name="c", subcore_axis_name="s")


@functools.partial(
    pl.kernel,
    mesh=_mesh,
    out_type=jax.ShapeDtypeStruct((NC, N_PAD, DEGW), jnp.float32),
    scratch_types=[
        pltpu.VMEM((NCHUNK, 2, CHUNK), jnp.int32),
        pltpu.VMEM((CHUNK, DEGW), jnp.float32),
        pltpu.VMEM_SHARED((N_PAD, DEGW), jnp.float32),
        pltpu.SemaphoreType.DMA,
    ],
)
def _deg_fn(idx_hbm, ones_hbm, zeros_hbm, cnt_hbm, idx_v, ones_v, acc_sh, sem):
    c = lax.axis_index("c")
    s = lax.axis_index("s")
    wid = c * NS + s
    pltpu.sync_copy(idx_hbm.at[wid], idx_v)
    pltpu.sync_copy(ones_hbm, ones_v)
    pltpu.sync_copy(zeros_hbm, acc_sh.at[pl.ds(s * RPT, RPT), :])
    plsc.subcore_barrier()

    def fire(j):
        pltpu.async_copy(ones_v, acc_sh.at[idx_v.at[j, 1]], sem, add=True)

    def drain(j):
        pltpu.make_async_copy(ones_v, acc_sh.at[idx_v.at[j, 1]], sem).wait()

    for j in range(6):
        fire(j)

    def body(j, carry):
        fire(j + 6)
        drain(j)
        return carry

    lax.fori_loop(0, NCHUNK - 6, body, 0)
    for j in range(NCHUNK - 6, NCHUNK):
        drain(j)
    plsc.subcore_barrier()
    pltpu.sync_copy(acc_sh.at[pl.ds(s * RPT, RPT), :], cnt_hbm.at[c, pl.ds(s * RPT, RPT), :])


@functools.partial(
    pl.kernel,
    mesh=_mesh,
    out_type=jax.ShapeDtypeStruct((NC, N_PAD, D), jnp.float32),
    scratch_types=[
        pltpu.VMEM((6, 2, CHUNK), jnp.int32),
        pltpu.VMEM((3, CHUNK, D), jnp.float32),
        pltpu.VMEM_SHARED((N_PAD, D), jnp.float32),
        pltpu.SemaphoreType.DMA,
        pltpu.SemaphoreType.DMA,
        pltpu.SemaphoreType.DMA,
        pltpu.SemaphoreType.DMA,
        pltpu.SemaphoreType.DMA,
        pltpu.SemaphoreType.DMA,
        pltpu.SemaphoreType.DMA,
        pltpu.SemaphoreType.DMA,
        pltpu.SemaphoreType.DMA,
        pltpu.SemaphoreType.DMA,
        pltpu.SemaphoreType.DMA,
        pltpu.SemaphoreType.DMA,
    ],
)
def _scat_fn(g_hbm, idx_hbm, zeros_hbm, out_hbm, idx_v, rows_v, acc_sh,
             sg0, sg1, sg2, ss0, ss1, ss2, si0, si1, si2, si3, si4, si5):
    c = lax.axis_index("c")
    s = lax.axis_index("s")
    wid = c * NS + s
    sgs = (sg0, sg1, sg2)
    sss = (ss0, ss1, ss2)
    sis = (si0, si1, si2, si3, si4, si5)

    def fire_i(j, m):
        pltpu.async_copy(idx_hbm.at[wid, j], idx_v.at[m], sis[m])

    def wait_i(j, m):
        pltpu.make_async_copy(idx_hbm.at[wid, j], idx_v.at[m], sis[m]).wait()

    def fire_g(m, b):
        pltpu.async_copy(g_hbm.at[idx_v.at[m, 0]], rows_v.at[b], sgs[b])

    def wait_g(m, b):
        pltpu.make_async_copy(g_hbm.at[idx_v.at[m, 0]], rows_v.at[b], sgs[b]).wait()

    def fire_s(m, b):
        pltpu.async_copy(rows_v.at[b], acc_sh.at[idx_v.at[m, 1]], sss[b], add=True)

    def wait_s(m, b):
        pltpu.make_async_copy(rows_v.at[b], acc_sh.at[idx_v.at[m, 1]], sss[b]).wait()

    for j in range(6):
        pltpu.sync_copy(idx_hbm.at[wid, j], idx_v.at[j])
    fire_g(0, 0)
    fire_g(1, 1)
    pltpu.sync_copy(zeros_hbm, acc_sh.at[pl.ds(s * RPT, RPT), :])
    plsc.subcore_barrier()

    def body(o, carry):
        for k in range(6):
            j = 6 * o + k

            wait_g(k % 6, k % 3)
            fire_s(k % 6, k % 3)

            @pl.when(j >= 1)
            def _():
                wait_s((k + 5) % 6, (k + 2) % 3)

            @pl.when(jnp.logical_and(j >= 1, j + 5 < NCHUNK))
            def _():
                fire_i(j + 5, (k + 5) % 6)

            @pl.when(jnp.logical_and(j + 2 >= 6, j + 2 < NCHUNK))
            def _():
                wait_i(j + 2, (k + 2) % 6)

            @pl.when(j + 2 < NCHUNK)
            def _():
                fire_g((k + 2) % 6, (k + 2) % 3)

        return carry

    lax.fori_loop(0, NCHUNK // 6, body, 0)
    wait_s((NCHUNK - 1) % 6, (NCHUNK - 1) % 3)
    plsc.subcore_barrier()
    pltpu.sync_copy(acc_sh.at[pl.ds(s * RPT, RPT), :], out_hbm.at[c, pl.ds(s * RPT, RPT), :])


BLK = 1000


def _tc1_body(cnt_ref, x_ref, w1_ref, g1_ref, dinv_ref):
    deg = cnt_ref[0, :, 0] + cnt_ref[1, :, 0] + 1.0
    dinv = lax.rsqrt(deg)
    h = jnp.dot(x_ref[...], w1_ref[...], preferred_element_type=jnp.float32)
    g1_ref[...] = h * dinv[:, None]
    dinv_ref[...] = dinv[:, None]


def _tc2_body(sp_ref, g1_ref, dinv_ref, w2_ref, b1_ref, g2_ref):
    z1 = (sp_ref[0] + sp_ref[1] + g1_ref[...]) * dinv_ref[...] + b1_ref[...]
    h1 = jnp.maximum(z1, 0.0)
    h2 = jnp.dot(h1, w2_ref[...], preferred_element_type=jnp.float32)
    g2_ref[...] = h2 * dinv_ref[...]


def _tc3_body(alpha_ref, sp_ref, g2_ref, dinv_ref, b2_ref, x_ref, out_ref):
    z2 = (sp_ref[0] + sp_ref[1] + g2_ref[...]) * dinv_ref[...] + b2_ref[...]
    a = jnp.clip(alpha_ref[0], -1.0, 1.0)
    y = x_ref[...] + a * z2
    nrm2 = jnp.sum(y * y, axis=1, keepdims=True)
    out_ref[...] = y * lax.rsqrt(jnp.maximum(nrm2, 1e-24))


def _row_spec(w):
    return pl.BlockSpec((BLK, w), lambda i: (i, 0))


def _pair_spec(w):
    return pl.BlockSpec((2, BLK, w), lambda i: (0, i, 0))


def _full_spec(shape):
    return pl.BlockSpec(shape, lambda i: tuple(0 for _ in shape))


_tc1 = pl.pallas_call(
    _tc1_body,
    grid=(N // BLK,),
    in_specs=[_pair_spec(DEGW), _row_spec(D), _full_spec((D, D))],
    out_specs=[_row_spec(D), _row_spec(1)],
    out_shape=[
        jax.ShapeDtypeStruct((N_PAD, D), jnp.float32),
        jax.ShapeDtypeStruct((N, 1), jnp.float32),
    ],
)

_tc2 = pl.pallas_call(
    _tc2_body,
    grid=(N // BLK,),
    in_specs=[
        _pair_spec(D),
        _row_spec(D),
        _row_spec(1),
        _full_spec((D, D)),
        _full_spec((1, D)),
    ],
    out_specs=_row_spec(D),
    out_shape=jax.ShapeDtypeStruct((N_PAD, D), jnp.float32),
)

_tc3 = pl.pallas_call(
    _tc3_body,
    grid=(N // BLK,),
    in_specs=[
        pl.BlockSpec(memory_space=pltpu.SMEM),
        _pair_spec(D),
        _row_spec(D),
        _row_spec(1),
        _full_spec((1, D)),
        _row_spec(D),
    ],
    out_specs=_row_spec(D),
    out_shape=jax.ShapeDtypeStruct((N, D), jnp.float32),
)


@jax.jit
def kernel(x, edge_index, W1, b1, W2, b2, alpha):
    ei = edge_index.astype(jnp.int32)
    pad = jnp.full((2, E_PAD - E), N_PAD - 1, jnp.int32)
    ei = jnp.concatenate([ei, pad], axis=1)
    idx = ei.reshape(2, NW, NCHUNK, CHUNK).transpose(1, 2, 0, 3)

    ones_deg = jnp.ones((CHUNK, DEGW), jnp.float32)
    zeros_deg = jnp.zeros((RPT, DEGW), jnp.float32)
    zeros_nd = jnp.zeros((RPT, D), jnp.float32)

    cnt = _deg_fn(idx, ones_deg, zeros_deg)

    g1, dinv = _tc1(cnt, x, W1)
    s1 = _scat_fn(g1, idx, zeros_nd)
    g2 = _tc2(s1, g1, dinv, W2, b1.reshape(1, D))
    s2 = _scat_fn(g2, idx, zeros_nd)
    return _tc3(alpha.reshape(1), s2, g2, dinv, b2.reshape(1, D), x)

# --- scband reference (transcript-rebuilt; emitter-appended) ---
"""Pipeline reference for scband-gcnrefiner-42906723287163 (READ-ONLY COPY).

The authoritative reference and input builder live on the scoring server;
editing this copy changes nothing except your own understanding.
"""

import jax, jax.numpy as jnp
import numpy as np

N_NODES = 10000
N_EDGES = 320000
DIM = 128


def gcn_conv(x, src, dst, W, b, n):
    # PyG GCNConv with add_self_loops=True, normalize=True, bias=True
    loop = jnp.arange(n, dtype=src.dtype)
    src2 = jnp.concatenate([src, loop])
    dst2 = jnp.concatenate([dst, loop])
    ew = jnp.ones(src2.shape[0], dtype=x.dtype)
    deg = jnp.zeros((n,), dtype=x.dtype).at[dst2].add(ew)
    dinv = jnp.where(deg > 0, deg ** -0.5, 0.0)
    norm = dinv[src2] * ew * dinv[dst2]
    h = x @ W  # linear transform first (PyG applies lin before propagate)
    msg = h[src2] * norm[:, None]
    out = jnp.zeros((n, h.shape[1]), dtype=h.dtype).at[dst2].add(msg)
    return out + b


def setup_inputs(seed: int = 0) -> dict:
    key = jax.random.key(seed)
    k1, k2, k3, k4, k5 = jax.random.split(key, 5)
    x = jax.random.normal(k1, (N_NODES, DIM), dtype=jnp.float32)
    edge_index = jax.random.randint(k2, (2, N_EDGES), 0, N_NODES, dtype=jnp.int64)
    s = (1.0 / np.sqrt(DIM)).astype(np.float32) if isinstance(np.sqrt(DIM), np.ndarray) else np.float32(1.0 / np.sqrt(DIM))
    W1 = jax.random.uniform(k3, (DIM, DIM), dtype=jnp.float32, minval=-s, maxval=s)
    W2 = jax.random.uniform(k4, (DIM, DIM), dtype=jnp.float32, minval=-s, maxval=s)
    b1 = jnp.zeros((DIM,), dtype=jnp.float32)
    b2 = jnp.zeros((DIM,), dtype=jnp.float32)
    alpha = jnp.array(0.0, dtype=jnp.float32)
    return {"x": x, "edge_index": edge_index, "W1": W1, "b1": b1, "W2": W2, "b2": b2, "alpha": alpha}


def reference(x, edge_index, W1, b1, W2, b2, alpha):
    n = x.shape[0]
    src, dst = edge_index[0], edge_index[1]
    h = gcn_conv(x, src, dst, W1, b1, n)
    h = jax.nn.relu(h)
    # dropout is identity in eval mode
    h = gcn_conv(h, src, dst, W2, b2, n)
    a = jnp.clip(alpha, -1.0, 1.0)
    y = x + a * h
    nrm = jnp.sqrt(jnp.sum(y * y, axis=-1, keepdims=True))
    return y / jnp.maximum(nrm, 1e-12)

if __name__ == "__main__":
    import jax
    _d = setup_inputs()
    print(jax.jit(kernel)(*tuple(_d.values())))

</pallas_src>

<mosaic_0001>
#map = affine_map<(d0, d1) -> (0, 0, 0, 0)>
#map1 = affine_map<(d0, d1) -> (0, 0)>
#map2 = affine_map<(d0, d1) -> (0, 0, 0)>
module attributes {stable_mosaic.version = 14 : i64} {
  func.func @_deg_fn(%arg0: i32, %arg1: i32, %arg2: memref<32x84x2x120xi32, #tpu.memory_space<hbm>>, %arg3: memref<120x8xf32, #tpu.memory_space<hbm>>, %arg4: memref<632x8xf32, #tpu.memory_space<hbm>>, %arg5: memref<2x10112x8xf32, #tpu.memory_space<hbm>>, %arg6: memref<84x2x120xi32, #tpu.memory_space<vmem>>, %arg7: memref<120x8xf32, #tpu.memory_space<vmem>>, %arg8: memref<10112x8xf32, #tpu.memory_space<vmem_shared>>, %arg9: memref<!tpu.dma_semaphore, #tpu.memory_space<semaphore_mem>>) attributes {dimension_semantics = [#tpu.dimension_semantics<core_parallel>, #tpu.dimension_semantics<subcore_parallel>], iteration_bounds = array<i64: 2, 16>, scalar_prefetch = 0 : i64, scratch_operands = 4 : i64, tpu.core_type = #tpu.core_type<sc_vector_subcore>, window_params = [{transform_indices = #map}, {transform_indices = #map1}, {transform_indices = #map1}, {transform_indices = #map2}]} {
    %mul3A = arith.constant 16 : i32
    %mul3A_0 = arith.muli %arg0, %mul3A : i32
    %add3A = arith.addi %mul3A_0, %arg1 : i32
    "tpu.region"() ({
      %run_scoped3A = tpu.sem_alloc : memref<!tpu.dma_semaphore, #tpu.memory_space<semaphore_mem>>
      %dma_start3A_107 = arith.constant 0 : i32
      %dma_start3A_108 = arith.constant 0 : i32
      %dma_start3A_109 = arith.constant 0 : i32
      %dma_start3A_110 = tpu.memref_slice %arg2[%add3A, %dma_start3A_107, %dma_start3A_108, %dma_start3A_109] : memref<32x84x2x120xi32, #tpu.memory_space<hbm>> -> memref<1x84x2x120xi32, #tpu.memory_space<hbm>>
      %dma_start3A_111 = tpu.memref_squeeze %dma_start3A_110 : memref<1x84x2x120xi32, #tpu.memory_space<hbm>> -> memref<84x2x120xi32, #tpu.memory_space<hbm>>
      %dma_start3A_112 = arith.constant 0 : i32
      %dma_start3A_113 = arith.constant 0 : i32
      %dma_start3A_114 = arith.constant 0 : i32
      %dma_start3A_115 = tpu.memref_slice %arg2[%add3A, %dma_start3A_112, %dma_start3A_113, %dma_start3A_114] : memref<32x84x2x120xi32, #tpu.memory_space<hbm>> -> memref<1x84x2x120xi32, #tpu.memory_space<hbm>>
      %dma_start3A_116 = tpu.memref_squeeze %dma_start3A_115 : memref<1x84x2x120xi32, #tpu.memory_space<hbm>> -> memref<84x2x120xi32, #tpu.memory_space<hbm>>
      tpu.enqueue_dma source(%dma_start3A_116 : memref<84x2x120xi32, #tpu.memory_space<hbm>>) target(%arg6 : memref<84x2x120xi32, #tpu.memory_space<vmem>>) target_semaphore(%run_scoped3A : memref<!tpu.dma_semaphore, #tpu.memory_space<semaphore_mem>>)
      %dma_wait3A_117 = arith.constant 0 : i32
      %dma_wait3A_118 = arith.constant 0 : i32
      %dma_wait3A_119 = arith.constant 0 : i32
      %dma_wait3A_120 = tpu.memref_slice %arg2[%add3A, %dma_wait3A_117, %dma_wait3A_118, %dma_wait3A_119] : memref<32x84x2x120xi32, #tpu.memory_space<hbm>> -> memref<1x84x2x120xi32, #tpu.memory_space<hbm>>
      %dma_wait3A_121 = tpu.memref_squeeze %dma_wait3A_120 : memref<1x84x2x120xi32, #tpu.memory_space<hbm>> -> memref<84x2x120xi32, #tpu.memory_space<hbm>>
      %dma_wait3A_122 = arith.constant 0 : i32
      %dma_wait3A_123 = arith.constant 0 : i32
      %dma_wait3A_124 = arith.constant 0 : i32
      %dma_wait3A_125 = tpu.memref_slice %arg2[%add3A, %dma_wait3A_122, %dma_wait3A_123, %dma_wait3A_124] : memref<32x84x2x120xi32, #tpu.memory_space<hbm>> -> memref<1x84x2x120xi32, #tpu.memory_space<hbm>>
      %dma_wait3A_126 = tpu.memref_squeeze %dma_wait3A_125 : memref<1x84x2x120xi32, #tpu.memory_space<hbm>> -> memref<84x2x120xi32, #tpu.memory_space<hbm>>
      tpu.wait_dma2 semaphore(%run_scoped3A : memref<!tpu.dma_semaphore, #tpu.memory_space<semaphore_mem>>) src(%dma_wait3A_126 : memref<84x2x120xi32, #tpu.memory_space<hbm>>) dst(%arg6 : memref<84x2x120xi32, #tpu.memory_space<vmem>>)
      tpu.yield
    }) : () -> ()
    "tpu.region"() ({
      %run_scoped3A = tpu.sem_alloc : memref<!tpu.dma_semaphore, #tpu.memory_space<semaphore_mem>>
      tpu.enqueue_dma source(%arg3 : memref<120x8xf32, #tpu.memory_space<hbm>>) target(%arg7 : memref<120x8xf32, #tpu.memory_space<vmem>>) target_semaphore(%run_scoped3A : memref<!tpu.dma_semaphore, #tpu.memory_space<semaphore_mem>>)
      tpu.wait_dma2 semaphore(%run_scoped3A : memref<!tpu.dma_semaphore, #tpu.memory_space<semaphore_mem>>) src(%arg3 : memref<120x8xf32, #tpu.memory_space<hbm>>) dst(%arg7 : memref<120x8xf32, #tpu.memory_space<vmem>>)
      tpu.yield
    }) : () -> ()
    %mul3A_1 = arith.constant 632 : i32
    %mul3A_2 = arith.muli %arg1, %mul3A_1 : i32
    "tpu.region"() ({
      %run_scoped3A = tpu.sem_alloc : memref<!tpu.dma_semaphore, #tpu.memory_space<semaphore_mem>>
      %dma_start3A_107 = arith.constant 0 : i32
      %dma_start3A_108 = tpu.memref_slice %arg8[%mul3A_2, %dma_start3A_107] : memref<10112x8xf32, #tpu.memory_space<vmem_shared>> -> memref<632x8xf32, #tpu.memory_space<vmem_shared>>
      tpu.enqueue_dma source(%arg4 : memref<632x8xf32, #tpu.memory_space<hbm>>) target(%dma_start3A_108 : memref<632x8xf32, #tpu.memory_space<vmem_shared>>) target_semaphore(%run_scoped3A : memref<!tpu.dma_semaphore, #tpu.memory_space<semaphore_mem>>)
      %dma_wait3A_109 = arith.constant 0 : i32
      %dma_wait3A_110 = tpu.memref_slice %arg8[%mul3A_2, %dma_wait3A_109] : memref<10112x8xf32, #tpu.memory_space<vmem_shared>> -> memref<632x8xf32, #tpu.memory_space<vmem_shared>>
      tpu.wait_dma2 semaphore(%run_scoped3A : memref<!tpu.dma_semaphore, #tpu.memory_space<semaphore_mem>>) src(%arg4 : memref<632x8xf32, #tpu.memory_space<hbm>>) dst(%dma_wait3A_110 : memref<632x8xf32, #tpu.memory_space<vmem_shared>>)
      tpu.yield
    }) : () -> ()
    %barrier3A = arith.constant 0 : index
    tpu.barrier barrier_id(%barrier3A)
    %dma_start3A = arith.constant 0 : i32
    %dma_start3A_3 = arith.constant 1 : i32
    %dma_start3A_4 = arith.constant 0 : i32
    %dma_start3A_5 = tpu.memref_slice %arg6[%dma_start3A, %dma_start3A_3, %dma_start3A_4] : memref<84x2x120xi32, #tpu.memory_space<vmem>> -> memref<1x1x120xi32, #tpu.memory_space<vmem>>
    %dma_start3A_6 = tpu.memref_squeeze %dma_start3A_5 : memref<1x1x120xi32, #tpu.memory_space<vmem>> -> memref<120xi32, #tpu.memory_space<vmem>>
    %dma_start3A_7 = arith.constant 0 : i32
    %dma_start3A_8 = arith.constant 0 : i32
    %dma_start3A_9 = tpu.memref_slice %arg8[%dma_start3A_7, %dma_start3A_8] : memref<10112x8xf32, #tpu.memory_space<vmem_shared>> -> memref<10112x8xf32, #tpu.memory_space<vmem_shared>>
    tpu.enqueue_indirect_dma source(%arg7 : memref<120x8xf32, #tpu.memory_space<vmem>>) target(%dma_start3A_9 : memref<10112x8xf32, #tpu.memory_space<vmem_shared>>) offsets(%dma_start3A_6 : memref<120xi32, #tpu.memory_space<vmem>>) semaphore(%arg9 : memref<!tpu.dma_semaphore, #tpu.memory_space<semaphore_mem>>) {add = true}
    %dma_start3A_10 = arith.constant 1 : i32
    %dma_start3A_11 = arith.constant 1 : i32
    %dma_start3A_12 = arith.constant 0 : i32
    %dma_start3A_13 = tpu.memref_slice %arg6[%dma_start3A_10, %dma_start3A_11, %dma_start3A_12] : memref<84x2x120xi32, #tpu.memory_space<vmem>> -> memref<1x1x120xi32, #tpu.memory_space<vmem>>
    %dma_start3A_14 = tpu.memref_squeeze %dma_start3A_13 : memref<1x1x120xi32, #tpu.memory_space<vmem>> -> memref<120xi32, #tpu.memory_space<vmem>>
    %dma_start3A_15 = arith.constant 0 : i32
    %dma_start3A_16 = arith.constant 0 : i32
    %dma_start3A_17 = tpu.memref_slice %arg8[%dma_start3A_15, %dma_start3A_16] : memref<10112x8xf32, #tpu.memory_space<vmem_shared>> -> memref<10112x8xf32, #tpu.memory_space<vmem_shared>>
    tpu.enqueue_indirect_dma source(%arg7 : memref<120x8xf32, #tpu.memory_space<vmem>>) target(%dma_start3A_17 : memref<10112x8xf32, #tpu.memory_space<vmem_shared>>) offsets(%dma_start3A_14 : memref<120xi32, #tpu.memory_space<vmem>>) semaphore(%arg9 : memref<!tpu.dma_semaphore, #tpu.memory_space<semaphore_mem>>) {add = true}
    %dma_start3A_18 = arith.constant 2 : i32
    %dma_start3A_19 = arith.constant 1 : i32
    %dma_start3A_20 = arith.constant 0 : i32
    %dma_start3A_21 = tpu.memref_slice %arg6[%dma_start3A_18, %dma_start3A_19, %dma_start3A_20] : memref<84x2x120xi32, #tpu.memory_space<vmem>> -> memref<1x1x120xi32, #tpu.memory_space<vmem>>
    %dma_start3A_22 = tpu.memref_squeeze %dma_start3A_21 : memref<1x1x120xi32, #tpu.memory_space<vmem>> -> memref<120xi32, #tpu.memory_space<vmem>>
    %dma_start3A_23 = arith.constant 0 : i32
    %dma_start3A_24 = arith.constant 0 : i32
    %dma_start3A_25 = tpu.memref_slice %arg8[%dma_start3A_23, %dma_start3A_24] : memref<10112x8xf32, #tpu.memory_space<vmem_shared>> -> memref<10112x8xf32, #tpu.memory_space<vmem_shared>>
    tpu.enqueue_indirect_dma source(%arg7 : memref<120x8xf32, #tpu.memory_space<vmem>>) target(%dma_start3A_25 : memref<10112x8xf32, #tpu.memory_space<vmem_shared>>) offsets(%dma_start3A_22 : memref<120xi32, #tpu.memory_space<vmem>>) semaphore(%arg9 : memref<!tpu.dma_semaphore, #tpu.memory_space<semaphore_mem>>) {add = true}
    %dma_start3A_26 = arith.constant 3 : i32
    %dma_start3A_27 = arith.constant 1 : i32
    %dma_start3A_28 = arith.constant 0 : i32
    %dma_start3A_29 = tpu.memref_slice %arg6[%dma_start3A_26, %dma_start3A_27, %dma_start3A_28] : memref<84x2x120xi32, #tpu.memory_space<vmem>> -> memref<1x1x120xi32, #tpu.memory_space<vmem>>
    %dma_start3A_30 = tpu.memref_squeeze %dma_start3A_29 : memref<1x1x120xi32, #tpu.memory_space<vmem>> -> memref<120xi32, #tpu.memory_space<vmem>>
    %dma_start3A_31 = arith.constant 0 : i32
    %dma_start3A_32 = arith.constant 0 : i32
    %dma_start3A_33 = tpu.memref_slice %arg8[%dma_start3A_31, %dma_start3A_32] : memref<10112x8xf32, #tpu.memory_space<vmem_shared>> -> memref<10112x8xf32, #tpu.memory_space<vmem_shared>>
    tpu.enqueue_indirect_dma source(%arg7 : memref<120x8xf32, #tpu.memory_space<vmem>>) target(%dma_start3A_33 : memref<10112x8xf32, #tpu.memory_space<vmem_shared>>) offsets(%dma_start3A_30 : memref<120xi32, #tpu.memory_space<vmem>>) semaphore(%arg9 : memref<!tpu.dma_semaphore, #tpu.memory_space<semaphore_mem>>) {add = true}
    %dma_start3A_34 = arith.constant 4 : i32
    %dma_start3A_35 = arith.constant 1 : i32
    %dma_start3A_36 = arith.constant 0 : i32
    %dma_start3A_37 = tpu.memref_slice %arg6[%dma_start3A_34, %dma_start3A_35, %dma_start3A_36] : memref<84x2x120xi32, #tpu.memory_space<vmem>> -> memref<1x1x120xi32, #tpu.memory_space<vmem>>
    %dma_start3A_38 = tpu.memref_squeeze %dma_start3A_37 : memref<1x1x120xi32, #tpu.memory_space<vmem>> -> memref<120xi32, #tpu.memory_space<vmem>>
    %dma_start3A_39 = arith.constant 0 : i32
    %dma_start3A_40 = arith.constant 0 : i32
    %dma_start3A_41 = tpu.memref_slice %arg8[%dma_start3A_39, %dma_start3A_40] : memref<10112x8xf32, #tpu.memory_space<vmem_shared>> -> memref<10112x8xf32, #tpu.memory_space<vmem_shared>>
    tpu.enqueue_indirect_dma source(%arg7 : memref<120x8xf32, #tpu.memory_space<vmem>>) target(%dma_start3A_41 : memref<10112x8xf32, #tpu.memory_space<vmem_shared>>) offsets(%dma_start3A_38 : memref<120xi32, #tpu.memory_space<vmem>>) semaphore(%arg9 : memref<!tpu.dma_semaphore, #tpu.memory_space<semaphore_mem>>) {add = true}
    %dma_start3A_42 = arith.constant 5 : i32
    %dma_start3A_43 = arith.constant 1 : i32
    %dma_start3A_44 = arith.constant 0 : i32
    %dma_start3A_45 = tpu.memref_slice %arg6[%dma_start3A_42, %dma_start3A_43, %dma_start3A_44] : memref<84x2x120xi32, #tpu.memory_space<vmem>> -> memref<1x1x120xi32, #tpu.memory_space<vmem>>
    %dma_start3A_46 = tpu.memref_squeeze %dma_start3A_45 : memref<1x1x120xi32, #tpu.memory_space<vmem>> -> memref<120xi32, #tpu.memory_space<vmem>>
    %dma_start3A_47 = arith.constant 0 : i32
    %dma_start3A_48 = arith.constant 0 : i32
    %dma_start3A_49 = tpu.memref_slice %arg8[%dma_start3A_47, %dma_start3A_48] : memref<10112x8xf32, #tpu.memory_space<vmem_shared>> -> memref<10112x8xf32, #tpu.memory_space<vmem_shared>>
    tpu.enqueue_indirect_dma source(%arg7 : memref<120x8xf32, #tpu.memory_space<vmem>>) target(%dma_start3A_49 : memref<10112x8xf32, #tpu.memory_space<vmem_shared>>) offsets(%dma_start3A_46 : memref<120xi32, #tpu.memory_space<vmem>>) semaphore(%arg9 : memref<!tpu.dma_semaphore, #tpu.memory_space<semaphore_mem>>) {add = true}
    %scan3A = arith.constant 0 : i32
    %scan3A_50 = arith.constant 0 : i32
    %scan3A_51 = arith.constant 78 : i32
    %scan3A_52 = arith.addi %scan3A_50, %scan3A_51 : i32
    %scan3A_53 = arith.constant 1 : i32
    scf.for %scan3A_107 = %scan3A_50 to %scan3A_52 step %scan3A_53  : i32 {
      %add3A_108 = arith.constant 6 : i32
      %add3A_109 = arith.addi %scan3A_107, %add3A_108 : i32
      %dma_start3A_110 = arith.constant 1 : i32
      %dma_start3A_111 = arith.constant 0 : i32
      %dma_start3A_112 = tpu.memref_slice %arg6[%add3A_109, %dma_start3A_110, %dma_start3A_111] : memref<84x2x120xi32, #tpu.memory_space<vmem>> -> memref<1x1x120xi32, #tpu.memory_space<vmem>>
      %dma_start3A_113 = tpu.memref_squeeze %dma_start3A_112 : memref<1x1x120xi32, #tpu.memory_space<vmem>> -> memref<120xi32, #tpu.memory_space<vmem>>
      %dma_start3A_114 = arith.constant 0 : i32
      %dma_start3A_115 = arith.constant 0 : i32
      %dma_start3A_116 = tpu.memref_slice %arg8[%dma_start3A_114, %dma_start3A_115] : memref<10112x8xf32, #tpu.memory_space<vmem_shared>> -> memref<10112x8xf32, #tpu.memory_space<vmem_shared>>
      tpu.enqueue_indirect_dma source(%arg7 : memref<120x8xf32, #tpu.memory_space<vmem>>) target(%dma_start3A_116 : memref<10112x8xf32, #tpu.memory_space<vmem_shared>>) offsets(%dma_start3A_113 : memref<120xi32, #tpu.memory_space<vmem>>) semaphore(%arg9 : memref<!tpu.dma_semaphore, #tpu.memory_space<semaphore_mem>>) {add = true}
      %dma_wait3A_117 = arith.constant 1 : i32
      %dma_wait3A_118 = arith.constant 0 : i32
      %dma_wait3A_119 = tpu.memref_slice %arg6[%scan3A_107, %dma_wait3A_117, %dma_wait3A_118] : memref<84x2x120xi32, #tpu.memory_space<vmem>> -> memref<1x1x120xi32, #tpu.memory_space<vmem>>
      %dma_wait3A_120 = tpu.memref_squeeze %dma_wait3A_119 : memref<1x1x120xi32, #tpu.memory_space<vmem>> -> memref<120xi32, #tpu.memory_space<vmem>>
      %dma_wait3A_121 = arith.constant 0 : i32
      %dma_wait3A_122 = arith.constant 0 : i32
      %dma_wait3A_123 = tpu.memref_slice %arg8[%dma_wait3A_121, %dma_wait3A_122] : memref<10112x8xf32, #tpu.memory_space<vmem_shared>> -> memref<10112x8xf32, #tpu.memory_space<vmem_shared>>
      tpu.wait_indirect_dma semaphore(%arg9 : memref<!tpu.dma_semaphore, #tpu.memory_space<semaphore_mem>>) src(%arg7 : memref<120x8xf32, #tpu.memory_space<vmem>>) dst(%dma_wait3A_123 : memref<10112x8xf32, #tpu.memory_space<vmem_shared>>)
    }
    %scan3A_54 = arith.constant 78 : i32
    %dma_wait3A = arith.constant 78 : i32
    %dma_wait3A_55 = arith.constant 1 : i32
    %dma_wait3A_56 = arith.constant 0 : i32
    %dma_wait3A_57 = tpu.memref_slice %arg6[%dma_wait3A, %dma_wait3A_55, %dma_wait3A_56] : memref<84x2x120xi32, #tpu.memory_space<vmem>> -> memref<1x1x120xi32, #tpu.memory_space<vmem>>
    %dma_wait3A_58 = tpu.memref_squeeze %dma_wait3A_57 : memref<1x1x120xi32, #tpu.memory_space<vmem>> -> memref<120xi32, #tpu.memory_space<vmem>>
    %dma_wait3A_59 = arith.constant 0 : i32
    %dma_wait3A_60 = arith.constant 0 : i32
    %dma_wait3A_61 = tpu.memref_slice %arg8[%dma_wait3A_59, %dma_wait3A_60] : memref<10112x8xf32, #tpu.memory_space<vmem_shared>> -> memref<10112x8xf32, #tpu.memory_space<vmem_shared>>
    tpu.wait_indirect_dma semaphore(%arg9 : memref<!tpu.dma_semaphore, #tpu.memory_space<semaphore_mem>>) src(%arg7 : memref<120x8xf32, #tpu.memory_space<vmem>>) dst(%dma_wait3A_61 : memref<10112x8xf32, #tpu.memory_space<vmem_shared>>)
    %dma_wait3A_62 = arith.constant 79 : i32
    %dma_wait3A_63 = arith.constant 1 : i32
    %dma_wait3A_64 = arith.constant 0 : i32
    %dma_wait3A_65 = tpu.memref_slice %arg6[%dma_wait3A_62, %dma_wait3A_63, %dma_wait3A_64] : memref<84x2x120xi32, #tpu.memory_space<vmem>> -> memref<1x1x120xi32, #tpu.memory_space<vmem>>
    %dma_wait3A_66 = tpu.memref_squeeze %dma_wait3A_65 : memref<1x1x120xi32, #tpu.memory_space<vmem>> -> memref<120xi32, #tpu.memory_space<vmem>>
    %dma_wait3A_67 = arith.constant 0 : i32
    %dma_wait3A_68 = arith.constant 0 : i32
    %dma_wait3A_69 = tpu.memref_slice %arg8[%dma_wait3A_67, %dma_wait3A_68] : memref<10112x8xf32, #tpu.memory_space<vmem_shared>> -> memref<10112x8xf32, #tpu.memory_space<vmem_shared>>
    tpu.wait_indirect_dma semaphore(%arg9 : memref<!tpu.dma_semaphore, #tpu.memory_space<semaphore_mem>>) src(%arg7 : memref<120x8xf32, #tpu.memory_space<vmem>>) dst(%dma_wait3A_69 : memref<10112x8xf32, #tpu.memory_space<vmem_shared>>)
    %dma_wait3A_70 = arith.constant 80 : i32
    %dma_wait3A_71 = arith.constant 1 : i32
    %dma_wait3A_72 = arith.constant 0 : i32
    %dma_wait3A_73 = tpu.memref_slice %arg6[%dma_wait3A_70, %dma_wait3A_71, %dma_wait3A_72] : memref<84x2x120xi32, #tpu.memory_space<vmem>> -> memref<1x1x120xi32, #tpu.memory_space<vmem>>
    %dma_wait3A_74 = tpu.memref_squeeze %dma_wait3A_73 : memref<1x1x120xi32, #tpu.memory_space<vmem>> -> memref<120xi32, #tpu.memory_space<vmem>>
    %dma_wait3A_75 = arith.constant 0 : i32
    %dma_wait3A_76 = arith.constant 0 : i32
    %dma_wait3A_77 = tpu.memref_slice %arg8[%dma_wait3A_75, %dma_wait3A_76] : memref<10112x8xf32, #tpu.memory_space<vmem_shared>> -> memref<10112x8xf32, #tpu.memory_space<vmem_shared>>
    tpu.wait_indirect_dma semaphore(%arg9 : memref<!tpu.dma_semaphore, #tpu.memory_space<semaphore_mem>>) src(%arg7 : memref<120x8xf32, #tpu.memory_space<vmem>>) dst(%dma_wait3A_77 : memref<10112x8xf32, #tpu.memory_space<vmem_shared>>)
    %dma_wait3A_78 = arith.constant 81 : i32
    %dma_wait3A_79 = arith.constant 1 : i32
    %dma_wait3A_80 = arith.constant 0 : i32
    %dma_wait3A_81 = tpu.memref_slice %arg6[%dma_wait3A_78, %dma_wait3A_79, %dma_wait3A_80] : memref<84x2x120xi32, #tpu.memory_space<vmem>> -> memref<1x1x120xi32, #tpu.memory_space<vmem>>
    %dma_wait3A_82 = tpu.memref_squeeze %dma_wait3A_81 : memref<1x1x120xi32, #tpu.memory_space<vmem>> -> memref<120xi32, #tpu.memory_space<vmem>>
    %dma_wait3A_83 = arith.constant 0 : i32
    %dma_wait3A_84 = arith.constant 0 : i32
    %dma_wait3A_85 = tpu.memref_slice %arg8[%dma_wait3A_83, %dma_wait3A_84] : memref<10112x8xf32, #tpu.memory_space<vmem_shared>> -> memref<10112x8xf32, #tpu.memory_space<vmem_shared>>
    tpu.wait_indirect_dma semaphore(%arg9 : memref<!tpu.dma_semaphore, #tpu.memory_space<semaphore_mem>>) src(%arg7 : memref<120x8xf32, #tpu.memory_space<vmem>>) dst(%dma_wait3A_85 : memref<10112x8xf32, #tpu.memory_space<vmem_shared>>)
    %dma_wait3A_86 = arith.constant 82 : i32
    %dma_wait3A_87 = arith.constant 1 : i32
    %dma_wait3A_88 = arith.constant 0 : i32
    %dma_wait3A_89 = tpu.memref_slice %arg6[%dma_wait3A_86, %dma_wait3A_87, %dma_wait3A_88] : memref<84x2x120xi32, #tpu.memory_space<vmem>> -> memref<1x1x120xi32, #tpu.memory_space<vmem>>
    %dma_wait3A_90 = tpu.memref_squeeze %dma_wait3A_89 : memref<1x1x120xi32, #tpu.memory_space<vmem>> -> memref<120xi32, #tpu.memory_space<vmem>>
    %dma_wait3A_91 = arith.constant 0 : i32
    %dma_wait3A_92 = arith.constant 0 : i32
    %dma_wait3A_93 = tpu.memref_slice %arg8[%dma_wait3A_91, %dma_wait3A_92] : memref<10112x8xf32, #tpu.memory_space<vmem_shared>> -> memref<10112x8xf32, #tpu.memory_space<vmem_shared>>
    tpu.wait_indirect_dma semaphore(%arg9 : memref<!tpu.dma_semaphore, #tpu.memory_space<semaphore_mem>>) src(%arg7 : memref<120x8xf32, #tpu.memory_space<vmem>>) dst(%dma_wait3A_93 : memref<10112x8xf32, #tpu.memory_space<vmem_shared>>)
    %dma_wait3A_94 = arith.constant 83 : i32
    %dma_wait3A_95 = arith.constant 1 : i32
    %dma_wait3A_96 = arith.constant 0 : i32
    %dma_wait3A_97 = tpu.memref_slice %arg6[%dma_wait3A_94, %dma_wait3A_95, %dma_wait3A_96] : memref<84x2x120xi32, #tpu.memory_space<vmem>> -> memref<1x1x120xi32, #tpu.memory_space<vmem>>
    %dma_wait3A_98 = tpu.memref_squeeze %dma_wait3A_97 : memref<1x1x120xi32, #tpu.memory_space<vmem>> -> memref<120xi32, #tpu.memory_space<vmem>>
    %dma_wait3A_99 = arith.constant 0 : i32
    %dma_wait3A_100 = arith.constant 0 : i32
    %dma_wait3A_101 = tpu.memref_slice %arg8[%dma_wait3A_99, %dma_wait3A_100] : memref<10112x8xf32, #tpu.memory_space<vmem_shared>> -> memref<10112x8xf32, #tpu.memory_space<vmem_shared>>
    tpu.wait_indirect_dma semaphore(%arg9 : memref<!tpu.dma_semaphore, #tpu.memory_space<semaphore_mem>>) src(%arg7 : memref<120x8xf32, #tpu.memory_space<vmem>>) dst(%dma_wait3A_101 : memref<10112x8xf32, #tpu.memory_space<vmem_shared>>)
    %barrier3A_102 = arith.constant 0 : index
    tpu.barrier barrier_id(%barrier3A_102)
    %mul3A_103 = arith.constant 632 : i32
    %mul3A_104 = arith.muli %arg1, %mul3A_103 : i32
    %mul3A_105 = arith.constant 632 : i32
    %mul3A_106 = arith.muli %arg1, %mul3A_105 : i32
    "tpu.region"() ({
      %run_scoped3A = tpu.sem_alloc : memref<!tpu.dma_semaphore, #tpu.memory_space<semaphore_mem>>
      %dma_start3A_107 = arith.constant 0 : i32
      %dma_start3A_108 = tpu.memref_slice %arg5[%arg0, %mul3A_106, %dma_start3A_107] : memref<2x10112x8xf32, #tpu.memory_space<hbm>> -> memref<1x632x8xf32, #tpu.memory_space<hbm>>
      %dma_start3A_109 = tpu.memref_squeeze %dma_start3A_108 : memref<1x632x8xf32, #tpu.memory_space<hbm>> -> memref<632x8xf32, #tpu.memory_space<hbm>>
      %dma_start3A_110 = arith.constant 0 : i32
      %dma_start3A_111 = tpu.memref_slice %arg8[%mul3A_104, %dma_start3A_110] : memref<10112x8xf32, #tpu.memory_space<vmem_shared>> -> memref<632x8xf32, #tpu.memory_space<vmem_shared>>
      tpu.enqueue_dma source(%dma_start3A_111 : memref<632x8xf32, #tpu.memory_space<vmem_shared>>) target(%dma_start3A_109 : memref<632x8xf32, #tpu.memory_space<hbm>>) target_semaphore(%run_scoped3A : memref<!tpu.dma_semaphore, #tpu.memory_space<semaphore_mem>>)
      %dma_wait3A_112 = arith.constant 0 : i32
      %dma_wait3A_113 = tpu.memref_slice %arg5[%arg0, %mul3A_106, %dma_wait3A_112] : memref<2x10112x8xf32, #tpu.memory_space<hbm>> -> memref<1x632x8xf32, #tpu.memory_space<hbm>>
      %dma_wait3A_114 = tpu.memref_squeeze %dma_wait3A_113 : memref<1x632x8xf32, #tpu.memory_space<hbm>> -> memref<632x8xf32, #tpu.memory_space<hbm>>
      %dma_wait3A_115 = arith.constant 0 : i32
      %dma_wait3A_116 = tpu.memref_slice %arg8[%mul3A_104, %dma_wait3A_115] : memref<10112x8xf32, #tpu.memory_space<vmem_shared>> -> memref<632x8xf32, #tpu.memory_space<vmem_shared>>
      tpu.wait_dma2 semaphore(%run_scoped3A : memref<!tpu.dma_semaphore, #tpu.memory_space<semaphore_mem>>) src(%dma_wait3A_116 : memref<632x8xf32, #tpu.memory_space<vmem_shared>>) dst(%dma_wait3A_114 : memref<632x8xf32, #tpu.memory_space<hbm>>)
      tpu.yield
    }) : () -> ()
    return
  }
}

#map = affine_map<(d0, d1) -> (0, 0)>
#map1 = affine_map<(d0, d1) -> (0, 0, 0, 0)>
#map2 = affine_map<(d0, d1) -> (0, 0, 0)>
module attributes {stable_mosaic.version = 14 : i64} {
  func.func @_scat_fn(%arg0: i32, %arg1: i32, %arg2: memref<10112x128xf32, #tpu.memory_space<hbm>>, %arg3: memref<32x84x2x120xi32, #tpu.memory_space<hbm>>, %arg4: memref<632x128xf32, #tpu.memory_space<hbm>>, %arg5: memref<2x10112x128xf32, #tpu.memory_space<hbm>>, %arg6: memref<6x2x120xi32, #tpu.memory_space<vmem>>, %arg7: memref<3x120x128xf32, #tpu.memory_space<vmem>>, %arg8: memref<10112x128xf32, #tpu.memory_space<vmem_shared>>, %arg9: memref<!tpu.dma_semaphore, #tpu.memory_space<semaphore_mem>>, %arg10: memref<!tpu.dma_semaphore, #tpu.memory_space<semaphore_mem>>, %arg11: memref<!tpu.dma_semaphore, #tpu.memory_space<semaphore_mem>>, %arg12: memref<!tpu.dma_semaphore, #tpu.memory_space<semaphore_mem>>, %arg13: memref<!tpu.dma_semaphore, #tpu.memory_space<semaphore_mem>>, %arg14: memref<!tpu.dma_semaphore, #tpu.memory_space<semaphore_mem>>, %arg15: memref<!tpu.dma_semaphore, #tpu.memory_space<semaphore_mem>>, %arg16: memref<!tpu.dma_semaphore, #tpu.memory_space<semaphore_mem>>, %arg17: memref<!tpu.dma_semaphore, #tpu.memory_space<semaphore_mem>>, %arg18: memref<!tpu.dma_semaphore, #tpu.memory_space<semaphore_mem>>, %arg19: memref<!tpu.dma_semaphore, #tpu.memory_space<semaphore_mem>>, %arg20: memref<!tpu.dma_semaphore, #tpu.memory_space<semaphore_mem>>) attributes {dimension_semantics = [#tpu.dimension_semantics<core_parallel>, #tpu.dimension_semantics<subcore_parallel>], iteration_bounds = array<i64: 2, 16>, scalar_prefetch = 0 : i64, scratch_operands = 15 : i64, tpu.core_type = #tpu.core_type<sc_vector_subcore>, window_params = [{transform_indices = #map}, {transform_indices = #map1}, {transform_indices = #map}, {transform_indices = #map2}]} {
    %mul3A = arith.constant 16 : i32
    %mul3A_0 = arith.muli %arg0, %mul3A : i32
    %add3A = arith.addi %mul3A_0, %arg1 : i32
    %run_scoped3A = arith.constant 0 : i32
    %run_scoped3A_1 = arith.constant 0 : i32
    "tpu.region"() ({
      %run_scoped3A_61 = tpu.sem_alloc : memref<!tpu.dma_semaphore, #tpu.memory_space<semaphore_mem>>
      %dma_start3A_62 = arith.constant 0 : i32
      %dma_start3A_63 = arith.constant 0 : i32
      %dma_start3A_64 = tpu.memref_slice %arg6[%run_scoped3A_1, %dma_start3A_62, %dma_start3A_63] : memref<6x2x120xi32, #tpu.memory_space<vmem>> -> memref<1x2x120xi32, #tpu.memory_space<vmem>>
      %dma_start3A_65 = tpu.memref_squeeze %dma_start3A_64 : memref<1x2x120xi32, #tpu.memory_space<vmem>> -> memref<2x120xi32, #tpu.memory_space<vmem>>
      %dma_start3A_66 = arith.constant 0 : i32
      %dma_start3A_67 = arith.constant 0 : i32
      %dma_start3A_68 = tpu.memref_slice %arg3[%add3A, %run_scoped3A, %dma_start3A_66, %dma_start3A_67] : memref<32x84x2x120xi32, #tpu.memory_space<hbm>> -> memref<1x1x2x120xi32, #tpu.memory_space<hbm>>
      %dma_start3A_69 = tpu.memref_squeeze %dma_start3A_68 : memref<1x1x2x120xi32, #tpu.memory_space<hbm>> -> memref<2x120xi32, #tpu.memory_space<hbm>>
      %dma_start3A_70 = arith.constant 0 : i32
      %dma_start3A_71 = arith.constant 0 : i32
      %dma_start3A_72 = tpu.memref_slice %arg6[%run_scoped3A_1, %dma_start3A_70, %dma_start3A_71] : memref<6x2x120xi32, #tpu.memory_space<vmem>> -> memref<1x2x120xi32, #tpu.memory_space<vmem>>
      %dma_start3A_73 = tpu.memref_squeeze %dma_start3A_72 : memref<1x2x120xi32, #tpu.memory_space<vmem>> -> memref<2x120xi32, #tpu.memory_space<vmem>>
      %dma_start3A_74 = arith.constant 0 : i32
      %dma_start3A_75 = arith.constant 0 : i32
      %dma_start3A_76 = tpu.memref_slice %arg3[%add3A, %run_scoped3A, %dma_start3A_74, %dma_start3A_75] : memref<32x84x2x120xi32, #tpu.memory_space<hbm>> -> memref<1x1x2x120xi32, #tpu.memory_space<hbm>>
      %dma_start3A_77 = tpu.memref_squeeze %dma_start3A_76 : memref<1x1x2x120xi32, #tpu.memory_space<hbm>> -> memref<2x120xi32, #tpu.memory_space<hbm>>
      tpu.enqueue_dma source(%dma_start3A_77 : memref<2x120xi32, #tpu.memory_space<hbm>>) target(%dma_start3A_73 : memref<2x120xi32, #tpu.memory_space<vmem>>) target_semaphore(%run_scoped3A_61 : memref<!tpu.dma_semaphore, #tpu.memory_space<semaphore_mem>>)
      %dma_wait3A_78 = arith.constant 0 : i32
      %dma_wait3A_79 = arith.constant 0 : i32
      %dma_wait3A_80 = tpu.memref_slice %arg6[%run_scoped3A_1, %dma_wait3A_78, %dma_wait3A_79] : memref<6x2x120xi32, #tpu.memory_space<vmem>> -> memref<1x2x120xi32, #tpu.memory_space<vmem>>
      %dma_wait3A_81 = tpu.memref_squeeze %dma_wait3A_80 : memref<1x2x120xi32, #tpu.memory_space<vmem>> -> memref<2x120xi32, #tpu.memory_space<vmem>>
      %dma_wait3A_82 = arith.constant 0 : i32
      %dma_wait3A_83 = arith.constant 0 : i32
      %dma_wait3A_84 = tpu.memref_slice %arg3[%add3A, %run_scoped3A, %dma_wait3A_82, %dma_wait3A_83] : memref<32x84x2x120xi32, #tpu.memory_space<hbm>> -> memref<1x1x2x120xi32, #tpu.memory_space<hbm>>
      %dma_wait3A_85 = tpu.memref_squeeze %dma_wait3A_84 : memref<1x1x2x120xi32, #tpu.memory_space<hbm>> -> memref<2x120xi32, #tpu.memory_space<hbm>>
      %dma_wait3A_86 = arith.constant 0 : i32
      %dma_wait3A_87 = arith.constant 0 : i32
      %dma_wait3A_88 = tpu.memref_slice %arg6[%run_scoped3A_1, %dma_wait3A_86, %dma_wait3A_87] : memref<6x2x120xi32, #tpu.memory_space<vmem>> -> memref<1x2x120xi32, #tpu.memory_space<vmem>>
      %dma_wait3A_89 = tpu.memref_squeeze %dma_wait3A_88 : memref<1x2x120xi32, #tpu.memory_space<vmem>> -> memref<2x120xi32, #tpu.memory_space<vmem>>
      %dma_wait3A_90 = arith.constant 0 : i32
      %dma_wait3A_91 = arith.constant 0 : i32
      %dma_wait3A_92 = tpu.memref_slice %arg3[%add3A, %run_scoped3A, %dma_wait3A_90, %dma_wait3A_91] : memref<32x84x2x120xi32, #tpu.memory_space<hbm>> -> memref<1x1x2x120xi32, #tpu.memory_space<hbm>>
      %dma_wait3A_93 = tpu.memref_squeeze %dma_wait3A_92 : memref<1x1x2x120xi32, #tpu.memory_space<hbm>> -> memref<2x120xi32, #tpu.memory_space<hbm>>
      tpu.wait_dma2 semaphore(%run_scoped3A_61 : memref<!tpu.dma_semaphore, #tpu.memory_space<semaphore_mem>>) src(%dma_wait3A_93 : memref<2x120xi32, #tpu.memory_space<hbm>>) dst(%dma_wait3A_89 : memref<2x120xi32, #tpu.memory_space<vmem>>)
      tpu.yield
    }) : () -> ()
    %run_scoped3A_2 = arith.constant 1 : i32
    %run_scoped3A_3 = arith.constant 1 : i32
    "tpu.region"() ({
      %run_scoped3A_61 = tpu.sem_alloc : memref<!tpu.dma_semaphore, #tpu.memory_space<semaphore_mem>>
      %dma_start3A_62 = arith.constant 0 : i32
      %dma_start3A_63 = arith.constant 0 : i32
      %dma_start3A_64 = tpu.memref_slice %arg6[%run_scoped3A_3, %dma_start3A_62, %dma_start3A_63] : memref<6x2x120xi32, #tpu.memory_space<vmem>> -> memref<1x2x120xi32, #tpu.memory_space<vmem>>
      %dma_start3A_65 = tpu.memref_squeeze %dma_start3A_64 : memref<1x2x120xi32, #tpu.memory_space<vmem>> -> memref<2x120xi32, #tpu.memory_space<vmem>>
      %dma_start3A_66 = arith.constant 0 : i32
      %dma_start3A_67 = arith.constant 0 : i32
      %dma_start3A_68 = tpu.memref_slice %arg3[%add3A, %run_scoped3A_2, %dma_start3A_66, %dma_start3A_67] : memref<32x84x2x120xi32, #tpu.memory_space<hbm>> -> memref<1x1x2x120xi32, #tpu.memory_space<hbm>>
      %dma_start3A_69 = tpu.memref_squeeze %dma_start3A_68 : memref<1x1x2x120xi32, #tpu.memory_space<hbm>> -> memref<2x120xi32, #tpu.memory_space<hbm>>
      %dma_start3A_70 = arith.constant 0 : i32
      %dma_start3A_71 = arith.constant 0 : i32
      %dma_start3A_72 = tpu.memref_slice %arg6[%run_scoped3A_3, %dma_start3A_70, %dma_start3A_71] : memref<6x2x120xi32, #tpu.memory_space<vmem>> -> memref<1x2x120xi32, #tpu.memory_space<vmem>>
      %dma_start3A_73 = tpu.memref_squeeze %dma_start3A_72 : memref<1x2x120xi32, #tpu.memory_space<vmem>> -> memref<2x120xi32, #tpu.memory_space<vmem>>
      %dma_start3A_74 = arith.constant 0 : i32
      %dma_start3A_75 = arith.constant 0 : i32
      %dma_start3A_76 = tpu.memref_slice %arg3[%add3A, %run_scoped3A_2, %dma_start3A_74, %dma_start3A_75] : memref<32x84x2x120xi32, #tpu.memory_space<hbm>> -> memref<1x1x2x120xi32, #tpu.memory_space<hbm>>
      %dma_start3A_77 = tpu.memref_squeeze %dma_start3A_76 : memref<1x1x2x120xi32, #tpu.memory_space<hbm>> -> memref<2x120xi32, #tpu.memory_space<hbm>>
      tpu.enqueue_dma source(%dma_start3A_77 : memref<2x120xi32, #tpu.memory_space<hbm>>) target(%dma_start3A_73 : memref<2x120xi32, #tpu.memory_space<vmem>>) target_semaphore(%run_scoped3A_61 : memref<!tpu.dma_semaphore, #tpu.memory_space<semaphore_mem>>)
      %dma_wait3A_78 = arith.constant 0 : i32
      %dma_wait3A_79 = arith.constant 0 : i32
      %dma_wait3A_80 = tpu.memref_slice %arg6[%run_scoped3A_3, %dma_wait3A_78, %dma_wait3A_79] : memref<6x2x120xi32, #tpu.memory_space<vmem>> -> memref<1x2x120xi32, #tpu.memory_space<vmem>>
      %dma_wait3A_81 = tpu.memref_squeeze %dma_wait3A_80 : memref<1x2x120xi32, #tpu.memory_space<vmem>> -> memref<2x120xi32, #tpu.memory_space<vmem>>
      %dma_wait3A_82 = arith.constant 0 : i32
      %dma_wait3A_83 = arith.constant 0 : i32
      %dma_wait3A_84 = tpu.memref_slice %arg3[%add3A, %run_scoped3A_2, %dma_wait3A_82, %dma_wait3A_83] : memref<32x84x2x120xi32, #tpu.memory_space<hbm>> -> memref<1x1x2x120xi32, #tpu.memory_space<hbm>>
      %dma_wait3A_85 = tpu.memref_squeeze %dma_wait3A_84 : memref<1x1x2x120xi32, #tpu.memory_space<hbm>> -> memref<2x120xi32, #tpu.memory_space<hbm>>
      %dma_wait3A_86 = arith.constant 0 : i32
      %dma_wait3A_87 = arith.constant 0 : i32
      %dma_wait3A_88 = tpu.memref_slice %arg6[%run_scoped3A_3, %dma_wait3A_86, %dma_wait3A_87] : memref<6x2x120xi32, #tpu.memory_space<vmem>> -> memref<1x2x120xi32, #tpu.memory_space<vmem>>
      %dma_wait3A_89 = tpu.memref_squeeze %dma_wait3A_88 : memref<1x2x120xi32, #tpu.memory_space<vmem>> -> memref<2x120xi32, #tpu.memory_space<vmem>>
      %dma_wait3A_90 = arith.constant 0 : i32
      %dma_wait3A_91 = arith.constant 0 : i32
      %dma_wait3A_92 = tpu.memref_slice %arg3[%add3A, %run_scoped3A_2, %dma_wait3A_90, %dma_wait3A_91] : memref<32x84x2x120xi32, #tpu.memory_space<hbm>> -> memref<1x1x2x120xi32, #tpu.memory_space<hbm>>
      %dma_wait3A_93 = tpu.memref_squeeze %dma_wait3A_92 : memref<1x1x2x120xi32, #tpu.memory_space<hbm>> -> memref<2x120xi32, #tpu.memory_space<hbm>>
      tpu.wait_dma2 semaphore(%run_scoped3A_61 : memref<!tpu.dma_semaphore, #tpu.memory_space<semaphore_mem>>) src(%dma_wait3A_93 : memref<2x120xi32, #tpu.memory_space<hbm>>) dst(%dma_wait3A_89 : memref<2x120xi32, #tpu.memory_space<vmem>>)
      tpu.yield
    }) : () -> ()
    %run_scoped3A_4 = arith.constant 2 : i32
    %run_scoped3A_5 = arith.constant 2 : i32
    "tpu.region"() ({
      %run_scoped3A_61 = tpu.sem_alloc : memref<!tpu.dma_semaphore, #tpu.memory_space<semaphore_mem>>
      %dma_start3A_62 = arith.constant 0 : i32
      %dma_start3A_63 = arith.constant 0 : i32
      %dma_start3A_64 = tpu.memref_slice %arg6[%run_scoped3A_5, %dma_start3A_62, %dma_start3A_63] : memref<6x2x120xi32, #tpu.memory_space<vmem>> -> memref<1x2x120xi32, #tpu.memory_space<vmem>>
      %dma_start3A_65 = tpu.memref_squeeze %dma_start3A_64 : memref<1x2x120xi32, #tpu.memory_space<vmem>> -> memref<2x120xi32, #tpu.memory_space<vmem>>
      %dma_start3A_66 = arith.constant 0 : i32
      %dma_start3A_67 = arith.constant 0 : i32
      %dma_start3A_68 = tpu.memref_slice %arg3[%add3A, %run_scoped3A_4, %dma_start3A_66, %dma_start3A_67] : memref<32x84x2x120xi32, #tpu.memory_space<hbm>> -> memref<1x1x2x120xi32, #tpu.memory_space<hbm>>
      %dma_start3A_69 = tpu.memref_squeeze %dma_start3A_68 : memref<1x1x2x120xi32, #tpu.memory_space<hbm>> -> memref<2x120xi32, #tpu.memory_space<hbm>>
      %dma_start3A_70 = arith.constant 0 : i32
      %dma_start3A_71 = arith.constant 0 : i32
      %dma_start3A_72 = tpu.memref_slice %arg6[%run_scoped3A_5, %dma_start3A_70, %dma_start3A_71] : memref<6x2x120xi32, #tpu.memory_space<vmem>> -> memref<1x2x120xi32, #tpu.memory_space<vmem>>
      %dma_start3A_73 = tpu.memref_squeeze %dma_start3A_72 : memref<1x2x120xi32, #tpu.memory_space<vmem>> -> memref<2x120xi32, #tpu.memory_space<vmem>>
      %dma_start3A_74 = arith.constant 0 : i32
      %dma_start3A_75 = arith.constant 0 : i32
      %dma_start3A_76 = tpu.memref_slice %arg3[%add3A, %run_scoped3A_4, %dma_start3A_74, %dma_start3A_75] : memref<32x84x2x120xi32, #tpu.memory_space<hbm>> -> memref<1x1x2x120xi32, #tpu.memory_space<hbm>>
      %dma_start3A_77 = tpu.memref_squeeze %dma_start3A_76 : memref<1x1x2x120xi32, #tpu.memory_space<hbm>> -> memref<2x120xi32, #tpu.memory_space<hbm>>
      tpu.enqueue_dma source(%dma_start3A_77 : memref<2x120xi32, #tpu.memory_space<hbm>>) target(%dma_start3A_73 : memref<2x120xi32, #tpu.memory_space<vmem>>) target_semaphore(%run_scoped3A_61 : memref<!tpu.dma_semaphore, #tpu.memory_space<semaphore_mem>>)
      %dma_wait3A_78 = arith.constant 0 : i32
      %dma_wait3A_79 = arith.constant 0 : i32
      %dma_wait3A_80 = tpu.memref_slice %arg6[%run_scoped3A_5, %dma_wait3A_78, %dma_wait3A_79] : memref<6x2x120xi32, #tpu.memory_space<vmem>> -> memref<1x2x120xi32, #tpu.memory_space<vmem>>
      %dma_wait3A_81 = tpu.memref_squeeze %dma_wait3A_80 : memref<1x2x120xi32, #tpu.memory_space<vmem>> -> memref<2x120xi32, #tpu.memory_space<vmem>>
      %dma_wait3A_82 = arith.constant 0 : i32
      %dma_wait3A_83 = arith.constant 0 : i32
      %dma_wait3A_84 = tpu.memref_slice %arg3[%add3A, %run_scoped3A_4, %dma_wait3A_82, %dma_wait3A_83] : memref<32x84x2x120xi32, #tpu.memory_space<hbm>> -> memref<1x1x2x120xi32, #tpu.memory_space<hbm>>
      %dma_wait3A_85 = tpu.memref_squeeze %dma_wait3A_84 : memref<1x1x2x120xi32, #tpu.memory_space<hbm>> -> memref<2x120xi32, #tpu.memory_space<hbm>>
      %dma_wait3A_86 = arith.constant 0 : i32
      %dma_wait3A_87 = arith.constant 0 : i32
      %dma_wait3A_88 = tpu.memref_slice %arg6[%run_scoped3A_5, %dma_wait3A_86, %dma_wait3A_87] : memref<6x2x120xi32, #tpu.memory_space<vmem>> -> memref<1x2x120xi32, #tpu.memory_space<vmem>>
      %dma_wait3A_89 = tpu.memref_squeeze %dma_wait3A_88 : memref<1x2x120xi32, #tpu.memory_space<vmem>> -> memref<2x120xi32, #tpu.memory_space<vmem>>
      %dma_wait3A_90 = arith.constant 0 : i32
      %dma_wait3A_91 = arith.constant 0 : i32
      %dma_wait3A_92 = tpu.memref_slice %arg3[%add3A, %run_scoped3A_4, %dma_wait3A_90, %dma_wait3A_91] : memref<32x84x2x120xi32, #tpu.memory_space<hbm>> -> memref<1x1x2x120xi32, #tpu.memory_space<hbm>>
      %dma_wait3A_93 = tpu.memref_squeeze %dma_wait3A_92 : memref<1x1x2x120xi32, #tpu.memory_space<hbm>> -> memref<2x120xi32, #tpu.memory_space<hbm>>
      tpu.wait_dma2 semaphore(%run_scoped3A_61 : memref<!tpu.dma_semaphore, #tpu.memory_space<semaphore_mem>>) src(%dma_wait3A_93 : memref<2x120xi32, #tpu.memory_space<hbm>>) dst(%dma_wait3A_89 : memref<2x120xi32, #tpu.memory_space<vmem>>)
      tpu.yield
    }) : () -> ()
    %run_scoped3A_6 = arith.constant 3 : i32
    %run_scoped3A_7 = arith.constant 3 : i32
    "tpu.region"() ({
      %run_scoped3A_61 = tpu.sem_alloc : memref<!tpu.dma_semaphore, #tpu.memory_space<semaphore_mem>>
      %dma_start3A_62 = arith.constant 0 : i32
      %dma_start3A_63 = arith.constant 0 : i32
      %dma_start3A_64 = tpu.memref_slice %arg6[%run_scoped3A_7, %dma_start3A_62, %dma_start3A_63] : memref<6x2x120xi32, #tpu.memory_space<vmem>> -> memref<1x2x120xi32, #tpu.memory_space<vmem>>
      %dma_start3A_65 = tpu.memref_squeeze %dma_start3A_64 : memref<1x2x120xi32, #tpu.memory_space<vmem>> -> memref<2x120xi32, #tpu.memory_space<vmem>>
      %dma_start3A_66 = arith.constant 0 : i32
      %dma_start3A_67 = arith.constant 0 : i32
      %dma_start3A_68 = tpu.memref_slice %arg3[%add3A, %run_scoped3A_6, %dma_start3A_66, %dma_start3A_67] : memref<32x84x2x120xi32, #tpu.memory_space<hbm>> -> memref<1x1x2x120xi32, #tpu.memory_space<hbm>>
      %dma_start3A_69 = tpu.memref_squeeze %dma_start3A_68 : memref<1x1x2x120xi32, #tpu.memory_space<hbm>> -> memref<2x120xi32, #tpu.memory_space<hbm>>
      %dma_start3A_70 = arith.constant 0 : i32
      %dma_start3A_71 = arith.constant 0 : i32
      %dma_start3A_72 = tpu.memref_slice %arg6[%run_scoped3A_7, %dma_start3A_70, %dma_start3A_71] : memref<6x2x120xi32, #tpu.memory_space<vmem>> -> memref<1x2x120xi32, #tpu.memory_space<vmem>>
      %dma_start3A_73 = tpu.memref_squeeze %dma_start3A_72 : memref<1x2x120xi32, #tpu.memory_space<vmem>> -> memref<2x120xi32, #tpu.memory_space<vmem>>
      %dma_start3A_74 = arith.constant 0 : i32
      %dma_start3A_75 = arith.constant 0 : i32
      %dma_start3A_76 = tpu.memref_slice %arg3[%add3A, %run_scoped3A_6, %dma_start3A_74, %dma_start3A_75] : memref<32x84x2x120xi32, #tpu.memory_space<hbm>> -> memref<1x1x2x120xi32, #tpu.memory_space<hbm>>
      %dma_start3A_77 = tpu.memref_squeeze %dma_start3A_76 : memref<1x1x2x120xi32, #tpu.memory_space<hbm>> -> memref<2x120xi32, #tpu.memory_space<hbm>>
      tpu.enqueue_dma source(%dma_start3A_77 : memref<2x120xi32, #tpu.memory_space<hbm>>) target(%dma_start3A_73 : memref<2x120xi32, #tpu.memory_space<vmem>>) target_semaphore(%run_scoped3A_61 : memref<!tpu.dma_semaphore, #tpu.memory_space<semaphore_mem>>)
      %dma_wait3A_78 = arith.constant 0 : i32
      %dma_wait3A_79 = arith.constant 0 : i32
      %dma_wait3A_80 = tpu.memref_slice %arg6[%run_scoped3A_7, %dma_wait3A_78, %dma_wait3A_79] : memref<6x2x120xi32, #tpu.memory_space<vmem>> -> memref<1x2x120xi32, #tpu.memory_space<vmem>>
      %dma_wait3A_81 = tpu.memref_squeeze %dma_wait3A_80 : memref<1x2x120xi32, #tpu.memory_space<vmem>> -> memref<2x120xi32, #tpu.memory_space<vmem>>
      %dma_wait3A_82 = arith.constant 0 : i32
      %dma_wait3A_83 = arith.constant 0 : i32
      %dma_wait3A_84 = tpu.memref_slice %arg3[%add3A, %run_scoped3A_6, %dma_wait3A_82, %dma_wait3A_83] : memref<32x84x2x120xi32, #tpu.memory_space<hbm>> -> memref<1x1x2x120xi32, #tpu.memory_space<hbm>>
      %dma_wait3A_85 = tpu.memref_squeeze %dma_wait3A_84 : memref<1x1x2x120xi32, #tpu.memory_space<hbm>> -> memref<2x120xi32, #tpu.memory_space<hbm>>
      %dma_wait3A_86 = arith.constant 0 : i32
      %dma_wait3A_87 = arith.constant 0 : i32
      %dma_wait3A_88 = tpu.memref_slice %arg6[%run_scoped3A_7, %dma_wait3A_86, %dma_wait3A_87] : memref<6x2x120xi32, #tpu.memory_space<vmem>> -> memref<1x2x120xi32, #tpu.memory_space<vmem>>
      %dma_wait3A_89 = tpu.memref_squeeze %dma_wait3A_88 : memref<1x2x120xi32, #tpu.memory_space<vmem>> -> memref<2x120xi32, #tpu.memory_space<vmem>>
      %dma_wait3A_90 = arith.constant 0 : i32
      %dma_wait3A_91 = arith.constant 0 : i32
      %dma_wait3A_92 = tpu.memref_slice %arg3[%add3A, %run_scoped3A_6, %dma_wait3A_90, %dma_wait3A_91] : memref<32x84x2x120xi32, #tpu.memory_space<hbm>> -> memref<1x1x2x120xi32, #tpu.memory_space<hbm>>
      %dma_wait3A_93 = tpu.memref_squeeze %dma_wait3A_92 : memref<1x1x2x120xi32, #tpu.memory_space<hbm>> -> memref<2x120xi32, #tpu.memory_space<hbm>>
      tpu.wait_dma2 semaphore(%run_scoped3A_61 : memref<!tpu.dma_semaphore, #tpu.memory_space<semaphore_mem>>) src(%dma_wait3A_93 : memref<2x120xi32, #tpu.memory_space<hbm>>) dst(%dma_wait3A_89 : memref<2x120xi32, #tpu.memory_space<vmem>>)
      tpu.yield
    }) : () -> ()
    %run_scoped3A_8 = arith.constant 4 : i32
    %run_scoped3A_9 = arith.constant 4 : i32
    "tpu.region"() ({
      %run_scoped3A_61 = tpu.sem_alloc : memref<!tpu.dma_semaphore, #tpu.memory_space<semaphore_mem>>
      %dma_start3A_62 = arith.constant 0 : i32
      %dma_start3A_63 = arith.constant 0 : i32
      %dma_start3A_64 = tpu.memref_slice %arg6[%run_scoped3A_9, %dma_start3A_62, %dma_start3A_63] : memref<6x2x120xi32, #tpu.memory_space<vmem>> -> memref<1x2x120xi32, #tpu.memory_space<vmem>>
      %dma_start3A_65 = tpu.memref_squeeze %dma_start3A_64 : memref<1x2x120xi32, #tpu.memory_space<vmem>> -> memref<2x120xi32, #tpu.memory_space<vmem>>
      %dma_start3A_66 = arith.constant 0 : i32
      %dma_start3A_67 = arith.constant 0 : i32
      %dma_start3A_68 = tpu.memref_slice %arg3[%add3A, %run_scoped3A_8, %dma_start3A_66, %dma_start3A_67] : memref<32x84x2x120xi32, #tpu.memory_space<hbm>> -> memref<1x1x2x120xi32, #tpu.memory_space<hbm>>
      %dma_start3A_69 = tpu.memref_squeeze %dma_start3A_68 : memref<1x1x2x120xi32, #tpu.memory_space<hbm>> -> memref<2x120xi32, #tpu.memory_space<hbm>>
      %dma_start3A_70 = arith.constant 0 : i32
      %dma_start3A_71 = arith.constant 0 : i32
      %dma_start3A_72 = tpu.memref_slice %arg6[%run_scoped3A_9, %dma_start3A_70, %dma_start3A_71] : memref<6x2x120xi32, #tpu.memory_space<vmem>> -> memref<1x2x120xi32, #tpu.memory_space<vmem>>
      %dma_start3A_73 = tpu.memref_squeeze %dma_start3A_72 : memref<1x2x120xi32, #tpu.memory_space<vmem>> -> memref<2x120xi32, #tpu.memory_space<vmem>>
      %dma_start3A_74 = arith.constant 0 : i32
      %dma_start3A_75 = arith.constant 0 : i32
      %dma_start3A_76 = tpu.memref_slice %arg3[%add3A, %run_scoped3A_8, %dma_start3A_74, %dma_start3A_75] : memref<32x84x2x120xi32, #tpu.memory_space<hbm>> -> memref<1x1x2x120xi32, #tpu.memory_space<hbm>>
      %dma_start3A_77 = tpu.memref_squeeze %dma_start3A_76 : memref<1x1x2x120xi32, #tpu.memory_space<hbm>> -> memref<2x120xi32, #tpu.memory_space<hbm>>
      tpu.enqueue_dma source(%dma_start3A_77 : memref<2x120xi32, #tpu.memory_space<hbm>>) target(%dma_start3A_73 : memref<2x120xi32, #tpu.memory_space<vmem>>) target_semaphore(%run_scoped3A_61 : memref<!tpu.dma_semaphore, #tpu.memory_space<semaphore_mem>>)
      %dma_wait3A_78 = arith.constant 0 : i32
      %dma_wait3A_79 = arith.constant 0 : i32
      %dma_wait3A_80 = tpu.memref_slice %arg6[%run_scoped3A_9, %dma_wait3A_78, %dma_wait3A_79] : memref<6x2x120xi32, #tpu.memory_space<vmem>> -> memref<1x2x120xi32, #tpu.memory_space<vmem>>
      %dma_wait3A_81 = tpu.memref_squeeze %dma_wait3A_80 : memref<1x2x120xi32, #tpu.memory_space<vmem>> -> memref<2x120xi32, #tpu.memory_space<vmem>>
      %dma_wait3A_82 = arith.constant 0 : i32
      %dma_wait3A_83 = arith.constant 0 : i32
      %dma_wait3A_84 = tpu.memref_slice %arg3[%add3A, %run_scoped3A_8, %dma_wait3A_82, %dma_wait3A_83] : memref<32x84x2x120xi32, #tpu.memory_space<hbm>> -> memref<1x1x2x120xi32, #tpu.memory_space<hbm>>
      %dma_wait3A_85 = tpu.memref_squeeze %dma_wait3A_84 : memref<1x1x2x120xi32, #tpu.memory_space<hbm>> -> memref<2x120xi32, #tpu.memory_space<hbm>>
      %dma_wait3A_86 = arith.constant 0 : i32
      %dma_wait3A_87 = arith.constant 0 : i32
      %dma_wait3A_88 = tpu.memref_slice %arg6[%run_scoped3A_9, %dma_wait3A_86, %dma_wait3A_87] : memref<6x2x120xi32, #tpu.memory_space<vmem>> -> memref<1x2x120xi32, #tpu.memory_space<vmem>>
      %dma_wait3A_89 = tpu.memref_squeeze %dma_wait3A_88 : memref<1x2x120xi32, #tpu.memory_space<vmem>> -> memref<2x120xi32, #tpu.memory_space<vmem>>
      %dma_wait3A_90 = arith.constant 0 : i32
      %dma_wait3A_91 = arith.constant 0 : i32
      %dma_wait3A_92 = tpu.memref_slice %arg3[%add3A, %run_scoped3A_8, %dma_wait3A_90, %dma_wait3A_91] : memref<32x84x2x120xi32, #tpu.memory_space<hbm>> -> memref<1x1x2x120xi32, #tpu.memory_space<hbm>>
      %dma_wait3A_93 = tpu.memref_squeeze %dma_wait3A_92 : memref<1x1x2x120xi32, #tpu.memory_space<hbm>> -> memref<2x120xi32, #tpu.memory_space<hbm>>
      tpu.wait_dma2 semaphore(%run_scoped3A_61 : memref<!tpu.dma_semaphore, #tpu.memory_space<semaphore_mem>>) src(%dma_wait3A_93 : memref<2x120xi32, #tpu.memory_space<hbm>>) dst(%dma_wait3A_89 : memref<2x120xi32, #tpu.memory_space<vmem>>)
      tpu.yield
    }) : () -> ()
    %run_scoped3A_10 = arith.constant 5 : i32
    %run_scoped3A_11 = arith.constant 5 : i32
    "tpu.region"() ({
      %run_scoped3A_61 = tpu.sem_alloc : memref<!tpu.dma_semaphore, #tpu.memory_space<semaphore_mem>>
      %dma_start3A_62 = arith.constant 0 : i32
      %dma_start3A_63 = arith.constant 0 : i32
      %dma_start3A_64 = tpu.memref_slice %arg6[%run_scoped3A_11, %dma_start3A_62, %dma_start3A_63] : memref<6x2x120xi32, #tpu.memory_space<vmem>> -> memref<1x2x120xi32, #tpu.memory_space<vmem>>
      %dma_start3A_65 = tpu.memref_squeeze %dma_start3A_64 : memref<1x2x120xi32, #tpu.memory_space<vmem>> -> memref<2x120xi32, #tpu.memory_space<vmem>>
      %dma_start3A_66 = arith.constant 0 : i32
      %dma_start3A_67 = arith.constant 0 : i32
      %dma_start3A_68 = tpu.memref_slice %arg3[%add3A, %run_scoped3A_10, %dma_start3A_66, %dma_start3A_67] : memref<32x84x2x120xi32, #tpu.memory_space<hbm>> -> memref<1x1x2x120xi32, #tpu.memory_space<hbm>>
      %dma_start3A_69 = tpu.memref_squeeze %dma_start3A_68 : memref<1x1x2x120xi32, #tpu.memory_space<hbm>> -> memref<2x120xi32, #tpu.memory_space<hbm>>
      %dma_start3A_70 = arith.constant 0 : i32
      %dma_start3A_71 = arith.constant 0 : i32
      %dma_start3A_72 = tpu.memref_slice %arg6[%run_scoped3A_11, %dma_start3A_70, %dma_start3A_71] : memref<6x2x120xi32, #tpu.memory_space<vmem>> -> memref<1x2x120xi32, #tpu.memory_space<vmem>>
      %dma_start3A_73 = tpu.memref_squeeze %dma_start3A_72 : memref<1x2x120xi32, #tpu.memory_space<vmem>> -> memref<2x120xi32, #tpu.memory_space<vmem>>
      %dma_start3A_74 = arith.constant 0 : i32
      %dma_start3A_75 = arith.constant 0 : i32
      %dma_start3A_76 = tpu.memref_slice %arg3[%add3A, %run_scoped3A_10, %dma_start3A_74, %dma_start3A_75] : memref<32x84x2x120xi32, #tpu.memory_space<hbm>> -> memref<1x1x2x120xi32, #tpu.memory_space<hbm>>
      %dma_start3A_77 = tpu.memref_squeeze %dma_start3A_76 : memref<1x1x2x120xi32, #tpu.memory_space<hbm>> -> memref<2x120xi32, #tpu.memory_space<hbm>>
      tpu.enqueue_dma source(%dma_start3A_77 : memref<2x120xi32, #tpu.memory_space<hbm>>) target(%dma_start3A_73 : memref<2x120xi32, #tpu.memory_space<vmem>>) target_semaphore(%run_scoped3A_61 : memref<!tpu.dma_semaphore, #tpu.memory_space<semaphore_mem>>)
      %dma_wait3A_78 = arith.constant 0 : i32
      %dma_wait3A_79 = arith.constant 0 : i32
      %dma_wait3A_80 = tpu.memref_slice %arg6[%run_scoped3A_11, %dma_wait3A_78, %dma_wait3A_79] : memref<6x2x120xi32, #tpu.memory_space<vmem>> -> memref<1x2x120xi32, #tpu.memory_space<vmem>>
      %dma_wait3A_81 = tpu.memref_squeeze %dma_wait3A_80 : memref<1x2x120xi32, #tpu.memory_space<vmem>> -> memref<2x120xi32, #tpu.memory_space<vmem>>
      %dma_wait3A_82 = arith.constant 0 : i32
      %dma_wait3A_83 = arith.constant 0 : i32
      %dma_wait3A_84 = tpu.memref_slice %arg3[%add3A, %run_scoped3A_10, %dma_wait3A_82, %dma_wait3A_83] : memref<32x84x2x120xi32, #tpu.memory_space<hbm>> -> memref<1x1x2x120xi32, #tpu.memory_space<hbm>>
      %dma_wait3A_85 = tpu.memref_squeeze %dma_wait3A_84 : memref<1x1x2x120xi32, #tpu.memory_space<hbm>> -> memref<2x120xi32, #tpu.memory_space<hbm>>
      %dma_wait3A_86 = arith.constant 0 : i32
      %dma_wait3A_87 = arith.constant 0 : i32
      %dma_wait3A_88 = tpu.memref_slice %arg6[%run_scoped3A_11, %dma_wait3A_86, %dma_wait3A_87] : memref<6x2x120xi32, #tpu.memory_space<vmem>> -> memref<1x2x120xi32, #tpu.memory_space<vmem>>
      %dma_wait3A_89 = tpu.memref_squeeze %dma_wait3A_88 : memref<1x2x120xi32, #tpu.memory_space<vmem>> -> memref<2x120xi32, #tpu.memory_space<vmem>>
      %dma_wait3A_90 = arith.constant 0 : i32
      %dma_wait3A_91 = arith.constant 0 : i32
      %dma_wait3A_92 = tpu.memref_slice %arg3[%add3A, %run_scoped3A_10, %dma_wait3A_90, %dma_wait3A_91] : memref<32x84x2x120xi32, #tpu.memory_space<hbm>> -> memref<1x1x2x120xi32, #tpu.memory_space<hbm>>
      %dma_wait3A_93 = tpu.memref_squeeze %dma_wait3A_92 : memref<1x1x2x120xi32, #tpu.memory_space<hbm>> -> memref<2x120xi32, #tpu.memory_space<hbm>>
      tpu.wait_dma2 semaphore(%run_scoped3A_61 : memref<!tpu.dma_semaphore, #tpu.memory_space<semaphore_mem>>) src(%dma_wait3A_93 : memref<2x120xi32, #tpu.memory_space<hbm>>) dst(%dma_wait3A_89 : memref<2x120xi32, #tpu.memory_space<vmem>>)
      tpu.yield
    }) : () -> ()
    %dma_start3A = arith.constant 0 : i32
    %dma_start3A_12 = arith.constant 0 : i32
    %dma_start3A_13 = arith.constant 0 : i32
    %dma_start3A_14 = arith.constant 0 : i32
    %dma_start3A_15 = arith.constant 0 : i32
    %dma_start3A_16 = tpu.memref_slice %arg7[%dma_start3A_13, %dma_start3A_14, %dma_start3A_15] : memref<3x120x128xf32, #tpu.memory_space<vmem>> -> memref<1x120x128xf32, #tpu.memory_space<vmem>>
    %dma_start3A_17 = tpu.memref_squeeze %dma_start3A_16 : memref<1x120x128xf32, #tpu.memory_space<vmem>> -> memref<120x128xf32, #tpu.memory_space<vmem>>
    %dma_start3A_18 = arith.constant 0 : i32
    %dma_start3A_19 = tpu.memref_slice %arg6[%dma_start3A, %dma_start3A_12, %dma_start3A_18] : memref<6x2x120xi32, #tpu.memory_space<vmem>> -> memref<1x1x120xi32, #tpu.memory_space<vmem>>
    %dma_start3A_20 = tpu.memref_squeeze %dma_start3A_19 : memref<1x1x120xi32, #tpu.memory_space<vmem>> -> memref<120xi32, #tpu.memory_space<vmem>>
    %dma_start3A_21 = arith.constant 0 : i32
    %dma_start3A_22 = arith.constant 0 : i32
    %dma_start3A_23 = tpu.memref_slice %arg2[%dma_start3A_21, %dma_start3A_22] : memref<10112x128xf32, #tpu.memory_space<hbm>> -> memref<10112x128xf32, #tpu.memory_space<hbm>>
    tpu.enqueue_indirect_dma source(%dma_start3A_23 : memref<10112x128xf32, #tpu.memory_space<hbm>>) target(%dma_start3A_17 : memref<120x128xf32, #tpu.memory_space<vmem>>) offsets(%dma_start3A_20 : memref<120xi32, #tpu.memory_space<vmem>>) semaphore(%arg9 : memref<!tpu.dma_semaphore, #tpu.memory_space<semaphore_mem>>)
    %dma_start3A_24 = arith.constant 1 : i32
    %dma_start3A_25 = arith.constant 0 : i32
    %dma_start3A_26 = arith.constant 1 : i32
    %dma_start3A_27 = arith.constant 0 : i32
    %dma_start3A_28 = arith.constant 0 : i32
    %dma_start3A_29 = tpu.memref_slice %arg7[%dma_start3A_26, %dma_start3A_27, %dma_start3A_28] : memref<3x120x128xf32, #tpu.memory_space<vmem>> -> memref<1x120x128xf32, #tpu.memory_space<vmem>>
    %dma_start3A_30 = tpu.memref_squeeze %dma_start3A_29 : memref<1x120x128xf32, #tpu.memory_space<vmem>> -> memref<120x128xf32, #tpu.memory_space<vmem>>
    %dma_start3A_31 = arith.constant 0 : i32
    %dma_start3A_32 = tpu.memref_slice %arg6[%dma_start3A_24, %dma_start3A_25, %dma_start3A_31] : memref<6x2x120xi32, #tpu.memory_space<vmem>> -> memref<1x1x120xi32, #tpu.memory_space<vmem>>
    %dma_start3A_33 = tpu.memref_squeeze %dma_start3A_32 : memref<1x1x120xi32, #tpu.memory_space<vmem>> -> memref<120xi32, #tpu.memory_space<vmem>>
    %dma_start3A_34 = arith.constant 0 : i32
    %dma_start3A_35 = arith.constant 0 : i32
    %dma_start3A_36 = tpu.memref_slice %arg2[%dma_start3A_34, %dma_start3A_35] : memref<10112x128xf32, #tpu.memory_space<hbm>> -> memref<10112x128xf32, #tpu.memory_space<hbm>>
    tpu.enqueue_indirect_dma source(%dma_start3A_36 : memref<10112x128xf32, #tpu.memory_space<hbm>>) target(%dma_start3A_30 : memref<120x128xf32, #tpu.memory_space<vmem>>) offsets(%dma_start3A_33 : memref<120xi32, #tpu.memory_space<vmem>>) semaphore(%arg10 : memref<!tpu.dma_semaphore, #tpu.memory_space<semaphore_mem>>)
    %mul3A_37 = arith.constant 632 : i32
    %mul3A_38 = arith.muli %arg1, %mul3A_37 : i32
    "tpu.region"() ({
      %run_scoped3A_61 = tpu.sem_alloc : memref<!tpu.dma_semaphore, #tpu.memory_space<semaphore_mem>>
      %dma_start3A_62 = arith.constant 0 : i32
      %dma_start3A_63 = tpu.memref_slice %arg8[%mul3A_38, %dma_start3A_62] : memref<10112x128xf32, #tpu.memory_space<vmem_shared>> -> memref<632x128xf32, #tpu.memory_space<vmem_shared>>
      tpu.enqueue_dma source(%arg4 : memref<632x128xf32, #tpu.memory_space<hbm>>) target(%dma_start3A_63 : memref<632x128xf32, #tpu.memory_space<vmem_shared>>) target_semaphore(%run_scoped3A_61 : memref<!tpu.dma_semaphore, #tpu.memory_space<semaphore_mem>>)
      %dma_wait3A_64 = arith.constant 0 : i32
      %dma_wait3A_65 = tpu.memref_slice %arg8[%mul3A_38, %dma_wait3A_64] : memref<10112x128xf32, #tpu.memory_space<vmem_shared>> -> memref<632x128xf32, #tpu.memory_space<vmem_shared>>
      tpu.wait_dma2 semaphore(%run_scoped3A_61 : memref<!tpu.dma_semaphore, #tpu.memory_space<semaphore_mem>>) src(%arg4 : memref<632x128xf32, #tpu.memory_space<hbm>>) dst(%dma_wait3A_65 : memref<632x128xf32, #tpu.memory_space<vmem_shared>>)
      tpu.yield
    }) : () -> ()
    %barrier3A = arith.constant 0 : index
    tpu.barrier barrier_id(%barrier3A)
    %scan3A = arith.constant 0 : i32
    %scan3A_39 = arith.constant 0 : i32
    %scan3A_40 = arith.constant 14 : i32
    %scan3A_41 = arith.addi %scan3A_39, %scan3A_40 : i32
    %scan3A_42 = arith.constant 1 : i32
    scf.for %scan3A_61 = %scan3A_39 to %scan3A_41 step %scan3A_42  : i32 {
      %mul3A_62 = arith.constant 6 : i32
      %mul3A_63 = arith.muli %mul3A_62, %scan3A_61 : i32
      %add3A_64 = arith.constant 0 : i32
      %add3A_65 = arith.addi %mul3A_63, %add3A_64 : i32
      %dma_wait3A_66 = arith.constant 0 : i32
      %dma_wait3A_67 = arith.constant 0 : i32
      %dma_wait3A_68 = arith.constant 0 : i32
      %dma_wait3A_69 = arith.constant 0 : i32
      %dma_wait3A_70 = arith.constant 0 : i32
      %dma_wait3A_71 = tpu.memref_slice %arg7[%dma_wait3A_68, %dma_wait3A_69, %dma_wait3A_70] : memref<3x120x128xf32, #tpu.memory_space<vmem>> -> memref<1x120x128xf32, #tpu.memory_space<vmem>>
      %dma_wait3A_72 = tpu.memref_squeeze %dma_wait3A_71 : memref<1x120x128xf32, #tpu.memory_space<vmem>> -> memref<120x128xf32, #tpu.memory_space<vmem>>
      %dma_wait3A_73 = arith.constant 0 : i32
      %dma_wait3A_74 = tpu.memref_slice %arg6[%dma_wait3A_66, %dma_wait3A_67, %dma_wait3A_73] : memref<6x2x120xi32, #tpu.memory_space<vmem>> -> memref<1x1x120xi32, #tpu.memory_space<vmem>>
      %dma_wait3A_75 = tpu.memref_squeeze %dma_wait3A_74 : memref<1x1x120xi32, #tpu.memory_space<vmem>> -> memref<120xi32, #tpu.memory_space<vmem>>
      %dma_wait3A_76 = arith.constant 0 : i32
      %dma_wait3A_77 = arith.constant 0 : i32
      %dma_wait3A_78 = tpu.memref_slice %arg2[%dma_wait3A_76, %dma_wait3A_77] : memref<10112x128xf32, #tpu.memory_space<hbm>> -> memref<10112x128xf32, #tpu.memory_space<hbm>>
      tpu.wait_indirect_dma semaphore(%arg9 : memref<!tpu.dma_semaphore, #tpu.memory_space<semaphore_mem>>) src(%dma_wait3A_78 : memref<10112x128xf32, #tpu.memory_space<hbm>>) dst(%dma_wait3A_72 : memref<120x128xf32, #tpu.memory_space<vmem>>)
      %dma_start3A_79 = arith.constant 0 : i32
      %dma_start3A_80 = arith.constant 0 : i32
      %dma_start3A_81 = arith.constant 1 : i32
      %dma_start3A_82 = arith.constant 0 : i32
      %dma_start3A_83 = arith.constant 0 : i32
      %dma_start3A_84 = tpu.memref_slice %arg7[%dma_start3A_79, %dma_start3A_82, %dma_start3A_83] : memref<3x120x128xf32, #tpu.memory_space<vmem>> -> memref<1x120x128xf32, #tpu.memory_space<vmem>>
      %dma_start3A_85 = tpu.memref_squeeze %dma_start3A_84 : memref<1x120x128xf32, #tpu.memory_space<vmem>> -> memref<120x128xf32, #tpu.memory_space<vmem>>
      %dma_start3A_86 = arith.constant 0 : i32
      %dma_start3A_87 = tpu.memref_slice %arg6[%dma_start3A_80, %dma_start3A_81, %dma_start3A_86] : memref<6x2x120xi32, #tpu.memory_space<vmem>> -> memref<1x1x120xi32, #tpu.memory_space<vmem>>
      %dma_start3A_88 = tpu.memref_squeeze %dma_start3A_87 : memref<1x1x120xi32, #tpu.memory_space<vmem>> -> memref<120xi32, #tpu.memory_space<vmem>>
      %dma_start3A_89 = arith.constant 0 : i32
      %dma_start3A_90 = arith.constant 0 : i32
      %dma_start3A_91 = tpu.memref_slice %arg8[%dma_start3A_89, %dma_start3A_90] : memref<10112x128xf32, #tpu.memory_space<vmem_shared>> -> memref<10112x128xf32, #tpu.memory_space<vmem_shared>>
      tpu.enqueue_indirect_dma source(%dma_start3A_85 : memref<120x128xf32, #tpu.memory_space<vmem>>) target(%dma_start3A_91 : memref<10112x128xf32, #tpu.memory_space<vmem_shared>>) offsets(%dma_start3A_88 : memref<120xi32, #tpu.memory_space<vmem>>) semaphore(%arg12 : memref<!tpu.dma_semaphore, #tpu.memory_space<semaphore_mem>>) {add = true}
      %ge3A = arith.constant 1 : i32
      %ge3A_92 = arith.cmpi sge, %add3A_65, %ge3A : i32
      %convert_element_type3A = arith.extui %ge3A_92 : i1 to i32
      %cond3A = arith.constant 0 : i32
      %cond3A_93 = arith.cmpi ne, %convert_element_type3A, %cond3A : i32
      scf.if %cond3A_93 {
        %dma_wait3A_441 = arith.constant 2 : i32
        %dma_wait3A_442 = arith.constant 5 : i32
        %dma_wait3A_443 = arith.constant 1 : i32
        %dma_wait3A_444 = arith.constant 0 : i32
        %dma_wait3A_445 = arith.constant 0 : i32
        %dma_wait3A_446 = tpu.memref_slice %arg7[%dma_wait3A_441, %dma_wait3A_444, %dma_wait3A_445] : memref<3x120x128xf32, #tpu.memory_space<vmem>> -> memref<1x120x128xf32, #tpu.memory_space<vmem>>
        %dma_wait3A_447 = tpu.memref_squeeze %dma_wait3A_446 : memref<1x120x128xf32, #tpu.memory_space<vmem>> -> memref<120x128xf32, #tpu.memory_space<vmem>>
        %dma_wait3A_448 = arith.constant 0 : i32
        %dma_wait3A_449 = tpu.memref_slice %arg6[%dma_wait3A_442, %dma_wait3A_443, %dma_wait3A_448] : memref<6x2x120xi32, #tpu.memory_space<vmem>> -> memref<1x1x120xi32, #tpu.memory_space<vmem>>
        %dma_wait3A_450 = tpu.memref_squeeze %dma_wait3A_449 : memref<1x1x120xi32, #tpu.memory_space<vmem>> -> memref<120xi32, #tpu.memory_space<vmem>>
        %dma_wait3A_451 = arith.constant 0 : i32
        %dma_wait3A_452 = arith.constant 0 : i32
        %dma_wait3A_453 = tpu.memref_slice %arg8[%dma_wait3A_451, %dma_wait3A_452] : memref<10112x128xf32, #tpu.memory_space<vmem_shared>> -> memref<10112x128xf32, #tpu.memory_space<vmem_shared>>
        tpu.wait_indirect_dma semaphore(%arg14 : memref<!tpu.dma_semaphore, #tpu.memory_space<semaphore_mem>>) src(%dma_wait3A_447 : memref<120x128xf32, #tpu.memory_space<vmem>>) dst(%dma_wait3A_453 : memref<10112x128xf32, #tpu.memory_space<vmem_shared>>)
      } else {
      }
      %ge3A_94 = arith.constant 1 : i32
      %ge3A_95 = arith.cmpi sge, %add3A_65, %ge3A_94 : i32
      %add3A_96 = arith.constant 5 : i32
      %add3A_97 = arith.addi %add3A_65, %add3A_96 : i32
      %lt3A = arith.constant 84 : i32
      %lt3A_98 = arith.cmpi slt, %add3A_97, %lt3A : i32
      %and3A = arith.andi %ge3A_95, %lt3A_98 : i1
      %convert_element_type3A_99 = arith.extui %and3A : i1 to i32
      %cond3A_100 = arith.constant 0 : i32
      %cond3A_101 = arith.cmpi ne, %convert_element_type3A_99, %cond3A_100 : i32
      scf.if %cond3A_101 {
        %add3A_441 = arith.constant 5 : i32
        %add3A_442 = arith.addi %add3A_65, %add3A_441 : i32
        %dma_start3A_443 = arith.constant 5 : i32
        %dma_start3A_444 = arith.constant 0 : i32
        %dma_start3A_445 = arith.constant 0 : i32
        %dma_start3A_446 = tpu.memref_slice %arg6[%dma_start3A_443, %dma_start3A_444, %dma_start3A_445] : memref<6x2x120xi32, #tpu.memory_space<vmem>> -> memref<1x2x120xi32, #tpu.memory_space<vmem>>
        %dma_start3A_447 = tpu.memref_squeeze %dma_start3A_446 : memref<1x2x120xi32, #tpu.memory_space<vmem>> -> memref<2x120xi32, #tpu.memory_space<vmem>>
        %dma_start3A_448 = arith.constant 0 : i32
        %dma_start3A_449 = arith.constant 0 : i32
        %dma_start3A_450 = tpu.memref_slice %arg3[%add3A, %add3A_442, %dma_start3A_448, %dma_start3A_449] : memref<32x84x2x120xi32, #tpu.memory_space<hbm>> -> memref<1x1x2x120xi32, #tpu.memory_space<hbm>>
        %dma_start3A_451 = tpu.memref_squeeze %dma_start3A_450 : memref<1x1x2x120xi32, #tpu.memory_space<hbm>> -> memref<2x120xi32, #tpu.memory_space<hbm>>
        %dma_start3A_452 = arith.constant 0 : i32
        %dma_start3A_453 = arith.constant 0 : i32
        %dma_start3A_454 = tpu.memref_slice %arg6[%dma_start3A_443, %dma_start3A_452, %dma_start3A_453] : memref<6x2x120xi32, #tpu.memory_space<vmem>> -> memref<1x2x120xi32, #tpu.memory_space<vmem>>
        %dma_start3A_455 = tpu.memref_squeeze %dma_start3A_454 : memref<1x2x120xi32, #tpu.memory_space<vmem>> -> memref<2x120xi32, #tpu.memory_space<vmem>>
        %dma_start3A_456 = arith.constant 0 : i32
        %dma_start3A_457 = arith.constant 0 : i32
        %dma_start3A_458 = tpu.memref_slice %arg3[%add3A, %add3A_442, %dma_start3A_456, %dma_start3A_457] : memref<32x84x2x120xi32, #tpu.memory_space<hbm>> -> memref<1x1x2x120xi32, #tpu.memory_space<hbm>>
        %dma_start3A_459 = tpu.memref_squeeze %dma_start3A_458 : memref<1x1x2x120xi32, #tpu.memory_space<hbm>> -> memref<2x120xi32, #tpu.memory_space<hbm>>
        tpu.enqueue_dma source(%dma_start3A_459 : memref<2x120xi32, #tpu.memory_space<hbm>>) target(%dma_start3A_455 : memref<2x120xi32, #tpu.memory_space<vmem>>) target_semaphore(%arg20 : memref<!tpu.dma_semaphore, #tpu.memory_space<semaphore_mem>>)
      } else {
      }
      %add3A_102 = arith.constant 2 : i32
      %add3A_103 = arith.addi %add3A_65, %add3A_102 : i32
      %ge3A_104 = arith.constant 6 : i32
      %ge3A_105 = arith.cmpi sge, %add3A_103, %ge3A_104 : i32
      %add3A_106 = arith.constant 2 : i32
      %add3A_107 = arith.addi %add3A_65, %add3A_106 : i32
      %lt3A_108 = arith.constant 84 : i32
      %lt3A_109 = arith.cmpi slt, %add3A_107, %lt3A_108 : i32
      %and3A_110 = arith.andi %ge3A_105, %lt3A_109 : i1
      %convert_element_type3A_111 = arith.extui %and3A_110 : i1 to i32
      %cond3A_112 = arith.constant 0 : i32
      %cond3A_113 = arith.cmpi ne, %convert_element_type3A_111, %cond3A_112 : i32
      scf.if %cond3A_113 {
        %add3A_441 = arith.constant 2 : i32
        %add3A_442 = arith.addi %add3A_65, %add3A_441 : i32
        %dma_wait3A_443 = arith.constant 2 : i32
        %dma_wait3A_444 = arith.constant 0 : i32
        %dma_wait3A_445 = arith.constant 0 : i32
        %dma_wait3A_446 = tpu.memref_slice %arg6[%dma_wait3A_443, %dma_wait3A_444, %dma_wait3A_445] : memref<6x2x120xi32, #tpu.memory_space<vmem>> -> memref<1x2x120xi32, #tpu.memory_space<vmem>>
        %dma_wait3A_447 = tpu.memref_squeeze %dma_wait3A_446 : memref<1x2x120xi32, #tpu.memory_space<vmem>> -> memref<2x120xi32, #tpu.memory_space<vmem>>
        %dma_wait3A_448 = arith.constant 0 : i32
        %dma_wait3A_449 = arith.constant 0 : i32
        %dma_wait3A_450 = tpu.memref_slice %arg3[%add3A, %add3A_442, %dma_wait3A_448, %dma_wait3A_449] : memref<32x84x2x120xi32, #tpu.memory_space<hbm>> -> memref<1x1x2x120xi32, #tpu.memory_space<hbm>>
        %dma_wait3A_451 = tpu.memref_squeeze %dma_wait3A_450 : memref<1x1x2x120xi32, #tpu.memory_space<hbm>> -> memref<2x120xi32, #tpu.memory_space<hbm>>
        %dma_wait3A_452 = arith.constant 0 : i32
        %dma_wait3A_453 = arith.constant 0 : i32
        %dma_wait3A_454 = tpu.memref_slice %arg6[%dma_wait3A_443, %dma_wait3A_452, %dma_wait3A_453] : memref<6x2x120xi32, #tpu.memory_space<vmem>> -> memref<1x2x120xi32, #tpu.memory_space<vmem>>
        %dma_wait3A_455 = tpu.memref_squeeze %dma_wait3A_454 : memref<1x2x120xi32, #tpu.memory_space<vmem>> -> memref<2x120xi32, #tpu.memory_space<vmem>>
        %dma_wait3A_456 = arith.constant 0 : i32
        %dma_wait3A_457 = arith.constant 0 : i32
        %dma_wait3A_458 = tpu.memref_slice %arg3[%add3A, %add3A_442, %dma_wait3A_456, %dma_wait3A_457] : memref<32x84x2x120xi32, #tpu.memory_space<hbm>> -> memref<1x1x2x120xi32, #tpu.memory_space<hbm>>
        %dma_wait3A_459 = tpu.memref_squeeze %dma_wait3A_458 : memref<1x1x2x120xi32, #tpu.memory_space<hbm>> -> memref<2x120xi32, #tpu.memory_space<hbm>>
        tpu.wait_dma2 semaphore(%arg17 : memref<!tpu.dma_semaphore, #tpu.memory_space<semaphore_mem>>) src(%dma_wait3A_459 : memref<2x120xi32, #tpu.memory_space<hbm>>) dst(%dma_wait3A_455 : memref<2x120xi32, #tpu.memory_space<vmem>>)
      } else {
      }
      %add3A_114 = arith.constant 2 : i32
      %add3A_115 = arith.addi %add3A_65, %add3A_114 : i32
      %lt3A_116 = arith.constant 84 : i32
      %lt3A_117 = arith.cmpi slt, %add3A_115, %lt3A_116 : i32
      %convert_element_type3A_118 = arith.extui %lt3A_117 : i1 to i32
      %cond3A_119 = arith.constant 0 : i32
      %cond3A_120 = arith.cmpi ne, %convert_element_type3A_118, %cond3A_119 : i32
      scf.if %cond3A_120 {
        %dma_start3A_441 = arith.constant 2 : i32
        %dma_start3A_442 = arith.constant 0 : i32
        %dma_start3A_443 = arith.constant 2 : i32
        %dma_start3A_444 = arith.constant 0 : i32
        %dma_start3A_445 = arith.constant 0 : i32
        %dma_start3A_446 = tpu.memref_slice %arg7[%dma_start3A_443, %dma_start3A_444, %dma_start3A_445] : memref<3x120x128xf32, #tpu.memory_space<vmem>> -> memref<1x120x128xf32, #tpu.memory_space<vmem>>
        %dma_start3A_447 = tpu.memref_squeeze %dma_start3A_446 : memref<1x120x128xf32, #tpu.memory_space<vmem>> -> memref<120x128xf32, #tpu.memory_space<vmem>>
        %dma_start3A_448 = arith.constant 0 : i32
        %dma_start3A_449 = tpu.memref_slice %arg6[%dma_start3A_441, %dma_start3A_442, %dma_start3A_448] : memref<6x2x120xi32, #tpu.memory_space<vmem>> -> memref<1x1x120xi32, #tpu.memory_space<vmem>>
        %dma_start3A_450 = tpu.memref_squeeze %dma_start3A_449 : memref<1x1x120xi32, #tpu.memory_space<vmem>> -> memref<120xi32, #tpu.memory_space<vmem>>
        %dma_start3A_451 = arith.constant 0 : i32
        %dma_start3A_452 = arith.constant 0 : i32
        %dma_start3A_453 = tpu.memref_slice %arg2[%dma_start3A_451, %dma_start3A_452] : memref<10112x128xf32, #tpu.memory_space<hbm>> -> memref<10112x128xf32, #tpu.memory_space<hbm>>
        tpu.enqueue_indirect_dma source(%dma_start3A_453 : memref<10112x128xf32, #tpu.memory_space<hbm>>) target(%dma_start3A_447 : memref<120x128xf32, #tpu.memory_space<vmem>>) offsets(%dma_start3A_450 : memref<120xi32, #tpu.memory_space<vmem>>) semaphore(%arg11 : memref<!tpu.dma_semaphore, #tpu.memory_space<semaphore_mem>>)
      } else {
      }
      %mul3A_121 = arith.constant 6 : i32
      %mul3A_122 = arith.muli %mul3A_121, %scan3A_61 : i32
      %add3A_123 = arith.constant 1 : i32
      %add3A_124 = arith.addi %mul3A_122, %add3A_123 : i32
      %dma_wait3A_125 = arith.constant 1 : i32
      %dma_wait3A_126 = arith.constant 0 : i32
      %dma_wait3A_127 = arith.constant 1 : i32
      %dma_wait3A_128 = arith.constant 0 : i32
      %dma_wait3A_129 = arith.constant 0 : i32
      %dma_wait3A_130 = tpu.memref_slice %arg7[%dma_wait3A_127, %dma_wait3A_128, %dma_wait3A_129] : memref<3x120x128xf32, #tpu.memory_space<vmem>> -> memref<1x120x128xf32, #tpu.memory_space<vmem>>
      %dma_wait3A_131 = tpu.memref_squeeze %dma_wait3A_130 : memref<1x120x128xf32, #tpu.memory_space<vmem>> -> memref<120x128xf32, #tpu.memory_space<vmem>>
      %dma_wait3A_132 = arith.constant 0 : i32
      %dma_wait3A_133 = tpu.memref_slice %arg6[%dma_wait3A_125, %dma_wait3A_126, %dma_wait3A_132] : memref<6x2x120xi32, #tpu.memory_space<vmem>> -> memref<1x1x120xi32, #tpu.memory_space<vmem>>
      %dma_wait3A_134 = tpu.memref_squeeze %dma_wait3A_133 : memref<1x1x120xi32, #tpu.memory_space<vmem>> -> memref<120xi32, #tpu.memory_space<vmem>>
      %dma_wait3A_135 = arith.constant 0 : i32
      %dma_wait3A_136 = arith.constant 0 : i32
      %dma_wait3A_137 = tpu.memref_slice %arg2[%dma_wait3A_135, %dma_wait3A_136] : memref<10112x128xf32, #tpu.memory_space<hbm>> -> memref<10112x128xf32, #tpu.memory_space<hbm>>
      tpu.wait_indirect_dma semaphore(%arg10 : memref<!tpu.dma_semaphore, #tpu.memory_space<semaphore_mem>>) src(%dma_wait3A_137 : memref<10112x128xf32, #tpu.memory_space<hbm>>) dst(%dma_wait3A_131 : memref<120x128xf32, #tpu.memory_space<vmem>>)
      %dma_start3A_138 = arith.constant 1 : i32
      %dma_start3A_139 = arith.constant 1 : i32
      %dma_start3A_140 = arith.constant 1 : i32
      %dma_start3A_141 = arith.constant 0 : i32
      %dma_start3A_142 = arith.constant 0 : i32
      %dma_start3A_143 = tpu.memref_slice %arg7[%dma_start3A_138, %dma_start3A_141, %dma_start3A_142] : memref<3x120x128xf32, #tpu.memory_space<vmem>> -> memref<1x120x128xf32, #tpu.memory_space<vmem>>
      %dma_start3A_144 = tpu.memref_squeeze %dma_start3A_143 : memref<1x120x128xf32, #tpu.memory_space<vmem>> -> memref<120x128xf32, #tpu.memory_space<vmem>>
      %dma_start3A_145 = arith.constant 0 : i32
      %dma_start3A_146 = tpu.memref_slice %arg6[%dma_start3A_139, %dma_start3A_140, %dma_start3A_145] : memref<6x2x120xi32, #tpu.memory_space<vmem>> -> memref<1x1x120xi32, #tpu.memory_space<vmem>>
      %dma_start3A_147 = tpu.memref_squeeze %dma_start3A_146 : memref<1x1x120xi32, #tpu.memory_space<vmem>> -> memref<120xi32, #tpu.memory_space<vmem>>
      %dma_start3A_148 = arith.constant 0 : i32
      %dma_start3A_149 = arith.constant 0 : i32
      %dma_start3A_150 = tpu.memref_slice %arg8[%dma_start3A_148, %dma_start3A_149] : memref<10112x128xf32, #tpu.memory_space<vmem_shared>> -> memref<10112x128xf32, #tpu.memory_space<vmem_shared>>
      tpu.enqueue_indirect_dma source(%dma_start3A_144 : memref<120x128xf32, #tpu.memory_space<vmem>>) target(%dma_start3A_150 : memref<10112x128xf32, #tpu.memory_space<vmem_shared>>) offsets(%dma_start3A_147 : memref<120xi32, #tpu.memory_space<vmem>>) semaphore(%arg13 : memref<!tpu.dma_semaphore, #tpu.memory_space<semaphore_mem>>) {add = true}
      %ge3A_151 = arith.constant 1 : i32
      %ge3A_152 = arith.cmpi sge, %add3A_124, %ge3A_151 : i32
      %convert_element_type3A_153 = arith.extui %ge3A_152 : i1 to i32
      %cond3A_154 = arith.constant 0 : i32
      %cond3A_155 = arith.cmpi ne, %convert_element_type3A_153, %cond3A_154 : i32
      scf.if %cond3A_155 {
        %dma_wait3A_441 = arith.constant 0 : i32
        %dma_wait3A_442 = arith.constant 0 : i32
        %dma_wait3A_443 = arith.constant 1 : i32
        %dma_wait3A_444 = arith.constant 0 : i32
        %dma_wait3A_445 = arith.constant 0 : i32
        %dma_wait3A_446 = tpu.memref_slice %arg7[%dma_wait3A_441, %dma_wait3A_444, %dma_wait3A_445] : memref<3x120x128xf32, #tpu.memory_space<vmem>> -> memref<1x120x128xf32, #tpu.memory_space<vmem>>
        %dma_wait3A_447 = tpu.memref_squeeze %dma_wait3A_446 : memref<1x120x128xf32, #tpu.memory_space<vmem>> -> memref<120x128xf32, #tpu.memory_space<vmem>>
        %dma_wait3A_448 = arith.constant 0 : i32
        %dma_wait3A_449 = tpu.memref_slice %arg6[%dma_wait3A_442, %dma_wait3A_443, %dma_wait3A_448] : memref<6x2x120xi32, #tpu.memory_space<vmem>> -> memref<1x1x120xi32, #tpu.memory_space<vmem>>
        %dma_wait3A_450 = tpu.memref_squeeze %dma_wait3A_449 : memref<1x1x120xi32, #tpu.memory_space<vmem>> -> memref<120xi32, #tpu.memory_space<vmem>>
        %dma_wait3A_451 = arith.constant 0 : i32
        %dma_wait3A_452 = arith.constant 0 : i32
        %dma_wait3A_453 = tpu.memref_slice %arg8[%dma_wait3A_451, %dma_wait3A_452] : memref<10112x128xf32, #tpu.memory_space<vmem_shared>> -> memref<10112x128xf32, #tpu.memory_space<vmem_shared>>
        tpu.wait_indirect_dma semaphore(%arg12 : memref<!tpu.dma_semaphore, #tpu.memory_space<semaphore_mem>>) src(%dma_wait3A_447 : memref<120x128xf32, #tpu.memory_space<vmem>>) dst(%dma_wait3A_453 : memref<10112x128xf32, #tpu.memory_space<vmem_shared>>)
      } else {
      }
      %ge3A_156 = arith.constant 1 : i32
      %ge3A_157 = arith.cmpi sge, %add3A_124, %ge3A_156 : i32
      %add3A_158 = arith.constant 5 : i32
      %add3A_159 = arith.addi %add3A_124, %add3A_158 : i32
      %lt3A_160 = arith.constant 84 : i32
      %lt3A_161 = arith.cmpi slt, %add3A_159, %lt3A_160 : i32
      %and3A_162 = arith.andi %ge3A_157, %lt3A_161 : i1
      %convert_element_type3A_163 = arith.extui %and3A_162 : i1 to i32
      %cond3A_164 = arith.constant 0 : i32
      %cond3A_165 = arith.cmpi ne, %convert_element_type3A_163, %cond3A_164 : i32
      scf.if %cond3A_165 {
        %add3A_441 = arith.constant 5 : i32
        %add3A_442 = arith.addi %add3A_124, %add3A_441 : i32
        %dma_start3A_443 = arith.constant 0 : i32
        %dma_start3A_444 = arith.constant 0 : i32
        %dma_start3A_445 = arith.constant 0 : i32
        %dma_start3A_446 = tpu.memref_slice %arg6[%dma_start3A_443, %dma_start3A_444, %dma_start3A_445] : memref<6x2x120xi32, #tpu.memory_space<vmem>> -> memref<1x2x120xi32, #tpu.memory_space<vmem>>
        %dma_start3A_447 = tpu.memref_squeeze %dma_start3A_446 : memref<1x2x120xi32, #tpu.memory_space<vmem>> -> memref<2x120xi32, #tpu.memory_space<vmem>>
        %dma_start3A_448 = arith.constant 0 : i32
        %dma_start3A_449 = arith.constant 0 : i32
        %dma_start3A_450 = tpu.memref_slice %arg3[%add3A, %add3A_442, %dma_start3A_448, %dma_start3A_449] : memref<32x84x2x120xi32, #tpu.memory_space<hbm>> -> memref<1x1x2x120xi32, #tpu.memory_space<hbm>>
        %dma_start3A_451 = tpu.memref_squeeze %dma_start3A_450 : memref<1x1x2x120xi32, #tpu.memory_space<hbm>> -> memref<2x120xi32, #tpu.memory_space<hbm>>
        %dma_start3A_452 = arith.constant 0 : i32
        %dma_start3A_453 = arith.constant 0 : i32
        %dma_start3A_454 = tpu.memref_slice %arg6[%dma_start3A_443, %dma_start3A_452, %dma_start3A_453] : memref<6x2x120xi32, #tpu.memory_space<vmem>> -> memref<1x2x120xi32, #tpu.memory_space<vmem>>
        %dma_start3A_455 = tpu.memref_squeeze %dma_start3A_454 : memref<1x2x120xi32, #tpu.memory_space<vmem>> -> memref<2x120xi32, #tpu.memory_space<vmem>>
        %dma_start3A_456 = arith.constant 0 : i32
        %dma_start3A_457 = arith.constant 0 : i32
        %dma_start3A_458 = tpu.memref_slice %arg3[%add3A, %add3A_442, %dma_start3A_456, %dma_start3A_457] : memref<32x84x2x120xi32, #tpu.memory_space<hbm>> -> memref<1x1x2x120xi32, #tpu.memory_space<hbm>>
        %dma_start3A_459 = tpu.memref_squeeze %dma_start3A_458 : memref<1x1x2x120xi32, #tpu.memory_space<hbm>> -> memref<2x120xi32, #tpu.memory_space<hbm>>
        tpu.enqueue_dma source(%dma_start3A_459 : memref<2x120xi32, #tpu.memory_space<hbm>>) target(%dma_start3A_455 : memref<2x120xi32, #tpu.memory_space<vmem>>) target_semaphore(%arg15 : memref<!tpu.dma_semaphore, #tpu.memory_space<semaphore_mem>>)
      } else {
      }
      %add3A_166 = arith.constant 2 : i32
      %add3A_167 = arith.addi %add3A_124, %add3A_166 : i32
      %ge3A_168 = arith.constant 6 : i32
      %ge3A_169 = arith.cmpi sge, %add3A_167, %ge3A_168 : i32
      %add3A_170 = arith.constant 2 : i32
      %add3A_171 = arith.addi %add3A_124, %add3A_170 : i32
      %lt3A_172 = arith.constant 84 : i32
      %lt3A_173 = arith.cmpi slt, %add3A_171, %lt3A_172 : i32
      %and3A_174 = arith.andi %ge3A_169, %lt3A_173 : i1
      %convert_element_type3A_175 = arith.extui %and3A_174 : i1 to i32
      %cond3A_176 = arith.constant 0 : i32
      %cond3A_177 = arith.cmpi ne, %convert_element_type3A_175, %cond3A_176 : i32
      scf.if %cond3A_177 {
        %add3A_441 = arith.constant 2 : i32
        %add3A_442 = arith.addi %add3A_124, %add3A_441 : i32
        %dma_wait3A_443 = arith.constant 3 : i32
        %dma_wait3A_444 = arith.constant 0 : i32
        %dma_wait3A_445 = arith.constant 0 : i32
        %dma_wait3A_446 = tpu.memref_slice %arg6[%dma_wait3A_443, %dma_wait3A_444, %dma_wait3A_445] : memref<6x2x120xi32, #tpu.memory_space<vmem>> -> memref<1x2x120xi32, #tpu.memory_space<vmem>>
        %dma_wait3A_447 = tpu.memref_squeeze %dma_wait3A_446 : memref<1x2x120xi32, #tpu.memory_space<vmem>> -> memref<2x120xi32, #tpu.memory_space<vmem>>
        %dma_wait3A_448 = arith.constant 0 : i32
        %dma_wait3A_449 = arith.constant 0 : i32
        %dma_wait3A_450 = tpu.memref_slice %arg3[%add3A, %add3A_442, %dma_wait3A_448, %dma_wait3A_449] : memref<32x84x2x120xi32, #tpu.memory_space<hbm>> -> memref<1x1x2x120xi32, #tpu.memory_space<hbm>>
        %dma_wait3A_451 = tpu.memref_squeeze %dma_wait3A_450 : memref<1x1x2x120xi32, #tpu.memory_space<hbm>> -> memref<2x120xi32, #tpu.memory_space<hbm>>
        %dma_wait3A_452 = arith.constant 0 : i32
        %dma_wait3A_453 = arith.constant 0 : i32
        %dma_wait3A_454 = tpu.memref_slice %arg6[%dma_wait3A_443, %dma_wait3A_452, %dma_wait3A_453] : memref<6x2x120xi32, #tpu.memory_space<vmem>> -> memref<1x2x120xi32, #tpu.memory_space<vmem>>
        %dma_wait3A_455 = tpu.memref_squeeze %dma_wait3A_454 : memref<1x2x120xi32, #tpu.memory_space<vmem>> -> memref<2x120xi32, #tpu.memory_space<vmem>>
        %dma_wait3A_456 = arith.constant 0 : i32
        %dma_wait3A_457 = arith.constant 0 : i32
        %dma_wait3A_458 = tpu.memref_slice %arg3[%add3A, %add3A_442, %dma_wait3A_456, %dma_wait3A_457] : memref<32x84x2x120xi32, #tpu.memory_space<hbm>> -> memref<1x1x2x120xi32, #tpu.memory_space<hbm>>
        %dma_wait3A_459 = tpu.memref_squeeze %dma_wait3A_458 : memref<1x1x2x120xi32, #tpu.memory_space<hbm>> -> memref<2x120xi32, #tpu.memory_space<hbm>>
        tpu.wait_dma2 semaphore(%arg18 : memref<!tpu.dma_semaphore, #tpu.memory_space<semaphore_mem>>) src(%dma_wait3A_459 : memref<2x120xi32, #tpu.memory_space<hbm>>) dst(%dma_wait3A_455 : memref<2x120xi32, #tpu.memory_space<vmem>>)
      } else {
      }
      %add3A_178 = arith.constant 2 : i32
      %add3A_179 = arith.addi %add3A_124, %add3A_178 : i32
      %lt3A_180 = arith.constant 84 : i32
      %lt3A_181 = arith.cmpi slt, %add3A_179, %lt3A_180 : i32
      %convert_element_type3A_182 = arith.extui %lt3A_181 : i1 to i32
      %cond3A_183 = arith.constant 0 : i32
      %cond3A_184 = arith.cmpi ne, %convert_element_type3A_182, %cond3A_183 : i32
      scf.if %cond3A_184 {
        %dma_start3A_441 = arith.constant 3 : i32
        %dma_start3A_442 = arith.constant 0 : i32
        %dma_start3A_443 = arith.constant 0 : i32
        %dma_start3A_444 = arith.constant 0 : i32
        %dma_start3A_445 = arith.constant 0 : i32
        %dma_start3A_446 = tpu.memref_slice %arg7[%dma_start3A_443, %dma_start3A_444, %dma_start3A_445] : memref<3x120x128xf32, #tpu.memory_space<vmem>> -> memref<1x120x128xf32, #tpu.memory_space<vmem>>
        %dma_start3A_447 = tpu.memref_squeeze %dma_start3A_446 : memref<1x120x128xf32, #tpu.memory_space<vmem>> -> memref<120x128xf32, #tpu.memory_space<vmem>>
        %dma_start3A_448 = arith.constant 0 : i32
        %dma_start3A_449 = tpu.memref_slice %arg6[%dma_start3A_441, %dma_start3A_442, %dma_start3A_448] : memref<6x2x120xi32, #tpu.memory_space<vmem>> -> memref<1x1x120xi32, #tpu.memory_space<vmem>>
        %dma_start3A_450 = tpu.memref_squeeze %dma_start3A_449 : memref<1x1x120xi32, #tpu.memory_space<vmem>> -> memref<120xi32, #tpu.memory_space<vmem>>
        %dma_start3A_451 = arith.constant 0 : i32
        %dma_start3A_452 = arith.constant 0 : i32
        %dma_start3A_453 = tpu.memref_slice %arg2[%dma_start3A_451, %dma_start3A_452] : memref<10112x128xf32, #tpu.memory_space<hbm>> -> memref<10112x128xf32, #tpu.memory_space<hbm>>
        tpu.enqueue_indirect_dma source(%dma_start3A_453 : memref<10112x128xf32, #tpu.memory_space<hbm>>) target(%dma_start3A_447 : memref<120x128xf32, #tpu.memory_space<vmem>>) offsets(%dma_start3A_450 : memref<120xi32, #tpu.memory_space<vmem>>) semaphore(%arg9 : memref<!tpu.dma_semaphore, #tpu.memory_space<semaphore_mem>>)
      } else {
      }
      %mul3A_185 = arith.constant 6 : i32
      %mul3A_186 = arith.muli %mul3A_185, %scan3A_61 : i32
      %add3A_187 = arith.constant 2 : i32
      %add3A_188 = arith.addi %mul3A_186, %add3A_187 : i32
      %dma_wait3A_189 = arith.constant 2 : i32
      %dma_wait3A_190 = arith.constant 0 : i32
      %dma_wait3A_191 = arith.constant 2 : i32
      %dma_wait3A_192 = arith.constant 0 : i32
      %dma_wait3A_193 = arith.constant 0 : i32
      %dma_wait3A_194 = tpu.memref_slice %arg7[%dma_wait3A_191, %dma_wait3A_192, %dma_wait3A_193] : memref<3x120x128xf32, #tpu.memory_space<vmem>> -> memref<1x120x128xf32, #tpu.memory_space<vmem>>
      %dma_wait3A_195 = tpu.memref_squeeze %dma_wait3A_194 : memref<1x120x128xf32, #tpu.memory_space<vmem>> -> memref<120x128xf32, #tpu.memory_space<vmem>>
      %dma_wait3A_196 = arith.constant 0 : i32
      %dma_wait3A_197 = tpu.memref_slice %arg6[%dma_wait3A_189, %dma_wait3A_190, %dma_wait3A_196] : memref<6x2x120xi32, #tpu.memory_space<vmem>> -> memref<1x1x120xi32, #tpu.memory_space<vmem>>
      %dma_wait3A_198 = tpu.memref_squeeze %dma_wait3A_197 : memref<1x1x120xi32, #tpu.memory_space<vmem>> -> memref<120xi32, #tpu.memory_space<vmem>>
      %dma_wait3A_199 = arith.constant 0 : i32
      %dma_wait3A_200 = arith.constant 0 : i32
      %dma_wait3A_201 = tpu.memref_slice %arg2[%dma_wait3A_199, %dma_wait3A_200] : memref<10112x128xf32, #tpu.memory_space<hbm>> -> memref<10112x128xf32, #tpu.memory_space<hbm>>
      tpu.wait_indirect_dma semaphore(%arg11 : memref<!tpu.dma_semaphore, #tpu.memory_space<semaphore_mem>>) src(%dma_wait3A_201 : memref<10112x128xf32, #tpu.memory_space<hbm>>) dst(%dma_wait3A_195 : memref<120x128xf32, #tpu.memory_space<vmem>>)
      %dma_start3A_202 = arith.constant 2 : i32
      %dma_start3A_203 = arith.constant 2 : i32
      %dma_start3A_204 = arith.constant 1 : i32
      %dma_start3A_205 = arith.constant 0 : i32
      %dma_start3A_206 = arith.constant 0 : i32
      %dma_start3A_207 = tpu.memref_slice %arg7[%dma_start3A_202, %dma_start3A_205, %dma_start3A_206] : memref<3x120x128xf32, #tpu.memory_space<vmem>> -> memref<1x120x128xf32, #tpu.memory_space<vmem>>
      %dma_start3A_208 = tpu.memref_squeeze %dma_start3A_207 : memref<1x120x128xf32, #tpu.memory_space<vmem>> -> memref<120x128xf32, #tpu.memory_space<vmem>>
      %dma_start3A_209 = arith.constant 0 : i32
      %dma_start3A_210 = tpu.memref_slice %arg6[%dma_start3A_203, %dma_start3A_204, %dma_start3A_209] : memref<6x2x120xi32, #tpu.memory_space<vmem>> -> memref<1x1x120xi32, #tpu.memory_space<vmem>>
      %dma_start3A_211 = tpu.memref_squeeze %dma_start3A_210 : memref<1x1x120xi32, #tpu.memory_space<vmem>> -> memref<120xi32, #tpu.memory_space<vmem>>
      %dma_start3A_212 = arith.constant 0 : i32
      %dma_start3A_213 = arith.constant 0 : i32
      %dma_start3A_214 = tpu.memref_slice %arg8[%dma_start3A_212, %dma_start3A_213] : memref<10112x128xf32, #tpu.memory_space<vmem_shared>> -> memref<10112x128xf32, #tpu.memory_space<vmem_shared>>
      tpu.enqueue_indirect_dma source(%dma_start3A_208 : memref<120x128xf32, #tpu.memory_space<vmem>>) target(%dma_start3A_214 : memref<10112x128xf32, #tpu.memory_space<vmem_shared>>) offsets(%dma_start3A_211 : memref<120xi32, #tpu.memory_space<vmem>>) semaphore(%arg14 : memref<!tpu.dma_semaphore, #tpu.memory_space<semaphore_mem>>) {add = true}
      %ge3A_215 = arith.constant 1 : i32
      %ge3A_216 = arith.cmpi sge, %add3A_188, %ge3A_215 : i32
      %convert_element_type3A_217 = arith.extui %ge3A_216 : i1 to i32
      %cond3A_218 = arith.constant 0 : i32
      %cond3A_219 = arith.cmpi ne, %convert_element_type3A_217, %cond3A_218 : i32
      scf.if %cond3A_219 {
        %dma_wait3A_441 = arith.constant 1 : i32
        %dma_wait3A_442 = arith.constant 1 : i32
        %dma_wait3A_443 = arith.constant 1 : i32
        %dma_wait3A_444 = arith.constant 0 : i32
        %dma_wait3A_445 = arith.constant 0 : i32
        %dma_wait3A_446 = tpu.memref_slice %arg7[%dma_wait3A_441, %dma_wait3A_444, %dma_wait3A_445] : memref<3x120x128xf32, #tpu.memory_space<vmem>> -> memref<1x120x128xf32, #tpu.memory_space<vmem>>
        %dma_wait3A_447 = tpu.memref_squeeze %dma_wait3A_446 : memref<1x120x128xf32, #tpu.memory_space<vmem>> -> memref<120x128xf32, #tpu.memory_space<vmem>>
        %dma_wait3A_448 = arith.constant 0 : i32
        %dma_wait3A_449 = tpu.memref_slice %arg6[%dma_wait3A_442, %dma_wait3A_443, %dma_wait3A_448] : memref<6x2x120xi32, #tpu.memory_space<vmem>> -> memref<1x1x120xi32, #tpu.memory_space<vmem>>
        %dma_wait3A_450 = tpu.memref_squeeze %dma_wait3A_449 : memref<1x1x120xi32, #tpu.memory_space<vmem>> -> memref<120xi32, #tpu.memory_space<vmem>>
        %dma_wait3A_451 = arith.constant 0 : i32
        %dma_wait3A_452 = arith.constant 0 : i32
        %dma_wait3A_453 = tpu.memref_slice %arg8[%dma_wait3A_451, %dma_wait3A_452] : memref<10112x128xf32, #tpu.memory_space<vmem_shared>> -> memref<10112x128xf32, #tpu.memory_space<vmem_shared>>
        tpu.wait_indirect_dma semaphore(%arg13 : memref<!tpu.dma_semaphore, #tpu.memory_space<semaphore_mem>>) src(%dma_wait3A_447 : memref<120x128xf32, #tpu.memory_space<vmem>>) dst(%dma_wait3A_453 : memref<10112x128xf32, #tpu.memory_space<vmem_shared>>)
      } else {
      }
      %ge3A_220 = arith.constant 1 : i32
      %ge3A_221 = arith.cmpi sge, %add3A_188, %ge3A_220 : i32
      %add3A_222 = arith.constant 5 : i32
      %add3A_223 = arith.addi %add3A_188, %add3A_222 : i32
      %lt3A_224 = arith.constant 84 : i32
      %lt3A_225 = arith.cmpi slt, %add3A_223, %lt3A_224 : i32
      %and3A_226 = arith.andi %ge3A_221, %lt3A_225 : i1
      %convert_element_type3A_227 = arith.extui %and3A_226 : i1 to i32
      %cond3A_228 = arith.constant 0 : i32
      %cond3A_229 = arith.cmpi ne, %convert_element_type3A_227, %cond3A_228 : i32
      scf.if %cond3A_229 {
        %add3A_441 = arith.constant 5 : i32
        %add3A_442 = arith.addi %add3A_188, %add3A_441 : i32
        %dma_start3A_443 = arith.constant 1 : i32
        %dma_start3A_444 = arith.constant 0 : i32
        %dma_start3A_445 = arith.constant 0 : i32
        %dma_start3A_446 = tpu.memref_slice %arg6[%dma_start3A_443, %dma_start3A_444, %dma_start3A_445] : memref<6x2x120xi32, #tpu.memory_space<vmem>> -> memref<1x2x120xi32, #tpu.memory_space<vmem>>
        %dma_start3A_447 = tpu.memref_squeeze %dma_start3A_446 : memref<1x2x120xi32, #tpu.memory_space<vmem>> -> memref<2x120xi32, #tpu.memory_space<vmem>>
        %dma_start3A_448 = arith.constant 0 : i32
        %dma_start3A_449 = arith.constant 0 : i32
        %dma_start3A_450 = tpu.memref_slice %arg3[%add3A, %add3A_442, %dma_start3A_448, %dma_start3A_449] : memref<32x84x2x120xi32, #tpu.memory_space<hbm>> -> memref<1x1x2x120xi32, #tpu.memory_space<hbm>>
        %dma_start3A_451 = tpu.memref_squeeze %dma_start3A_450 : memref<1x1x2x120xi32, #tpu.memory_space<hbm>> -> memref<2x120xi32, #tpu.memory_space<hbm>>
        %dma_start3A_452 = arith.constant 0 : i32
        %dma_start3A_453 = arith.constant 0 : i32
        %dma_start3A_454 = tpu.memref_slice %arg6[%dma_start3A_443, %dma_start3A_452, %dma_start3A_453] : memref<6x2x120xi32, #tpu.memory_space<vmem>> -> memref<1x2x120xi32, #tpu.memory_space<vmem>>
        %dma_start3A_455 = tpu.memref_squeeze %dma_start3A_454 : memref<1x2x120xi32, #tpu.memory_space<vmem>> -> memref<2x120xi32, #tpu.memory_space<vmem>>
        %dma_start3A_456 = arith.constant 0 : i32
        %dma_start3A_457 = arith.constant 0 : i32
        %dma_start3A_458 = tpu.memref_slice %arg3[%add3A, %add3A_442, %dma_start3A_456, %dma_start3A_457] : memref<32x84x2x120xi32, #tpu.memory_space<hbm>> -> memref<1x1x2x120xi32, #tpu.memory_space<hbm>>
        %dma_start3A_459 = tpu.memref_squeeze %dma_start3A_458 : memref<1x1x2x120xi32, #tpu.memory_space<hbm>> -> memref<2x120xi32, #tpu.memory_space<hbm>>
        tpu.enqueue_dma source(%dma_start3A_459 : memref<2x120xi32, #tpu.memory_space<hbm>>) target(%dma_start3A_455 : memref<2x120xi32, #tpu.memory_space<vmem>>) target_semaphore(%arg16 : memref<!tpu.dma_semaphore, #tpu.memory_space<semaphore_mem>>)
      } else {
      }
      %add3A_230 = arith.constant 2 : i32
      %add3A_231 = arith.addi %add3A_188, %add3A_230 : i32
      %ge3A_232 = arith.constant 6 : i32
      %ge3A_233 = arith.cmpi sge, %add3A_231, %ge3A_232 : i32
      %add3A_234 = arith.constant 2 : i32
      %add3A_235 = arith.addi %add3A_188, %add3A_234 : i32
      %lt3A_236 = arith.constant 84 : i32
      %lt3A_237 = arith.cmpi slt, %add3A_235, %lt3A_236 : i32
      %and3A_238 = arith.andi %ge3A_233, %lt3A_237 : i1
      %convert_element_type3A_239 = arith.extui %and3A_238 : i1 to i32
      %cond3A_240 = arith.constant 0 : i32
      %cond3A_241 = arith.cmpi ne, %convert_element_type3A_239, %cond3A_240 : i32
      scf.if %cond3A_241 {
        %add3A_441 = arith.constant 2 : i32
        %add3A_442 = arith.addi %add3A_188, %add3A_441 : i32
        %dma_wait3A_443 = arith.constant 4 : i32
        %dma_wait3A_444 = arith.constant 0 : i32
        %dma_wait3A_445 = arith.constant 0 : i32
        %dma_wait3A_446 = tpu.memref_slice %arg6[%dma_wait3A_443, %dma_wait3A_444, %dma_wait3A_445] : memref<6x2x120xi32, #tpu.memory_space<vmem>> -> memref<1x2x120xi32, #tpu.memory_space<vmem>>
        %dma_wait3A_447 = tpu.memref_squeeze %dma_wait3A_446 : memref<1x2x120xi32, #tpu.memory_space<vmem>> -> memref<2x120xi32, #tpu.memory_space<vmem>>
        %dma_wait3A_448 = arith.constant 0 : i32
        %dma_wait3A_449 = arith.constant 0 : i32
        %dma_wait3A_450 = tpu.memref_slice %arg3[%add3A, %add3A_442, %dma_wait3A_448, %dma_wait3A_449] : memref<32x84x2x120xi32, #tpu.memory_space<hbm>> -> memref<1x1x2x120xi32, #tpu.memory_space<hbm>>
        %dma_wait3A_451 = tpu.memref_squeeze %dma_wait3A_450 : memref<1x1x2x120xi32, #tpu.memory_space<hbm>> -> memref<2x120xi32, #tpu.memory_space<hbm>>
        %dma_wait3A_452 = arith.constant 0 : i32
        %dma_wait3A_453 = arith.constant 0 : i32
        %dma_wait3A_454 = tpu.memref_slice %arg6[%dma_wait3A_443, %dma_wait3A_452, %dma_wait3A_453] : memref<6x2x120xi32, #tpu.memory_space<vmem>> -> memref<1x2x120xi32, #tpu.memory_space<vmem>>
        %dma_wait3A_455 = tpu.memref_squeeze %dma_wait3A_454 : memref<1x2x120xi32, #tpu.memory_space<vmem>> -> memref<2x120xi32, #tpu.memory_space<vmem>>
        %dma_wait3A_456 = arith.constant 0 : i32
        %dma_wait3A_457 = arith.constant 0 : i32
        %dma_wait3A_458 = tpu.memref_slice %arg3[%add3A, %add3A_442, %dma_wait3A_456, %dma_wait3A_457] : memref<32x84x2x120xi32, #tpu.memory_space<hbm>> -> memref<1x1x2x120xi32, #tpu.memory_space<hbm>>
        %dma_wait3A_459 = tpu.memref_squeeze %dma_wait3A_458 : memref<1x1x2x120xi32, #tpu.memory_space<hbm>> -> memref<2x120xi32, #tpu.memory_space<hbm>>
        tpu.wait_dma2 semaphore(%arg19 : memref<!tpu.dma_semaphore, #tpu.memory_space<semaphore_mem>>) src(%dma_wait3A_459 : memref<2x120xi32, #tpu.memory_space<hbm>>) dst(%dma_wait3A_455 : memref<2x120xi32, #tpu.memory_space<vmem>>)
      } else {
      }
      %add3A_242 = arith.constant 2 : i32
      %add3A_243 = arith.addi %add3A_188, %add3A_242 : i32
      %lt3A_244 = arith.constant 84 : i32
      %lt3A_245 = arith.cmpi slt, %add3A_243, %lt3A_244 : i32
      %convert_element_type3A_246 = arith.extui %lt3A_245 : i1 to i32
      %cond3A_247 = arith.constant 0 : i32
      %cond3A_248 = arith.cmpi ne, %convert_element_type3A_246, %cond3A_247 : i32
      scf.if %cond3A_248 {
        %dma_start3A_441 = arith.constant 4 : i32
        %dma_start3A_442 = arith.constant 0 : i32
        %dma_start3A_443 = arith.constant 1 : i32
        %dma_start3A_444 = arith.constant 0 : i32
        %dma_start3A_445 = arith.constant 0 : i32
        %dma_start3A_446 = tpu.memref_slice %arg7[%dma_start3A_443, %dma_start3A_444, %dma_start3A_445] : memref<3x120x128xf32, #tpu.memory_space<vmem>> -> memref<1x120x128xf32, #tpu.memory_space<vmem>>
        %dma_start3A_447 = tpu.memref_squeeze %dma_start3A_446 : memref<1x120x128xf32, #tpu.memory_space<vmem>> -> memref<120x128xf32, #tpu.memory_space<vmem>>
        %dma_start3A_448 = arith.constant 0 : i32
        %dma_start3A_449 = tpu.memref_slice %arg6[%dma_start3A_441, %dma_start3A_442, %dma_start3A_448] : memref<6x2x120xi32, #tpu.memory_space<vmem>> -> memref<1x1x120xi32, #tpu.memory_space<vmem>>
        %dma_start3A_450 = tpu.memref_squeeze %dma_start3A_449 : memref<1x1x120xi32, #tpu.memory_space<vmem>> -> memref<120xi32, #tpu.memory_space<vmem>>
        %dma_start3A_451 = arith.constant 0 : i32
        %dma_start3A_452 = arith.constant 0 : i32
        %dma_start3A_453 = tpu.memref_slice %arg2[%dma_start3A_451, %dma_start3A_452] : memref<10112x128xf32, #tpu.memory_space<hbm>> -> memref<10112x128xf32, #tpu.memory_space<hbm>>
        tpu.enqueue_indirect_dma source(%dma_start3A_453 : memref<10112x128xf32, #tpu.memory_space<hbm>>) target(%dma_start3A_447 : memref<120x128xf32, #tpu.memory_space<vmem>>) offsets(%dma_start3A_450 : memref<120xi32, #tpu.memory_space<vmem>>) semaphore(%arg10 : memref<!tpu.dma_semaphore, #tpu.memory_space<semaphore_mem>>)
      } else {
      }
      %mul3A_249 = arith.constant 6 : i32
      %mul3A_250 = arith.muli %mul3A_249, %scan3A_61 : i32
      %add3A_251 = arith.constant 3 : i32
      %add3A_252 = arith.addi %mul3A_250, %add3A_251 : i32
      %dma_wait3A_253 = arith.constant 3 : i32
      %dma_wait3A_254 = arith.constant 0 : i32
      %dma_wait3A_255 = arith.constant 0 : i32
      %dma_wait3A_256 = arith.constant 0 : i32
      %dma_wait3A_257 = arith.constant 0 : i32
      %dma_wait3A_258 = tpu.memref_slice %arg7[%dma_wait3A_255, %dma_wait3A_256, %dma_wait3A_257] : memref<3x120x128xf32, #tpu.memory_space<vmem>> -> memref<1x120x128xf32, #tpu.memory_space<vmem>>
      %dma_wait3A_259 = tpu.memref_squeeze %dma_wait3A_258 : memref<1x120x128xf32, #tpu.memory_space<vmem>> -> memref<120x128xf32, #tpu.memory_space<vmem>>
      %dma_wait3A_260 = arith.constant 0 : i32
      %dma_wait3A_261 = tpu.memref_slice %arg6[%dma_wait3A_253, %dma_wait3A_254, %dma_wait3A_260] : memref<6x2x120xi32, #tpu.memory_space<vmem>> -> memref<1x1x120xi32, #tpu.memory_space<vmem>>
      %dma_wait3A_262 = tpu.memref_squeeze %dma_wait3A_261 : memref<1x1x120xi32, #tpu.memory_space<vmem>> -> memref<120xi32, #tpu.memory_space<vmem>>
      %dma_wait3A_263 = arith.constant 0 : i32
      %dma_wait3A_264 = arith.constant 0 : i32
      %dma_wait3A_265 = tpu.memref_slice %arg2[%dma_wait3A_263, %dma_wait3A_264] : memref<10112x128xf32, #tpu.memory_space<hbm>> -> memref<10112x128xf32, #tpu.memory_space<hbm>>
      tpu.wait_indirect_dma semaphore(%arg9 : memref<!tpu.dma_semaphore, #tpu.memory_space<semaphore_mem>>) src(%dma_wait3A_265 : memref<10112x128xf32, #tpu.memory_space<hbm>>) dst(%dma_wait3A_259 : memref<120x128xf32, #tpu.memory_space<vmem>>)
      %dma_start3A_266 = arith.constant 0 : i32
      %dma_start3A_267 = arith.constant 3 : i32
      %dma_start3A_268 = arith.constant 1 : i32
      %dma_start3A_269 = arith.constant 0 : i32
      %dma_start3A_270 = arith.constant 0 : i32
      %dma_start3A_271 = tpu.memref_slice %arg7[%dma_start3A_266, %dma_start3A_269, %dma_start3A_270] : memref<3x120x128xf32, #tpu.memory_space<vmem>> -> memref<1x120x128xf32, #tpu.memory_space<vmem>>
      %dma_start3A_272 = tpu.memref_squeeze %dma_start3A_271 : memref<1x120x128xf32, #tpu.memory_space<vmem>> -> memref<120x128xf32, #tpu.memory_space<vmem>>
      %dma_start3A_273 = arith.constant 0 : i32
      %dma_start3A_274 = tpu.memref_slice %arg6[%dma_start3A_267, %dma_start3A_268, %dma_start3A_273] : memref<6x2x120xi32, #tpu.memory_space<vmem>> -> memref<1x1x120xi32, #tpu.memory_space<vmem>>
      %dma_start3A_275 = tpu.memref_squeeze %dma_start3A_274 : memref<1x1x120xi32, #tpu.memory_space<vmem>> -> memref<120xi32, #tpu.memory_space<vmem>>
      %dma_start3A_276 = arith.constant 0 : i32
      %dma_start3A_277 = arith.constant 0 : i32
      %dma_start3A_278 = tpu.memref_slice %arg8[%dma_start3A_276, %dma_start3A_277] : memref<10112x128xf32, #tpu.memory_space<vmem_shared>> -> memref<10112x128xf32, #tpu.memory_space<vmem_shared>>
      tpu.enqueue_indirect_dma source(%dma_start3A_272 : memref<120x128xf32, #tpu.memory_space<vmem>>) target(%dma_start3A_278 : memref<10112x128xf32, #tpu.memory_space<vmem_shared>>) offsets(%dma_start3A_275 : memref<120xi32, #tpu.memory_space<vmem>>) semaphore(%arg12 : memref<!tpu.dma_semaphore, #tpu.memory_space<semaphore_mem>>) {add = true}
      %ge3A_279 = arith.constant 1 : i32
      %ge3A_280 = arith.cmpi sge, %add3A_252, %ge3A_279 : i32
      %convert_element_type3A_281 = arith.extui %ge3A_280 : i1 to i32
      %cond3A_282 = arith.constant 0 : i32
      %cond3A_283 = arith.cmpi ne, %convert_element_type3A_281, %cond3A_282 : i32
      scf.if %cond3A_283 {
        %dma_wait3A_441 = arith.constant 2 : i32
        %dma_wait3A_442 = arith.constant 2 : i32
        %dma_wait3A_443 = arith.constant 1 : i32
        %dma_wait3A_444 = arith.constant 0 : i32
        %dma_wait3A_445 = arith.constant 0 : i32
        %dma_wait3A_446 = tpu.memref_slice %arg7[%dma_wait3A_441, %dma_wait3A_444, %dma_wait3A_445] : memref<3x120x128xf32, #tpu.memory_space<vmem>> -> memref<1x120x128xf32, #tpu.memory_space<vmem>>
        %dma_wait3A_447 = tpu.memref_squeeze %dma_wait3A_446 : memref<1x120x128xf32, #tpu.memory_space<vmem>> -> memref<120x128xf32, #tpu.memory_space<vmem>>
        %dma_wait3A_448 = arith.constant 0 : i32
        %dma_wait3A_449 = tpu.memref_slice %arg6[%dma_wait3A_442, %dma_wait3A_443, %dma_wait3A_448] : memref<6x2x120xi32, #tpu.memory_space<vmem>> -> memref<1x1x120xi32, #tpu.memory_space<vmem>>
        %dma_wait3A_450 = tpu.memref_squeeze %dma_wait3A_449 : memref<1x1x120xi32, #tpu.memory_space<vmem>> -> memref<120xi32, #tpu.memory_space<vmem>>
        %dma_wait3A_451 = arith.constant 0 : i32
        %dma_wait3A_452 = arith.constant 0 : i32
        %dma_wait3A_453 = tpu.memref_slice %arg8[%dma_wait3A_451, %dma_wait3A_452] : memref<10112x128xf32, #tpu.memory_space<vmem_shared>> -> memref<10112x128xf32, #tpu.memory_space<vmem_shared>>
        tpu.wait_indirect_dma semaphore(%arg14 : memref<!tpu.dma_semaphore, #tpu.memory_space<semaphore_mem>>) src(%dma_wait3A_447 : memref<120x128xf32, #tpu.memory_space<vmem>>) dst(%dma_wait3A_453 : memref<10112x128xf32, #tpu.memory_space<vmem_shared>>)
      } else {
      }
      %ge3A_284 = arith.constant 1 : i32
      %ge3A_285 = arith.cmpi sge, %add3A_252, %ge3A_284 : i32
      %add3A_286 = arith.constant 5 : i32
      %add3A_287 = arith.addi %add3A_252, %add3A_286 : i32
      %lt3A_288 = arith.constant 84 : i32
      %lt3A_289 = arith.cmpi slt, %add3A_287, %lt3A_288 : i32
      %and3A_290 = arith.andi %ge3A_285, %lt3A_289 : i1
      %convert_element_type3A_291 = arith.extui %and3A_290 : i1 to i32
      %cond3A_292 = arith.constant 0 : i32
      %cond3A_293 = arith.cmpi ne, %convert_element_type3A_291, %cond3A_292 : i32
      scf.if %cond3A_293 {
        %add3A_441 = arith.constant 5 : i32
        %add3A_442 = arith.addi %add3A_252, %add3A_441 : i32
        %dma_start3A_443 = arith.constant 2 : i32
        %dma_start3A_444 = arith.constant 0 : i32
        %dma_start3A_445 = arith.constant 0 : i32
        %dma_start3A_446 = tpu.memref_slice %arg6[%dma_start3A_443, %dma_start3A_444, %dma_start3A_445] : memref<6x2x120xi32, #tpu.memory_space<vmem>> -> memref<1x2x120xi32, #tpu.memory_space<vmem>>
        %dma_start3A_447 = tpu.memref_squeeze %dma_start3A_446 : memref<1x2x120xi32, #tpu.memory_space<vmem>> -> memref<2x120xi32, #tpu.memory_space<vmem>>
        %dma_start3A_448 = arith.constant 0 : i32
        %dma_start3A_449 = arith.constant 0 : i32
        %dma_start3A_450 = tpu.memref_slice %arg3[%add3A, %add3A_442, %dma_start3A_448, %dma_start3A_449] : memref<32x84x2x120xi32, #tpu.memory_space<hbm>> -> memref<1x1x2x120xi32, #tpu.memory_space<hbm>>
        %dma_start3A_451 = tpu.memref_squeeze %dma_start3A_450 : memref<1x1x2x120xi32, #tpu.memory_space<hbm>> -> memref<2x120xi32, #tpu.memory_space<hbm>>
        %dma_start3A_452 = arith.constant 0 : i32
        %dma_start3A_453 = arith.constant 0 : i32
        %dma_start3A_454 = tpu.memref_slice %arg6[%dma_start3A_443, %dma_start3A_452, %dma_start3A_453] : memref<6x2x120xi32, #tpu.memory_space<vmem>> -> memref<1x2x120xi32, #tpu.memory_space<vmem>>
        %dma_start3A_455 = tpu.memref_squeeze %dma_start3A_454 : memref<1x2x120xi32, #tpu.memory_space<vmem>> -> memref<2x120xi32, #tpu.memory_space<vmem>>
        %dma_start3A_456 = arith.constant 0 : i32
        %dma_start3A_457 = arith.constant 0 : i32
        %dma_start3A_458 = tpu.memref_slice %arg3[%add3A, %add3A_442, %dma_start3A_456, %dma_start3A_457] : memref<32x84x2x120xi32, #tpu.memory_space<hbm>> -> memref<1x1x2x120xi32, #tpu.memory_space<hbm>>
        %dma_start3A_459 = tpu.memref_squeeze %dma_start3A_458 : memref<1x1x2x120xi32, #tpu.memory_space<hbm>> -> memref<2x120xi32, #tpu.memory_space<hbm>>
        tpu.enqueue_dma source(%dma_start3A_459 : memref<2x120xi32, #tpu.memory_space<hbm>>) target(%dma_start3A_455 : memref<2x120xi32, #tpu.memory_space<vmem>>) target_semaphore(%arg17 : memref<!tpu.dma_semaphore, #tpu.memory_space<semaphore_mem>>)
      } else {
      }
      %add3A_294 = arith.constant 2 : i32
      %add3A_295 = arith.addi %add3A_252, %add3A_294 : i32
      %ge3A_296 = arith.constant 6 : i32
      %ge3A_297 = arith.cmpi sge, %add3A_295, %ge3A_296 : i32
      %add3A_298 = arith.constant 2 : i32
      %add3A_299 = arith.addi %add3A_252, %add3A_298 : i32
      %lt3A_300 = arith.constant 84 : i32
      %lt3A_301 = arith.cmpi slt, %add3A_299, %lt3A_300 : i32
      %and3A_302 = arith.andi %ge3A_297, %lt3A_301 : i1
      %convert_element_type3A_303 = arith.extui %and3A_302 : i1 to i32
      %cond3A_304 = arith.constant 0 : i32
      %cond3A_305 = arith.cmpi ne, %convert_element_type3A_303, %cond3A_304 : i32
      scf.if %cond3A_305 {
        %add3A_441 = arith.constant 2 : i32
        %add3A_442 = arith.addi %add3A_252, %add3A_441 : i32
        %dma_wait3A_443 = arith.constant 5 : i32
        %dma_wait3A_444 = arith.constant 0 : i32
        %dma_wait3A_445 = arith.constant 0 : i32
        %dma_wait3A_446 = tpu.memref_slice %arg6[%dma_wait3A_443, %dma_wait3A_444, %dma_wait3A_445] : memref<6x2x120xi32, #tpu.memory_space<vmem>> -> memref<1x2x120xi32, #tpu.memory_space<vmem>>
        %dma_wait3A_447 = tpu.memref_squeeze %dma_wait3A_446 : memref<1x2x120xi32, #tpu.memory_space<vmem>> -> memref<2x120xi32, #tpu.memory_space<vmem>>
        %dma_wait3A_448 = arith.constant 0 : i32
        %dma_wait3A_449 = arith.constant 0 : i32
        %dma_wait3A_450 = tpu.memref_slice %arg3[%add3A, %add3A_442, %dma_wait3A_448, %dma_wait3A_449] : memref<32x84x2x120xi32, #tpu.memory_space<hbm>> -> memref<1x1x2x120xi32, #tpu.memory_space<hbm>>
        %dma_wait3A_451 = tpu.memref_squeeze %dma_wait3A_450 : memref<1x1x2x120xi32, #tpu.memory_space<hbm>> -> memref<2x120xi32, #tpu.memory_space<hbm>>
        %dma_wait3A_452 = arith.constant 0 : i32
        %dma_wait3A_453 = arith.constant 0 : i32
        %dma_wait3A_454 = tpu.memref_slice %arg6[%dma_wait3A_443, %dma_wait3A_452, %dma_wait3A_453] : memref<6x2x120xi32, #tpu.memory_space<vmem>> -> memref<1x2x120xi32, #tpu.memory_space<vmem>>
        %dma_wait3A_455 = tpu.memref_squeeze %dma_wait3A_454 : memref<1x2x120xi32, #tpu.memory_space<vmem>> -> memref<2x120xi32, #tpu.memory_space<vmem>>
        %dma_wait3A_456 = arith.constant 0 : i32
        %dma_wait3A_457 = arith.constant 0 : i32
        %dma_wait3A_458 = tpu.memref_slice %arg3[%add3A, %add3A_442, %dma_wait3A_456, %dma_wait3A_457] : memref<32x84x2x120xi32, #tpu.memory_space<hbm>> -> memref<1x1x2x120xi32, #tpu.memory_space<hbm>>
        %dma_wait3A_459 = tpu.memref_squeeze %dma_wait3A_458 : memref<1x1x2x120xi32, #tpu.memory_space<hbm>> -> memref<2x120xi32, #tpu.memory_space<hbm>>
        tpu.wait_dma2 semaphore(%arg20 : memref<!tpu.dma_semaphore, #tpu.memory_space<semaphore_mem>>) src(%dma_wait3A_459 : memref<2x120xi32, #tpu.memory_space<hbm>>) dst(%dma_wait3A_455 : memref<2x120xi32, #tpu.memory_space<vmem>>)
      } else {
      }
      %add3A_306 = arith.constant 2 : i32
      %add3A_307 = arith.addi %add3A_252, %add3A_306 : i32
      %lt3A_308 = arith.constant 84 : i32
      %lt3A_309 = arith.cmpi slt, %add3A_307, %lt3A_308 : i32
      %convert_element_type3A_310 = arith.extui %lt3A_309 : i1 to i32
      %cond3A_311 = arith.constant 0 : i32
      %cond3A_312 = arith.cmpi ne, %convert_element_type3A_310, %cond3A_311 : i32
      scf.if %cond3A_312 {
        %dma_start3A_441 = arith.constant 5 : i32
        %dma_start3A_442 = arith.constant 0 : i32
        %dma_start3A_443 = arith.constant 2 : i32
        %dma_start3A_444 = arith.constant 0 : i32
        %dma_start3A_445 = arith.constant 0 : i32
        %dma_start3A_446 = tpu.memref_slice %arg7[%dma_start3A_443, %dma_start3A_444, %dma_start3A_445] : memref<3x120x128xf32, #tpu.memory_space<vmem>> -> memref<1x120x128xf32, #tpu.memory_space<vmem>>
        %dma_start3A_447 = tpu.memref_squeeze %dma_start3A_446 : memref<1x120x128xf32, #tpu.memory_space<vmem>> -> memref<120x128xf32, #tpu.memory_space<vmem>>
        %dma_start3A_448 = arith.constant 0 : i32
        %dma_start3A_449 = tpu.memref_slice %arg6[%dma_start3A_441, %dma_start3A_442, %dma_start3A_448] : memref<6x2x120xi32, #tpu.memory_space<vmem>> -> memref<1x1x120xi32, #tpu.memory_space<vmem>>
        %dma_start3A_450 = tpu.memref_squeeze %dma_start3A_449 : memref<1x1x120xi32, #tpu.memory_space<vmem>> -> memref<120xi32, #tpu.memory_space<vmem>>
        %dma_start3A_451 = arith.constant 0 : i32
        %dma_start3A_452 = arith.constant 0 : i32
        %dma_start3A_453 = tpu.memref_slice %arg2[%dma_start3A_451, %dma_start3A_452] : memref<10112x128xf32, #tpu.memory_space<hbm>> -> memref<10112x128xf32, #tpu.memory_space<hbm>>
        tpu.enqueue_indirect_dma source(%dma_start3A_453 : memref<10112x128xf32, #tpu.memory_space<hbm>>) target(%dma_start3A_447 : memref<120x128xf32, #tpu.memory_space<vmem>>) offsets(%dma_start3A_450 : memref<120xi32, #tpu.memory_space<vmem>>) semaphore(%arg11 : memref<!tpu.dma_semaphore, #tpu.memory_space<semaphore_mem>>)
      } else {
      }
      %mul3A_313 = arith.constant 6 : i32
      %mul3A_314 = arith.muli %mul3A_313, %scan3A_61 : i32
      %add3A_315 = arith.constant 4 : i32
      %add3A_316 = arith.addi %mul3A_314, %add3A_315 : i32
      %dma_wait3A_317 = arith.constant 4 : i32
      %dma_wait3A_318 = arith.constant 0 : i32
      %dma_wait3A_319 = arith.constant 1 : i32
      %dma_wait3A_320 = arith.constant 0 : i32
      %dma_wait3A_321 = arith.constant 0 : i32
      %dma_wait3A_322 = tpu.memref_slice %arg7[%dma_wait3A_319, %dma_wait3A_320, %dma_wait3A_321] : memref<3x120x128xf32, #tpu.memory_space<vmem>> -> memref<1x120x128xf32, #tpu.memory_space<vmem>>
      %dma_wait3A_323 = tpu.memref_squeeze %dma_wait3A_322 : memref<1x120x128xf32, #tpu.memory_space<vmem>> -> memref<120x128xf32, #tpu.memory_space<vmem>>
      %dma_wait3A_324 = arith.constant 0 : i32
      %dma_wait3A_325 = tpu.memref_slice %arg6[%dma_wait3A_317, %dma_wait3A_318, %dma_wait3A_324] : memref<6x2x120xi32, #tpu.memory_space<vmem>> -> memref<1x1x120xi32, #tpu.memory_space<vmem>>
      %dma_wait3A_326 = tpu.memref_squeeze %dma_wait3A_325 : memref<1x1x120xi32, #tpu.memory_space<vmem>> -> memref<120xi32, #tpu.memory_space<vmem>>
      %dma_wait3A_327 = arith.constant 0 : i32
      %dma_wait3A_328 = arith.constant 0 : i32
      %dma_wait3A_329 = tpu.memref_slice %arg2[%dma_wait3A_327, %dma_wait3A_328] : memref<10112x128xf32, #tpu.memory_space<hbm>> -> memref<10112x128xf32, #tpu.memory_space<hbm>>
      tpu.wait_indirect_dma semaphore(%arg10 : memref<!tpu.dma_semaphore, #tpu.memory_space<semaphore_mem>>) src(%dma_wait3A_329 : memref<10112x128xf32, #tpu.memory_space<hbm>>) dst(%dma_wait3A_323 : memref<120x128xf32, #tpu.memory_space<vmem>>)
      %dma_start3A_330 = arith.constant 1 : i32
      %dma_start3A_331 = arith.constant 4 : i32
      %dma_start3A_332 = arith.constant 1 : i32
      %dma_start3A_333 = arith.constant 0 : i32
      %dma_start3A_334 = arith.constant 0 : i32
      %dma_start3A_335 = tpu.memref_slice %arg7[%dma_start3A_330, %dma_start3A_333, %dma_start3A_334] : memref<3x120x128xf32, #tpu.memory_space<vmem>> -> memref<1x120x128xf32, #tpu.memory_space<vmem>>
      %dma_start3A_336 = tpu.memref_squeeze %dma_start3A_335 : memref<1x120x128xf32, #tpu.memory_space<vmem>> -> memref<120x128xf32, #tpu.memory_space<vmem>>
      %dma_start3A_337 = arith.constant 0 : i32
      %dma_start3A_338 = tpu.memref_slice %arg6[%dma_start3A_331, %dma_start3A_332, %dma_start3A_337] : memref<6x2x120xi32, #tpu.memory_space<vmem>> -> memref<1x1x120xi32, #tpu.memory_space<vmem>>
      %dma_start3A_339 = tpu.memref_squeeze %dma_start3A_338 : memref<1x1x120xi32, #tpu.memory_space<vmem>> -> memref<120xi32, #tpu.memory_space<vmem>>
      %dma_start3A_340 = arith.constant 0 : i32
      %dma_start3A_341 = arith.constant 0 : i32
      %dma_start3A_342 = tpu.memref_slice %arg8[%dma_start3A_340, %dma_start3A_341] : memref<10112x128xf32, #tpu.memory_space<vmem_shared>> -> memref<10112x128xf32, #tpu.memory_space<vmem_shared>>
      tpu.enqueue_indirect_dma source(%dma_start3A_336 : memref<120x128xf32, #tpu.memory_space<vmem>>) target(%dma_start3A_342 : memref<10112x128xf32, #tpu.memory_space<vmem_shared>>) offsets(%dma_start3A_339 : memref<120xi32, #tpu.memory_space<vmem>>) semaphore(%arg13 : memref<!tpu.dma_semaphore, #tpu.memory_space<semaphore_mem>>) {add = true}
      %ge3A_343 = arith.constant 1 : i32
      %ge3A_344 = arith.cmpi sge, %add3A_316, %ge3A_343 : i32
      %convert_element_type3A_345 = arith.extui %ge3A_344 : i1 to i32
      %cond3A_346 = arith.constant 0 : i32
      %cond3A_347 = arith.cmpi ne, %convert_element_type3A_345, %cond3A_346 : i32
      scf.if %cond3A_347 {
        %dma_wait3A_441 = arith.constant 0 : i32
        %dma_wait3A_442 = arith.constant 3 : i32
        %dma_wait3A_443 = arith.constant 1 : i32
        %dma_wait3A_444 = arith.constant 0 : i32
        %dma_wait3A_445 = arith.constant 0 : i32
        %dma_wait3A_446 = tpu.memref_slice %arg7[%dma_wait3A_441, %dma_wait3A_444, %dma_wait3A_445] : memref<3x120x128xf32, #tpu.memory_space<vmem>> -> memref<1x120x128xf32, #tpu.memory_space<vmem>>
        %dma_wait3A_447 = tpu.memref_squeeze %dma_wait3A_446 : memref<1x120x128xf32, #tpu.memory_space<vmem>> -> memref<120x128xf32, #tpu.memory_space<vmem>>
        %dma_wait3A_448 = arith.constant 0 : i32
        %dma_wait3A_449 = tpu.memref_slice %arg6[%dma_wait3A_442, %dma_wait3A_443, %dma_wait3A_448] : memref<6x2x120xi32, #tpu.memory_space<vmem>> -> memref<1x1x120xi32, #tpu.memory_space<vmem>>
        %dma_wait3A_450 = tpu.memref_squeeze %dma_wait3A_449 : memref<1x1x120xi32, #tpu.memory_space<vmem>> -> memref<120xi32, #tpu.memory_space<vmem>>
        %dma_wait3A_451 = arith.constant 0 : i32
        %dma_wait3A_452 = arith.constant 0 : i32
        %dma_wait3A_453 = tpu.memref_slice %arg8[%dma_wait3A_451, %dma_wait3A_452] : memref<10112x128xf32, #tpu.memory_space<vmem_shared>> -> memref<10112x128xf32, #tpu.memory_space<vmem_shared>>
        tpu.wait_indirect_dma semaphore(%arg12 : memref<!tpu.dma_semaphore, #tpu.memory_space<semaphore_mem>>) src(%dma_wait3A_447 : memref<120x128xf32, #tpu.memory_space<vmem>>) dst(%dma_wait3A_453 : memref<10112x128xf32, #tpu.memory_space<vmem_shared>>)
      } else {
      }
      %ge3A_348 = arith.constant 1 : i32
      %ge3A_349 = arith.cmpi sge, %add3A_316, %ge3A_348 : i32
      %add3A_350 = arith.constant 5 : i32
      %add3A_351 = arith.addi %add3A_316, %add3A_350 : i32
      %lt3A_352 = arith.constant 84 : i32
      %lt3A_353 = arith.cmpi slt, %add3A_351, %lt3A_352 : i32
      %and3A_354 = arith.andi %ge3A_349, %lt3A_353 : i1
      %convert_element_type3A_355 = arith.extui %and3A_354 : i1 to i32
      %cond3A_356 = arith.constant 0 : i32
      %cond3A_357 = arith.cmpi ne, %convert_element_type3A_355, %cond3A_356 : i32
      scf.if %cond3A_357 {
        %add3A_441 = arith.constant 5 : i32
        %add3A_442 = arith.addi %add3A_316, %add3A_441 : i32
        %dma_start3A_443 = arith.constant 3 : i32
        %dma_start3A_444 = arith.constant 0 : i32
        %dma_start3A_445 = arith.constant 0 : i32
        %dma_start3A_446 = tpu.memref_slice %arg6[%dma_start3A_443, %dma_start3A_444, %dma_start3A_445] : memref<6x2x120xi32, #tpu.memory_space<vmem>> -> memref<1x2x120xi32, #tpu.memory_space<vmem>>
        %dma_start3A_447 = tpu.memref_squeeze %dma_start3A_446 : memref<1x2x120xi32, #tpu.memory_space<vmem>> -> memref<2x120xi32, #tpu.memory_space<vmem>>
        %dma_start3A_448 = arith.constant 0 : i32
        %dma_start3A_449 = arith.constant 0 : i32
        %dma_start3A_450 = tpu.memref_slice %arg3[%add3A, %add3A_442, %dma_start3A_448, %dma_start3A_449] : memref<32x84x2x120xi32, #tpu.memory_space<hbm>> -> memref<1x1x2x120xi32, #tpu.memory_space<hbm>>
        %dma_start3A_451 = tpu.memref_squeeze %dma_start3A_450 : memref<1x1x2x120xi32, #tpu.memory_space<hbm>> -> memref<2x120xi32, #tpu.memory_space<hbm>>
        %dma_start3A_452 = arith.constant 0 : i32
        %dma_start3A_453 = arith.constant 0 : i32
        %dma_start3A_454 = tpu.memref_slice %arg6[%dma_start3A_443, %dma_start3A_452, %dma_start3A_453] : memref<6x2x120xi32, #tpu.memory_space<vmem>> -> memref<1x2x120xi32, #tpu.memory_space<vmem>>
        %dma_start3A_455 = tpu.memref_squeeze %dma_start3A_454 : memref<1x2x120xi32, #tpu.memory_space<vmem>> -> memref<2x120xi32, #tpu.memory_space<vmem>>
        %dma_start3A_456 = arith.constant 0 : i32
        %dma_start3A_457 = arith.constant 0 : i32
        %dma_start3A_458 = tpu.memref_slice %arg3[%add3A, %add3A_442, %dma_start3A_456, %dma_start3A_457] : memref<32x84x2x120xi32, #tpu.memory_space<hbm>> -> memref<1x1x2x120xi32, #tpu.memory_space<hbm>>
        %dma_start3A_459 = tpu.memref_squeeze %dma_start3A_458 : memref<1x1x2x120xi32, #tpu.memory_space<hbm>> -> memref<2x120xi32, #tpu.memory_space<hbm>>
        tpu.enqueue_dma source(%dma_start3A_459 : memref<2x120xi32, #tpu.memory_space<hbm>>) target(%dma_start3A_455 : memref<2x120xi32, #tpu.memory_space<vmem>>) target_semaphore(%arg18 : memref<!tpu.dma_semaphore, #tpu.memory_space<semaphore_mem>>)
      } else {
      }
      %add3A_358 = arith.constant 2 : i32
      %add3A_359 = arith.addi %add3A_316, %add3A_358 : i32
      %ge3A_360 = arith.constant 6 : i32
      %ge3A_361 = arith.cmpi sge, %add3A_359, %ge3A_360 : i32
      %add3A_362 = arith.constant 2 : i32
      %add3A_363 = arith.addi %add3A_316, %add3A_362 : i32
      %lt3A_364 = arith.constant 84 : i32
      %lt3A_365 = arith.cmpi slt, %add3A_363, %lt3A_364 : i32
      %and3A_366 = arith.andi %ge3A_361, %lt3A_365 : i1
      %convert_element_type3A_367 = arith.extui %and3A_366 : i1 to i32
      %cond3A_368 = arith.constant 0 : i32
      %cond3A_369 = arith.cmpi ne, %convert_element_type3A_367, %cond3A_368 : i32
      scf.if %cond3A_369 {
        %add3A_441 = arith.constant 2 : i32
        %add3A_442 = arith.addi %add3A_316, %add3A_441 : i32
        %dma_wait3A_443 = arith.constant 0 : i32
        %dma_wait3A_444 = arith.constant 0 : i32
        %dma_wait3A_445 = arith.constant 0 : i32
        %dma_wait3A_446 = tpu.memref_slice %arg6[%dma_wait3A_443, %dma_wait3A_444, %dma_wait3A_445] : memref<6x2x120xi32, #tpu.memory_space<vmem>> -> memref<1x2x120xi32, #tpu.memory_space<vmem>>
        %dma_wait3A_447 = tpu.memref_squeeze %dma_wait3A_446 : memref<1x2x120xi32, #tpu.memory_space<vmem>> -> memref<2x120xi32, #tpu.memory_space<vmem>>
        %dma_wait3A_448 = arith.constant 0 : i32
        %dma_wait3A_449 = arith.constant 0 : i32
        %dma_wait3A_450 = tpu.memref_slice %arg3[%add3A, %add3A_442, %dma_wait3A_448, %dma_wait3A_449] : memref<32x84x2x120xi32, #tpu.memory_space<hbm>> -> memref<1x1x2x120xi32, #tpu.memory_space<hbm>>
        %dma_wait3A_451 = tpu.memref_squeeze %dma_wait3A_450 : memref<1x1x2x120xi32, #tpu.memory_space<hbm>> -> memref<2x120xi32, #tpu.memory_space<hbm>>
        %dma_wait3A_452 = arith.constant 0 : i32
        %dma_wait3A_453 = arith.constant 0 : i32
        %dma_wait3A_454 = tpu.memref_slice %arg6[%dma_wait3A_443, %dma_wait3A_452, %dma_wait3A_453] : memref<6x2x120xi32, #tpu.memory_space<vmem>> -> memref<1x2x120xi32, #tpu.memory_space<vmem>>
        %dma_wait3A_455 = tpu.memref_squeeze %dma_wait3A_454 : memref<1x2x120xi32, #tpu.memory_space<vmem>> -> memref<2x120xi32, #tpu.memory_space<vmem>>
        %dma_wait3A_456 = arith.constant 0 : i32
        %dma_wait3A_457 = arith.constant 0 : i32
        %dma_wait3A_458 = tpu.memref_slice %arg3[%add3A, %add3A_442, %dma_wait3A_456, %dma_wait3A_457] : memref<32x84x2x120xi32, #tpu.memory_space<hbm>> -> memref<1x1x2x120xi32, #tpu.memory_space<hbm>>
        %dma_wait3A_459 = tpu.memref_squeeze %dma_wait3A_458 : memref<1x1x2x120xi32, #tpu.memory_space<hbm>> -> memref<2x120xi32, #tpu.memory_space<hbm>>
        tpu.wait_dma2 semaphore(%arg15 : memref<!tpu.dma_semaphore, #tpu.memory_space<semaphore_mem>>) src(%dma_wait3A_459 : memref<2x120xi32, #tpu.memory_space<hbm>>) dst(%dma_wait3A_455 : memref<2x120xi32, #tpu.memory_space<vmem>>)
      } else {
      }
      %add3A_370 = arith.constant 2 : i32
      %add3A_371 = arith.addi %add3A_316, %add3A_370 : i32
      %lt3A_372 = arith.constant 84 : i32
      %lt3A_373 = arith.cmpi slt, %add3A_371, %lt3A_372 : i32
      %convert_element_type3A_374 = arith.extui %lt3A_373 : i1 to i32
      %cond3A_375 = arith.constant 0 : i32
      %cond3A_376 = arith.cmpi ne, %convert_element_type3A_374, %cond3A_375 : i32
      scf.if %cond3A_376 {
        %dma_start3A_441 = arith.constant 0 : i32
        %dma_start3A_442 = arith.constant 0 : i32
        %dma_start3A_443 = arith.constant 0 : i32
        %dma_start3A_444 = arith.constant 0 : i32
        %dma_start3A_445 = arith.constant 0 : i32
        %dma_start3A_446 = tpu.memref_slice %arg7[%dma_start3A_443, %dma_start3A_444, %dma_start3A_445] : memref<3x120x128xf32, #tpu.memory_space<vmem>> -> memref<1x120x128xf32, #tpu.memory_space<vmem>>
        %dma_start3A_447 = tpu.memref_squeeze %dma_start3A_446 : memref<1x120x128xf32, #tpu.memory_space<vmem>> -> memref<120x128xf32, #tpu.memory_space<vmem>>
        %dma_start3A_448 = arith.constant 0 : i32
        %dma_start3A_449 = tpu.memref_slice %arg6[%dma_start3A_441, %dma_start3A_442, %dma_start3A_448] : memref<6x2x120xi32, #tpu.memory_space<vmem>> -> memref<1x1x120xi32, #tpu.memory_space<vmem>>
        %dma_start3A_450 = tpu.memref_squeeze %dma_start3A_449 : memref<1x1x120xi32, #tpu.memory_space<vmem>> -> memref<120xi32, #tpu.memory_space<vmem>>
        %dma_start3A_451 = arith.constant 0 : i32
        %dma_start3A_452 = arith.constant 0 : i32
        %dma_start3A_453 = tpu.memref_slice %arg2[%dma_start3A_451, %dma_start3A_452] : memref<10112x128xf32, #tpu.memory_space<hbm>> -> memref<10112x128xf32, #tpu.memory_space<hbm>>
        tpu.enqueue_indirect_dma source(%dma_start3A_453 : memref<10112x128xf32, #tpu.memory_space<hbm>>) target(%dma_start3A_447 : memref<120x128xf32, #tpu.memory_space<vmem>>) offsets(%dma_start3A_450 : memref<120xi32, #tpu.memory_space<vmem>>) semaphore(%arg9 : memref<!tpu.dma_semaphore, #tpu.memory_space<semaphore_mem>>)
      } else {
      }
      %mul3A_377 = arith.constant 6 : i32
      %mul3A_378 = arith.muli %mul3A_377, %scan3A_61 : i32
      %add3A_379 = arith.constant 5 : i32
      %add3A_380 = arith.addi %mul3A_378, %add3A_379 : i32
      %dma_wait3A_381 = arith.constant 5 : i32
      %dma_wait3A_382 = arith.constant 0 : i32
      %dma_wait3A_383 = arith.constant 2 : i32
      %dma_wait3A_384 = arith.constant 0 : i32
      %dma_wait3A_385 = arith.constant 0 : i32
      %dma_wait3A_386 = tpu.memref_slice %arg7[%dma_wait3A_383, %dma_wait3A_384, %dma_wait3A_385] : memref<3x120x128xf32, #tpu.memory_space<vmem>> -> memref<1x120x128xf32, #tpu.memory_space<vmem>>
      %dma_wait3A_387 = tpu.memref_squeeze %dma_wait3A_386 : memref<1x120x128xf32, #tpu.memory_space<vmem>> -> memref<120x128xf32, #tpu.memory_space<vmem>>
      %dma_wait3A_388 = arith.constant 0 : i32
      %dma_wait3A_389 = tpu.memref_slice %arg6[%dma_wait3A_381, %dma_wait3A_382, %dma_wait3A_388] : memref<6x2x120xi32, #tpu.memory_space<vmem>> -> memref<1x1x120xi32, #tpu.memory_space<vmem>>
      %dma_wait3A_390 = tpu.memref_squeeze %dma_wait3A_389 : memref<1x1x120xi32, #tpu.memory_space<vmem>> -> memref<120xi32, #tpu.memory_space<vmem>>
      %dma_wait3A_391 = arith.constant 0 : i32
      %dma_wait3A_392 = arith.constant 0 : i32
      %dma_wait3A_393 = tpu.memref_slice %arg2[%dma_wait3A_391, %dma_wait3A_392] : memref<10112x128xf32, #tpu.memory_space<hbm>> -> memref<10112x128xf32, #tpu.memory_space<hbm>>
      tpu.wait_indirect_dma semaphore(%arg11 : memref<!tpu.dma_semaphore, #tpu.memory_space<semaphore_mem>>) src(%dma_wait3A_393 : memref<10112x128xf32, #tpu.memory_space<hbm>>) dst(%dma_wait3A_387 : memref<120x128xf32, #tpu.memory_space<vmem>>)
      %dma_start3A_394 = arith.constant 2 : i32
      %dma_start3A_395 = arith.constant 5 : i32
      %dma_start3A_396 = arith.constant 1 : i32
      %dma_start3A_397 = arith.constant 0 : i32
      %dma_start3A_398 = arith.constant 0 : i32
      %dma_start3A_399 = tpu.memref_slice %arg7[%dma_start3A_394, %dma_start3A_397, %dma_start3A_398] : memref<3x120x128xf32, #tpu.memory_space<vmem>> -> memref<1x120x128xf32, #tpu.memory_space<vmem>>
      %dma_start3A_400 = tpu.memref_squeeze %dma_start3A_399 : memref<1x120x128xf32, #tpu.memory_space<vmem>> -> memref<120x128xf32, #tpu.memory_space<vmem>>
      %dma_start3A_401 = arith.constant 0 : i32
      %dma_start3A_402 = tpu.memref_slice %arg6[%dma_start3A_395, %dma_start3A_396, %dma_start3A_401] : memref<6x2x120xi32, #tpu.memory_space<vmem>> -> memref<1x1x120xi32, #tpu.memory_space<vmem>>
      %dma_start3A_403 = tpu.memref_squeeze %dma_start3A_402 : memref<1x1x120xi32, #tpu.memory_space<vmem>> -> memref<120xi32, #tpu.memory_space<vmem>>
      %dma_start3A_404 = arith.constant 0 : i32
      %dma_start3A_405 = arith.constant 0 : i32
      %dma_start3A_406 = tpu.memref_slice %arg8[%dma_start3A_404, %dma_start3A_405] : memref<10112x128xf32, #tpu.memory_space<vmem_shared>> -> memref<10112x128xf32, #tpu.memory_space<vmem_shared>>
      tpu.enqueue_indirect_dma source(%dma_start3A_400 : memref<120x128xf32, #tpu.memory_space<vmem>>) target(%dma_start3A_406 : memref<10112x128xf32, #tpu.memory_space<vmem_shared>>) offsets(%dma_start3A_403 : memref<120xi32, #tpu.memory_space<vmem>>) semaphore(%arg14 : memref<!tpu.dma_semaphore, #tpu.memory_space<semaphore_mem>>) {add = true}
      %ge3A_407 = arith.constant 1 : i32
      %ge3A_408 = arith.cmpi sge, %add3A_380, %ge3A_407 : i32
      %convert_element_type3A_409 = arith.extui %ge3A_408 : i1 to i32
      %cond3A_410 = arith.constant 0 : i32
      %cond3A_411 = arith.cmpi ne, %convert_element_type3A_409, %cond3A_410 : i32
      scf.if %cond3A_411 {
        %dma_wait3A_441 = arith.constant 1 : i32
        %dma_wait3A_442 = arith.constant 4 : i32
        %dma_wait3A_443 = arith.constant 1 : i32
        %dma_wait3A_444 = arith.constant 0 : i32
        %dma_wait3A_445 = arith.constant 0 : i32
        %dma_wait3A_446 = tpu.memref_slice %arg7[%dma_wait3A_441, %dma_wait3A_444, %dma_wait3A_445] : memref<3x120x128xf32, #tpu.memory_space<vmem>> -> memref<1x120x128xf32, #tpu.memory_space<vmem>>
        %dma_wait3A_447 = tpu.memref_squeeze %dma_wait3A_446 : memref<1x120x128xf32, #tpu.memory_space<vmem>> -> memref<120x128xf32, #tpu.memory_space<vmem>>
        %dma_wait3A_448 = arith.constant 0 : i32
        %dma_wait3A_449 = tpu.memref_slice %arg6[%dma_wait3A_442, %dma_wait3A_443, %dma_wait3A_448] : memref<6x2x120xi32, #tpu.memory_space<vmem>> -> memref<1x1x120xi32, #tpu.memory_space<vmem>>
        %dma_wait3A_450 = tpu.memref_squeeze %dma_wait3A_449 : memref<1x1x120xi32, #tpu.memory_space<vmem>> -> memref<120xi32, #tpu.memory_space<vmem>>
        %dma_wait3A_451 = arith.constant 0 : i32
        %dma_wait3A_452 = arith.constant 0 : i32
        %dma_wait3A_453 = tpu.memref_slice %arg8[%dma_wait3A_451, %dma_wait3A_452] : memref<10112x128xf32, #tpu.memory_space<vmem_shared>> -> memref<10112x128xf32, #tpu.memory_space<vmem_shared>>
        tpu.wait_indirect_dma semaphore(%arg13 : memref<!tpu.dma_semaphore, #tpu.memory_space<semaphore_mem>>) src(%dma_wait3A_447 : memref<120x128xf32, #tpu.memory_space<vmem>>) dst(%dma_wait3A_453 : memref<10112x128xf32, #tpu.memory_space<vmem_shared>>)
      } else {
      }
      %ge3A_412 = arith.constant 1 : i32
      %ge3A_413 = arith.cmpi sge, %add3A_380, %ge3A_412 : i32
      %add3A_414 = arith.constant 5 : i32
      %add3A_415 = arith.addi %add3A_380, %add3A_414 : i32
      %lt3A_416 = arith.constant 84 : i32
      %lt3A_417 = arith.cmpi slt, %add3A_415, %lt3A_416 : i32
      %and3A_418 = arith.andi %ge3A_413, %lt3A_417 : i1
      %convert_element_type3A_419 = arith.extui %and3A_418 : i1 to i32
      %cond3A_420 = arith.constant 0 : i32
      %cond3A_421 = arith.cmpi ne, %convert_element_type3A_419, %cond3A_420 : i32
      scf.if %cond3A_421 {
        %add3A_441 = arith.constant 5 : i32
        %add3A_442 = arith.addi %add3A_380, %add3A_441 : i32
        %dma_start3A_443 = arith.constant 4 : i32
        %dma_start3A_444 = arith.constant 0 : i32
        %dma_start3A_445 = arith.constant 0 : i32
        %dma_start3A_446 = tpu.memref_slice %arg6[%dma_start3A_443, %dma_start3A_444, %dma_start3A_445] : memref<6x2x120xi32, #tpu.memory_space<vmem>> -> memref<1x2x120xi32, #tpu.memory_space<vmem>>
        %dma_start3A_447 = tpu.memref_squeeze %dma_start3A_446 : memref<1x2x120xi32, #tpu.memory_space<vmem>> -> memref<2x120xi32, #tpu.memory_space<vmem>>
        %dma_start3A_448 = arith.constant 0 : i32
        %dma_start3A_449 = arith.constant 0 : i32
        %dma_start3A_450 = tpu.memref_slice %arg3[%add3A, %add3A_442, %dma_start3A_448, %dma_start3A_449] : memref<32x84x2x120xi32, #tpu.memory_space<hbm>> -> memref<1x1x2x120xi32, #tpu.memory_space<hbm>>
        %dma_start3A_451 = tpu.memref_squeeze %dma_start3A_450 : memref<1x1x2x120xi32, #tpu.memory_space<hbm>> -> memref<2x120xi32, #tpu.memory_space<hbm>>
        %dma_start3A_452 = arith.constant 0 : i32
        %dma_start3A_453 = arith.constant 0 : i32
        %dma_start3A_454 = tpu.memref_slice %arg6[%dma_start3A_443, %dma_start3A_452, %dma_start3A_453] : memref<6x2x120xi32, #tpu.memory_space<vmem>> -> memref<1x2x120xi32, #tpu.memory_space<vmem>>
        %dma_start3A_455 = tpu.memref_squeeze %dma_start3A_454 : memref<1x2x120xi32, #tpu.memory_space<vmem>> -> memref<2x120xi32, #tpu.memory_space<vmem>>
        %dma_start3A_456 = arith.constant 0 : i32
        %dma_start3A_457 = arith.constant 0 : i32
        %dma_start3A_458 = tpu.memref_slice %arg3[%add3A, %add3A_442, %dma_start3A_456, %dma_start3A_457] : memref<32x84x2x120xi32, #tpu.memory_space<hbm>> -> memref<1x1x2x120xi32, #tpu.memory_space<hbm>>
        %dma_start3A_459 = tpu.memref_squeeze %dma_start3A_458 : memref<1x1x2x120xi32, #tpu.memory_space<hbm>> -> memref<2x120xi32, #tpu.memory_space<hbm>>
        tpu.enqueue_dma source(%dma_start3A_459 : memref<2x120xi32, #tpu.memory_space<hbm>>) target(%dma_start3A_455 : memref<2x120xi32, #tpu.memory_space<vmem>>) target_semaphore(%arg19 : memref<!tpu.dma_semaphore, #tpu.memory_space<semaphore_mem>>)
      } else {
      }
      %add3A_422 = arith.constant 2 : i32
      %add3A_423 = arith.addi %add3A_380, %add3A_422 : i32
      %ge3A_424 = arith.constant 6 : i32
      %ge3A_425 = arith.cmpi sge, %add3A_423, %ge3A_424 : i32
      %add3A_426 = arith.constant 2 : i32
      %add3A_427 = arith.addi %add3A_380, %add3A_426 : i32
      %lt3A_428 = arith.constant 84 : i32
      %lt3A_429 = arith.cmpi slt, %add3A_427, %lt3A_428 : i32
      %and3A_430 = arith.andi %ge3A_425, %lt3A_429 : i1
      %convert_element_type3A_431 = arith.extui %and3A_430 : i1 to i32
      %cond3A_432 = arith.constant 0 : i32
      %cond3A_433 = arith.cmpi ne, %convert_element_type3A_431, %cond3A_432 : i32
      scf.if %cond3A_433 {
        %add3A_441 = arith.constant 2 : i32
        %add3A_442 = arith.addi %add3A_380, %add3A_441 : i32
        %dma_wait3A_443 = arith.constant 1 : i32
        %dma_wait3A_444 = arith.constant 0 : i32
        %dma_wait3A_445 = arith.constant 0 : i32
        %dma_wait3A_446 = tpu.memref_slice %arg6[%dma_wait3A_443, %dma_wait3A_444, %dma_wait3A_445] : memref<6x2x120xi32, #tpu.memory_space<vmem>> -> memref<1x2x120xi32, #tpu.memory_space<vmem>>
        %dma_wait3A_447 = tpu.memref_squeeze %dma_wait3A_446 : memref<1x2x120xi32, #tpu.memory_space<vmem>> -> memref<2x120xi32, #tpu.memory_space<vmem>>
        %dma_wait3A_448 = arith.constant 0 : i32
        %dma_wait3A_449 = arith.constant 0 : i32
        %dma_wait3A_450 = tpu.memref_slice %arg3[%add3A, %add3A_442, %dma_wait3A_448, %dma_wait3A_449] : memref<32x84x2x120xi32, #tpu.memory_space<hbm>> -> memref<1x1x2x120xi32, #tpu.memory_space<hbm>>
        %dma_wait3A_451 = tpu.memref_squeeze %dma_wait3A_450 : memref<1x1x2x120xi32, #tpu.memory_space<hbm>> -> memref<2x120xi32, #tpu.memory_space<hbm>>
        %dma_wait3A_452 = arith.constant 0 : i32
        %dma_wait3A_453 = arith.constant 0 : i32
        %dma_wait3A_454 = tpu.memref_slice %arg6[%dma_wait3A_443, %dma_wait3A_452, %dma_wait3A_453] : memref<6x2x120xi32, #tpu.memory_space<vmem>> -> memref<1x2x120xi32, #tpu.memory_space<vmem>>
        %dma_wait3A_455 = tpu.memref_squeeze %dma_wait3A_454 : memref<1x2x120xi32, #tpu.memory_space<vmem>> -> memref<2x120xi32, #tpu.memory_space<vmem>>
        %dma_wait3A_456 = arith.constant 0 : i32
        %dma_wait3A_457 = arith.constant 0 : i32
        %dma_wait3A_458 = tpu.memref_slice %arg3[%add3A, %add3A_442, %dma_wait3A_456, %dma_wait3A_457] : memref<32x84x2x120xi32, #tpu.memory_space<hbm>> -> memref<1x1x2x120xi32, #tpu.memory_space<hbm>>
        %dma_wait3A_459 = tpu.memref_squeeze %dma_wait3A_458 : memref<1x1x2x120xi32, #tpu.memory_space<hbm>> -> memref<2x120xi32, #tpu.memory_space<hbm>>
        tpu.wait_dma2 semaphore(%arg16 : memref<!tpu.dma_semaphore, #tpu.memory_space<semaphore_mem>>) src(%dma_wait3A_459 : memref<2x120xi32, #tpu.memory_space<hbm>>) dst(%dma_wait3A_455 : memref<2x120xi32, #tpu.memory_space<vmem>>)
      } else {
      }
      %add3A_434 = arith.constant 2 : i32
      %add3A_435 = arith.addi %add3A_380, %add3A_434 : i32
      %lt3A_436 = arith.constant 84 : i32
      %lt3A_437 = arith.cmpi slt, %add3A_435, %lt3A_436 : i32
      %convert_element_type3A_438 = arith.extui %lt3A_437 : i1 to i32
      %cond3A_439 = arith.constant 0 : i32
      %cond3A_440 = arith.cmpi ne, %convert_element_type3A_438, %cond3A_439 : i32
      scf.if %cond3A_440 {
        %dma_start3A_441 = arith.constant 1 : i32
        %dma_start3A_442 = arith.constant 0 : i32
        %dma_start3A_443 = arith.constant 1 : i32
        %dma_start3A_444 = arith.constant 0 : i32
        %dma_start3A_445 = arith.constant 0 : i32
        %dma_start3A_446 = tpu.memref_slice %arg7[%dma_start3A_443, %dma_start3A_444, %dma_start3A_445] : memref<3x120x128xf32, #tpu.memory_space<vmem>> -> memref<1x120x128xf32, #tpu.memory_space<vmem>>
        %dma_start3A_447 = tpu.memref_squeeze %dma_start3A_446 : memref<1x120x128xf32, #tpu.memory_space<vmem>> -> memref<120x128xf32, #tpu.memory_space<vmem>>
        %dma_start3A_448 = arith.constant 0 : i32
        %dma_start3A_449 = tpu.memref_slice %arg6[%dma_start3A_441, %dma_start3A_442, %dma_start3A_448] : memref<6x2x120xi32, #tpu.memory_space<vmem>> -> memref<1x1x120xi32, #tpu.memory_space<vmem>>
        %dma_start3A_450 = tpu.memref_squeeze %dma_start3A_449 : memref<1x1x120xi32, #tpu.memory_space<vmem>> -> memref<120xi32, #tpu.memory_space<vmem>>
        %dma_start3A_451 = arith.constant 0 : i32
        %dma_start3A_452 = arith.constant 0 : i32
        %dma_start3A_453 = tpu.memref_slice %arg2[%dma_start3A_451, %dma_start3A_452] : memref<10112x128xf32, #tpu.memory_space<hbm>> -> memref<10112x128xf32, #tpu.memory_space<hbm>>
        tpu.enqueue_indirect_dma source(%dma_start3A_453 : memref<10112x128xf32, #tpu.memory_space<hbm>>) target(%dma_start3A_447 : memref<120x128xf32, #tpu.memory_space<vmem>>) offsets(%dma_start3A_450 : memref<120xi32, #tpu.memory_space<vmem>>) semaphore(%arg10 : memref<!tpu.dma_semaphore, #tpu.memory_space<semaphore_mem>>)
      } else {
      }
    }
    %scan3A_43 = arith.constant 14 : i32
    %dma_wait3A = arith.constant 2 : i32
    %dma_wait3A_44 = arith.constant 5 : i32
    %dma_wait3A_45 = arith.constant 1 : i32
    %dma_wait3A_46 = arith.constant 0 : i32
    %dma_wait3A_47 = arith.constant 0 : i32
    %dma_wait3A_48 = tpu.memref_slice %arg7[%dma_wait3A, %dma_wait3A_46, %dma_wait3A_47] : memref<3x120x128xf32, #tpu.memory_space<vmem>> -> memref<1x120x128xf32, #tpu.memory_space<vmem>>
    %dma_wait3A_49 = tpu.memref_squeeze %dma_wait3A_48 : memref<1x120x128xf32, #tpu.memory_space<vmem>> -> memref<120x128xf32, #tpu.memory_space<vmem>>
    %dma_wait3A_50 = arith.constant 0 : i32
    %dma_wait3A_51 = tpu.memref_slice %arg6[%dma_wait3A_44, %dma_wait3A_45, %dma_wait3A_50] : memref<6x2x120xi32, #tpu.memory_space<vmem>> -> memref<1x1x120xi32, #tpu.memory_space<vmem>>
    %dma_wait3A_52 = tpu.memref_squeeze %dma_wait3A_51 : memref<1x1x120xi32, #tpu.memory_space<vmem>> -> memref<120xi32, #tpu.memory_space<vmem>>
    %dma_wait3A_53 = arith.constant 0 : i32
    %dma_wait3A_54 = arith.constant 0 : i32
    %dma_wait3A_55 = tpu.memref_slice %arg8[%dma_wait3A_53, %dma_wait3A_54] : memref<10112x128xf32, #tpu.memory_space<vmem_shared>> -> memref<10112x128xf32, #tpu.memory_space<vmem_shared>>
    tpu.wait_indirect_dma semaphore(%arg14 : memref<!tpu.dma_semaphore, #tpu.memory_space<semaphore_mem>>) src(%dma_wait3A_49 : memref<120x128xf32, #tpu.memory_space<vmem>>) dst(%dma_wait3A_55 : memref<10112x128xf32, #tpu.memory_space<vmem_shared>>)
    %barrier3A_56 = arith.constant 0 : index
    tpu.barrier barrier_id(%barrier3A_56)
    %mul3A_57 = arith.constant 632 : i32
    %mul3A_58 = arith.muli %arg1, %mul3A_57 : i32
    %mul3A_59 = arith.constant 632 : i32
    %mul3A_60 = arith.muli %arg1, %mul3A_59 : i32
    "tpu.region"() ({
      %run_scoped3A_61 = tpu.sem_alloc : memref<!tpu.dma_semaphore, #tpu.memory_space<semaphore_mem>>
      %dma_start3A_62 = arith.constant 0 : i32
      %dma_start3A_63 = tpu.memref_slice %arg5[%arg0, %mul3A_60, %dma_start3A_62] : memref<2x10112x128xf32, #tpu.memory_space<hbm>> -> memref<1x632x128xf32, #tpu.memory_space<hbm>>
      %dma_start3A_64 = tpu.memref_squeeze %dma_start3A_63 : memref<1x632x128xf32, #tpu.memory_space<hbm>> -> memref<632x128xf32, #tpu.memory_space<hbm>>
      %dma_start3A_65 = arith.constant 0 : i32
      %dma_start3A_66 = tpu.memref_slice %arg8[%mul3A_58, %dma_start3A_65] : memref<10112x128xf32, #tpu.memory_space<vmem_shared>> -> memref<632x128xf32, #tpu.memory_space<vmem_shared>>
      tpu.enqueue_dma source(%dma_start3A_66 : memref<632x128xf32, #tpu.memory_space<vmem_shared>>) target(%dma_start3A_64 : memref<632x128xf32, #tpu.memory_space<hbm>>) target_semaphore(%run_scoped3A_61 : memref<!tpu.dma_semaphore, #tpu.memory_space<semaphore_mem>>)
      %dma_wait3A_67 = arith.constant 0 : i32
      %dma_wait3A_68 = tpu.memref_slice %arg5[%arg0, %mul3A_60, %dma_wait3A_67] : memref<2x10112x128xf32, #tpu.memory_space<hbm>> -> memref<1x632x128xf32, #tpu.memory_space<hbm>>
      %dma_wait3A_69 = tpu.memref_squeeze %dma_wait3A_68 : memref<1x632x128xf32, #tpu.memory_space<hbm>> -> memref<632x128xf32, #tpu.memory_space<hbm>>
      %dma_wait3A_70 = arith.constant 0 : i32
      %dma_wait3A_71 = tpu.memref_slice %arg8[%mul3A_58, %dma_wait3A_70] : memref<10112x128xf32, #tpu.memory_space<vmem_shared>> -> memref<632x128xf32, #tpu.memory_space<vmem_shared>>
      tpu.wait_dma2 semaphore(%run_scoped3A_61 : memref<!tpu.dma_semaphore, #tpu.memory_space<semaphore_mem>>) src(%dma_wait3A_71 : memref<632x128xf32, #tpu.memory_space<vmem_shared>>) dst(%dma_wait3A_69 : memref<632x128xf32, #tpu.memory_space<hbm>>)
      tpu.yield
    }) : () -> ()
    return
  }
}

#map = affine_map<(d0, d1) -> (0, 0)>
#map1 = affine_map<(d0, d1) -> (0, 0, 0, 0)>
#map2 = affine_map<(d0, d1) -> (0, 0, 0)>
module attributes {stable_mosaic.version = 14 : i64} {
  func.func @_scat_fn(%arg0: i32, %arg1: i32, %arg2: memref<10112x128xf32, #tpu.memory_space<hbm>>, %arg3: memref<32x84x2x120xi32, #tpu.memory_space<hbm>>, %arg4: memref<632x128xf32, #tpu.memory_space<hbm>>, %arg5: memref<2x10112x128xf32, #tpu.memory_space<hbm>>, %arg6: memref<6x2x120xi32, #tpu.memory_space<vmem>>, %arg7: memref<3x120x128xf32, #tpu.memory_space<vmem>>, %arg8: memref<10112x128xf32, #tpu.memory_space<vmem_shared>>, %arg9: memref<!tpu.dma_semaphore, #tpu.memory_space<semaphore_mem>>, %arg10: memref<!tpu.dma_semaphore, #tpu.memory_space<semaphore_mem>>, %arg11: memref<!tpu.dma_semaphore, #tpu.memory_space<semaphore_mem>>, %arg12: memref<!tpu.dma_semaphore, #tpu.memory_space<semaphore_mem>>, %arg13: memref<!tpu.dma_semaphore, #tpu.memory_space<semaphore_mem>>, %arg14: memref<!tpu.dma_semaphore, #tpu.memory_space<semaphore_mem>>, %arg15: memref<!tpu.dma_semaphore, #tpu.memory_space<semaphore_mem>>, %arg16: memref<!tpu.dma_semaphore, #tpu.memory_space<semaphore_mem>>, %arg17: memref<!tpu.dma_semaphore, #tpu.memory_space<semaphore_mem>>, %arg18: memref<!tpu.dma_semaphore, #tpu.memory_space<semaphore_mem>>, %arg19: memref<!tpu.dma_semaphore, #tpu.memory_space<semaphore_mem>>, %arg20: memref<!tpu.dma_semaphore, #tpu.memory_space<semaphore_mem>>) attributes {dimension_semantics = [#tpu.dimension_semantics<core_parallel>, #tpu.dimension_semantics<subcore_parallel>], iteration_bounds = array<i64: 2, 16>, scalar_prefetch = 0 : i64, scratch_operands = 15 : i64, tpu.core_type = #tpu.core_type<sc_vector_subcore>, window_params = [{transform_indices = #map}, {transform_indices = #map1}, {transform_indices = #map}, {transform_indices = #map2}]} {
    %mul3A = arith.constant 16 : i32
    %mul3A_0 = arith.muli %arg0, %mul3A : i32
    %add3A = arith.addi %mul3A_0, %arg1 : i32
    %run_scoped3A = arith.constant 0 : i32
    %run_scoped3A_1 = arith.constant 0 : i32
    "tpu.region"() ({
      %run_scoped3A_61 = tpu.sem_alloc : memref<!tpu.dma_semaphore, #tpu.memory_space<semaphore_mem>>
      %dma_start3A_62 = arith.constant 0 : i32
      %dma_start3A_63 = arith.constant 0 : i32
      %dma_start3A_64 = tpu.memref_slice %arg6[%run_scoped3A_1, %dma_start3A_62, %dma_start3A_63] : memref<6x2x120xi32, #tpu.memory_space<vmem>> -> memref<1x2x120xi32, #tpu.memory_space<vmem>>
      %dma_start3A_65 = tpu.memref_squeeze %dma_start3A_64 : memref<1x2x120xi32, #tpu.memory_space<vmem>> -> memref<2x120xi32, #tpu.memory_space<vmem>>
      %dma_start3A_66 = arith.constant 0 : i32
      %dma_start3A_67 = arith.constant 0 : i32
      %dma_start3A_68 = tpu.memref_slice %arg3[%add3A, %run_scoped3A, %dma_start3A_66, %dma_start3A_67] : memref<32x84x2x120xi32, #tpu.memory_space<hbm>> -> memref<1x1x2x120xi32, #tpu.memory_space<hbm>>
      %dma_start3A_69 = tpu.memref_squeeze %dma_start3A_68 : memref<1x1x2x120xi32, #tpu.memory_space<hbm>> -> memref<2x120xi32, #tpu.memory_space<hbm>>
      %dma_start3A_70 = arith.constant 0 : i32
      %dma_start3A_71 = arith.constant 0 : i32
      %dma_start3A_72 = tpu.memref_slice %arg6[%run_scoped3A_1, %dma_start3A_70, %dma_start3A_71] : memref<6x2x120xi32, #tpu.memory_space<vmem>> -> memref<1x2x120xi32, #tpu.memory_space<vmem>>
      %dma_start3A_73 = tpu.memref_squeeze %dma_start3A_72 : memref<1x2x120xi32, #tpu.memory_space<vmem>> -> memref<2x120xi32, #tpu.memory_space<vmem>>
      %dma_start3A_74 = arith.constant 0 : i32
      %dma_start3A_75 = arith.constant 0 : i32
      %dma_start3A_76 = tpu.memref_slice %arg3[%add3A, %run_scoped3A, %dma_start3A_74, %dma_start3A_75] : memref<32x84x2x120xi32, #tpu.memory_space<hbm>> -> memref<1x1x2x120xi32, #tpu.memory_space<hbm>>
      %dma_start3A_77 = tpu.memref_squeeze %dma_start3A_76 : memref<1x1x2x120xi32, #tpu.memory_space<hbm>> -> memref<2x120xi32, #tpu.memory_space<hbm>>
      tpu.enqueue_dma source(%dma_start3A_77 : memref<2x120xi32, #tpu.memory_space<hbm>>) target(%dma_start3A_73 : memref<2x120xi32, #tpu.memory_space<vmem>>) target_semaphore(%run_scoped3A_61 : memref<!tpu.dma_semaphore, #tpu.memory_space<semaphore_mem>>)
      %dma_wait3A_78 = arith.constant 0 : i32
      %dma_wait3A_79 = arith.constant 0 : i32
      %dma_wait3A_80 = tpu.memref_slice %arg6[%run_scoped3A_1, %dma_wait3A_78, %dma_wait3A_79] : memref<6x2x120xi32, #tpu.memory_space<vmem>> -> memref<1x2x120xi32, #tpu.memory_space<vmem>>
      %dma_wait3A_81 = tpu.memref_squeeze %dma_wait3A_80 : memref<1x2x120xi32, #tpu.memory_space<vmem>> -> memref<2x120xi32, #tpu.memory_space<vmem>>
      %dma_wait3A_82 = arith.constant 0 : i32
      %dma_wait3A_83 = arith.constant 0 : i32
      %dma_wait3A_84 = tpu.memref_slice %arg3[%add3A, %run_scoped3A, %dma_wait3A_82, %dma_wait3A_83] : memref<32x84x2x120xi32, #tpu.memory_space<hbm>> -> memref<1x1x2x120xi32, #tpu.memory_space<hbm>>
      %dma_wait3A_85 = tpu.memref_squeeze %dma_wait3A_84 : memref<1x1x2x120xi32, #tpu.memory_space<hbm>> -> memref<2x120xi32, #tpu.memory_space<hbm>>
      %dma_wait3A_86 = arith.constant 0 : i32
      %dma_wait3A_87 = arith.constant 0 : i32
      %dma_wait3A_88 = tpu.memref_slice %arg6[%run_scoped3A_1, %dma_wait3A_86, %dma_wait3A_87] : memref<6x2x120xi32, #tpu.memory_space<vmem>> -> memref<1x2x120xi32, #tpu.memory_space<vmem>>
      %dma_wait3A_89 = tpu.memref_squeeze %dma_wait3A_88 : memref<1x2x120xi32, #tpu.memory_space<vmem>> -> memref<2x120xi32, #tpu.memory_space<vmem>>
      %dma_wait3A_90 = arith.constant 0 : i32
      %dma_wait3A_91 = arith.constant 0 : i32
      %dma_wait3A_92 = tpu.memref_slice %arg3[%add3A, %run_scoped3A, %dma_wait3A_90, %dma_wait3A_91] : memref<32x84x2x120xi32, #tpu.memory_space<hbm>> -> memref<1x1x2x120xi32, #tpu.memory_space<hbm>>
      %dma_wait3A_93 = tpu.memref_squeeze %dma_wait3A_92 : memref<1x1x2x120xi32, #tpu.memory_space<hbm>> -> memref<2x120xi32, #tpu.memory_space<hbm>>
      tpu.wait_dma2 semaphore(%run_scoped3A_61 : memref<!tpu.dma_semaphore, #tpu.memory_space<semaphore_mem>>) src(%dma_wait3A_93 : memref<2x120xi32, #tpu.memory_space<hbm>>) dst(%dma_wait3A_89 : memref<2x120xi32, #tpu.memory_space<vmem>>)
      tpu.yield
    }) : () -> ()
    %run_scoped3A_2 = arith.constant 1 : i32
    %run_scoped3A_3 = arith.constant 1 : i32
    "tpu.region"() ({
      %run_scoped3A_61 = tpu.sem_alloc : memref<!tpu.dma_semaphore, #tpu.memory_space<semaphore_mem>>
      %dma_start3A_62 = arith.constant 0 : i32
      %dma_start3A_63 = arith.constant 0 : i32
      %dma_start3A_64 = tpu.memref_slice %arg6[%run_scoped3A_3, %dma_start3A_62, %dma_start3A_63] : memref<6x2x120xi32, #tpu.memory_space<vmem>> -> memref<1x2x120xi32, #tpu.memory_space<vmem>>
      %dma_start3A_65 = tpu.memref_squeeze %dma_start3A_64 : memref<1x2x120xi32, #tpu.memory_space<vmem>> -> memref<2x120xi32, #tpu.memory_space<vmem>>
      %dma_start3A_66 = arith.constant 0 : i32
      %dma_start3A_67 = arith.constant 0 : i32
      %dma_start3A_68 = tpu.memref_slice %arg3[%add3A, %run_scoped3A_2, %dma_start3A_66, %dma_start3A_67] : memref<32x84x2x120xi32, #tpu.memory_space<hbm>> -> memref<1x1x2x120xi32, #tpu.memory_space<hbm>>
      %dma_start3A_69 = tpu.memref_squeeze %dma_start3A_68 : memref<1x1x2x120xi32, #tpu.memory_space<hbm>> -> memref<2x120xi32, #tpu.memory_space<hbm>>
      %dma_start3A_70 = arith.constant 0 : i32
      %dma_start3A_71 = arith.constant 0 : i32
      %dma_start3A_72 = tpu.memref_slice %arg6[%run_scoped3A_3, %dma_start3A_70, %dma_start3A_71] : memref<6x2x120xi32, #tpu.memory_space<vmem>> -> memref<1x2x120xi32, #tpu.memory_space<vmem>>
      %dma_start3A_73 = tpu.memref_squeeze %dma_start3A_72 : memref<1x2x120xi32, #tpu.memory_space<vmem>> -> memref<2x120xi32, #tpu.memory_space<vmem>>
      %dma_start3A_74 = arith.constant 0 : i32
      %dma_start3A_75 = arith.constant 0 : i32
      %dma_start3A_76 = tpu.memref_slice %arg3[%add3A, %run_scoped3A_2, %dma_start3A_74, %dma_start3A_75] : memref<32x84x2x120xi32, #tpu.memory_space<hbm>> -> memref<1x1x2x120xi32, #tpu.memory_space<hbm>>
      %dma_start3A_77 = tpu.memref_squeeze %dma_start3A_76 : memref<1x1x2x120xi32, #tpu.memory_space<hbm>> -> memref<2x120xi32, #tpu.memory_space<hbm>>
      tpu.enqueue_dma source(%dma_start3A_77 : memref<2x120xi32, #tpu.memory_space<hbm>>) target(%dma_start3A_73 : memref<2x120xi32, #tpu.memory_space<vmem>>) target_semaphore(%run_scoped3A_61 : memref<!tpu.dma_semaphore, #tpu.memory_space<semaphore_mem>>)
      %dma_wait3A_78 = arith.constant 0 : i32
      %dma_wait3A_79 = arith.constant 0 : i32
      %dma_wait3A_80 = tpu.memref_slice %arg6[%run_scoped3A_3, %dma_wait3A_78, %dma_wait3A_79] : memref<6x2x120xi32, #tpu.memory_space<vmem>> -> memref<1x2x120xi32, #tpu.memory_space<vmem>>
      %dma_wait3A_81 = tpu.memref_squeeze %dma_wait3A_80 : memref<1x2x120xi32, #tpu.memory_space<vmem>> -> memref<2x120xi32, #tpu.memory_space<vmem>>
      %dma_wait3A_82 = arith.constant 0 : i32
      %dma_wait3A_83 = arith.constant 0 : i32
      %dma_wait3A_84 = tpu.memref_slice %arg3[%add3A, %run_scoped3A_2, %dma_wait3A_82, %dma_wait3A_83] : memref<32x84x2x120xi32, #tpu.memory_space<hbm>> -> memref<1x1x2x120xi32, #tpu.memory_space<hbm>>
      %dma_wait3A_85 = tpu.memref_squeeze %dma_wait3A_84 : memref<1x1x2x120xi32, #tpu.memory_space<hbm>> -> memref<2x120xi32, #tpu.memory_space<hbm>>
      %dma_wait3A_86 = arith.constant 0 : i32
      %dma_wait3A_87 = arith.constant 0 : i32
      %dma_wait3A_88 = tpu.memref_slice %arg6[%run_scoped3A_3, %dma_wait3A_86, %dma_wait3A_87] : memref<6x2x120xi32, #tpu.memory_space<vmem>> -> memref<1x2x120xi32, #tpu.memory_space<vmem>>
      %dma_wait3A_89 = tpu.memref_squeeze %dma_wait3A_88 : memref<1x2x120xi32, #tpu.memory_space<vmem>> -> memref<2x120xi32, #tpu.memory_space<vmem>>
      %dma_wait3A_90 = arith.constant 0 : i32
      %dma_wait3A_91 = arith.constant 0 : i32
      %dma_wait3A_92 = tpu.memref_slice %arg3[%add3A, %run_scoped3A_2, %dma_wait3A_90, %dma_wait3A_91] : memref<32x84x2x120xi32, #tpu.memory_space<hbm>> -> memref<1x1x2x120xi32, #tpu.memory_space<hbm>>
      %dma_wait3A_93 = tpu.memref_squeeze %dma_wait3A_92 : memref<1x1x2x120xi32, #tpu.memory_space<hbm>> -> memref<2x120xi32, #tpu.memory_space<hbm>>
      tpu.wait_dma2 semaphore(%run_scoped3A_61 : memref<!tpu.dma_semaphore, #tpu.memory_space<semaphore_mem>>) src(%dma_wait3A_93 : memref<2x120xi32, #tpu.memory_space<hbm>>) dst(%dma_wait3A_89 : memref<2x120xi32, #tpu.memory_space<vmem>>)
      tpu.yield
    }) : () -> ()
    %run_scoped3A_4 = arith.constant 2 : i32
    %run_scoped3A_5 = arith.constant 2 : i32
    "tpu.region"() ({
      %run_scoped3A_61 = tpu.sem_alloc : memref<!tpu.dma_semaphore, #tpu.memory_space<semaphore_mem>>
      %dma_start3A_62 = arith.constant 0 : i32
      %dma_start3A_63 = arith.constant 0 : i32
      %dma_start3A_64 = tpu.memref_slice %arg6[%run_scoped3A_5, %dma_start3A_62, %dma_start3A_63] : memref<6x2x120xi32, #tpu.memory_space<vmem>> -> memref<1x2x120xi32, #tpu.memory_space<vmem>>
      %dma_start3A_65 = tpu.memref_squeeze %dma_start3A_64 : memref<1x2x120xi32, #tpu.memory_space<vmem>> -> memref<2x120xi32, #tpu.memory_space<vmem>>
      %dma_start3A_66 = arith.constant 0 : i32
      %dma_start3A_67 = arith.constant 0 : i32
      %dma_start3A_68 = tpu.memref_slice %arg3[%add3A, %run_scoped3A_4, %dma_start3A_66, %dma_start3A_67] : memref<32x84x2x120xi32, #tpu.memory_space<hbm>> -> memref<1x1x2x120xi32, #tpu.memory_space<hbm>>
      %dma_start3A_69 = tpu.memref_squeeze %dma_start3A_68 : memref<1x1x2x120xi32, #tpu.memory_space<hbm>> -> memref<2x120xi32, #tpu.memory_space<hbm>>
      %dma_start3A_70 = arith.constant 0 : i32
      %dma_start3A_71 = arith.constant 0 : i32
      %dma_start3A_72 = tpu.memref_slice %arg6[%run_scoped3A_5, %dma_start3A_70, %dma_start3A_71] : memref<6x2x120xi32, #tpu.memory_space<vmem>> -> memref<1x2x120xi32, #tpu.memory_space<vmem>>
      %dma_start3A_73 = tpu.memref_squeeze %dma_start3A_72 : memref<1x2x120xi32, #tpu.memory_space<vmem>> -> memref<2x120xi32, #tpu.memory_space<vmem>>
      %dma_start3A_74 = arith.constant 0 : i32
      %dma_start3A_75 = arith.constant 0 : i32
      %dma_start3A_76 = tpu.memref_slice %arg3[%add3A, %run_scoped3A_4, %dma_start3A_74, %dma_start3A_75] : memref<32x84x2x120xi32, #tpu.memory_space<hbm>> -> memref<1x1x2x120xi32, #tpu.memory_space<hbm>>
      %dma_start3A_77 = tpu.memref_squeeze %dma_start3A_76 : memref<1x1x2x120xi32, #tpu.memory_space<hbm>> -> memref<2x120xi32, #tpu.memory_space<hbm>>
      tpu.enqueue_dma source(%dma_start3A_77 : memref<2x120xi32, #tpu.memory_space<hbm>>) target(%dma_start3A_73 : memref<2x120xi32, #tpu.memory_space<vmem>>) target_semaphore(%run_scoped3A_61 : memref<!tpu.dma_semaphore, #tpu.memory_space<semaphore_mem>>)
      %dma_wait3A_78 = arith.constant 0 : i32
      %dma_wait3A_79 = arith.constant 0 : i32
      %dma_wait3A_80 = tpu.memref_slice %arg6[%run_scoped3A_5, %dma_wait3A_78, %dma_wait3A_79] : memref<6x2x120xi32, #tpu.memory_space<vmem>> -> memref<1x2x120xi32, #tpu.memory_space<vmem>>
      %dma_wait3A_81 = tpu.memref_squeeze %dma_wait3A_80 : memref<1x2x120xi32, #tpu.memory_space<vmem>> -> memref<2x120xi32, #tpu.memory_space<vmem>>
      %dma_wait3A_82 = arith.constant 0 : i32
      %dma_wait3A_83 = arith.constant 0 : i32
      %dma_wait3A_84 = tpu.memref_slice %arg3[%add3A, %run_scoped3A_4, %dma_wait3A_82, %dma_wait3A_83] : memref<32x84x2x120xi32, #tpu.memory_space<hbm>> -> memref<1x1x2x120xi32, #tpu.memory_space<hbm>>
      %dma_wait3A_85 = tpu.memref_squeeze %dma_wait3A_84 : memref<1x1x2x120xi32, #tpu.memory_space<hbm>> -> memref<2x120xi32, #tpu.memory_space<hbm>>
      %dma_wait3A_86 = arith.constant 0 : i32
      %dma_wait3A_87 = arith.constant 0 : i32
      %dma_wait3A_88 = tpu.memref_slice %arg6[%run_scoped3A_5, %dma_wait3A_86, %dma_wait3A_87] : memref<6x2x120xi32, #tpu.memory_space<vmem>> -> memref<1x2x120xi32, #tpu.memory_space<vmem>>
      %dma_wait3A_89 = tpu.memref_squeeze %dma_wait3A_88 : memref<1x2x120xi32, #tpu.memory_space<vmem>> -> memref<2x120xi32, #tpu.memory_space<vmem>>
      %dma_wait3A_90 = arith.constant 0 : i32
      %dma_wait3A_91 = arith.constant 0 : i32
      %dma_wait3A_92 = tpu.memref_slice %arg3[%add3A, %run_scoped3A_4, %dma_wait3A_90, %dma_wait3A_91] : memref<32x84x2x120xi32, #tpu.memory_space<hbm>> -> memref<1x1x2x120xi32, #tpu.memory_space<hbm>>
      %dma_wait3A_93 = tpu.memref_squeeze %dma_wait3A_92 : memref<1x1x2x120xi32, #tpu.memory_space<hbm>> -> memref<2x120xi32, #tpu.memory_space<hbm>>
      tpu.wait_dma2 semaphore(%run_scoped3A_61 : memref<!tpu.dma_semaphore, #tpu.memory_space<semaphore_mem>>) src(%dma_wait3A_93 : memref<2x120xi32, #tpu.memory_space<hbm>>) dst(%dma_wait3A_89 : memref<2x120xi32, #tpu.memory_space<vmem>>)
      tpu.yield
    }) : () -> ()
    %run_scoped3A_6 = arith.constant 3 : i32
    %run_scoped3A_7 = arith.constant 3 : i32
    "tpu.region"() ({
      %run_scoped3A_61 = tpu.sem_alloc : memref<!tpu.dma_semaphore, #tpu.memory_space<semaphore_mem>>
      %dma_start3A_62 = arith.constant 0 : i32
      %dma_start3A_63 = arith.constant 0 : i32
      %dma_start3A_64 = tpu.memref_slice %arg6[%run_scoped3A_7, %dma_start3A_62, %dma_start3A_63] : memref<6x2x120xi32, #tpu.memory_space<vmem>> -> memref<1x2x120xi32, #tpu.memory_space<vmem>>
      %dma_start3A_65 = tpu.memref_squeeze %dma_start3A_64 : memref<1x2x120xi32, #tpu.memory_space<vmem>> -> memref<2x120xi32, #tpu.memory_space<vmem>>
      %dma_start3A_66 = arith.constant 0 : i32
      %dma_start3A_67 = arith.constant 0 : i32
      %dma_start3A_68 = tpu.memref_slice %arg3[%add3A, %run_scoped3A_6, %dma_start3A_66, %dma_start3A_67] : memref<32x84x2x120xi32, #tpu.memory_space<hbm>> -> memref<1x1x2x120xi32, #tpu.memory_space<hbm>>
      %dma_start3A_69 = tpu.memref_squeeze %dma_start3A_68 : memref<1x1x2x120xi32, #tpu.memory_space<hbm>> -> memref<2x120xi32, #tpu.memory_space<hbm>>
      %dma_start3A_70 = arith.constant 0 : i32
      %dma_start3A_71 = arith.constant 0 : i32
      %dma_start3A_72 = tpu.memref_slice %arg6[%run_scoped3A_7, %dma_start3A_70, %dma_start3A_71] : memref<6x2x120xi32, #tpu.memory_space<vmem>> -> memref<1x2x120xi32, #tpu.memory_space<vmem>>
      %dma_start3A_73 = tpu.memref_squeeze %dma_start3A_72 : memref<1x2x120xi32, #tpu.memory_space<vmem>> -> memref<2x120xi32, #tpu.memory_space<vmem>>
      %dma_start3A_74 = arith.constant 0 : i32
      %dma_start3A_75 = arith.constant 0 : i32
      %dma_start3A_76 = tpu.memref_slice %arg3[%add3A, %run_scoped3A_6, %dma_start3A_74, %dma_start3A_75] : memref<32x84x2x120xi32, #tpu.memory_space<hbm>> -> memref<1x1x2x120xi32, #tpu.memory_space<hbm>>
      %dma_start3A_77 = tpu.memref_squeeze %dma_start3A_76 : memref<1x1x2x120xi32, #tpu.memory_space<hbm>> -> memref<2x120xi32, #tpu.memory_space<hbm>>
      tpu.enqueue_dma source(%dma_start3A_77 : memref<2x120xi32, #tpu.memory_space<hbm>>) target(%dma_start3A_73 : memref<2x120xi32, #tpu.memory_space<vmem>>) target_semaphore(%run_scoped3A_61 : memref<!tpu.dma_semaphore, #tpu.memory_space<semaphore_mem>>)
      %dma_wait3A_78 = arith.constant 0 : i32
      %dma_wait3A_79 = arith.constant 0 : i32
      %dma_wait3A_80 = tpu.memref_slice %arg6[%run_scoped3A_7, %dma_wait3A_78, %dma_wait3A_79] : memref<6x2x120xi32, #tpu.memory_space<vmem>> -> memref<1x2x120xi32, #tpu.memory_space<vmem>>
      %dma_wait3A_81 = tpu.memref_squeeze %dma_wait3A_80 : memref<1x2x120xi32, #tpu.memory_space<vmem>> -> memref<2x120xi32, #tpu.memory_space<vmem>>
      %dma_wait3A_82 = arith.constant 0 : i32
      %dma_wait3A_83 = arith.constant 0 : i32
      %dma_wait3A_84 = tpu.memref_slice %arg3[%add3A, %run_scoped3A_6, %dma_wait3A_82, %dma_wait3A_83] : memref<32x84x2x120xi32, #tpu.memory_space<hbm>> -> memref<1x1x2x120xi32, #tpu.memory_space<hbm>>
      %dma_wait3A_85 = tpu.memref_squeeze %dma_wait3A_84 : memref<1x1x2x120xi32, #tpu.memory_space<hbm>> -> memref<2x120xi32, #tpu.memory_space<hbm>>
      %dma_wait3A_86 = arith.constant 0 : i32
      %dma_wait3A_87 = arith.constant 0 : i32
      %dma_wait3A_88 = tpu.memref_slice %arg6[%run_scoped3A_7, %dma_wait3A_86, %dma_wait3A_87] : memref<6x2x120xi32, #tpu.memory_space<vmem>> -> memref<1x2x120xi32, #tpu.memory_space<vmem>>
      %dma_wait3A_89 = tpu.memref_squeeze %dma_wait3A_88 : memref<1x2x120xi32, #tpu.memory_space<vmem>> -> memref<2x120xi32, #tpu.memory_space<vmem>>
      %dma_wait3A_90 = arith.constant 0 : i32
      %dma_wait3A_91 = arith.constant 0 : i32
      %dma_wait3A_92 = tpu.memref_slice %arg3[%add3A, %run_scoped3A_6, %dma_wait3A_90, %dma_wait3A_91] : memref<32x84x2x120xi32, #tpu.memory_space<hbm>> -> memref<1x1x2x120xi32, #tpu.memory_space<hbm>>
      %dma_wait3A_93 = tpu.memref_squeeze %dma_wait3A_92 : memref<1x1x2x120xi32, #tpu.memory_space<hbm>> -> memref<2x120xi32, #tpu.memory_space<hbm>>
      tpu.wait_dma2 semaphore(%run_scoped3A_61 : memref<!tpu.dma_semaphore, #tpu.memory_space<semaphore_mem>>) src(%dma_wait3A_93 : memref<2x120xi32, #tpu.memory_space<hbm>>) dst(%dma_wait3A_89 : memref<2x120xi32, #tpu.memory_space<vmem>>)
      tpu.yield
    }) : () -> ()
    %run_scoped3A_8 = arith.constant 4 : i32
    %run_scoped3A_9 = arith.constant 4 : i32
    "tpu.region"() ({
      %run_scoped3A_61 = tpu.sem_alloc : memref<!tpu.dma_semaphore, #tpu.memory_space<semaphore_mem>>
      %dma_start3A_62 = arith.constant 0 : i32
      %dma_start3A_63 = arith.constant 0 : i32
      %dma_start3A_64 = tpu.memref_slice %arg6[%run_scoped3A_9, %dma_start3A_62, %dma_start3A_63] : memref<6x2x120xi32, #tpu.memory_space<vmem>> -> memref<1x2x120xi32, #tpu.memory_space<vmem>>
      %dma_start3A_65 = tpu.memref_squeeze %dma_start3A_64 : memref<1x2x120xi32, #tpu.memory_space<vmem>> -> memref<2x120xi32, #tpu.memory_space<vmem>>
      %dma_start3A_66 = arith.constant 0 : i32
      %dma_start3A_67 = arith.constant 0 : i32
      %dma_start3A_68 = tpu.memref_slice %arg3[%add3A, %run_scoped3A_8, %dma_start3A_66, %dma_start3A_67] : memref<32x84x2x120xi32, #tpu.memory_space<hbm>> -> memref<1x1x2x120xi32, #tpu.memory_space<hbm>>
      %dma_start3A_69 = tpu.memref_squeeze %dma_start3A_68 : memref<1x1x2x120xi32, #tpu.memory_space<hbm>> -> memref<2x120xi32, #tpu.memory_space<hbm>>
      %dma_start3A_70 = arith.constant 0 : i32
      %dma_start3A_71 = arith.constant 0 : i32
      %dma_start3A_72 = tpu.memref_slice %arg6[%run_scoped3A_9, %dma_start3A_70, %dma_start3A_71] : memref<6x2x120xi32, #tpu.memory_space<vmem>> -> memref<1x2x120xi32, #tpu.memory_space<vmem>>
      %dma_start3A_73 = tpu.memref_squeeze %dma_start3A_72 : memref<1x2x120xi32, #tpu.memory_space<vmem>> -> memref<2x120xi32, #tpu.memory_space<vmem>>
      %dma_start3A_74 = arith.constant 0 : i32
      %dma_start3A_75 = arith.constant 0 : i32
      %dma_start3A_76 = tpu.memref_slice %arg3[%add3A, %run_scoped3A_8, %dma_start3A_74, %dma_start3A_75] : memref<32x84x2x120xi32, #tpu.memory_space<hbm>> -> memref<1x1x2x120xi32, #tpu.memory_space<hbm>>
      %dma_start3A_77 = tpu.memref_squeeze %dma_start3A_76 : memref<1x1x2x120xi32, #tpu.memory_space<hbm>> -> memref<2x120xi32, #tpu.memory_space<hbm>>
      tpu.enqueue_dma source(%dma_start3A_77 : memref<2x120xi32, #tpu.memory_space<hbm>>) target(%dma_start3A_73 : memref<2x120xi32, #tpu.memory_space<vmem>>) target_semaphore(%run_scoped3A_61 : memref<!tpu.dma_semaphore, #tpu.memory_space<semaphore_mem>>)
      %dma_wait3A_78 = arith.constant 0 : i32
      %dma_wait3A_79 = arith.constant 0 : i32
      %dma_wait3A_80 = tpu.memref_slice %arg6[%run_scoped3A_9, %dma_wait3A_78, %dma_wait3A_79] : memref<6x2x120xi32, #tpu.memory_space<vmem>> -> memref<1x2x120xi32, #tpu.memory_space<vmem>>
      %dma_wait3A_81 = tpu.memref_squeeze %dma_wait3A_80 : memref<1x2x120xi32, #tpu.memory_space<vmem>> -> memref<2x120xi32, #tpu.memory_space<vmem>>
      %dma_wait3A_82 = arith.constant 0 : i32
      %dma_wait3A_83 = arith.constant 0 : i32
      %dma_wait3A_84 = tpu.memref_slice %arg3[%add3A, %run_scoped3A_8, %dma_wait3A_82, %dma_wait3A_83] : memref<32x84x2x120xi32, #tpu.memory_space<hbm>> -> memref<1x1x2x120xi32, #tpu.memory_space<hbm>>
      %dma_wait3A_85 = tpu.memref_squeeze %dma_wait3A_84 : memref<1x1x2x120xi32, #tpu.memory_space<hbm>> -> memref<2x120xi32, #tpu.memory_space<hbm>>
      %dma_wait3A_86 = arith.constant 0 : i32
      %dma_wait3A_87 = arith.constant 0 : i32
      %dma_wait3A_88 = tpu.memref_slice %arg6[%run_scoped3A_9, %dma_wait3A_86, %dma_wait3A_87] : memref<6x2x120xi32, #tpu.memory_space<vmem>> -> memref<1x2x120xi32, #tpu.memory_space<vmem>>
      %dma_wait3A_89 = tpu.memref_squeeze %dma_wait3A_88 : memref<1x2x120xi32, #tpu.memory_space<vmem>> -> memref<2x120xi32, #tpu.memory_space<vmem>>
      %dma_wait3A_90 = arith.constant 0 : i32
      %dma_wait3A_91 = arith.constant 0 : i32
      %dma_wait3A_92 = tpu.memref_slice %arg3[%add3A, %run_scoped3A_8, %dma_wait3A_90, %dma_wait3A_91] : memref<32x84x2x120xi32, #tpu.memory_space<hbm>> -> memref<1x1x2x120xi32, #tpu.memory_space<hbm>>
      %dma_wait3A_93 = tpu.memref_squeeze %dma_wait3A_92 : memref<1x1x2x120xi32, #tpu.memory_space<hbm>> -> memref<2x120xi32, #tpu.memory_space<hbm>>
      tpu.wait_dma2 semaphore(%run_scoped3A_61 : memref<!tpu.dma_semaphore, #tpu.memory_space<semaphore_mem>>) src(%dma_wait3A_93 : memref<2x120xi32, #tpu.memory_space<hbm>>) dst(%dma_wait3A_89 : memref<2x120xi32, #tpu.memory_space<vmem>>)
      tpu.yield
    }) : () -> ()
    %run_scoped3A_10 = arith.constant 5 : i32
    %run_scoped3A_11 = arith.constant 5 : i32
    "tpu.region"() ({
      %run_scoped3A_61 = tpu.sem_alloc : memref<!tpu.dma_semaphore, #tpu.memory_space<semaphore_mem>>
      %dma_start3A_62 = arith.constant 0 : i32
      %dma_start3A_63 = arith.constant 0 : i32
      %dma_start3A_64 = tpu.memref_slice %arg6[%run_scoped3A_11, %dma_start3A_62, %dma_start3A_63] : memref<6x2x120xi32, #tpu.memory_space<vmem>> -> memref<1x2x120xi32, #tpu.memory_space<vmem>>
      %dma_start3A_65 = tpu.memref_squeeze %dma_start3A_64 : memref<1x2x120xi32, #tpu.memory_space<vmem>> -> memref<2x120xi32, #tpu.memory_space<vmem>>
      %dma_start3A_66 = arith.constant 0 : i32
      %dma_start3A_67 = arith.constant 0 : i32
      %dma_start3A_68 = tpu.memref_slice %arg3[%add3A, %run_scoped3A_10, %dma_start3A_66, %dma_start3A_67] : memref<32x84x2x120xi32, #tpu.memory_space<hbm>> -> memref<1x1x2x120xi32, #tpu.memory_space<hbm>>
      %dma_start3A_69 = tpu.memref_squeeze %dma_start3A_68 : memref<1x1x2x120xi32, #tpu.memory_space<hbm>> -> memref<2x120xi32, #tpu.memory_space<hbm>>
      %dma_start3A_70 = arith.constant 0 : i32
      %dma_start3A_71 = arith.constant 0 : i32
      %dma_start3A_72 = tpu.memref_slice %arg6[%run_scoped3A_11, %dma_start3A_70, %dma_start3A_71] : memref<6x2x120xi32, #tpu.memory_space<vmem>> -> memref<1x2x120xi32, #tpu.memory_space<vmem>>
      %dma_start3A_73 = tpu.memref_squeeze %dma_start3A_72 : memref<1x2x120xi32, #tpu.memory_space<vmem>> -> memref<2x120xi32, #tpu.memory_space<vmem>>
      %dma_start3A_74 = arith.constant 0 : i32
      %dma_start3A_75 = arith.constant 0 : i32
      %dma_start3A_76 = tpu.memref_slice %arg3[%add3A, %run_scoped3A_10, %dma_start3A_74, %dma_start3A_75] : memref<32x84x2x120xi32, #tpu.memory_space<hbm>> -> memref<1x1x2x120xi32, #tpu.memory_space<hbm>>
      %dma_start3A_77 = tpu.memref_squeeze %dma_start3A_76 : memref<1x1x2x120xi32, #tpu.memory_space<hbm>> -> memref<2x120xi32, #tpu.memory_space<hbm>>
      tpu.enqueue_dma source(%dma_start3A_77 : memref<2x120xi32, #tpu.memory_space<hbm>>) target(%dma_start3A_73 : memref<2x120xi32, #tpu.memory_space<vmem>>) target_semaphore(%run_scoped3A_61 : memref<!tpu.dma_semaphore, #tpu.memory_space<semaphore_mem>>)
      %dma_wait3A_78 = arith.constant 0 : i32
      %dma_wait3A_79 = arith.constant 0 : i32
      %dma_wait3A_80 = tpu.memref_slice %arg6[%run_scoped3A_11, %dma_wait3A_78, %dma_wait3A_79] : memref<6x2x120xi32, #tpu.memory_space<vmem>> -> memref<1x2x120xi32, #tpu.memory_space<vmem>>
      %dma_wait3A_81 = tpu.memref_squeeze %dma_wait3A_80 : memref<1x2x120xi32, #tpu.memory_space<vmem>> -> memref<2x120xi32, #tpu.memory_space<vmem>>
      %dma_wait3A_82 = arith.constant 0 : i32
      %dma_wait3A_83 = arith.constant 0 : i32
      %dma_wait3A_84 = tpu.memref_slice %arg3[%add3A, %run_scoped3A_10, %dma_wait3A_82, %dma_wait3A_83] : memref<32x84x2x120xi32, #tpu.memory_space<hbm>> -> memref<1x1x2x120xi32, #tpu.memory_space<hbm>>
      %dma_wait3A_85 = tpu.memref_squeeze %dma_wait3A_84 : memref<1x1x2x120xi32, #tpu.memory_space<hbm>> -> memref<2x120xi32, #tpu.memory_space<hbm>>
      %dma_wait3A_86 = arith.constant 0 : i32
      %dma_wait3A_87 = arith.constant 0 : i32
      %dma_wait3A_88 = tpu.memref_slice %arg6[%run_scoped3A_11, %dma_wait3A_86, %dma_wait3A_87] : memref<6x2x120xi32, #tpu.memory_space<vmem>> -> memref<1x2x120xi32, #tpu.memory_space<vmem>>
      %dma_wait3A_89 = tpu.memref_squeeze %dma_wait3A_88 : memref<1x2x120xi32, #tpu.memory_space<vmem>> -> memref<2x120xi32, #tpu.memory_space<vmem>>
      %dma_wait3A_90 = arith.constant 0 : i32
      %dma_wait3A_91 = arith.constant 0 : i32
      %dma_wait3A_92 = tpu.memref_slice %arg3[%add3A, %run_scoped3A_10, %dma_wait3A_90, %dma_wait3A_91] : memref<32x84x2x120xi32, #tpu.memory_space<hbm>> -> memref<1x1x2x120xi32, #tpu.memory_space<hbm>>
      %dma_wait3A_93 = tpu.memref_squeeze %dma_wait3A_92 : memref<1x1x2x120xi32, #tpu.memory_space<hbm>> -> memref<2x120xi32, #tpu.memory_space<hbm>>
      tpu.wait_dma2 semaphore(%run_scoped3A_61 : memref<!tpu.dma_semaphore, #tpu.memory_space<semaphore_mem>>) src(%dma_wait3A_93 : memref<2x120xi32, #tpu.memory_space<hbm>>) dst(%dma_wait3A_89 : memref<2x120xi32, #tpu.memory_space<vmem>>)
      tpu.yield
    }) : () -> ()
    %dma_start3A = arith.constant 0 : i32
    %dma_start3A_12 = arith.constant 0 : i32
    %dma_start3A_13 = arith.constant 0 : i32
    %dma_start3A_14 = arith.constant 0 : i32
    %dma_start3A_15 = arith.constant 0 : i32
    %dma_start3A_16 = tpu.memref_slice %arg7[%dma_start3A_13, %dma_start3A_14, %dma_start3A_15] : memref<3x120x128xf32, #tpu.memory_space<vmem>> -> memref<1x120x128xf32, #tpu.memory_space<vmem>>
    %dma_start3A_17 = tpu.memref_squeeze %dma_start3A_16 : memref<1x120x128xf32, #tpu.memory_space<vmem>> -> memref<120x128xf32, #tpu.memory_space<vmem>>
    %dma_start3A_18 = arith.constant 0 : i32
    %dma_start3A_19 = tpu.memref_slice %arg6[%dma_start3A, %dma_start3A_12, %dma_start3A_18] : memref<6x2x120xi32, #tpu.memory_space<vmem>> -> memref<1x1x120xi32, #tpu.memory_space<vmem>>
    %dma_start3A_20 = tpu.memref_squeeze %dma_start3A_19 : memref<1x1x120xi32, #tpu.memory_space<vmem>> -> memref<120xi32, #tpu.memory_space<vmem>>
    %dma_start3A_21 = arith.constant 0 : i32
    %dma_start3A_22 = arith.constant 0 : i32
    %dma_start3A_23 = tpu.memref_slice %arg2[%dma_start3A_21, %dma_start3A_22] : memref<10112x128xf32, #tpu.memory_space<hbm>> -> memref<10112x128xf32, #tpu.memory_space<hbm>>
    tpu.enqueue_indirect_dma source(%dma_start3A_23 : memref<10112x128xf32, #tpu.memory_space<hbm>>) target(%dma_start3A_17 : memref<120x128xf32, #tpu.memory_space<vmem>>) offsets(%dma_start3A_20 : memref<120xi32, #tpu.memory_space<vmem>>) semaphore(%arg9 : memref<!tpu.dma_semaphore, #tpu.memory_space<semaphore_mem>>)
    %dma_start3A_24 = arith.constant 1 : i32
    %dma_start3A_25 = arith.constant 0 : i32
    %dma_start3A_26 = arith.constant 1 : i32
    %dma_start3A_27 = arith.constant 0 : i32
    %dma_start3A_28 = arith.constant 0 : i32
    %dma_start3A_29 = tpu.memref_slice %arg7[%dma_start3A_26, %dma_start3A_27, %dma_start3A_28] : memref<3x120x128xf32, #tpu.memory_space<vmem>> -> memref<1x120x128xf32, #tpu.memory_space<vmem>>
    %dma_start3A_30 = tpu.memref_squeeze %dma_start3A_29 : memref<1x120x128xf32, #tpu.memory_space<vmem>> -> memref<120x128xf32, #tpu.memory_space<vmem>>
    %dma_start3A_31 = arith.constant 0 : i32
    %dma_start3A_32 = tpu.memref_slice %arg6[%dma_start3A_24, %dma_start3A_25, %dma_start3A_31] : memref<6x2x120xi32, #tpu.memory_space<vmem>> -> memref<1x1x120xi32, #tpu.memory_space<vmem>>
    %dma_start3A_33 = tpu.memref_squeeze %dma_start3A_32 : memref<1x1x120xi32, #tpu.memory_space<vmem>> -> memref<120xi32, #tpu.memory_space<vmem>>
    %dma_start3A_34 = arith.constant 0 : i32
    %dma_start3A_35 = arith.constant 0 : i32
    %dma_start3A_36 = tpu.memref_slice %arg2[%dma_start3A_34, %dma_start3A_35] : memref<10112x128xf32, #tpu.memory_space<hbm>> -> memref<10112x128xf32, #tpu.memory_space<hbm>>
    tpu.enqueue_indirect_dma source(%dma_start3A_36 : memref<10112x128xf32, #tpu.memory_space<hbm>>) target(%dma_start3A_30 : memref<120x128xf32, #tpu.memory_space<vmem>>) offsets(%dma_start3A_33 : memref<120xi32, #tpu.memory_space<vmem>>) semaphore(%arg10 : memref<!tpu.dma_semaphore, #tpu.memory_space<semaphore_mem>>)
    %mul3A_37 = arith.constant 632 : i32
    %mul3A_38 = arith.muli %arg1, %mul3A_37 : i32
    "tpu.region"() ({
      %run_scoped3A_61 = tpu.sem_alloc : memref<!tpu.dma_semaphore, #tpu.memory_space<semaphore_mem>>
      %dma_start3A_62 = arith.constant 0 : i32
      %dma_start3A_63 = tpu.memref_slice %arg8[%mul3A_38, %dma_start3A_62] : memref<10112x128xf32, #tpu.memory_space<vmem_shared>> -> memref<632x128xf32, #tpu.memory_space<vmem_shared>>
      tpu.enqueue_dma source(%arg4 : memref<632x128xf32, #tpu.memory_space<hbm>>) target(%dma_start3A_63 : memref<632x128xf32, #tpu.memory_space<vmem_shared>>) target_semaphore(%run_scoped3A_61 : memref<!tpu.dma_semaphore, #tpu.memory_space<semaphore_mem>>)
      %dma_wait3A_64 = arith.constant 0 : i32
      %dma_wait3A_65 = tpu.memref_slice %arg8[%mul3A_38, %dma_wait3A_64] : memref<10112x128xf32, #tpu.memory_space<vmem_shared>> -> memref<632x128xf32, #tpu.memory_space<vmem_shared>>
      tpu.wait_dma2 semaphore(%run_scoped3A_61 : memref<!tpu.dma_semaphore, #tpu.memory_space<semaphore_mem>>) src(%arg4 : memref<632x128xf32, #tpu.memory_space<hbm>>) dst(%dma_wait3A_65 : memref<632x128xf32, #tpu.memory_space<vmem_shared>>)
      tpu.yield
    }) : () -> ()
    %barrier3A = arith.constant 0 : index
    tpu.barrier barrier_id(%barrier3A)
    %scan3A = arith.constant 0 : i32
    %scan3A_39 = arith.constant 0 : i32
    %scan3A_40 = arith.constant 14 : i32
    %scan3A_41 = arith.addi %scan3A_39, %scan3A_40 : i32
    %scan3A_42 = arith.constant 1 : i32
    scf.for %scan3A_61 = %scan3A_39 to %scan3A_41 step %scan3A_42  : i32 {
      %mul3A_62 = arith.constant 6 : i32
      %mul3A_63 = arith.muli %mul3A_62, %scan3A_61 : i32
      %add3A_64 = arith.constant 0 : i32
      %add3A_65 = arith.addi %mul3A_63, %add3A_64 : i32
      %dma_wait3A_66 = arith.constant 0 : i32
      %dma_wait3A_67 = arith.constant 0 : i32
      %dma_wait3A_68 = arith.constant 0 : i32
      %dma_wait3A_69 = arith.constant 0 : i32
      %dma_wait3A_70 = arith.constant 0 : i32
      %dma_wait3A_71 = tpu.memref_slice %arg7[%dma_wait3A_68, %dma_wait3A_69, %dma_wait3A_70] : memref<3x120x128xf32, #tpu.memory_space<vmem>> -> memref<1x120x128xf32, #tpu.memory_space<vmem>>
      %dma_wait3A_72 = tpu.memref_squeeze %dma_wait3A_71 : memref<1x120x128xf32, #tpu.memory_space<vmem>> -> memref<120x128xf32, #tpu.memory_space<vmem>>
      %dma_wait3A_73 = arith.constant 0 : i32
      %dma_wait3A_74 = tpu.memref_slice %arg6[%dma_wait3A_66, %dma_wait3A_67, %dma_wait3A_73] : memref<6x2x120xi32, #tpu.memory_space<vmem>> -> memref<1x1x120xi32, #tpu.memory_space<vmem>>
      %dma_wait3A_75 = tpu.memref_squeeze %dma_wait3A_74 : memref<1x1x120xi32, #tpu.memory_space<vmem>> -> memref<120xi32, #tpu.memory_space<vmem>>
      %dma_wait3A_76 = arith.constant 0 : i32
      %dma_wait3A_77 = arith.constant 0 : i32
      %dma_wait3A_78 = tpu.memref_slice %arg2[%dma_wait3A_76, %dma_wait3A_77] : memref<10112x128xf32, #tpu.memory_space<hbm>> -> memref<10112x128xf32, #tpu.memory_space<hbm>>
      tpu.wait_indirect_dma semaphore(%arg9 : memref<!tpu.dma_semaphore, #tpu.memory_space<semaphore_mem>>) src(%dma_wait3A_78 : memref<10112x128xf32, #tpu.memory_space<hbm>>) dst(%dma_wait3A_72 : memref<120x128xf32, #tpu.memory_space<vmem>>)
      %dma_start3A_79 = arith.constant 0 : i32
      %dma_start3A_80 = arith.constant 0 : i32
      %dma_start3A_81 = arith.constant 1 : i32
      %dma_start3A_82 = arith.constant 0 : i32
      %dma_start3A_83 = arith.constant 0 : i32
      %dma_start3A_84 = tpu.memref_slice %arg7[%dma_start3A_79, %dma_start3A_82, %dma_start3A_83] : memref<3x120x128xf32, #tpu.memory_space<vmem>> -> memref<1x120x128xf32, #tpu.memory_space<vmem>>
      %dma_start3A_85 = tpu.memref_squeeze %dma_start3A_84 : memref<1x120x128xf32, #tpu.memory_space<vmem>> -> memref<120x128xf32, #tpu.memory_space<vmem>>
      %dma_start3A_86 = arith.constant 0 : i32
      %dma_start3A_87 = tpu.memref_slice %arg6[%dma_start3A_80, %dma_start3A_81, %dma_start3A_86] : memref<6x2x120xi32, #tpu.memory_space<vmem>> -> memref<1x1x120xi32, #tpu.memory_space<vmem>>
      %dma_start3A_88 = tpu.memref_squeeze %dma_start3A_87 : memref<1x1x120xi32, #tpu.memory_space<vmem>> -> memref<120xi32, #tpu.memory_space<vmem>>
      %dma_start3A_89 = arith.constant 0 : i32
      %dma_start3A_90 = arith.constant 0 : i32
      %dma_start3A_91 = tpu.memref_slice %arg8[%dma_start3A_89, %dma_start3A_90] : memref<10112x128xf32, #tpu.memory_space<vmem_shared>> -> memref<10112x128xf32, #tpu.memory_space<vmem_shared>>
      tpu.enqueue_indirect_dma source(%dma_start3A_85 : memref<120x128xf32, #tpu.memory_space<vmem>>) target(%dma_start3A_91 : memref<10112x128xf32, #tpu.memory_space<vmem_shared>>) offsets(%dma_start3A_88 : memref<120xi32, #tpu.memory_space<vmem>>) semaphore(%arg12 : memref<!tpu.dma_semaphore, #tpu.memory_space<semaphore_mem>>) {add = true}
      %ge3A = arith.constant 1 : i32
      %ge3A_92 = arith.cmpi sge, %add3A_65, %ge3A : i32
      %convert_element_type3A = arith.extui %ge3A_92 : i1 to i32
      %cond3A = arith.constant 0 : i32
      %cond3A_93 = arith.cmpi ne, %convert_element_type3A, %cond3A : i32
      scf.if %cond3A_93 {
        %dma_wait3A_441 = arith.constant 2 : i32
        %dma_wait3A_442 = arith.constant 5 : i32
        %dma_wait3A_443 = arith.constant 1 : i32
        %dma_wait3A_444 = arith.constant 0 : i32
        %dma_wait3A_445 = arith.constant 0 : i32
        %dma_wait3A_446 = tpu.memref_slice %arg7[%dma_wait3A_441, %dma_wait3A_444, %dma_wait3A_445] : memref<3x120x128xf32, #tpu.memory_space<vmem>> -> memref<1x120x128xf32, #tpu.memory_space<vmem>>
        %dma_wait3A_447 = tpu.memref_squeeze %dma_wait3A_446 : memref<1x120x128xf32, #tpu.memory_space<vmem>> -> memref<120x128xf32, #tpu.memory_space<vmem>>
        %dma_wait3A_448 = arith.constant 0 : i32
        %dma_wait3A_449 = tpu.memref_slice %arg6[%dma_wait3A_442, %dma_wait3A_443, %dma_wait3A_448] : memref<6x2x120xi32, #tpu.memory_space<vmem>> -> memref<1x1x120xi32, #tpu.memory_space<vmem>>
        %dma_wait3A_450 = tpu.memref_squeeze %dma_wait3A_449 : memref<1x1x120xi32, #tpu.memory_space<vmem>> -> memref<120xi32, #tpu.memory_space<vmem>>
        %dma_wait3A_451 = arith.constant 0 : i32
        %dma_wait3A_452 = arith.constant 0 : i32
        %dma_wait3A_453 = tpu.memref_slice %arg8[%dma_wait3A_451, %dma_wait3A_452] : memref<10112x128xf32, #tpu.memory_space<vmem_shared>> -> memref<10112x128xf32, #tpu.memory_space<vmem_shared>>
        tpu.wait_indirect_dma semaphore(%arg14 : memref<!tpu.dma_semaphore, #tpu.memory_space<semaphore_mem>>) src(%dma_wait3A_447 : memref<120x128xf32, #tpu.memory_space<vmem>>) dst(%dma_wait3A_453 : memref<10112x128xf32, #tpu.memory_space<vmem_shared>>)
      } else {
      }
      %ge3A_94 = arith.constant 1 : i32
      %ge3A_95 = arith.cmpi sge, %add3A_65, %ge3A_94 : i32
      %add3A_96 = arith.constant 5 : i32
      %add3A_97 = arith.addi %add3A_65, %add3A_96 : i32
      %lt3A = arith.constant 84 : i32
      %lt3A_98 = arith.cmpi slt, %add3A_97, %lt3A : i32
      %and3A = arith.andi %ge3A_95, %lt3A_98 : i1
      %convert_element_type3A_99 = arith.extui %and3A : i1 to i32
      %cond3A_100 = arith.constant 0 : i32
      %cond3A_101 = arith.cmpi ne, %convert_element_type3A_99, %cond3A_100 : i32
      scf.if %cond3A_101 {
        %add3A_441 = arith.constant 5 : i32
        %add3A_442 = arith.addi %add3A_65, %add3A_441 : i32
        %dma_start3A_443 = arith.constant 5 : i32
        %dma_start3A_444 = arith.constant 0 : i32
        %dma_start3A_445 = arith.constant 0 : i32
        %dma_start3A_446 = tpu.memref_slice %arg6[%dma_start3A_443, %dma_start3A_444, %dma_start3A_445] : memref<6x2x120xi32, #tpu.memory_space<vmem>> -> memref<1x2x120xi32, #tpu.memory_space<vmem>>
        %dma_start3A_447 = tpu.memref_squeeze %dma_start3A_446 : memref<1x2x120xi32, #tpu.memory_space<vmem>> -> memref<2x120xi32, #tpu.memory_space<vmem>>
        %dma_start3A_448 = arith.constant 0 : i32
        %dma_start3A_449 = arith.constant 0 : i32
        %dma_start3A_450 = tpu.memref_slice %arg3[%add3A, %add3A_442, %dma_start3A_448, %dma_start3A_449] : memref<32x84x2x120xi32, #tpu.memory_space<hbm>> -> memref<1x1x2x120xi32, #tpu.memory_space<hbm>>
        %dma_start3A_451 = tpu.memref_squeeze %dma_start3A_450 : memref<1x1x2x120xi32, #tpu.memory_space<hbm>> -> memref<2x120xi32, #tpu.memory_space<hbm>>
        %dma_start3A_452 = arith.constant 0 : i32
        %dma_start3A_453 = arith.constant 0 : i32
        %dma_start3A_454 = tpu.memref_slice %arg6[%dma_start3A_443, %dma_start3A_452, %dma_start3A_453] : memref<6x2x120xi32, #tpu.memory_space<vmem>> -> memref<1x2x120xi32, #tpu.memory_space<vmem>>
        %dma_start3A_455 = tpu.memref_squeeze %dma_start3A_454 : memref<1x2x120xi32, #tpu.memory_space<vmem>> -> memref<2x120xi32, #tpu.memory_space<vmem>>
        %dma_start3A_456 = arith.constant 0 : i32
        %dma_start3A_457 = arith.constant 0 : i32
        %dma_start3A_458 = tpu.memref_slice %arg3[%add3A, %add3A_442, %dma_start3A_456, %dma_start3A_457] : memref<32x84x2x120xi32, #tpu.memory_space<hbm>> -> memref<1x1x2x120xi32, #tpu.memory_space<hbm>>
        %dma_start3A_459 = tpu.memref_squeeze %dma_start3A_458 : memref<1x1x2x120xi32, #tpu.memory_space<hbm>> -> memref<2x120xi32, #tpu.memory_space<hbm>>
        tpu.enqueue_dma source(%dma_start3A_459 : memref<2x120xi32, #tpu.memory_space<hbm>>) target(%dma_start3A_455 : memref<2x120xi32, #tpu.memory_space<vmem>>) target_semaphore(%arg20 : memref<!tpu.dma_semaphore, #tpu.memory_space<semaphore_mem>>)
      } else {
      }
      %add3A_102 = arith.constant 2 : i32
      %add3A_103 = arith.addi %add3A_65, %add3A_102 : i32
      %ge3A_104 = arith.constant 6 : i32
      %ge3A_105 = arith.cmpi sge, %add3A_103, %ge3A_104 : i32
      %add3A_106 = arith.constant 2 : i32
      %add3A_107 = arith.addi %add3A_65, %add3A_106 : i32
      %lt3A_108 = arith.constant 84 : i32
      %lt3A_109 = arith.cmpi slt, %add3A_107, %lt3A_108 : i32
      %and3A_110 = arith.andi %ge3A_105, %lt3A_109 : i1
      %convert_element_type3A_111 = arith.extui %and3A_110 : i1 to i32
      %cond3A_112 = arith.constant 0 : i32
      %cond3A_113 = arith.cmpi ne, %convert_element_type3A_111, %cond3A_112 : i32
      scf.if %cond3A_113 {
        %add3A_441 = arith.constant 2 : i32
        %add3A_442 = arith.addi %add3A_65, %add3A_441 : i32
        %dma_wait3A_443 = arith.constant 2 : i32
        %dma_wait3A_444 = arith.constant 0 : i32
        %dma_wait3A_445 = arith.constant 0 : i32
        %dma_wait3A_446 = tpu.memref_slice %arg6[%dma_wait3A_443, %dma_wait3A_444, %dma_wait3A_445] : memref<6x2x120xi32, #tpu.memory_space<vmem>> -> memref<1x2x120xi32, #tpu.memory_space<vmem>>
        %dma_wait3A_447 = tpu.memref_squeeze %dma_wait3A_446 : memref<1x2x120xi32, #tpu.memory_space<vmem>> -> memref<2x120xi32, #tpu.memory_space<vmem>>
        %dma_wait3A_448 = arith.constant 0 : i32
        %dma_wait3A_449 = arith.constant 0 : i32
        %dma_wait3A_450 = tpu.memref_slice %arg3[%add3A, %add3A_442, %dma_wait3A_448, %dma_wait3A_449] : memref<32x84x2x120xi32, #tpu.memory_space<hbm>> -> memref<1x1x2x120xi32, #tpu.memory_space<hbm>>
        %dma_wait3A_451 = tpu.memref_squeeze %dma_wait3A_450 : memref<1x1x2x120xi32, #tpu.memory_space<hbm>> -> memref<2x120xi32, #tpu.memory_space<hbm>>
        %dma_wait3A_452 = arith.constant 0 : i32
        %dma_wait3A_453 = arith.constant 0 : i32
        %dma_wait3A_454 = tpu.memref_slice %arg6[%dma_wait3A_443, %dma_wait3A_452, %dma_wait3A_453] : memref<6x2x120xi32, #tpu.memory_space<vmem>> -> memref<1x2x120xi32, #tpu.memory_space<vmem>>
        %dma_wait3A_455 = tpu.memref_squeeze %dma_wait3A_454 : memref<1x2x120xi32, #tpu.memory_space<vmem>> -> memref<2x120xi32, #tpu.memory_space<vmem>>
        %dma_wait3A_456 = arith.constant 0 : i32
        %dma_wait3A_457 = arith.constant 0 : i32
        %dma_wait3A_458 = tpu.memref_slice %arg3[%add3A, %add3A_442, %dma_wait3A_456, %dma_wait3A_457] : memref<32x84x2x120xi32, #tpu.memory_space<hbm>> -> memref<1x1x2x120xi32, #tpu.memory_space<hbm>>
        %dma_wait3A_459 = tpu.memref_squeeze %dma_wait3A_458 : memref<1x1x2x120xi32, #tpu.memory_space<hbm>> -> memref<2x120xi32, #tpu.memory_space<hbm>>
        tpu.wait_dma2 semaphore(%arg17 : memref<!tpu.dma_semaphore, #tpu.memory_space<semaphore_mem>>) src(%dma_wait3A_459 : memref<2x120xi32, #tpu.memory_space<hbm>>) dst(%dma_wait3A_455 : memref<2x120xi32, #tpu.memory_space<vmem>>)
      } else {
      }
      %add3A_114 = arith.constant 2 : i32
      %add3A_115 = arith.addi %add3A_65, %add3A_114 : i32
      %lt3A_116 = arith.constant 84 : i32
      %lt3A_117 = arith.cmpi slt, %add3A_115, %lt3A_116 : i32
      %convert_element_type3A_118 = arith.extui %lt3A_117 : i1 to i32
      %cond3A_119 = arith.constant 0 : i32
      %cond3A_120 = arith.cmpi ne, %convert_element_type3A_118, %cond3A_119 : i32
      scf.if %cond3A_120 {
        %dma_start3A_441 = arith.constant 2 : i32
        %dma_start3A_442 = arith.constant 0 : i32
        %dma_start3A_443 = arith.constant 2 : i32
        %dma_start3A_444 = arith.constant 0 : i32
        %dma_start3A_445 = arith.constant 0 : i32
        %dma_start3A_446 = tpu.memref_slice %arg7[%dma_start3A_443, %dma_start3A_444, %dma_start3A_445] : memref<3x120x128xf32, #tpu.memory_space<vmem>> -> memref<1x120x128xf32, #tpu.memory_space<vmem>>
        %dma_start3A_447 = tpu.memref_squeeze %dma_start3A_446 : memref<1x120x128xf32, #tpu.memory_space<vmem>> -> memref<120x128xf32, #tpu.memory_space<vmem>>
        %dma_start3A_448 = arith.constant 0 : i32
        %dma_start3A_449 = tpu.memref_slice %arg6[%dma_start3A_441, %dma_start3A_442, %dma_start3A_448] : memref<6x2x120xi32, #tpu.memory_space<vmem>> -> memref<1x1x120xi32, #tpu.memory_space<vmem>>
        %dma_start3A_450 = tpu.memref_squeeze %dma_start3A_449 : memref<1x1x120xi32, #tpu.memory_space<vmem>> -> memref<120xi32, #tpu.memory_space<vmem>>
        %dma_start3A_451 = arith.constant 0 : i32
        %dma_start3A_452 = arith.constant 0 : i32
        %dma_start3A_453 = tpu.memref_slice %arg2[%dma_start3A_451, %dma_start3A_452] : memref<10112x128xf32, #tpu.memory_space<hbm>> -> memref<10112x128xf32, #tpu.memory_space<hbm>>
        tpu.enqueue_indirect_dma source(%dma_start3A_453 : memref<10112x128xf32, #tpu.memory_space<hbm>>) target(%dma_start3A_447 : memref<120x128xf32, #tpu.memory_space<vmem>>) offsets(%dma_start3A_450 : memref<120xi32, #tpu.memory_space<vmem>>) semaphore(%arg11 : memref<!tpu.dma_semaphore, #tpu.memory_space<semaphore_mem>>)
      } else {
      }
      %mul3A_121 = arith.constant 6 : i32
      %mul3A_122 = arith.muli %mul3A_121, %scan3A_61 : i32
      %add3A_123 = arith.constant 1 : i32
      %add3A_124 = arith.addi %mul3A_122, %add3A_123 : i32
      %dma_wait3A_125 = arith.constant 1 : i32
      %dma_wait3A_126 = arith.constant 0 : i32
      %dma_wait3A_127 = arith.constant 1 : i32
      %dma_wait3A_128 = arith.constant 0 : i32
      %dma_wait3A_129 = arith.constant 0 : i32
      %dma_wait3A_130 = tpu.memref_slice %arg7[%dma_wait3A_127, %dma_wait3A_128, %dma_wait3A_129] : memref<3x120x128xf32, #tpu.memory_space<vmem>> -> memref<1x120x128xf32, #tpu.memory_space<vmem>>
      %dma_wait3A_131 = tpu.memref_squeeze %dma_wait3A_130 : memref<1x120x128xf32, #tpu.memory_space<vmem>> -> memref<120x128xf32, #tpu.memory_space<vmem>>
      %dma_wait3A_132 = arith.constant 0 : i32
      %dma_wait3A_133 = tpu.memref_slice %arg6[%dma_wait3A_125, %dma_wait3A_126, %dma_wait3A_132] : memref<6x2x120xi32, #tpu.memory_space<vmem>> -> memref<1x1x120xi32, #tpu.memory_space<vmem>>
      %dma_wait3A_134 = tpu.memref_squeeze %dma_wait3A_133 : memref<1x1x120xi32, #tpu.memory_space<vmem>> -> memref<120xi32, #tpu.memory_space<vmem>>
      %dma_wait3A_135 = arith.constant 0 : i32
      %dma_wait3A_136 = arith.constant 0 : i32
      %dma_wait3A_137 = tpu.memref_slice %arg2[%dma_wait3A_135, %dma_wait3A_136] : memref<10112x128xf32, #tpu.memory_space<hbm>> -> memref<10112x128xf32, #tpu.memory_space<hbm>>
      tpu.wait_indirect_dma semaphore(%arg10 : memref<!tpu.dma_semaphore, #tpu.memory_space<semaphore_mem>>) src(%dma_wait3A_137 : memref<10112x128xf32, #tpu.memory_space<hbm>>) dst(%dma_wait3A_131 : memref<120x128xf32, #tpu.memory_space<vmem>>)
      %dma_start3A_138 = arith.constant 1 : i32
      %dma_start3A_139 = arith.constant 1 : i32
      %dma_start3A_140 = arith.constant 1 : i32
      %dma_start3A_141 = arith.constant 0 : i32
      %dma_start3A_142 = arith.constant 0 : i32
      %dma_start3A_143 = tpu.memref_slice %arg7[%dma_start3A_138, %dma_start3A_141, %dma_start3A_142] : memref<3x120x128xf32, #tpu.memory_space<vmem>> -> memref<1x120x128xf32, #tpu.memory_space<vmem>>
      %dma_start3A_144 = tpu.memref_squeeze %dma_start3A_143 : memref<1x120x128xf32, #tpu.memory_space<vmem>> -> memref<120x128xf32, #tpu.memory_space<vmem>>
      %dma_start3A_145 = arith.constant 0 : i32
      %dma_start3A_146 = tpu.memref_slice %arg6[%dma_start3A_139, %dma_start3A_140, %dma_start3A_145] : memref<6x2x120xi32, #tpu.memory_space<vmem>> -> memref<1x1x120xi32, #tpu.memory_space<vmem>>
      %dma_start3A_147 = tpu.memref_squeeze %dma_start3A_146 : memref<1x1x120xi32, #tpu.memory_space<vmem>> -> memref<120xi32, #tpu.memory_space<vmem>>
      %dma_start3A_148 = arith.constant 0 : i32
      %dma_start3A_149 = arith.constant 0 : i32
      %dma_start3A_150 = tpu.memref_slice %arg8[%dma_start3A_148, %dma_start3A_149] : memref<10112x128xf32, #tpu.memory_space<vmem_shared>> -> memref<10112x128xf32, #tpu.memory_space<vmem_shared>>
      tpu.enqueue_indirect_dma source(%dma_start3A_144 : memref<120x128xf32, #tpu.memory_space<vmem>>) target(%dma_start3A_150 : memref<10112x128xf32, #tpu.memory_space<vmem_shared>>) offsets(%dma_start3A_147 : memref<120xi32, #tpu.memory_space<vmem>>) semaphore(%arg13 : memref<!tpu.dma_semaphore, #tpu.memory_space<semaphore_mem>>) {add = true}
      %ge3A_151 = arith.constant 1 : i32
      %ge3A_152 = arith.cmpi sge, %add3A_124, %ge3A_151 : i32
      %convert_element_type3A_153 = arith.extui %ge3A_152 : i1 to i32
      %cond3A_154 = arith.constant 0 : i32
      %cond3A_155 = arith.cmpi ne, %convert_element_type3A_153, %cond3A_154 : i32
      scf.if %cond3A_155 {
        %dma_wait3A_441 = arith.constant 0 : i32
        %dma_wait3A_442 = arith.constant 0 : i32
        %dma_wait3A_443 = arith.constant 1 : i32
        %dma_wait3A_444 = arith.constant 0 : i32
        %dma_wait3A_445 = arith.constant 0 : i32
        %dma_wait3A_446 = tpu.memref_slice %arg7[%dma_wait3A_441, %dma_wait3A_444, %dma_wait3A_445] : memref<3x120x128xf32, #tpu.memory_space<vmem>> -> memref<1x120x128xf32, #tpu.memory_space<vmem>>
        %dma_wait3A_447 = tpu.memref_squeeze %dma_wait3A_446 : memref<1x120x128xf32, #tpu.memory_space<vmem>> -> memref<120x128xf32, #tpu.memory_space<vmem>>
        %dma_wait3A_448 = arith.constant 0 : i32
        %dma_wait3A_449 = tpu.memref_slice %arg6[%dma_wait3A_442, %dma_wait3A_443, %dma_wait3A_448] : memref<6x2x120xi32, #tpu.memory_space<vmem>> -> memref<1x1x120xi32, #tpu.memory_space<vmem>>
        %dma_wait3A_450 = tpu.memref_squeeze %dma_wait3A_449 : memref<1x1x120xi32, #tpu.memory_space<vmem>> -> memref<120xi32, #tpu.memory_space<vmem>>
        %dma_wait3A_451 = arith.constant 0 : i32
        %dma_wait3A_452 = arith.constant 0 : i32
        %dma_wait3A_453 = tpu.memref_slice %arg8[%dma_wait3A_451, %dma_wait3A_452] : memref<10112x128xf32, #tpu.memory_space<vmem_shared>> -> memref<10112x128xf32, #tpu.memory_space<vmem_shared>>
        tpu.wait_indirect_dma semaphore(%arg12 : memref<!tpu.dma_semaphore, #tpu.memory_space<semaphore_mem>>) src(%dma_wait3A_447 : memref<120x128xf32, #tpu.memory_space<vmem>>) dst(%dma_wait3A_453 : memref<10112x128xf32, #tpu.memory_space<vmem_shared>>)
      } else {
      }
      %ge3A_156 = arith.constant 1 : i32
      %ge3A_157 = arith.cmpi sge, %add3A_124, %ge3A_156 : i32
      %add3A_158 = arith.constant 5 : i32
      %add3A_159 = arith.addi %add3A_124, %add3A_158 : i32
      %lt3A_160 = arith.constant 84 : i32
      %lt3A_161 = arith.cmpi slt, %add3A_159, %lt3A_160 : i32
      %and3A_162 = arith.andi %ge3A_157, %lt3A_161 : i1
      %convert_element_type3A_163 = arith.extui %and3A_162 : i1 to i32
      %cond3A_164 = arith.constant 0 : i32
      %cond3A_165 = arith.cmpi ne, %convert_element_type3A_163, %cond3A_164 : i32
      scf.if %cond3A_165 {
        %add3A_441 = arith.constant 5 : i32
        %add3A_442 = arith.addi %add3A_124, %add3A_441 : i32
        %dma_start3A_443 = arith.constant 0 : i32
        %dma_start3A_444 = arith.constant 0 : i32
        %dma_start3A_445 = arith.constant 0 : i32
        %dma_start3A_446 = tpu.memref_slice %arg6[%dma_start3A_443, %dma_start3A_444, %dma_start3A_445] : memref<6x2x120xi32, #tpu.memory_space<vmem>> -> memref<1x2x120xi32, #tpu.memory_space<vmem>>
        %dma_start3A_447 = tpu.memref_squeeze %dma_start3A_446 : memref<1x2x120xi32, #tpu.memory_space<vmem>> -> memref<2x120xi32, #tpu.memory_space<vmem>>
        %dma_start3A_448 = arith.constant 0 : i32
        %dma_start3A_449 = arith.constant 0 : i32
        %dma_start3A_450 = tpu.memref_slice %arg3[%add3A, %add3A_442, %dma_start3A_448, %dma_start3A_449] : memref<32x84x2x120xi32, #tpu.memory_space<hbm>> -> memref<1x1x2x120xi32, #tpu.memory_space<hbm>>
        %dma_start3A_451 = tpu.memref_squeeze %dma_start3A_450 : memref<1x1x2x120xi32, #tpu.memory_space<hbm>> -> memref<2x120xi32, #tpu.memory_space<hbm>>
        %dma_start3A_452 = arith.constant 0 : i32
        %dma_start3A_453 = arith.constant 0 : i32
        %dma_start3A_454 = tpu.memref_slice %arg6[%dma_start3A_443, %dma_start3A_452, %dma_start3A_453] : memref<6x2x120xi32, #tpu.memory_space<vmem>> -> memref<1x2x120xi32, #tpu.memory_space<vmem>>
        %dma_start3A_455 = tpu.memref_squeeze %dma_start3A_454 : memref<1x2x120xi32, #tpu.memory_space<vmem>> -> memref<2x120xi32, #tpu.memory_space<vmem>>
        %dma_start3A_456 = arith.constant 0 : i32
        %dma_start3A_457 = arith.constant 0 : i32
        %dma_start3A_458 = tpu.memref_slice %arg3[%add3A, %add3A_442, %dma_start3A_456, %dma_start3A_457] : memref<32x84x2x120xi32, #tpu.memory_space<hbm>> -> memref<1x1x2x120xi32, #tpu.memory_space<hbm>>
        %dma_start3A_459 = tpu.memref_squeeze %dma_start3A_458 : memref<1x1x2x120xi32, #tpu.memory_space<hbm>> -> memref<2x120xi32, #tpu.memory_space<hbm>>
        tpu.enqueue_dma source(%dma_start3A_459 : memref<2x120xi32, #tpu.memory_space<hbm>>) target(%dma_start3A_455 : memref<2x120xi32, #tpu.memory_space<vmem>>) target_semaphore(%arg15 : memref<!tpu.dma_semaphore, #tpu.memory_space<semaphore_mem>>)
      } else {
      }
      %add3A_166 = arith.constant 2 : i32
      %add3A_167 = arith.addi %add3A_124, %add3A_166 : i32
      %ge3A_168 = arith.constant 6 : i32
      %ge3A_169 = arith.cmpi sge, %add3A_167, %ge3A_168 : i32
      %add3A_170 = arith.constant 2 : i32
      %add3A_171 = arith.addi %add3A_124, %add3A_170 : i32
      %lt3A_172 = arith.constant 84 : i32
      %lt3A_173 = arith.cmpi slt, %add3A_171, %lt3A_172 : i32
      %and3A_174 = arith.andi %ge3A_169, %lt3A_173 : i1
      %convert_element_type3A_175 = arith.extui %and3A_174 : i1 to i32
      %cond3A_176 = arith.constant 0 : i32
      %cond3A_177 = arith.cmpi ne, %convert_element_type3A_175, %cond3A_176 : i32
      scf.if %cond3A_177 {
        %add3A_441 = arith.constant 2 : i32
        %add3A_442 = arith.addi %add3A_124, %add3A_441 : i32
        %dma_wait3A_443 = arith.constant 3 : i32
        %dma_wait3A_444 = arith.constant 0 : i32
        %dma_wait3A_445 = arith.constant 0 : i32
        %dma_wait3A_446 = tpu.memref_slice %arg6[%dma_wait3A_443, %dma_wait3A_444, %dma_wait3A_445] : memref<6x2x120xi32, #tpu.memory_space<vmem>> -> memref<1x2x120xi32, #tpu.memory_space<vmem>>
        %dma_wait3A_447 = tpu.memref_squeeze %dma_wait3A_446 : memref<1x2x120xi32, #tpu.memory_space<vmem>> -> memref<2x120xi32, #tpu.memory_space<vmem>>
        %dma_wait3A_448 = arith.constant 0 : i32
        %dma_wait3A_449 = arith.constant 0 : i32
        %dma_wait3A_450 = tpu.memref_slice %arg3[%add3A, %add3A_442, %dma_wait3A_448, %dma_wait3A_449] : memref<32x84x2x120xi32, #tpu.memory_space<hbm>> -> memref<1x1x2x120xi32, #tpu.memory_space<hbm>>
        %dma_wait3A_451 = tpu.memref_squeeze %dma_wait3A_450 : memref<1x1x2x120xi32, #tpu.memory_space<hbm>> -> memref<2x120xi32, #tpu.memory_space<hbm>>
        %dma_wait3A_452 = arith.constant 0 : i32
        %dma_wait3A_453 = arith.constant 0 : i32
        %dma_wait3A_454 = tpu.memref_slice %arg6[%dma_wait3A_443, %dma_wait3A_452, %dma_wait3A_453] : memref<6x2x120xi32, #tpu.memory_space<vmem>> -> memref<1x2x120xi32, #tpu.memory_space<vmem>>
        %dma_wait3A_455 = tpu.memref_squeeze %dma_wait3A_454 : memref<1x2x120xi32, #tpu.memory_space<vmem>> -> memref<2x120xi32, #tpu.memory_space<vmem>>
        %dma_wait3A_456 = arith.constant 0 : i32
        %dma_wait3A_457 = arith.constant 0 : i32
        %dma_wait3A_458 = tpu.memref_slice %arg3[%add3A, %add3A_442, %dma_wait3A_456, %dma_wait3A_457] : memref<32x84x2x120xi32, #tpu.memory_space<hbm>> -> memref<1x1x2x120xi32, #tpu.memory_space<hbm>>
        %dma_wait3A_459 = tpu.memref_squeeze %dma_wait3A_458 : memref<1x1x2x120xi32, #tpu.memory_space<hbm>> -> memref<2x120xi32, #tpu.memory_space<hbm>>
        tpu.wait_dma2 semaphore(%arg18 : memref<!tpu.dma_semaphore, #tpu.memory_space<semaphore_mem>>) src(%dma_wait3A_459 : memref<2x120xi32, #tpu.memory_space<hbm>>) dst(%dma_wait3A_455 : memref<2x120xi32, #tpu.memory_space<vmem>>)
      } else {
      }
      %add3A_178 = arith.constant 2 : i32
      %add3A_179 = arith.addi %add3A_124, %add3A_178 : i32
      %lt3A_180 = arith.constant 84 : i32
      %lt3A_181 = arith.cmpi slt, %add3A_179, %lt3A_180 : i32
      %convert_element_type3A_182 = arith.extui %lt3A_181 : i1 to i32
      %cond3A_183 = arith.constant 0 : i32
      %cond3A_184 = arith.cmpi ne, %convert_element_type3A_182, %cond3A_183 : i32
      scf.if %cond3A_184 {
        %dma_start3A_441 = arith.constant 3 : i32
        %dma_start3A_442 = arith.constant 0 : i32
        %dma_start3A_443 = arith.constant 0 : i32
        %dma_start3A_444 = arith.constant 0 : i32
        %dma_start3A_445 = arith.constant 0 : i32
        %dma_start3A_446 = tpu.memref_slice %arg7[%dma_start3A_443, %dma_start3A_444, %dma_start3A_445] : memref<3x120x128xf32, #tpu.memory_space<vmem>> -> memref<1x120x128xf32, #tpu.memory_space<vmem>>
        %dma_start3A_447 = tpu.memref_squeeze %dma_start3A_446 : memref<1x120x128xf32, #tpu.memory_space<vmem>> -> memref<120x128xf32, #tpu.memory_space<vmem>>
        %dma_start3A_448 = arith.constant 0 : i32
        %dma_start3A_449 = tpu.memref_slice %arg6[%dma_start3A_441, %dma_start3A_442, %dma_start3A_448] : memref<6x2x120xi32, #tpu.memory_space<vmem>> -> memref<1x1x120xi32, #tpu.memory_space<vmem>>
        %dma_start3A_450 = tpu.memref_squeeze %dma_start3A_449 : memref<1x1x120xi32, #tpu.memory_space<vmem>> -> memref<120xi32, #tpu.memory_space<vmem>>
        %dma_start3A_451 = arith.constant 0 : i32
        %dma_start3A_452 = arith.constant 0 : i32
        %dma_start3A_453 = tpu.memref_slice %arg2[%dma_start3A_451, %dma_start3A_452] : memref<10112x128xf32, #tpu.memory_space<hbm>> -> memref<10112x128xf32, #tpu.memory_space<hbm>>
        tpu.enqueue_indirect_dma source(%dma_start3A_453 : memref<10112x128xf32, #tpu.memory_space<hbm>>) target(%dma_start3A_447 : memref<120x128xf32, #tpu.memory_space<vmem>>) offsets(%dma_start3A_450 : memref<120xi32, #tpu.memory_space<vmem>>) semaphore(%arg9 : memref<!tpu.dma_semaphore, #tpu.memory_space<semaphore_mem>>)
      } else {
      }
      %mul3A_185 = arith.constant 6 : i32
      %mul3A_186 = arith.muli %mul3A_185, %scan3A_61 : i32
      %add3A_187 = arith.constant 2 : i32
      %add3A_188 = arith.addi %mul3A_186, %add3A_187 : i32
      %dma_wait3A_189 = arith.constant 2 : i32
      %dma_wait3A_190 = arith.constant 0 : i32
      %dma_wait3A_191 = arith.constant 2 : i32
      %dma_wait3A_192 = arith.constant 0 : i32
      %dma_wait3A_193 = arith.constant 0 : i32
      %dma_wait3A_194 = tpu.memref_slice %arg7[%dma_wait3A_191, %dma_wait3A_192, %dma_wait3A_193] : memref<3x120x128xf32, #tpu.memory_space<vmem>> -> memref<1x120x128xf32, #tpu.memory_space<vmem>>
      %dma_wait3A_195 = tpu.memref_squeeze %dma_wait3A_194 : memref<1x120x128xf32, #tpu.memory_space<vmem>> -> memref<120x128xf32, #tpu.memory_space<vmem>>
      %dma_wait3A_196 = arith.constant 0 : i32
      %dma_wait3A_197 = tpu.memref_slice %arg6[%dma_wait3A_189, %dma_wait3A_190, %dma_wait3A_196] : memref<6x2x120xi32, #tpu.memory_space<vmem>> -> memref<1x1x120xi32, #tpu.memory_space<vmem>>
      %dma_wait3A_198 = tpu.memref_squeeze %dma_wait3A_197 : memref<1x1x120xi32, #tpu.memory_space<vmem>> -> memref<120xi32, #tpu.memory_space<vmem>>
      %dma_wait3A_199 = arith.constant 0 : i32
      %dma_wait3A_200 = arith.constant 0 : i32
      %dma_wait3A_201 = tpu.memref_slice %arg2[%dma_wait3A_199, %dma_wait3A_200] : memref<10112x128xf32, #tpu.memory_space<hbm>> -> memref<10112x128xf32, #tpu.memory_space<hbm>>
      tpu.wait_indirect_dma semaphore(%arg11 : memref<!tpu.dma_semaphore, #tpu.memory_space<semaphore_mem>>) src(%dma_wait3A_201 : memref<10112x128xf32, #tpu.memory_space<hbm>>) dst(%dma_wait3A_195 : memref<120x128xf32, #tpu.memory_space<vmem>>)
      %dma_start3A_202 = arith.constant 2 : i32
      %dma_start3A_203 = arith.constant 2 : i32
      %dma_start3A_204 = arith.constant 1 : i32
      %dma_start3A_205 = arith.constant 0 : i32
      %dma_start3A_206 = arith.constant 0 : i32
      %dma_start3A_207 = tpu.memref_slice %arg7[%dma_start3A_202, %dma_start3A_205, %dma_start3A_206] : memref<3x120x128xf32, #tpu.memory_space<vmem>> -> memref<1x120x128xf32, #tpu.memory_space<vmem>>
      %dma_start3A_208 = tpu.memref_squeeze %dma_start3A_207 : memref<1x120x128xf32, #tpu.memory_space<vmem>> -> memref<120x128xf32, #tpu.memory_space<vmem>>
      %dma_start3A_209 = arith.constant 0 : i32
      %dma_start3A_210 = tpu.memref_slice %arg6[%dma_start3A_203, %dma_start3A_204, %dma_start3A_209] : memref<6x2x120xi32, #tpu.memory_space<vmem>> -> memref<1x1x120xi32, #tpu.memory_space<vmem>>
      %dma_start3A_211 = tpu.memref_squeeze %dma_start3A_210 : memref<1x1x120xi32, #tpu.memory_space<vmem>> -> memref<120xi32, #tpu.memory_space<vmem>>
      %dma_start3A_212 = arith.constant 0 : i32
      %dma_start3A_213 = arith.constant 0 : i32
      %dma_start3A_214 = tpu.memref_slice %arg8[%dma_start3A_212, %dma_start3A_213] : memref<10112x128xf32, #tpu.memory_space<vmem_shared>> -> memref<10112x128xf32, #tpu.memory_space<vmem_shared>>
      tpu.enqueue_indirect_dma source(%dma_start3A_208 : memref<120x128xf32, #tpu.memory_space<vmem>>) target(%dma_start3A_214 : memref<10112x128xf32, #tpu.memory_space<vmem_shared>>) offsets(%dma_start3A_211 : memref<120xi32, #tpu.memory_space<vmem>>) semaphore(%arg14 : memref<!tpu.dma_semaphore, #tpu.memory_space<semaphore_mem>>) {add = true}
      %ge3A_215 = arith.constant 1 : i32
      %ge3A_216 = arith.cmpi sge, %add3A_188, %ge3A_215 : i32
      %convert_element_type3A_217 = arith.extui %ge3A_216 : i1 to i32
      %cond3A_218 = arith.constant 0 : i32
      %cond3A_219 = arith.cmpi ne, %convert_element_type3A_217, %cond3A_218 : i32
      scf.if %cond3A_219 {
        %dma_wait3A_441 = arith.constant 1 : i32
        %dma_wait3A_442 = arith.constant 1 : i32
        %dma_wait3A_443 = arith.constant 1 : i32
        %dma_wait3A_444 = arith.constant 0 : i32
        %dma_wait3A_445 = arith.constant 0 : i32
        %dma_wait3A_446 = tpu.memref_slice %arg7[%dma_wait3A_441, %dma_wait3A_444, %dma_wait3A_445] : memref<3x120x128xf32, #tpu.memory_space<vmem>> -> memref<1x120x128xf32, #tpu.memory_space<vmem>>
        %dma_wait3A_447 = tpu.memref_squeeze %dma_wait3A_446 : memref<1x120x128xf32, #tpu.memory_space<vmem>> -> memref<120x128xf32, #tpu.memory_space<vmem>>
        %dma_wait3A_448 = arith.constant 0 : i32
        %dma_wait3A_449 = tpu.memref_slice %arg6[%dma_wait3A_442, %dma_wait3A_443, %dma_wait3A_448] : memref<6x2x120xi32, #tpu.memory_space<vmem>> -> memref<1x1x120xi32, #tpu.memory_space<vmem>>
        %dma_wait3A_450 = tpu.memref_squeeze %dma_wait3A_449 : memref<1x1x120xi32, #tpu.memory_space<vmem>> -> memref<120xi32, #tpu.memory_space<vmem>>
        %dma_wait3A_451 = arith.constant 0 : i32
        %dma_wait3A_452 = arith.constant 0 : i32
        %dma_wait3A_453 = tpu.memref_slice %arg8[%dma_wait3A_451, %dma_wait3A_452] : memref<10112x128xf32, #tpu.memory_space<vmem_shared>> -> memref<10112x128xf32, #tpu.memory_space<vmem_shared>>
        tpu.wait_indirect_dma semaphore(%arg13 : memref<!tpu.dma_semaphore, #tpu.memory_space<semaphore_mem>>) src(%dma_wait3A_447 : memref<120x128xf32, #tpu.memory_space<vmem>>) dst(%dma_wait3A_453 : memref<10112x128xf32, #tpu.memory_space<vmem_shared>>)
      } else {
      }
      %ge3A_220 = arith.constant 1 : i32
      %ge3A_221 = arith.cmpi sge, %add3A_188, %ge3A_220 : i32
      %add3A_222 = arith.constant 5 : i32
      %add3A_223 = arith.addi %add3A_188, %add3A_222 : i32
      %lt3A_224 = arith.constant 84 : i32
      %lt3A_225 = arith.cmpi slt, %add3A_223, %lt3A_224 : i32
      %and3A_226 = arith.andi %ge3A_221, %lt3A_225 : i1
      %convert_element_type3A_227 = arith.extui %and3A_226 : i1 to i32
      %cond3A_228 = arith.constant 0 : i32
      %cond3A_229 = arith.cmpi ne, %convert_element_type3A_227, %cond3A_228 : i32
      scf.if %cond3A_229 {
        %add3A_441 = arith.constant 5 : i32
        %add3A_442 = arith.addi %add3A_188, %add3A_441 : i32
        %dma_start3A_443 = arith.constant 1 : i32
        %dma_start3A_444 = arith.constant 0 : i32
        %dma_start3A_445 = arith.constant 0 : i32
        %dma_start3A_446 = tpu.memref_slice %arg6[%dma_start3A_443, %dma_start3A_444, %dma_start3A_445] : memref<6x2x120xi32, #tpu.memory_space<vmem>> -> memref<1x2x120xi32, #tpu.memory_space<vmem>>
        %dma_start3A_447 = tpu.memref_squeeze %dma_start3A_446 : memref<1x2x120xi32, #tpu.memory_space<vmem>> -> memref<2x120xi32, #tpu.memory_space<vmem>>
        %dma_start3A_448 = arith.constant 0 : i32
        %dma_start3A_449 = arith.constant 0 : i32
        %dma_start3A_450 = tpu.memref_slice %arg3[%add3A, %add3A_442, %dma_start3A_448, %dma_start3A_449] : memref<32x84x2x120xi32, #tpu.memory_space<hbm>> -> memref<1x1x2x120xi32, #tpu.memory_space<hbm>>
        %dma_start3A_451 = tpu.memref_squeeze %dma_start3A_450 : memref<1x1x2x120xi32, #tpu.memory_space<hbm>> -> memref<2x120xi32, #tpu.memory_space<hbm>>
        %dma_start3A_452 = arith.constant 0 : i32
        %dma_start3A_453 = arith.constant 0 : i32
        %dma_start3A_454 = tpu.memref_slice %arg6[%dma_start3A_443, %dma_start3A_452, %dma_start3A_453] : memref<6x2x120xi32, #tpu.memory_space<vmem>> -> memref<1x2x120xi32, #tpu.memory_space<vmem>>
        %dma_start3A_455 = tpu.memref_squeeze %dma_start3A_454 : memref<1x2x120xi32, #tpu.memory_space<vmem>> -> memref<2x120xi32, #tpu.memory_space<vmem>>
        %dma_start3A_456 = arith.constant 0 : i32
        %dma_start3A_457 = arith.constant 0 : i32
        %dma_start3A_458 = tpu.memref_slice %arg3[%add3A, %add3A_442, %dma_start3A_456, %dma_start3A_457] : memref<32x84x2x120xi32, #tpu.memory_space<hbm>> -> memref<1x1x2x120xi32, #tpu.memory_space<hbm>>
        %dma_start3A_459 = tpu.memref_squeeze %dma_start3A_458 : memref<1x1x2x120xi32, #tpu.memory_space<hbm>> -> memref<2x120xi32, #tpu.memory_space<hbm>>
        tpu.enqueue_dma source(%dma_start3A_459 : memref<2x120xi32, #tpu.memory_space<hbm>>) target(%dma_start3A_455 : memref<2x120xi32, #tpu.memory_space<vmem>>) target_semaphore(%arg16 : memref<!tpu.dma_semaphore, #tpu.memory_space<semaphore_mem>>)
      } else {
      }
      %add3A_230 = arith.constant 2 : i32
      %add3A_231 = arith.addi %add3A_188, %add3A_230 : i32
      %ge3A_232 = arith.constant 6 : i32
      %ge3A_233 = arith.cmpi sge, %add3A_231, %ge3A_232 : i32
      %add3A_234 = arith.constant 2 : i32
      %add3A_235 = arith.addi %add3A_188, %add3A_234 : i32
      %lt3A_236 = arith.constant 84 : i32
      %lt3A_237 = arith.cmpi slt, %add3A_235, %lt3A_236 : i32
      %and3A_238 = arith.andi %ge3A_233, %lt3A_237 : i1
      %convert_element_type3A_239 = arith.extui %and3A_238 : i1 to i32
      %cond3A_240 = arith.constant 0 : i32
      %cond3A_241 = arith.cmpi ne, %convert_element_type3A_239, %cond3A_240 : i32
      scf.if %cond3A_241 {
        %add3A_441 = arith.constant 2 : i32
        %add3A_442 = arith.addi %add3A_188, %add3A_441 : i32
        %dma_wait3A_443 = arith.constant 4 : i32
        %dma_wait3A_444 = arith.constant 0 : i32
        %dma_wait3A_445 = arith.constant 0 : i32
        %dma_wait3A_446 = tpu.memref_slice %arg6[%dma_wait3A_443, %dma_wait3A_444, %dma_wait3A_445] : memref<6x2x120xi32, #tpu.memory_space<vmem>> -> memref<1x2x120xi32, #tpu.memory_space<vmem>>
        %dma_wait3A_447 = tpu.memref_squeeze %dma_wait3A_446 : memref<1x2x120xi32, #tpu.memory_space<vmem>> -> memref<2x120xi32, #tpu.memory_space<vmem>>
        %dma_wait3A_448 = arith.constant 0 : i32
        %dma_wait3A_449 = arith.constant 0 : i32
        %dma_wait3A_450 = tpu.memref_slice %arg3[%add3A, %add3A_442, %dma_wait3A_448, %dma_wait3A_449] : memref<32x84x2x120xi32, #tpu.memory_space<hbm>> -> memref<1x1x2x120xi32, #tpu.memory_space<hbm>>
        %dma_wait3A_451 = tpu.memref_squeeze %dma_wait3A_450 : memref<1x1x2x120xi32, #tpu.memory_space<hbm>> -> memref<2x120xi32, #tpu.memory_space<hbm>>
        %dma_wait3A_452 = arith.constant 0 : i32
        %dma_wait3A_453 = arith.constant 0 : i32
        %dma_wait3A_454 = tpu.memref_slice %arg6[%dma_wait3A_443, %dma_wait3A_452, %dma_wait3A_453] : memref<6x2x120xi32, #tpu.memory_space<vmem>> -> memref<1x2x120xi32, #tpu.memory_space<vmem>>
        %dma_wait3A_455 = tpu.memref_squeeze %dma_wait3A_454 : memref<1x2x120xi32, #tpu.memory_space<vmem>> -> memref<2x120xi32, #tpu.memory_space<vmem>>
        %dma_wait3A_456 = arith.constant 0 : i32
        %dma_wait3A_457 = arith.constant 0 : i32
        %dma_wait3A_458 = tpu.memref_slice %arg3[%add3A, %add3A_442, %dma_wait3A_456, %dma_wait3A_457] : memref<32x84x2x120xi32, #tpu.memory_space<hbm>> -> memref<1x1x2x120xi32, #tpu.memory_space<hbm>>
        %dma_wait3A_459 = tpu.memref_squeeze %dma_wait3A_458 : memref<1x1x2x120xi32, #tpu.memory_space<hbm>> -> memref<2x120xi32, #tpu.memory_space<hbm>>
        tpu.wait_dma2 semaphore(%arg19 : memref<!tpu.dma_semaphore, #tpu.memory_space<semaphore_mem>>) src(%dma_wait3A_459 : memref<2x120xi32, #tpu.memory_space<hbm>>) dst(%dma_wait3A_455 : memref<2x120xi32, #tpu.memory_space<vmem>>)
      } else {
      }
      %add3A_242 = arith.constant 2 : i32
      %add3A_243 = arith.addi %add3A_188, %add3A_242 : i32
      %lt3A_244 = arith.constant 84 : i32
      %lt3A_245 = arith.cmpi slt, %add3A_243, %lt3A_244 : i32
      %convert_element_type3A_246 = arith.extui %lt3A_245 : i1 to i32
      %cond3A_247 = arith.constant 0 : i32
      %cond3A_248 = arith.cmpi ne, %convert_element_type3A_246, %cond3A_247 : i32
      scf.if %cond3A_248 {
        %dma_start3A_441 = arith.constant 4 : i32
        %dma_start3A_442 = arith.constant 0 : i32
        %dma_start3A_443 = arith.constant 1 : i32
        %dma_start3A_444 = arith.constant 0 : i32
        %dma_start3A_445 = arith.constant 0 : i32
        %dma_start3A_446 = tpu.memref_slice %arg7[%dma_start3A_443, %dma_start3A_444, %dma_start3A_445] : memref<3x120x128xf32, #tpu.memory_space<vmem>> -> memref<1x120x128xf32, #tpu.memory_space<vmem>>
        %dma_start3A_447 = tpu.memref_squeeze %dma_start3A_446 : memref<1x120x128xf32, #tpu.memory_space<vmem>> -> memref<120x128xf32, #tpu.memory_space<vmem>>
        %dma_start3A_448 = arith.constant 0 : i32
        %dma_start3A_449 = tpu.memref_slice %arg6[%dma_start3A_441, %dma_start3A_442, %dma_start3A_448] : memref<6x2x120xi32, #tpu.memory_space<vmem>> -> memref<1x1x120xi32, #tpu.memory_space<vmem>>
        %dma_start3A_450 = tpu.memref_squeeze %dma_start3A_449 : memref<1x1x120xi32, #tpu.memory_space<vmem>> -> memref<120xi32, #tpu.memory_space<vmem>>
        %dma_start3A_451 = arith.constant 0 : i32
        %dma_start3A_452 = arith.constant 0 : i32
        %dma_start3A_453 = tpu.memref_slice %arg2[%dma_start3A_451, %dma_start3A_452] : memref<10112x128xf32, #tpu.memory_space<hbm>> -> memref<10112x128xf32, #tpu.memory_space<hbm>>
        tpu.enqueue_indirect_dma source(%dma_start3A_453 : memref<10112x128xf32, #tpu.memory_space<hbm>>) target(%dma_start3A_447 : memref<120x128xf32, #tpu.memory_space<vmem>>) offsets(%dma_start3A_450 : memref<120xi32, #tpu.memory_space<vmem>>) semaphore(%arg10 : memref<!tpu.dma_semaphore, #tpu.memory_space<semaphore_mem>>)
      } else {
      }
      %mul3A_249 = arith.constant 6 : i32
      %mul3A_250 = arith.muli %mul3A_249, %scan3A_61 : i32
      %add3A_251 = arith.constant 3 : i32
      %add3A_252 = arith.addi %mul3A_250, %add3A_251 : i32
      %dma_wait3A_253 = arith.constant 3 : i32
      %dma_wait3A_254 = arith.constant 0 : i32
      %dma_wait3A_255 = arith.constant 0 : i32
      %dma_wait3A_256 = arith.constant 0 : i32
      %dma_wait3A_257 = arith.constant 0 : i32
      %dma_wait3A_258 = tpu.memref_slice %arg7[%dma_wait3A_255, %dma_wait3A_256, %dma_wait3A_257] : memref<3x120x128xf32, #tpu.memory_space<vmem>> -> memref<1x120x128xf32, #tpu.memory_space<vmem>>
      %dma_wait3A_259 = tpu.memref_squeeze %dma_wait3A_258 : memref<1x120x128xf32, #tpu.memory_space<vmem>> -> memref<120x128xf32, #tpu.memory_space<vmem>>
      %dma_wait3A_260 = arith.constant 0 : i32
      %dma_wait3A_261 = tpu.memref_slice %arg6[%dma_wait3A_253, %dma_wait3A_254, %dma_wait3A_260] : memref<6x2x120xi32, #tpu.memory_space<vmem>> -> memref<1x1x120xi32, #tpu.memory_space<vmem>>
      %dma_wait3A_262 = tpu.memref_squeeze %dma_wait3A_261 : memref<1x1x120xi32, #tpu.memory_space<vmem>> -> memref<120xi32, #tpu.memory_space<vmem>>
      %dma_wait3A_263 = arith.constant 0 : i32
      %dma_wait3A_264 = arith.constant 0 : i32
      %dma_wait3A_265 = tpu.memref_slice %arg2[%dma_wait3A_263, %dma_wait3A_264] : memref<10112x128xf32, #tpu.memory_space<hbm>> -> memref<10112x128xf32, #tpu.memory_space<hbm>>
      tpu.wait_indirect_dma semaphore(%arg9 : memref<!tpu.dma_semaphore, #tpu.memory_space<semaphore_mem>>) src(%dma_wait3A_265 : memref<10112x128xf32, #tpu.memory_space<hbm>>) dst(%dma_wait3A_259 : memref<120x128xf32, #tpu.memory_space<vmem>>)
      %dma_start3A_266 = arith.constant 0 : i32
      %dma_start3A_267 = arith.constant 3 : i32
      %dma_start3A_268 = arith.constant 1 : i32
      %dma_start3A_269 = arith.constant 0 : i32
      %dma_start3A_270 = arith.constant 0 : i32
      %dma_start3A_271 = tpu.memref_slice %arg7[%dma_start3A_266, %dma_start3A_269, %dma_start3A_270] : memref<3x120x128xf32, #tpu.memory_space<vmem>> -> memref<1x120x128xf32, #tpu.memory_space<vmem>>
      %dma_start3A_272 = tpu.memref_squeeze %dma_start3A_271 : memref<1x120x128xf32, #tpu.memory_space<vmem>> -> memref<120x128xf32, #tpu.memory_space<vmem>>
      %dma_start3A_273 = arith.constant 0 : i32
      %dma_start3A_274 = tpu.memref_slice %arg6[%dma_start3A_267, %dma_start3A_268, %dma_start3A_273] : memref<6x2x120xi32, #tpu.memory_space<vmem>> -> memref<1x1x120xi32, #tpu.memory_space<vmem>>
      %dma_start3A_275 = tpu.memref_squeeze %dma_start3A_274 : memref<1x1x120xi32, #tpu.memory_space<vmem>> -> memref<120xi32, #tpu.memory_space<vmem>>
      %dma_start3A_276 = arith.constant 0 : i32
      %dma_start3A_277 = arith.constant 0 : i32
      %dma_start3A_278 = tpu.memref_slice %arg8[%dma_start3A_276, %dma_start3A_277] : memref<10112x128xf32, #tpu.memory_space<vmem_shared>> -> memref<10112x128xf32, #tpu.memory_space<vmem_shared>>
      tpu.enqueue_indirect_dma source(%dma_start3A_272 : memref<120x128xf32, #tpu.memory_space<vmem>>) target(%dma_start3A_278 : memref<10112x128xf32, #tpu.memory_space<vmem_shared>>) offsets(%dma_start3A_275 : memref<120xi32, #tpu.memory_space<vmem>>) semaphore(%arg12 : memref<!tpu.dma_semaphore, #tpu.memory_space<semaphore_mem>>) {add = true}
      %ge3A_279 = arith.constant 1 : i32
      %ge3A_280 = arith.cmpi sge, %add3A_252, %ge3A_279 : i32
      %convert_element_type3A_281 = arith.extui %ge3A_280 : i1 to i32
      %cond3A_282 = arith.constant 0 : i32
      %cond3A_283 = arith.cmpi ne, %convert_element_type3A_281, %cond3A_282 : i32
      scf.if %cond3A_283 {
        %dma_wait3A_441 = arith.constant 2 : i32
        %dma_wait3A_442 = arith.constant 2 : i32
        %dma_wait3A_443 = arith.constant 1 : i32
        %dma_wait3A_444 = arith.constant 0 : i32
        %dma_wait3A_445 = arith.constant 0 : i32
        %dma_wait3A_446 = tpu.memref_slice %arg7[%dma_wait3A_441, %dma_wait3A_444, %dma_wait3A_445] : memref<3x120x128xf32, #tpu.memory_space<vmem>> -> memref<1x120x128xf32, #tpu.memory_space<vmem>>
        %dma_wait3A_447 = tpu.memref_squeeze %dma_wait3A_446 : memref<1x120x128xf32, #tpu.memory_space<vmem>> -> memref<120x128xf32, #tpu.memory_space<vmem>>
        %dma_wait3A_448 = arith.constant 0 : i32
        %dma_wait3A_449 = tpu.memref_slice %arg6[%dma_wait3A_442, %dma_wait3A_443, %dma_wait3A_448] : memref<6x2x120xi32, #tpu.memory_space<vmem>> -> memref<1x1x120xi32, #tpu.memory_space<vmem>>
        %dma_wait3A_450 = tpu.memref_squeeze %dma_wait3A_449 : memref<1x1x120xi32, #tpu.memory_space<vmem>> -> memref<120xi32, #tpu.memory_space<vmem>>
        %dma_wait3A_451 = arith.constant 0 : i32
        %dma_wait3A_452 = arith.constant 0 : i32
        %dma_wait3A_453 = tpu.memref_slice %arg8[%dma_wait3A_451, %dma_wait3A_452] : memref<10112x128xf32, #tpu.memory_space<vmem_shared>> -> memref<10112x128xf32, #tpu.memory_space<vmem_shared>>
        tpu.wait_indirect_dma semaphore(%arg14 : memref<!tpu.dma_semaphore, #tpu.memory_space<semaphore_mem>>) src(%dma_wait3A_447 : memref<120x128xf32, #tpu.memory_space<vmem>>) dst(%dma_wait3A_453 : memref<10112x128xf32, #tpu.memory_space<vmem_shared>>)
      } else {
      }
      %ge3A_284 = arith.constant 1 : i32
      %ge3A_285 = arith.cmpi sge, %add3A_252, %ge3A_284 : i32
      %add3A_286 = arith.constant 5 : i32
      %add3A_287 = arith.addi %add3A_252, %add3A_286 : i32
      %lt3A_288 = arith.constant 84 : i32
      %lt3A_289 = arith.cmpi slt, %add3A_287, %lt3A_288 : i32
      %and3A_290 = arith.andi %ge3A_285, %lt3A_289 : i1
      %convert_element_type3A_291 = arith.extui %and3A_290 : i1 to i32
      %cond3A_292 = arith.constant 0 : i32
      %cond3A_293 = arith.cmpi ne, %convert_element_type3A_291, %cond3A_292 : i32
      scf.if %cond3A_293 {
        %add3A_441 = arith.constant 5 : i32
        %add3A_442 = arith.addi %add3A_252, %add3A_441 : i32
        %dma_start3A_443 = arith.constant 2 : i32
        %dma_start3A_444 = arith.constant 0 : i32
        %dma_start3A_445 = arith.constant 0 : i32
        %dma_start3A_446 = tpu.memref_slice %arg6[%dma_start3A_443, %dma_start3A_444, %dma_start3A_445] : memref<6x2x120xi32, #tpu.memory_space<vmem>> -> memref<1x2x120xi32, #tpu.memory_space<vmem>>
        %dma_start3A_447 = tpu.memref_squeeze %dma_start3A_446 : memref<1x2x120xi32, #tpu.memory_space<vmem>> -> memref<2x120xi32, #tpu.memory_space<vmem>>
        %dma_start3A_448 = arith.constant 0 : i32
        %dma_start3A_449 = arith.constant 0 : i32
        %dma_start3A_450 = tpu.memref_slice %arg3[%add3A, %add3A_442, %dma_start3A_448, %dma_start3A_449] : memref<32x84x2x120xi32, #tpu.memory_space<hbm>> -> memref<1x1x2x120xi32, #tpu.memory_space<hbm>>
        %dma_start3A_451 = tpu.memref_squeeze %dma_start3A_450 : memref<1x1x2x120xi32, #tpu.memory_space<hbm>> -> memref<2x120xi32, #tpu.memory_space<hbm>>
        %dma_start3A_452 = arith.constant 0 : i32
        %dma_start3A_453 = arith.constant 0 : i32
        %dma_start3A_454 = tpu.memref_slice %arg6[%dma_start3A_443, %dma_start3A_452, %dma_start3A_453] : memref<6x2x120xi32, #tpu.memory_space<vmem>> -> memref<1x2x120xi32, #tpu.memory_space<vmem>>
        %dma_start3A_455 = tpu.memref_squeeze %dma_start3A_454 : memref<1x2x120xi32, #tpu.memory_space<vmem>> -> memref<2x120xi32, #tpu.memory_space<vmem>>
        %dma_start3A_456 = arith.constant 0 : i32
        %dma_start3A_457 = arith.constant 0 : i32
        %dma_start3A_458 = tpu.memref_slice %arg3[%add3A, %add3A_442, %dma_start3A_456, %dma_start3A_457] : memref<32x84x2x120xi32, #tpu.memory_space<hbm>> -> memref<1x1x2x120xi32, #tpu.memory_space<hbm>>
        %dma_start3A_459 = tpu.memref_squeeze %dma_start3A_458 : memref<1x1x2x120xi32, #tpu.memory_space<hbm>> -> memref<2x120xi32, #tpu.memory_space<hbm>>
        tpu.enqueue_dma source(%dma_start3A_459 : memref<2x120xi32, #tpu.memory_space<hbm>>) target(%dma_start3A_455 : memref<2x120xi32, #tpu.memory_space<vmem>>) target_semaphore(%arg17 : memref<!tpu.dma_semaphore, #tpu.memory_space<semaphore_mem>>)
      } else {
      }
      %add3A_294 = arith.constant 2 : i32
      %add3A_295 = arith.addi %add3A_252, %add3A_294 : i32
      %ge3A_296 = arith.constant 6 : i32
      %ge3A_297 = arith.cmpi sge, %add3A_295, %ge3A_296 : i32
      %add3A_298 = arith.constant 2 : i32
      %add3A_299 = arith.addi %add3A_252, %add3A_298 : i32
      %lt3A_300 = arith.constant 84 : i32
      %lt3A_301 = arith.cmpi slt, %add3A_299, %lt3A_300 : i32
      %and3A_302 = arith.andi %ge3A_297, %lt3A_301 : i1
      %convert_element_type3A_303 = arith.extui %and3A_302 : i1 to i32
      %cond3A_304 = arith.constant 0 : i32
      %cond3A_305 = arith.cmpi ne, %convert_element_type3A_303, %cond3A_304 : i32
      scf.if %cond3A_305 {
        %add3A_441 = arith.constant 2 : i32
        %add3A_442 = arith.addi %add3A_252, %add3A_441 : i32
        %dma_wait3A_443 = arith.constant 5 : i32
        %dma_wait3A_444 = arith.constant 0 : i32
        %dma_wait3A_445 = arith.constant 0 : i32
        %dma_wait3A_446 = tpu.memref_slice %arg6[%dma_wait3A_443, %dma_wait3A_444, %dma_wait3A_445] : memref<6x2x120xi32, #tpu.memory_space<vmem>> -> memref<1x2x120xi32, #tpu.memory_space<vmem>>
        %dma_wait3A_447 = tpu.memref_squeeze %dma_wait3A_446 : memref<1x2x120xi32, #tpu.memory_space<vmem>> -> memref<2x120xi32, #tpu.memory_space<vmem>>
        %dma_wait3A_448 = arith.constant 0 : i32
        %dma_wait3A_449 = arith.constant 0 : i32
        %dma_wait3A_450 = tpu.memref_slice %arg3[%add3A, %add3A_442, %dma_wait3A_448, %dma_wait3A_449] : memref<32x84x2x120xi32, #tpu.memory_space<hbm>> -> memref<1x1x2x120xi32, #tpu.memory_space<hbm>>
        %dma_wait3A_451 = tpu.memref_squeeze %dma_wait3A_450 : memref<1x1x2x120xi32, #tpu.memory_space<hbm>> -> memref<2x120xi32, #tpu.memory_space<hbm>>
        %dma_wait3A_452 = arith.constant 0 : i32
        %dma_wait3A_453 = arith.constant 0 : i32
        %dma_wait3A_454 = tpu.memref_slice %arg6[%dma_wait3A_443, %dma_wait3A_452, %dma_wait3A_453] : memref<6x2x120xi32, #tpu.memory_space<vmem>> -> memref<1x2x120xi32, #tpu.memory_space<vmem>>
        %dma_wait3A_455 = tpu.memref_squeeze %dma_wait3A_454 : memref<1x2x120xi32, #tpu.memory_space<vmem>> -> memref<2x120xi32, #tpu.memory_space<vmem>>
        %dma_wait3A_456 = arith.constant 0 : i32
        %dma_wait3A_457 = arith.constant 0 : i32
        %dma_wait3A_458 = tpu.memref_slice %arg3[%add3A, %add3A_442, %dma_wait3A_456, %dma_wait3A_457] : memref<32x84x2x120xi32, #tpu.memory_space<hbm>> -> memref<1x1x2x120xi32, #tpu.memory_space<hbm>>
        %dma_wait3A_459 = tpu.memref_squeeze %dma_wait3A_458 : memref<1x1x2x120xi32, #tpu.memory_space<hbm>> -> memref<2x120xi32, #tpu.memory_space<hbm>>
        tpu.wait_dma2 semaphore(%arg20 : memref<!tpu.dma_semaphore, #tpu.memory_space<semaphore_mem>>) src(%dma_wait3A_459 : memref<2x120xi32, #tpu.memory_space<hbm>>) dst(%dma_wait3A_455 : memref<2x120xi32, #tpu.memory_space<vmem>>)
      } else {
      }
      %add3A_306 = arith.constant 2 : i32
      %add3A_307 = arith.addi %add3A_252, %add3A_306 : i32
      %lt3A_308 = arith.constant 84 : i32
      %lt3A_309 = arith.cmpi slt, %add3A_307, %lt3A_308 : i32
      %convert_element_type3A_310 = arith.extui %lt3A_309 : i1 to i32
      %cond3A_311 = arith.constant 0 : i32
      %cond3A_312 = arith.cmpi ne, %convert_element_type3A_310, %cond3A_311 : i32
      scf.if %cond3A_312 {
        %dma_start3A_441 = arith.constant 5 : i32
        %dma_start3A_442 = arith.constant 0 : i32
        %dma_start3A_443 = arith.constant 2 : i32
        %dma_start3A_444 = arith.constant 0 : i32
        %dma_start3A_445 = arith.constant 0 : i32
        %dma_start3A_446 = tpu.memref_slice %arg7[%dma_start3A_443, %dma_start3A_444, %dma_start3A_445] : memref<3x120x128xf32, #tpu.memory_space<vmem>> -> memref<1x120x128xf32, #tpu.memory_space<vmem>>
        %dma_start3A_447 = tpu.memref_squeeze %dma_start3A_446 : memref<1x120x128xf32, #tpu.memory_space<vmem>> -> memref<120x128xf32, #tpu.memory_space<vmem>>
        %dma_start3A_448 = arith.constant 0 : i32
        %dma_start3A_449 = tpu.memref_slice %arg6[%dma_start3A_441, %dma_start3A_442, %dma_start3A_448] : memref<6x2x120xi32, #tpu.memory_space<vmem>> -> memref<1x1x120xi32, #tpu.memory_space<vmem>>
        %dma_start3A_450 = tpu.memref_squeeze %dma_start3A_449 : memref<1x1x120xi32, #tpu.memory_space<vmem>> -> memref<120xi32, #tpu.memory_space<vmem>>
        %dma_start3A_451 = arith.constant 0 : i32
        %dma_start3A_452 = arith.constant 0 : i32
        %dma_start3A_453 = tpu.memref_slice %arg2[%dma_start3A_451, %dma_start3A_452] : memref<10112x128xf32, #tpu.memory_space<hbm>> -> memref<10112x128xf32, #tpu.memory_space<hbm>>
        tpu.enqueue_indirect_dma source(%dma_start3A_453 : memref<10112x128xf32, #tpu.memory_space<hbm>>) target(%dma_start3A_447 : memref<120x128xf32, #tpu.memory_space<vmem>>) offsets(%dma_start3A_450 : memref<120xi32, #tpu.memory_space<vmem>>) semaphore(%arg11 : memref<!tpu.dma_semaphore, #tpu.memory_space<semaphore_mem>>)
      } else {
      }
      %mul3A_313 = arith.constant 6 : i32
      %mul3A_314 = arith.muli %mul3A_313, %scan3A_61 : i32
      %add3A_315 = arith.constant 4 : i32
      %add3A_316 = arith.addi %mul3A_314, %add3A_315 : i32
      %dma_wait3A_317 = arith.constant 4 : i32
      %dma_wait3A_318 = arith.constant 0 : i32
      %dma_wait3A_319 = arith.constant 1 : i32
      %dma_wait3A_320 = arith.constant 0 : i32
      %dma_wait3A_321 = arith.constant 0 : i32
      %dma_wait3A_322 = tpu.memref_slice %arg7[%dma_wait3A_319, %dma_wait3A_320, %dma_wait3A_321] : memref<3x120x128xf32, #tpu.memory_space<vmem>> -> memref<1x120x128xf32, #tpu.memory_space<vmem>>
      %dma_wait3A_323 = tpu.memref_squeeze %dma_wait3A_322 : memref<1x120x128xf32, #tpu.memory_space<vmem>> -> memref<120x128xf32, #tpu.memory_space<vmem>>
      %dma_wait3A_324 = arith.constant 0 : i32
      %dma_wait3A_325 = tpu.memref_slice %arg6[%dma_wait3A_317, %dma_wait3A_318, %dma_wait3A_324] : memref<6x2x120xi32, #tpu.memory_space<vmem>> -> memref<1x1x120xi32, #tpu.memory_space<vmem>>
      %dma_wait3A_326 = tpu.memref_squeeze %dma_wait3A_325 : memref<1x1x120xi32, #tpu.memory_space<vmem>> -> memref<120xi32, #tpu.memory_space<vmem>>
      %dma_wait3A_327 = arith.constant 0 : i32
      %dma_wait3A_328 = arith.constant 0 : i32
      %dma_wait3A_329 = tpu.memref_slice %arg2[%dma_wait3A_327, %dma_wait3A_328] : memref<10112x128xf32, #tpu.memory_space<hbm>> -> memref<10112x128xf32, #tpu.memory_space<hbm>>
      tpu.wait_indirect_dma semaphore(%arg10 : memref<!tpu.dma_semaphore, #tpu.memory_space<semaphore_mem>>) src(%dma_wait3A_329 : memref<10112x128xf32, #tpu.memory_space<hbm>>) dst(%dma_wait3A_323 : memref<120x128xf32, #tpu.memory_space<vmem>>)
      %dma_start3A_330 = arith.constant 1 : i32
      %dma_start3A_331 = arith.constant 4 : i32
      %dma_start3A_332 = arith.constant 1 : i32
      %dma_start3A_333 = arith.constant 0 : i32
      %dma_start3A_334 = arith.constant 0 : i32
      %dma_start3A_335 = tpu.memref_slice %arg7[%dma_start3A_330, %dma_start3A_333, %dma_start3A_334] : memref<3x120x128xf32, #tpu.memory_space<vmem>> -> memref<1x120x128xf32, #tpu.memory_space<vmem>>
      %dma_start3A_336 = tpu.memref_squeeze %dma_start3A_335 : memref<1x120x128xf32, #tpu.memory_space<vmem>> -> memref<120x128xf32, #tpu.memory_space<vmem>>
      %dma_start3A_337 = arith.constant 0 : i32
      %dma_start3A_338 = tpu.memref_slice %arg6[%dma_start3A_331, %dma_start3A_332, %dma_start3A_337] : memref<6x2x120xi32, #tpu.memory_space<vmem>> -> memref<1x1x120xi32, #tpu.memory_space<vmem>>
      %dma_start3A_339 = tpu.memref_squeeze %dma_start3A_338 : memref<1x1x120xi32, #tpu.memory_space<vmem>> -> memref<120xi32, #tpu.memory_space<vmem>>
      %dma_start3A_340 = arith.constant 0 : i32
      %dma_start3A_341 = arith.constant 0 : i32
      %dma_start3A_342 = tpu.memref_slice %arg8[%dma_start3A_340, %dma_start3A_341] : memref<10112x128xf32, #tpu.memory_space<vmem_shared>> -> memref<10112x128xf32, #tpu.memory_space<vmem_shared>>
      tpu.enqueue_indirect_dma source(%dma_start3A_336 : memref<120x128xf32, #tpu.memory_space<vmem>>) target(%dma_start3A_342 : memref<10112x128xf32, #tpu.memory_space<vmem_shared>>) offsets(%dma_start3A_339 : memref<120xi32, #tpu.memory_space<vmem>>) semaphore(%arg13 : memref<!tpu.dma_semaphore, #tpu.memory_space<semaphore_mem>>) {add = true}
      %ge3A_343 = arith.constant 1 : i32
      %ge3A_344 = arith.cmpi sge, %add3A_316, %ge3A_343 : i32
      %convert_element_type3A_345 = arith.extui %ge3A_344 : i1 to i32
      %cond3A_346 = arith.constant 0 : i32
      %cond3A_347 = arith.cmpi ne, %convert_element_type3A_345, %cond3A_346 : i32
      scf.if %cond3A_347 {
        %dma_wait3A_441 = arith.constant 0 : i32
        %dma_wait3A_442 = arith.constant 3 : i32
        %dma_wait3A_443 = arith.constant 1 : i32
        %dma_wait3A_444 = arith.constant 0 : i32
        %dma_wait3A_445 = arith.constant 0 : i32
        %dma_wait3A_446 = tpu.memref_slice %arg7[%dma_wait3A_441, %dma_wait3A_444, %dma_wait3A_445] : memref<3x120x128xf32, #tpu.memory_space<vmem>> -> memref<1x120x128xf32, #tpu.memory_space<vmem>>
        %dma_wait3A_447 = tpu.memref_squeeze %dma_wait3A_446 : memref<1x120x128xf32, #tpu.memory_space<vmem>> -> memref<120x128xf32, #tpu.memory_space<vmem>>
        %dma_wait3A_448 = arith.constant 0 : i32
        %dma_wait3A_449 = tpu.memref_slice %arg6[%dma_wait3A_442, %dma_wait3A_443, %dma_wait3A_448] : memref<6x2x120xi32, #tpu.memory_space<vmem>> -> memref<1x1x120xi32, #tpu.memory_space<vmem>>
        %dma_wait3A_450 = tpu.memref_squeeze %dma_wait3A_449 : memref<1x1x120xi32, #tpu.memory_space<vmem>> -> memref<120xi32, #tpu.memory_space<vmem>>
        %dma_wait3A_451 = arith.constant 0 : i32
        %dma_wait3A_452 = arith.constant 0 : i32
        %dma_wait3A_453 = tpu.memref_slice %arg8[%dma_wait3A_451, %dma_wait3A_452] : memref<10112x128xf32, #tpu.memory_space<vmem_shared>> -> memref<10112x128xf32, #tpu.memory_space<vmem_shared>>
        tpu.wait_indirect_dma semaphore(%arg12 : memref<!tpu.dma_semaphore, #tpu.memory_space<semaphore_mem>>) src(%dma_wait3A_447 : memref<120x128xf32, #tpu.memory_space<vmem>>) dst(%dma_wait3A_453 : memref<10112x128xf32, #tpu.memory_space<vmem_shared>>)
      } else {
      }
      %ge3A_348 = arith.constant 1 : i32
      %ge3A_349 = arith.cmpi sge, %add3A_316, %ge3A_348 : i32
      %add3A_350 = arith.constant 5 : i32
      %add3A_351 = arith.addi %add3A_316, %add3A_350 : i32
      %lt3A_352 = arith.constant 84 : i32
      %lt3A_353 = arith.cmpi slt, %add3A_351, %lt3A_352 : i32
      %and3A_354 = arith.andi %ge3A_349, %lt3A_353 : i1
      %convert_element_type3A_355 = arith.extui %and3A_354 : i1 to i32
      %cond3A_356 = arith.constant 0 : i32
      %cond3A_357 = arith.cmpi ne, %convert_element_type3A_355, %cond3A_356 : i32
      scf.if %cond3A_357 {
        %add3A_441 = arith.constant 5 : i32
        %add3A_442 = arith.addi %add3A_316, %add3A_441 : i32
        %dma_start3A_443 = arith.constant 3 : i32
        %dma_start3A_444 = arith.constant 0 : i32
        %dma_start3A_445 = arith.constant 0 : i32
        %dma_start3A_446 = tpu.memref_slice %arg6[%dma_start3A_443, %dma_start3A_444, %dma_start3A_445] : memref<6x2x120xi32, #tpu.memory_space<vmem>> -> memref<1x2x120xi32, #tpu.memory_space<vmem>>
        %dma_start3A_447 = tpu.memref_squeeze %dma_start3A_446 : memref<1x2x120xi32, #tpu.memory_space<vmem>> -> memref<2x120xi32, #tpu.memory_space<vmem>>
        %dma_start3A_448 = arith.constant 0 : i32
        %dma_start3A_449 = arith.constant 0 : i32
        %dma_start3A_450 = tpu.memref_slice %arg3[%add3A, %add3A_442, %dma_start3A_448, %dma_start3A_449] : memref<32x84x2x120xi32, #tpu.memory_space<hbm>> -> memref<1x1x2x120xi32, #tpu.memory_space<hbm>>
        %dma_start3A_451 = tpu.memref_squeeze %dma_start3A_450 : memref<1x1x2x120xi32, #tpu.memory_space<hbm>> -> memref<2x120xi32, #tpu.memory_space<hbm>>
        %dma_start3A_452 = arith.constant 0 : i32
        %dma_start3A_453 = arith.constant 0 : i32
        %dma_start3A_454 = tpu.memref_slice %arg6[%dma_start3A_443, %dma_start3A_452, %dma_start3A_453] : memref<6x2x120xi32, #tpu.memory_space<vmem>> -> memref<1x2x120xi32, #tpu.memory_space<vmem>>
        %dma_start3A_455 = tpu.memref_squeeze %dma_start3A_454 : memref<1x2x120xi32, #tpu.memory_space<vmem>> -> memref<2x120xi32, #tpu.memory_space<vmem>>
        %dma_start3A_456 = arith.constant 0 : i32
        %dma_start3A_457 = arith.constant 0 : i32
        %dma_start3A_458 = tpu.memref_slice %arg3[%add3A, %add3A_442, %dma_start3A_456, %dma_start3A_457] : memref<32x84x2x120xi32, #tpu.memory_space<hbm>> -> memref<1x1x2x120xi32, #tpu.memory_space<hbm>>
        %dma_start3A_459 = tpu.memref_squeeze %dma_start3A_458 : memref<1x1x2x120xi32, #tpu.memory_space<hbm>> -> memref<2x120xi32, #tpu.memory_space<hbm>>
        tpu.enqueue_dma source(%dma_start3A_459 : memref<2x120xi32, #tpu.memory_space<hbm>>) target(%dma_start3A_455 : memref<2x120xi32, #tpu.memory_space<vmem>>) target_semaphore(%arg18 : memref<!tpu.dma_semaphore, #tpu.memory_space<semaphore_mem>>)
      } else {
      }
      %add3A_358 = arith.constant 2 : i32
      %add3A_359 = arith.addi %add3A_316, %add3A_358 : i32
      %ge3A_360 = arith.constant 6 : i32
      %ge3A_361 = arith.cmpi sge, %add3A_359, %ge3A_360 : i32
      %add3A_362 = arith.constant 2 : i32
      %add3A_363 = arith.addi %add3A_316, %add3A_362 : i32
      %lt3A_364 = arith.constant 84 : i32
      %lt3A_365 = arith.cmpi slt, %add3A_363, %lt3A_364 : i32
      %and3A_366 = arith.andi %ge3A_361, %lt3A_365 : i1
      %convert_element_type3A_367 = arith.extui %and3A_366 : i1 to i32
      %cond3A_368 = arith.constant 0 : i32
      %cond3A_369 = arith.cmpi ne, %convert_element_type3A_367, %cond3A_368 : i32
      scf.if %cond3A_369 {
        %add3A_441 = arith.constant 2 : i32
        %add3A_442 = arith.addi %add3A_316, %add3A_441 : i32
        %dma_wait3A_443 = arith.constant 0 : i32
        %dma_wait3A_444 = arith.constant 0 : i32
        %dma_wait3A_445 = arith.constant 0 : i32
        %dma_wait3A_446 = tpu.memref_slice %arg6[%dma_wait3A_443, %dma_wait3A_444, %dma_wait3A_445] : memref<6x2x120xi32, #tpu.memory_space<vmem>> -> memref<1x2x120xi32, #tpu.memory_space<vmem>>
        %dma_wait3A_447 = tpu.memref_squeeze %dma_wait3A_446 : memref<1x2x120xi32, #tpu.memory_space<vmem>> -> memref<2x120xi32, #tpu.memory_space<vmem>>
        %dma_wait3A_448 = arith.constant 0 : i32
        %dma_wait3A_449 = arith.constant 0 : i32
        %dma_wait3A_450 = tpu.memref_slice %arg3[%add3A, %add3A_442, %dma_wait3A_448, %dma_wait3A_449] : memref<32x84x2x120xi32, #tpu.memory_space<hbm>> -> memref<1x1x2x120xi32, #tpu.memory_space<hbm>>
        %dma_wait3A_451 = tpu.memref_squeeze %dma_wait3A_450 : memref<1x1x2x120xi32, #tpu.memory_space<hbm>> -> memref<2x120xi32, #tpu.memory_space<hbm>>
        %dma_wait3A_452 = arith.constant 0 : i32
        %dma_wait3A_453 = arith.constant 0 : i32
        %dma_wait3A_454 = tpu.memref_slice %arg6[%dma_wait3A_443, %dma_wait3A_452, %dma_wait3A_453] : memref<6x2x120xi32, #tpu.memory_space<vmem>> -> memref<1x2x120xi32, #tpu.memory_space<vmem>>
        %dma_wait3A_455 = tpu.memref_squeeze %dma_wait3A_454 : memref<1x2x120xi32, #tpu.memory_space<vmem>> -> memref<2x120xi32, #tpu.memory_space<vmem>>
        %dma_wait3A_456 = arith.constant 0 : i32
        %dma_wait3A_457 = arith.constant 0 : i32
        %dma_wait3A_458 = tpu.memref_slice %arg3[%add3A, %add3A_442, %dma_wait3A_456, %dma_wait3A_457] : memref<32x84x2x120xi32, #tpu.memory_space<hbm>> -> memref<1x1x2x120xi32, #tpu.memory_space<hbm>>
        %dma_wait3A_459 = tpu.memref_squeeze %dma_wait3A_458 : memref<1x1x2x120xi32, #tpu.memory_space<hbm>> -> memref<2x120xi32, #tpu.memory_space<hbm>>
        tpu.wait_dma2 semaphore(%arg15 : memref<!tpu.dma_semaphore, #tpu.memory_space<semaphore_mem>>) src(%dma_wait3A_459 : memref<2x120xi32, #tpu.memory_space<hbm>>) dst(%dma_wait3A_455 : memref<2x120xi32, #tpu.memory_space<vmem>>)
      } else {
      }
      %add3A_370 = arith.constant 2 : i32
      %add3A_371 = arith.addi %add3A_316, %add3A_370 : i32
      %lt3A_372 = arith.constant 84 : i32
      %lt3A_373 = arith.cmpi slt, %add3A_371, %lt3A_372 : i32
      %convert_element_type3A_374 = arith.extui %lt3A_373 : i1 to i32
      %cond3A_375 = arith.constant 0 : i32
      %cond3A_376 = arith.cmpi ne, %convert_element_type3A_374, %cond3A_375 : i32
      scf.if %cond3A_376 {
        %dma_start3A_441 = arith.constant 0 : i32
        %dma_start3A_442 = arith.constant 0 : i32
        %dma_start3A_443 = arith.constant 0 : i32
        %dma_start3A_444 = arith.constant 0 : i32
        %dma_start3A_445 = arith.constant 0 : i32
        %dma_start3A_446 = tpu.memref_slice %arg7[%dma_start3A_443, %dma_start3A_444, %dma_start3A_445] : memref<3x120x128xf32, #tpu.memory_space<vmem>> -> memref<1x120x128xf32, #tpu.memory_space<vmem>>
        %dma_start3A_447 = tpu.memref_squeeze %dma_start3A_446 : memref<1x120x128xf32, #tpu.memory_space<vmem>> -> memref<120x128xf32, #tpu.memory_space<vmem>>
        %dma_start3A_448 = arith.constant 0 : i32
        %dma_start3A_449 = tpu.memref_slice %arg6[%dma_start3A_441, %dma_start3A_442, %dma_start3A_448] : memref<6x2x120xi32, #tpu.memory_space<vmem>> -> memref<1x1x120xi32, #tpu.memory_space<vmem>>
        %dma_start3A_450 = tpu.memref_squeeze %dma_start3A_449 : memref<1x1x120xi32, #tpu.memory_space<vmem>> -> memref<120xi32, #tpu.memory_space<vmem>>
        %dma_start3A_451 = arith.constant 0 : i32
        %dma_start3A_452 = arith.constant 0 : i32
        %dma_start3A_453 = tpu.memref_slice %arg2[%dma_start3A_451, %dma_start3A_452] : memref<10112x128xf32, #tpu.memory_space<hbm>> -> memref<10112x128xf32, #tpu.memory_space<hbm>>
        tpu.enqueue_indirect_dma source(%dma_start3A_453 : memref<10112x128xf32, #tpu.memory_space<hbm>>) target(%dma_start3A_447 : memref<120x128xf32, #tpu.memory_space<vmem>>) offsets(%dma_start3A_450 : memref<120xi32, #tpu.memory_space<vmem>>) semaphore(%arg9 : memref<!tpu.dma_semaphore, #tpu.memory_space<semaphore_mem>>)
      } else {
      }
      %mul3A_377 = arith.constant 6 : i32
      %mul3A_378 = arith.muli %mul3A_377, %scan3A_61 : i32
      %add3A_379 = arith.constant 5 : i32
      %add3A_380 = arith.addi %mul3A_378, %add3A_379 : i32
      %dma_wait3A_381 = arith.constant 5 : i32
      %dma_wait3A_382 = arith.constant 0 : i32
      %dma_wait3A_383 = arith.constant 2 : i32
      %dma_wait3A_384 = arith.constant 0 : i32
      %dma_wait3A_385 = arith.constant 0 : i32
      %dma_wait3A_386 = tpu.memref_slice %arg7[%dma_wait3A_383, %dma_wait3A_384, %dma_wait3A_385] : memref<3x120x128xf32, #tpu.memory_space<vmem>> -> memref<1x120x128xf32, #tpu.memory_space<vmem>>
      %dma_wait3A_387 = tpu.memref_squeeze %dma_wait3A_386 : memref<1x120x128xf32, #tpu.memory_space<vmem>> -> memref<120x128xf32, #tpu.memory_space<vmem>>
      %dma_wait3A_388 = arith.constant 0 : i32
      %dma_wait3A_389 = tpu.memref_slice %arg6[%dma_wait3A_381, %dma_wait3A_382, %dma_wait3A_388] : memref<6x2x120xi32, #tpu.memory_space<vmem>> -> memref<1x1x120xi32, #tpu.memory_space<vmem>>
      %dma_wait3A_390 = tpu.memref_squeeze %dma_wait3A_389 : memref<1x1x120xi32, #tpu.memory_space<vmem>> -> memref<120xi32, #tpu.memory_space<vmem>>
      %dma_wait3A_391 = arith.constant 0 : i32
      %dma_wait3A_392 = arith.constant 0 : i32
      %dma_wait3A_393 = tpu.memref_slice %arg2[%dma_wait3A_391, %dma_wait3A_392] : memref<10112x128xf32, #tpu.memory_space<hbm>> -> memref<10112x128xf32, #tpu.memory_space<hbm>>
      tpu.wait_indirect_dma semaphore(%arg11 : memref<!tpu.dma_semaphore, #tpu.memory_space<semaphore_mem>>) src(%dma_wait3A_393 : memref<10112x128xf32, #tpu.memory_space<hbm>>) dst(%dma_wait3A_387 : memref<120x128xf32, #tpu.memory_space<vmem>>)
      %dma_start3A_394 = arith.constant 2 : i32
      %dma_start3A_395 = arith.constant 5 : i32
      %dma_start3A_396 = arith.constant 1 : i32
      %dma_start3A_397 = arith.constant 0 : i32
      %dma_start3A_398 = arith.constant 0 : i32
      %dma_start3A_399 = tpu.memref_slice %arg7[%dma_start3A_394, %dma_start3A_397, %dma_start3A_398] : memref<3x120x128xf32, #tpu.memory_space<vmem>> -> memref<1x120x128xf32, #tpu.memory_space<vmem>>
      %dma_start3A_400 = tpu.memref_squeeze %dma_start3A_399 : memref<1x120x128xf32, #tpu.memory_space<vmem>> -> memref<120x128xf32, #tpu.memory_space<vmem>>
      %dma_start3A_401 = arith.constant 0 : i32
      %dma_start3A_402 = tpu.memref_slice %arg6[%dma_start3A_395, %dma_start3A_396, %dma_start3A_401] : memref<6x2x120xi32, #tpu.memory_space<vmem>> -> memref<1x1x120xi32, #tpu.memory_space<vmem>>
      %dma_start3A_403 = tpu.memref_squeeze %dma_start3A_402 : memref<1x1x120xi32, #tpu.memory_space<vmem>> -> memref<120xi32, #tpu.memory_space<vmem>>
      %dma_start3A_404 = arith.constant 0 : i32
      %dma_start3A_405 = arith.constant 0 : i32
      %dma_start3A_406 = tpu.memref_slice %arg8[%dma_start3A_404, %dma_start3A_405] : memref<10112x128xf32, #tpu.memory_space<vmem_shared>> -> memref<10112x128xf32, #tpu.memory_space<vmem_shared>>
      tpu.enqueue_indirect_dma source(%dma_start3A_400 : memref<120x128xf32, #tpu.memory_space<vmem>>) target(%dma_start3A_406 : memref<10112x128xf32, #tpu.memory_space<vmem_shared>>) offsets(%dma_start3A_403 : memref<120xi32, #tpu.memory_space<vmem>>) semaphore(%arg14 : memref<!tpu.dma_semaphore, #tpu.memory_space<semaphore_mem>>) {add = true}
      %ge3A_407 = arith.constant 1 : i32
      %ge3A_408 = arith.cmpi sge, %add3A_380, %ge3A_407 : i32
      %convert_element_type3A_409 = arith.extui %ge3A_408 : i1 to i32
      %cond3A_410 = arith.constant 0 : i32
      %cond3A_411 = arith.cmpi ne, %convert_element_type3A_409, %cond3A_410 : i32
      scf.if %cond3A_411 {
        %dma_wait3A_441 = arith.constant 1 : i32
        %dma_wait3A_442 = arith.constant 4 : i32
        %dma_wait3A_443 = arith.constant 1 : i32
        %dma_wait3A_444 = arith.constant 0 : i32
        %dma_wait3A_445 = arith.constant 0 : i32
        %dma_wait3A_446 = tpu.memref_slice %arg7[%dma_wait3A_441, %dma_wait3A_444, %dma_wait3A_445] : memref<3x120x128xf32, #tpu.memory_space<vmem>> -> memref<1x120x128xf32, #tpu.memory_space<vmem>>
        %dma_wait3A_447 = tpu.memref_squeeze %dma_wait3A_446 : memref<1x120x128xf32, #tpu.memory_space<vmem>> -> memref<120x128xf32, #tpu.memory_space<vmem>>
        %dma_wait3A_448 = arith.constant 0 : i32
        %dma_wait3A_449 = tpu.memref_slice %arg6[%dma_wait3A_442, %dma_wait3A_443, %dma_wait3A_448] : memref<6x2x120xi32, #tpu.memory_space<vmem>> -> memref<1x1x120xi32, #tpu.memory_space<vmem>>
        %dma_wait3A_450 = tpu.memref_squeeze %dma_wait3A_449 : memref<1x1x120xi32, #tpu.memory_space<vmem>> -> memref<120xi32, #tpu.memory_space<vmem>>
        %dma_wait3A_451 = arith.constant 0 : i32
        %dma_wait3A_452 = arith.constant 0 : i32
        %dma_wait3A_453 = tpu.memref_slice %arg8[%dma_wait3A_451, %dma_wait3A_452] : memref<10112x128xf32, #tpu.memory_space<vmem_shared>> -> memref<10112x128xf32, #tpu.memory_space<vmem_shared>>
        tpu.wait_indirect_dma semaphore(%arg13 : memref<!tpu.dma_semaphore, #tpu.memory_space<semaphore_mem>>) src(%dma_wait3A_447 : memref<120x128xf32, #tpu.memory_space<vmem>>) dst(%dma_wait3A_453 : memref<10112x128xf32, #tpu.memory_space<vmem_shared>>)
      } else {
      }
      %ge3A_412 = arith.constant 1 : i32
      %ge3A_413 = arith.cmpi sge, %add3A_380, %ge3A_412 : i32
      %add3A_414 = arith.constant 5 : i32
      %add3A_415 = arith.addi %add3A_380, %add3A_414 : i32
      %lt3A_416 = arith.constant 84 : i32
      %lt3A_417 = arith.cmpi slt, %add3A_415, %lt3A_416 : i32
      %and3A_418 = arith.andi %ge3A_413, %lt3A_417 : i1
      %convert_element_type3A_419 = arith.extui %and3A_418 : i1 to i32
      %cond3A_420 = arith.constant 0 : i32
      %cond3A_421 = arith.cmpi ne, %convert_element_type3A_419, %cond3A_420 : i32
      scf.if %cond3A_421 {
        %add3A_441 = arith.constant 5 : i32
        %add3A_442 = arith.addi %add3A_380, %add3A_441 : i32
        %dma_start3A_443 = arith.constant 4 : i32
        %dma_start3A_444 = arith.constant 0 : i32
        %dma_start3A_445 = arith.constant 0 : i32
        %dma_start3A_446 = tpu.memref_slice %arg6[%dma_start3A_443, %dma_start3A_444, %dma_start3A_445] : memref<6x2x120xi32, #tpu.memory_space<vmem>> -> memref<1x2x120xi32, #tpu.memory_space<vmem>>
        %dma_start3A_447 = tpu.memref_squeeze %dma_start3A_446 : memref<1x2x120xi32, #tpu.memory_space<vmem>> -> memref<2x120xi32, #tpu.memory_space<vmem>>
        %dma_start3A_448 = arith.constant 0 : i32
        %dma_start3A_449 = arith.constant 0 : i32
        %dma_start3A_450 = tpu.memref_slice %arg3[%add3A, %add3A_442, %dma_start3A_448, %dma_start3A_449] : memref<32x84x2x120xi32, #tpu.memory_space<hbm>> -> memref<1x1x2x120xi32, #tpu.memory_space<hbm>>
        %dma_start3A_451 = tpu.memref_squeeze %dma_start3A_450 : memref<1x1x2x120xi32, #tpu.memory_space<hbm>> -> memref<2x120xi32, #tpu.memory_space<hbm>>
        %dma_start3A_452 = arith.constant 0 : i32
        %dma_start3A_453 = arith.constant 0 : i32
        %dma_start3A_454 = tpu.memref_slice %arg6[%dma_start3A_443, %dma_start3A_452, %dma_start3A_453] : memref<6x2x120xi32, #tpu.memory_space<vmem>> -> memref<1x2x120xi32, #tpu.memory_space<vmem>>
        %dma_start3A_455 = tpu.memref_squeeze %dma_start3A_454 : memref<1x2x120xi32, #tpu.memory_space<vmem>> -> memref<2x120xi32, #tpu.memory_space<vmem>>
        %dma_start3A_456 = arith.constant 0 : i32
        %dma_start3A_457 = arith.constant 0 : i32
        %dma_start3A_458 = tpu.memref_slice %arg3[%add3A, %add3A_442, %dma_start3A_456, %dma_start3A_457] : memref<32x84x2x120xi32, #tpu.memory_space<hbm>> -> memref<1x1x2x120xi32, #tpu.memory_space<hbm>>
        %dma_start3A_459 = tpu.memref_squeeze %dma_start3A_458 : memref<1x1x2x120xi32, #tpu.memory_space<hbm>> -> memref<2x120xi32, #tpu.memory_space<hbm>>
        tpu.enqueue_dma source(%dma_start3A_459 : memref<2x120xi32, #tpu.memory_space<hbm>>) target(%dma_start3A_455 : memref<2x120xi32, #tpu.memory_space<vmem>>) target_semaphore(%arg19 : memref<!tpu.dma_semaphore, #tpu.memory_space<semaphore_mem>>)
      } else {
      }
      %add3A_422 = arith.constant 2 : i32
      %add3A_423 = arith.addi %add3A_380, %add3A_422 : i32
      %ge3A_424 = arith.constant 6 : i32
      %ge3A_425 = arith.cmpi sge, %add3A_423, %ge3A_424 : i32
      %add3A_426 = arith.constant 2 : i32
      %add3A_427 = arith.addi %add3A_380, %add3A_426 : i32
      %lt3A_428 = arith.constant 84 : i32
      %lt3A_429 = arith.cmpi slt, %add3A_427, %lt3A_428 : i32
      %and3A_430 = arith.andi %ge3A_425, %lt3A_429 : i1
      %convert_element_type3A_431 = arith.extui %and3A_430 : i1 to i32
      %cond3A_432 = arith.constant 0 : i32
      %cond3A_433 = arith.cmpi ne, %convert_element_type3A_431, %cond3A_432 : i32
      scf.if %cond3A_433 {
        %add3A_441 = arith.constant 2 : i32
        %add3A_442 = arith.addi %add3A_380, %add3A_441 : i32
        %dma_wait3A_443 = arith.constant 1 : i32
        %dma_wait3A_444 = arith.constant 0 : i32
        %dma_wait3A_445 = arith.constant 0 : i32
        %dma_wait3A_446 = tpu.memref_slice %arg6[%dma_wait3A_443, %dma_wait3A_444, %dma_wait3A_445] : memref<6x2x120xi32, #tpu.memory_space<vmem>> -> memref<1x2x120xi32, #tpu.memory_space<vmem>>
        %dma_wait3A_447 = tpu.memref_squeeze %dma_wait3A_446 : memref<1x2x120xi32, #tpu.memory_space<vmem>> -> memref<2x120xi32, #tpu.memory_space<vmem>>
        %dma_wait3A_448 = arith.constant 0 : i32
        %dma_wait3A_449 = arith.constant 0 : i32
        %dma_wait3A_450 = tpu.memref_slice %arg3[%add3A, %add3A_442, %dma_wait3A_448, %dma_wait3A_449] : memref<32x84x2x120xi32, #tpu.memory_space<hbm>> -> memref<1x1x2x120xi32, #tpu.memory_space<hbm>>
        %dma_wait3A_451 = tpu.memref_squeeze %dma_wait3A_450 : memref<1x1x2x120xi32, #tpu.memory_space<hbm>> -> memref<2x120xi32, #tpu.memory_space<hbm>>
        %dma_wait3A_452 = arith.constant 0 : i32
        %dma_wait3A_453 = arith.constant 0 : i32
        %dma_wait3A_454 = tpu.memref_slice %arg6[%dma_wait3A_443, %dma_wait3A_452, %dma_wait3A_453] : memref<6x2x120xi32, #tpu.memory_space<vmem>> -> memref<1x2x120xi32, #tpu.memory_space<vmem>>
        %dma_wait3A_455 = tpu.memref_squeeze %dma_wait3A_454 : memref<1x2x120xi32, #tpu.memory_space<vmem>> -> memref<2x120xi32, #tpu.memory_space<vmem>>
        %dma_wait3A_456 = arith.constant 0 : i32
        %dma_wait3A_457 = arith.constant 0 : i32
        %dma_wait3A_458 = tpu.memref_slice %arg3[%add3A, %add3A_442, %dma_wait3A_456, %dma_wait3A_457] : memref<32x84x2x120xi32, #tpu.memory_space<hbm>> -> memref<1x1x2x120xi32, #tpu.memory_space<hbm>>
        %dma_wait3A_459 = tpu.memref_squeeze %dma_wait3A_458 : memref<1x1x2x120xi32, #tpu.memory_space<hbm>> -> memref<2x120xi32, #tpu.memory_space<hbm>>
        tpu.wait_dma2 semaphore(%arg16 : memref<!tpu.dma_semaphore, #tpu.memory_space<semaphore_mem>>) src(%dma_wait3A_459 : memref<2x120xi32, #tpu.memory_space<hbm>>) dst(%dma_wait3A_455 : memref<2x120xi32, #tpu.memory_space<vmem>>)
      } else {
      }
      %add3A_434 = arith.constant 2 : i32
      %add3A_435 = arith.addi %add3A_380, %add3A_434 : i32
      %lt3A_436 = arith.constant 84 : i32
      %lt3A_437 = arith.cmpi slt, %add3A_435, %lt3A_436 : i32
      %convert_element_type3A_438 = arith.extui %lt3A_437 : i1 to i32
      %cond3A_439 = arith.constant 0 : i32
      %cond3A_440 = arith.cmpi ne, %convert_element_type3A_438, %cond3A_439 : i32
      scf.if %cond3A_440 {
        %dma_start3A_441 = arith.constant 1 : i32
        %dma_start3A_442 = arith.constant 0 : i32
        %dma_start3A_443 = arith.constant 1 : i32
        %dma_start3A_444 = arith.constant 0 : i32
        %dma_start3A_445 = arith.constant 0 : i32
        %dma_start3A_446 = tpu.memref_slice %arg7[%dma_start3A_443, %dma_start3A_444, %dma_start3A_445] : memref<3x120x128xf32, #tpu.memory_space<vmem>> -> memref<1x120x128xf32, #tpu.memory_space<vmem>>
        %dma_start3A_447 = tpu.memref_squeeze %dma_start3A_446 : memref<1x120x128xf32, #tpu.memory_space<vmem>> -> memref<120x128xf32, #tpu.memory_space<vmem>>
        %dma_start3A_448 = arith.constant 0 : i32
        %dma_start3A_449 = tpu.memref_slice %arg6[%dma_start3A_441, %dma_start3A_442, %dma_start3A_448] : memref<6x2x120xi32, #tpu.memory_space<vmem>> -> memref<1x1x120xi32, #tpu.memory_space<vmem>>
        %dma_start3A_450 = tpu.memref_squeeze %dma_start3A_449 : memref<1x1x120xi32, #tpu.memory_space<vmem>> -> memref<120xi32, #tpu.memory_space<vmem>>
        %dma_start3A_451 = arith.constant 0 : i32
        %dma_start3A_452 = arith.constant 0 : i32
        %dma_start3A_453 = tpu.memref_slice %arg2[%dma_start3A_451, %dma_start3A_452] : memref<10112x128xf32, #tpu.memory_space<hbm>> -> memref<10112x128xf32, #tpu.memory_space<hbm>>
        tpu.enqueue_indirect_dma source(%dma_start3A_453 : memref<10112x128xf32, #tpu.memory_space<hbm>>) target(%dma_start3A_447 : memref<120x128xf32, #tpu.memory_space<vmem>>) offsets(%dma_start3A_450 : memref<120xi32, #tpu.memory_space<vmem>>) semaphore(%arg10 : memref<!tpu.dma_semaphore, #tpu.memory_space<semaphore_mem>>)
      } else {
      }
    }
    %scan3A_43 = arith.constant 14 : i32
    %dma_wait3A = arith.constant 2 : i32
    %dma_wait3A_44 = arith.constant 5 : i32
    %dma_wait3A_45 = arith.constant 1 : i32
    %dma_wait3A_46 = arith.constant 0 : i32
    %dma_wait3A_47 = arith.constant 0 : i32
    %dma_wait3A_48 = tpu.memref_slice %arg7[%dma_wait3A, %dma_wait3A_46, %dma_wait3A_47] : memref<3x120x128xf32, #tpu.memory_space<vmem>> -> memref<1x120x128xf32, #tpu.memory_space<vmem>>
    %dma_wait3A_49 = tpu.memref_squeeze %dma_wait3A_48 : memref<1x120x128xf32, #tpu.memory_space<vmem>> -> memref<120x128xf32, #tpu.memory_space<vmem>>
    %dma_wait3A_50 = arith.constant 0 : i32
    %dma_wait3A_51 = tpu.memref_slice %arg6[%dma_wait3A_44, %dma_wait3A_45, %dma_wait3A_50] : memref<6x2x120xi32, #tpu.memory_space<vmem>> -> memref<1x1x120xi32, #tpu.memory_space<vmem>>
    %dma_wait3A_52 = tpu.memref_squeeze %dma_wait3A_51 : memref<1x1x120xi32, #tpu.memory_space<vmem>> -> memref<120xi32, #tpu.memory_space<vmem>>
    %dma_wait3A_53 = arith.constant 0 : i32
    %dma_wait3A_54 = arith.constant 0 : i32
    %dma_wait3A_55 = tpu.memref_slice %arg8[%dma_wait3A_53, %dma_wait3A_54] : memref<10112x128xf32, #tpu.memory_space<vmem_shared>> -> memref<10112x128xf32, #tpu.memory_space<vmem_shared>>
    tpu.wait_indirect_dma semaphore(%arg14 : memref<!tpu.dma_semaphore, #tpu.memory_space<semaphore_mem>>) src(%dma_wait3A_49 : memref<120x128xf32, #tpu.memory_space<vmem>>) dst(%dma_wait3A_55 : memref<10112x128xf32, #tpu.memory_space<vmem_shared>>)
    %barrier3A_56 = arith.constant 0 : index
    tpu.barrier barrier_id(%barrier3A_56)
    %mul3A_57 = arith.constant 632 : i32
    %mul3A_58 = arith.muli %arg1, %mul3A_57 : i32
    %mul3A_59 = arith.constant 632 : i32
    %mul3A_60 = arith.muli %arg1, %mul3A_59 : i32
    "tpu.region"() ({
      %run_scoped3A_61 = tpu.sem_alloc : memref<!tpu.dma_semaphore, #tpu.memory_space<semaphore_mem>>
      %dma_start3A_62 = arith.constant 0 : i32
      %dma_start3A_63 = tpu.memref_slice %arg5[%arg0, %mul3A_60, %dma_start3A_62] : memref<2x10112x128xf32, #tpu.memory_space<hbm>> -> memref<1x632x128xf32, #tpu.memory_space<hbm>>
      %dma_start3A_64 = tpu.memref_squeeze %dma_start3A_63 : memref<1x632x128xf32, #tpu.memory_space<hbm>> -> memref<632x128xf32, #tpu.memory_space<hbm>>
      %dma_start3A_65 = arith.constant 0 : i32
      %dma_start3A_66 = tpu.memref_slice %arg8[%mul3A_58, %dma_start3A_65] : memref<10112x128xf32, #tpu.memory_space<vmem_shared>> -> memref<632x128xf32, #tpu.memory_space<vmem_shared>>
      tpu.enqueue_dma source(%dma_start3A_66 : memref<632x128xf32, #tpu.memory_space<vmem_shared>>) target(%dma_start3A_64 : memref<632x128xf32, #tpu.memory_space<hbm>>) target_semaphore(%run_scoped3A_61 : memref<!tpu.dma_semaphore, #tpu.memory_space<semaphore_mem>>)
      %dma_wait3A_67 = arith.constant 0 : i32
      %dma_wait3A_68 = tpu.memref_slice %arg5[%arg0, %mul3A_60, %dma_wait3A_67] : memref<2x10112x128xf32, #tpu.memory_space<hbm>> -> memref<1x632x128xf32, #tpu.memory_space<hbm>>
      %dma_wait3A_69 = tpu.memref_squeeze %dma_wait3A_68 : memref<1x632x128xf32, #tpu.memory_space<hbm>> -> memref<632x128xf32, #tpu.memory_space<hbm>>
      %dma_wait3A_70 = arith.constant 0 : i32
      %dma_wait3A_71 = tpu.memref_slice %arg8[%mul3A_58, %dma_wait3A_70] : memref<10112x128xf32, #tpu.memory_space<vmem_shared>> -> memref<632x128xf32, #tpu.memory_space<vmem_shared>>
      tpu.wait_dma2 semaphore(%run_scoped3A_61 : memref<!tpu.dma_semaphore, #tpu.memory_space<semaphore_mem>>) src(%dma_wait3A_71 : memref<632x128xf32, #tpu.memory_space<vmem_shared>>) dst(%dma_wait3A_69 : memref<632x128xf32, #tpu.memory_space<hbm>>)
      tpu.yield
    }) : () -> ()
    return
  }
}

module attributes {stable_mosaic.version = 14 : i64} {
  func.func @_tc1_body(%arg0: i32, %arg1: memref<2x1000x8xf32, #tpu.memory_space<vmem>>, %arg2: memref<1000x128xf32, #tpu.memory_space<vmem>>, %arg3: memref<128x128xf32, #tpu.memory_space<vmem>>, %arg4: memref<1000x128xf32, #tpu.memory_space<vmem>>, %arg5: memref<1000x1xf32, #tpu.memory_space<vmem>>) attributes {dimension_semantics = [#tpu.dimension_semantics<arbitrary>], iteration_bounds = array<i64: 10>, scalar_prefetch = 0 : i64, scratch_operands = 0 : i64, tpu.core_type = #tpu.core_type<tc>, window_params = [{transform_indices = @transform_0, window_bounds = array<i64: 2, 1000, 8>}, {transform_indices = @transform_1, window_bounds = array<i64: 1000, 128>}, {pipeline_mode = #tpu.pipeline_mode<synchronous>, transform_indices = @transform_2, window_bounds = array<i64: 128, 128>}, {transform_indices = @transform_3, window_bounds = array<i64: 1000, 128>}, {transform_indices = @transform_4, window_bounds = array<i64: 1000, 1>}]} {
    %get3A = arith.constant 0 : index
    %get3A_0 = arith.constant 0 : index
    %get3A_1 = arith.constant 0 : index
    %get3A_2 = vector.load %arg1[%get3A, %get3A_0, %get3A_1] : memref<2x1000x8xf32, #tpu.memory_space<vmem>>, vector<1x1000x1xf32>
    %get3A_3 = vector.shape_cast %get3A_2 : vector<1x1000x1xf32> to vector<1000xf32>
    %get3A_4 = arith.constant 1 : index
    %get3A_5 = arith.constant 0 : index
    %get3A_6 = arith.constant 0 : index
    %get3A_7 = vector.load %arg1[%get3A_4, %get3A_5, %get3A_6] : memref<2x1000x8xf32, #tpu.memory_space<vmem>>, vector<1x1000x1xf32>
    %get3A_8 = vector.shape_cast %get3A_7 : vector<1x1000x1xf32> to vector<1000xf32>
    %add3A = arith.addf %get3A_3, %get3A_8 : vector<1000xf32>
    %add3A_9 = arith.constant 1.000000e+00 : f32
    %add3A_10 = vector.broadcast %add3A_9 : f32 to vector<1000xf32>
    %add3A_11 = arith.addf %add3A, %add3A_10 : vector<1000xf32>
    %rsqrt3A = math.rsqrt %add3A_11 : vector<1000xf32>
    %get3A_12 = arith.constant 0 : index
    %get3A_13 = arith.constant 0 : index
    %get3A_14 = vector.load %arg2[%get3A_12, %get3A_13] : memref<1000x128xf32, #tpu.memory_space<vmem>>, vector<1000x128xf32>
    %get3A_15 = arith.constant 0 : index
    %get3A_16 = arith.constant 0 : index
    %get3A_17 = vector.load %arg3[%get3A_15, %get3A_16] : memref<128x128xf32, #tpu.memory_space<vmem>>, vector<128x128xf32>
    %dot_general3A = arith.constant dense<0.000000e+00> : vector<1000x128xf32>
    %dot_general3A_18 = tpu.matmul %get3A_14, %get3A_17, %dot_general3A {dimension_numbers = #tpu.dot_dimension_numbers<[1], [0], [0], [1], [0, 0, 1, 1], [], []>, transpose_lhs_hint = false} : vector<1000x128xf32>, vector<128x128xf32>, vector<1000x128xf32> -> vector<1000x128xf32>
    %broadcast_in_dim3A = vector.shape_cast %rsqrt3A : vector<1000xf32> to vector<1000x1xf32>
    %mul3A = vector.broadcast %broadcast_in_dim3A : vector<1000x1xf32> to vector<1000x128xf32>
    %mul3A_19 = arith.mulf %dot_general3A_18, %mul3A : vector<1000x128xf32>
    %swap3A = arith.constant 0 : index
    %swap3A_20 = arith.constant 0 : index
    %swap3A_21 = vector.load %arg4[%swap3A, %swap3A_20] : memref<1000x128xf32, #tpu.memory_space<vmem>>, vector<1000x128xf32>
    tpu.vector_store %arg4[%swap3A, %swap3A_20], %mul3A_19 {strides = array<i32>} : memref<1000x128xf32, #tpu.memory_space<vmem>>, vector<1000x128xf32>,
    %broadcast_in_dim3A_22 = vector.shape_cast %rsqrt3A : vector<1000xf32> to vector<1000x1xf32>
    %swap3A_23 = arith.constant 0 : index
    %swap3A_24 = arith.constant 0 : index
    %swap3A_25 = vector.load %arg5[%swap3A_23, %swap3A_24] : memref<1000x1xf32, #tpu.memory_space<vmem>>, vector<1000x1xf32>
    tpu.vector_store %arg5[%swap3A_23, %swap3A_24], %broadcast_in_dim3A_22 {strides = array<i32>} : memref<1000x1xf32, #tpu.memory_space<vmem>>, vector<1000x1xf32>,
    return
  }
  func.func @transform_0(%arg0: i32) -> (i32, i32, i32) {
    %c0_i32 = arith.constant 0 : i32
    %c0_i32_0 = arith.constant 0 : i32
    %c0_i32_1 = arith.constant 0 : i32
    return %c0_i32, %arg0, %c0_i32_0 : i32, i32, i32
  }
  func.func @transform_1(%arg0: i32) -> (i32, i32) {
    %c0_i32 = arith.constant 0 : i32
    %c0_i32_0 = arith.constant 0 : i32
    return %arg0, %c0_i32 : i32, i32
  }
  func.func @transform_2(%arg0: i32) -> (i32, i32) {
    %c0_i32 = arith.constant 0 : i32
    %c0_i32_0 = arith.constant 0 : i32
    %c0_i32_1 = arith.constant 0 : i32
    return %c0_i32, %c0_i32_0 : i32, i32
  }
  func.func @transform_3(%arg0: i32) -> (i32, i32) {
    %c0_i32 = arith.constant 0 : i32
    %c0_i32_0 = arith.constant 0 : i32
    return %arg0, %c0_i32 : i32, i32
  }
  func.func @transform_4(%arg0: i32) -> (i32, i32) {
    %c0_i32 = arith.constant 0 : i32
    %c0_i32_0 = arith.constant 0 : i32
    return %arg0, %c0_i32 : i32, i32
  }
}

module attributes {stable_mosaic.version = 14 : i64} {
  func.func @_tc3_body(%arg0: i32, %arg1: memref<1xf32, #tpu.memory_space<smem>>, %arg2: memref<2x1000x128xf32, #tpu.memory_space<vmem>>, %arg3: memref<1000x128xf32, #tpu.memory_space<vmem>>, %arg4: memref<1000x1xf32, #tpu.memory_space<vmem>>, %arg5: memref<1x128xf32, #tpu.memory_space<vmem>>, %arg6: memref<1000x128xf32, #tpu.memory_space<vmem>>, %arg7: memref<1000x128xf32, #tpu.memory_space<vmem>>) attributes {dimension_semantics = [#tpu.dimension_semantics<arbitrary>], iteration_bounds = array<i64: 10>, scalar_prefetch = 0 : i64, scratch_operands = 0 : i64, tpu.core_type = #tpu.core_type<tc>, window_params = [{transform_indices = @transform_0, window_bounds = array<i64: 1>}, {transform_indices = @transform_1, window_bounds = array<i64: 2, 1000, 128>}, {transform_indices = @transform_2, window_bounds = array<i64: 1000, 128>}, {transform_indices = @transform_3, window_bounds = array<i64: 1000, 1>}, {pipeline_mode = #tpu.pipeline_mode<synchronous>, transform_indices = @transform_4, window_bounds = array<i64: 1, 128>}, {transform_indices = @transform_5, window_bounds = array<i64: 1000, 128>}, {transform_indices = @transform_6, window_bounds = array<i64: 1000, 128>}]} {
    %get3A = arith.constant 0 : index
    %get3A_0 = arith.constant 0 : index
    %get3A_1 = arith.constant 0 : index
    %get3A_2 = vector.load %arg2[%get3A, %get3A_0, %get3A_1] : memref<2x1000x128xf32, #tpu.memory_space<vmem>>, vector<1x1000x128xf32>
    %get3A_3 = vector.shape_cast %get3A_2 : vector<1x1000x128xf32> to vector<1000x128xf32>
    %get3A_4 = arith.constant 1 : index
    %get3A_5 = arith.constant 0 : index
    %get3A_6 = arith.constant 0 : index
    %get3A_7 = vector.load %arg2[%get3A_4, %get3A_5, %get3A_6] : memref<2x1000x128xf32, #tpu.memory_space<vmem>>, vector<1x1000x128xf32>
    %get3A_8 = vector.shape_cast %get3A_7 : vector<1x1000x128xf32> to vector<1000x128xf32>
    %add3A = arith.addf %get3A_3, %get3A_8 : vector<1000x128xf32>
    %get3A_9 = arith.constant 0 : index
    %get3A_10 = arith.constant 0 : index
    %get3A_11 = vector.load %arg3[%get3A_9, %get3A_10] : memref<1000x128xf32, #tpu.memory_space<vmem>>, vector<1000x128xf32>
    %add3A_12 = arith.addf %add3A, %get3A_11 : vector<1000x128xf32>
    %get3A_13 = arith.constant 0 : index
    %get3A_14 = arith.constant 0 : index
    %get3A_15 = vector.load %arg4[%get3A_13, %get3A_14] : memref<1000x1xf32, #tpu.memory_space<vmem>>, vector<1000x1xf32>
    %mul3A = vector.broadcast %get3A_15 : vector<1000x1xf32> to vector<1000x128xf32>
    %mul3A_16 = arith.mulf %add3A_12, %mul3A : vector<1000x128xf32>
    %get3A_17 = arith.constant 0 : index
    %get3A_18 = arith.constant 0 : index
    %get3A_19 = vector.load %arg5[%get3A_17, %get3A_18] : memref<1x128xf32, #tpu.memory_space<vmem>>, vector<1x128xf32>
    %add3A_20 = vector.broadcast %get3A_19 : vector<1x128xf32> to vector<1000x128xf32>
    %add3A_21 = arith.addf %mul3A_16, %add3A_20 : vector<1000x128xf32>
    %get3A_22 = arith.constant 0 : index
    %get3A_23 = memref.load %arg1[%get3A_22] : memref<1xf32, #tpu.memory_space<smem>>
    %jit3A = arith.constant -1.000000e+00 : f32
    %jit3A_24 = arith.constant 1.000000e+00 : f32
    %max3A = arith.maximumf %jit3A, %get3A_23 : f32
    %min3A = arith.minimumf %jit3A_24, %max3A : f32
    %get3A_25 = arith.constant 0 : index
    %get3A_26 = arith.constant 0 : index
    %get3A_27 = vector.load %arg6[%get3A_25, %get3A_26] : memref<1000x128xf32, #tpu.memory_space<vmem>>, vector<1000x128xf32>
    %mul3A_28 = vector.broadcast %min3A : f32 to vector<1000x128xf32>
    %mul3A_29 = arith.mulf %mul3A_28, %add3A_21 : vector<1000x128xf32>
    %add3A_30 = arith.addf %get3A_27, %mul3A_29 : vector<1000x128xf32>
    %mul3A_31 = arith.mulf %add3A_30, %add3A_30 : vector<1000x128xf32>
    %reduce_sum3A = arith.constant dense<0.000000e+00> : vector<1000xf32>
    %reduce_sum3A_32 = vector.multi_reduction <add>, %mul3A_31, %reduce_sum3A [1] : vector<1000x128xf32> to vector<1000xf32>
    %broadcast_in_dim3A = vector.shape_cast %reduce_sum3A_32 : vector<1000xf32> to vector<1000x1xf32>
    %max3A_33 = arith.constant 1.000000e-24 : f32
    %max3A_34 = vector.broadcast %max3A_33 : f32 to vector<1000x1xf32>
    %max3A_35 = arith.maximumf %broadcast_in_dim3A, %max3A_34 : vector<1000x1xf32>
    %rsqrt3A = math.rsqrt %max3A_35 : vector<1000x1xf32>
    %mul3A_36 = vector.broadcast %rsqrt3A : vector<1000x1xf32> to vector<1000x128xf32>
    %mul3A_37 = arith.mulf %add3A_30, %mul3A_36 : vector<1000x128xf32>
    %swap3A = arith.constant 0 : index
    %swap3A_38 = arith.constant 0 : index
    %swap3A_39 = vector.load %arg7[%swap3A, %swap3A_38] : memref<1000x128xf32, #tpu.memory_space<vmem>>, vector<1000x128xf32>
    tpu.vector_store %arg7[%swap3A, %swap3A_38], %mul3A_37 {strides = array<i32>} : memref<1000x128xf32, #tpu.memory_space<vmem>>, vector<1000x128xf32>,
    return
  }
  func.func @transform_0(%arg0: i32) -> i32 {
    %c0_i32 = arith.constant 0 : i32
    %c0_i32_0 = arith.constant 0 : i32
    return %c0_i32 : i32
  }
  func.func @transform_1(%arg0: i32) -> (i32, i32, i32) {
    %c0_i32 = arith.constant 0 : i32
    %c0_i32_0 = arith.constant 0 : i32
    %c0_i32_1 = arith.constant 0 : i32
    return %c0_i32, %arg0, %c0_i32_0 : i32, i32, i32
  }
  func.func @transform_2(%arg0: i32) -> (i32, i32) {
    %c0_i32 = arith.constant 0 : i32
    %c0_i32_0 = arith.constant 0 : i32
    return %arg0, %c0_i32 : i32, i32
  }
  func.func @transform_3(%arg0: i32) -> (i32, i32) {
    %c0_i32 = arith.constant 0 : i32
    %c0_i32_0 = arith.constant 0 : i32
    return %arg0, %c0_i32 : i32, i32
  }
  func.func @transform_4(%arg0: i32) -> (i32, i32) {
    %c0_i32 = arith.constant 0 : i32
    %c0_i32_0 = arith.constant 0 : i32
    %c0_i32_1 = arith.constant 0 : i32
    return %c0_i32, %c0_i32_0 : i32, i32
  }
  func.func @transform_5(%arg0: i32) -> (i32, i32) {
    %c0_i32 = arith.constant 0 : i32
    %c0_i32_0 = arith.constant 0 : i32
    return %arg0, %c0_i32 : i32, i32
  }
  func.func @transform_6(%arg0: i32) -> (i32, i32) {
    %c0_i32 = arith.constant 0 : i32
    %c0_i32_0 = arith.constant 0 : i32
    return %arg0, %c0_i32 : i32, i32
  }
}

module attributes {stable_mosaic.version = 14 : i64} {
  func.func @_tc2_body(%arg0: i32, %arg1: memref<2x1000x128xf32, #tpu.memory_space<vmem>>, %arg2: memref<1000x128xf32, #tpu.memory_space<vmem>>, %arg3: memref<1000x1xf32, #tpu.memory_space<vmem>>, %arg4: memref<128x128xf32, #tpu.memory_space<vmem>>, %arg5: memref<1x128xf32, #tpu.memory_space<vmem>>, %arg6: memref<1000x128xf32, #tpu.memory_space<vmem>>) attributes {dimension_semantics = [#tpu.dimension_semantics<arbitrary>], iteration_bounds = array<i64: 10>, scalar_prefetch = 0 : i64, scratch_operands = 0 : i64, tpu.core_type = #tpu.core_type<tc>, window_params = [{transform_indices = @transform_0, window_bounds = array<i64: 2, 1000, 128>}, {transform_indices = @transform_1, window_bounds = array<i64: 1000, 128>}, {transform_indices = @transform_2, window_bounds = array<i64: 1000, 1>}, {pipeline_mode = #tpu.pipeline_mode<synchronous>, transform_indices = @transform_3, window_bounds = array<i64: 128, 128>}, {pipeline_mode = #tpu.pipeline_mode<synchronous>, transform_indices = @transform_4, window_bounds = array<i64: 1, 128>}, {transform_indices = @transform_5, window_bounds = array<i64: 1000, 128>}]} {
    %get3A = arith.constant 0 : index
    %get3A_0 = arith.constant 0 : index
    %get3A_1 = arith.constant 0 : index
    %get3A_2 = vector.load %arg1[%get3A, %get3A_0, %get3A_1] : memref<2x1000x128xf32, #tpu.memory_space<vmem>>, vector<1x1000x128xf32>
    %get3A_3 = vector.shape_cast %get3A_2 : vector<1x1000x128xf32> to vector<1000x128xf32>
    %get3A_4 = arith.constant 1 : index
    %get3A_5 = arith.constant 0 : index
    %get3A_6 = arith.constant 0 : index
    %get3A_7 = vector.load %arg1[%get3A_4, %get3A_5, %get3A_6] : memref<2x1000x128xf32, #tpu.memory_space<vmem>>, vector<1x1000x128xf32>
    %get3A_8 = vector.shape_cast %get3A_7 : vector<1x1000x128xf32> to vector<1000x128xf32>
    %add3A = arith.addf %get3A_3, %get3A_8 : vector<1000x128xf32>
    %get3A_9 = arith.constant 0 : index
    %get3A_10 = arith.constant 0 : index
    %get3A_11 = vector.load %arg2[%get3A_9, %get3A_10] : memref<1000x128xf32, #tpu.memory_space<vmem>>, vector<1000x128xf32>
    %add3A_12 = arith.addf %add3A, %get3A_11 : vector<1000x128xf32>
    %get3A_13 = arith.constant 0 : index
    %get3A_14 = arith.constant 0 : index
    %get3A_15 = vector.load %arg3[%get3A_13, %get3A_14] : memref<1000x1xf32, #tpu.memory_space<vmem>>, vector<1000x1xf32>
    %mul3A = vector.broadcast %get3A_15 : vector<1000x1xf32> to vector<1000x128xf32>
    %mul3A_16 = arith.mulf %add3A_12, %mul3A : vector<1000x128xf32>
    %get3A_17 = arith.constant 0 : index
    %get3A_18 = arith.constant 0 : index
    %get3A_19 = vector.load %arg5[%get3A_17, %get3A_18] : memref<1x128xf32, #tpu.memory_space<vmem>>, vector<1x128xf32>
    %add3A_20 = vector.broadcast %get3A_19 : vector<1x128xf32> to vector<1000x128xf32>
    %add3A_21 = arith.addf %mul3A_16, %add3A_20 : vector<1000x128xf32>
    %max3A = arith.constant 0.000000e+00 : f32
    %max3A_22 = vector.broadcast %max3A : f32 to vector<1000x128xf32>
    %max3A_23 = arith.maximumf %add3A_21, %max3A_22 : vector<1000x128xf32>
    %get3A_24 = arith.constant 0 : index
    %get3A_25 = arith.constant 0 : index
    %get3A_26 = vector.load %arg4[%get3A_24, %get3A_25] : memref<128x128xf32, #tpu.memory_space<vmem>>, vector<128x128xf32>
    %dot_general3A = arith.constant dense<0.000000e+00> : vector<1000x128xf32>
    %dot_general3A_27 = tpu.matmul %max3A_23, %get3A_26, %dot_general3A {dimension_numbers = #tpu.dot_dimension_numbers<[1], [0], [0], [1], [0, 0, 1, 1], [], []>, transpose_lhs_hint = false} : vector<1000x128xf32>, vector<128x128xf32>, vector<1000x128xf32> -> vector<1000x128xf32>
    %get3A_28 = arith.constant 0 : index
    %get3A_29 = arith.constant 0 : index
    %get3A_30 = vector.load %arg3[%get3A_28, %get3A_29] : memref<1000x1xf32, #tpu.memory_space<vmem>>, vector<1000x1xf32>
    %mul3A_31 = vector.broadcast %get3A_30 : vector<1000x1xf32> to vector<1000x128xf32>
    %mul3A_32 = arith.mulf %dot_general3A_27, %mul3A_31 : vector<1000x128xf32>
    %swap3A = arith.constant 0 : index
    %swap3A_33 = arith.constant 0 : index
    %swap3A_34 = vector.load %arg6[%swap3A, %swap3A_33] : memref<1000x128xf32, #tpu.memory_space<vmem>>, vector<1000x128xf32>
    tpu.vector_store %arg6[%swap3A, %swap3A_33], %mul3A_32 {strides = array<i32>} : memref<1000x128xf32, #tpu.memory_space<vmem>>, vector<1000x128xf32>,
    return
  }
  func.func @transform_0(%arg0: i32) -> (i32, i32, i32) {
    %c0_i32 = arith.constant 0 : i32
    %c0_i32_0 = arith.constant 0 : i32
    %c0_i32_1 = arith.constant 0 : i32
    return %c0_i32, %arg0, %c0_i32_0 : i32, i32, i32
  }
  func.func @transform_1(%arg0: i32) -> (i32, i32) {
    %c0_i32 = arith.constant 0 : i32
    %c0_i32_0 = arith.constant 0 : i32
    return %arg0, %c0_i32 : i32, i32
  }
  func.func @transform_2(%arg0: i32) -> (i32, i32) {
    %c0_i32 = arith.constant 0 : i32
    %c0_i32_0 = arith.constant 0 : i32
    return %arg0, %c0_i32 : i32, i32
  }
  func.func @transform_3(%arg0: i32) -> (i32, i32) {
    %c0_i32 = arith.constant 0 : i32
    %c0_i32_0 = arith.constant 0 : i32
    %c0_i32_1 = arith.constant 0 : i32
    return %c0_i32, %c0_i32_0 : i32, i32
  }
  func.func @transform_4(%arg0: i32) -> (i32, i32) {
    %c0_i32 = arith.constant 0 : i32
    %c0_i32_0 = arith.constant 0 : i32
    %c0_i32_1 = arith.constant 0 : i32
    return %c0_i32, %c0_i32_0 : i32, i32
  }
  func.func @transform_5(%arg0: i32) -> (i32, i32) {
    %c0_i32 = arith.constant 0 : i32
    %c0_i32_0 = arith.constant 0 : i32
    return %arg0, %c0_i32 : i32, i32
  }
}

</mosaic_0001>

<sc_bundles>
// kernel: kernel.11.cloned.1.call-start
scs
__scs_entry_jumppad:
0x0: {  	(pc) =	sbr.rel $0x88, $3  }
0x1: {  	(tag) =	ssettag $0x0;
	lr =	simm.s32 $0x1  }
0x2: {  	[smem:$0x3F9A] =	sst lr;
	_ =	strace $0xD0000000  }
0x3: {  	_ = 	snop  }
0x4: {  	_ = 	snop  }
0x5: {  	_ = 	snop  }
0x6: {  	_ = 	snop  }
0x7: {  	_ = 	snop  }
__scs_overlays_trampoline_lowered:
0x8: {  	[smem:$0x3FA9] =	sst s0  }
0x9: {  	[smem:$0x3FAA] =	sst s1  }
0xa: {  	[smem:$0x3FAB] =	sst s2  }
0xb: {  	[smem:$0x3FAC] =	sst s3  }
0xc: {  	[smem:$0x3FAD] =	sst s4  }
0xd: {  	[smem:$0x3FAE] =	sst s5  }
0xe: {  	[smem:$0x3FAF] =	sst s6  }
0xf: {  	[smem:$0x3FB0] =	sst s7  }
0x10: {  	[smem:$0x3FB1] =	sst s8  }
0x11: {  	[smem:$0x3FB2] =	sst s9;
	s0 =	simm.s32 @!p0 $0x0  }
0x12: {  	s1 =	sld [smem:$0x3F98];
	s0 =	simm.s32 @p0 $0x1  }
0x13: {  	[smem:$0x3FB3] =	sst s0;
	s0 =	simm.s32 @!p1 $0x0  }
0x14: {  	s2 =	sld [smem:$0x3F97];
	s0 =	simm.s32 @p1 $0x1  }
0x15: {  	[smem:$0x3FB4] =	sst s0;
	s0 =	simm.s32 @!p2 $0x0  }
0x16: {  	s3 =	sld [smem:$0x3FDB];
	s0 =	simm.s32 @p2 $0x1  }
0x17: {  	s4 =	simm.s32 $0x1BF5;
	[smem:$0x3FB6] =	sst s0  }
0x18: {  	s0 =	sld [smem:$0x3F99];
	_ =	swait.ge [sflag:s4], $0x0  }
0x19: {  	s7 =	sld [smem:$0x3F9A]  }
0x1a: {  	s8 =	sadd.s32 $0xFFFFE003, lr  }
0x1b: {  	s9 =	sadd.s32 $0xFFFFFEF7, lr;
	s5 =	simm.s32 $0xFFFFFFFF;
	p2 =	slt.u32 s8, $0xFFFFF086  }
0x1c: {  	p1 =	slt.u32 s9, $0xF7A;
	s5 =	simm.s32 @!p2 $0x0  }
0x1d: {  	s5 =	simm.s32 @p1 $0x1;
	p0 =	seq.s32 s7, s2  }
0x1e: {  	s7 =	smul.u32 @!p0 $0xF7A, s2;
	p2 =	seq.s32 @!p0 s5, $0x0  }
0x1f: {  	s9 =	smul.u32 $0xF7A, s1;
	s8 =	simm.s32 @!p0 $0x1BF5;
	p2 =	por !p2, p0  }
0x20: {  	[sflag:s8] =	ssyncset.s32 @!p0 $0xFFFFF086;
	s6 =	sadd.s32 @!p0 s3, s7;
	s7 =	simm.s32 @!p0 $0x108  }
0x21: {  	s3 =	sadd.s32 s3, s9;
	s6 =	sadd.s32 @!p0 $0x88, s6;
	s7 =	simm.s32 @p2 $0x1082  }
0x22: {  	[simem:s7], [sflag:s8] =	dma.local @!p0 [hbm:s6], $0xF7A  }
0x23: {  	s9 =	sor.u32 $0xD0000000, s2;
	s6 =	simm.s32 $0x108;
	_ =	swait.ge @!p0 [sflag:s8], $0x0  }
0x24: {  	s3 =	sadd.s32 $0x88, s3;
	s6 =	simm.s32 @!p1 $0x1082;
	[sflag:s4] =	ssyncset.s32 $0xFFFFF086  }
0x25: {  	[simem:s6], [sflag:s4] =	dma.local [hbm:s3], $0xF7A  }
0x26: {  	[smem:$0x3F9A] =	sst s1;
	(tag) =	ssettag s2;
	_ =	strace s9  }
0x27: {  	s1 =	sld [smem:$0x3FAA]  }
0x28: {  	s2 =	sld [smem:$0x3FAB]  }
0x29: {  	s4 =	sld [smem:$0x3FAD]  }
0x2a: {  	p0 =	seq.s32 s5, $0x0;
	s5 =	sld [smem:$0x3FAE]  }
0x2b: {  	s6 =	sld [smem:$0x3FAF]  }
0x2c: {  	s7 =	sld [smem:$0x3FB0]  }
0x2d: {  	s3 =	simm.s32 $0x108;
	s8 =	sld [smem:$0x3FB1]  }
0x2e: {  	s3 =	simm.s32 @!p0 $0x1082;
	s9 =	sld [smem:$0x3FB2]  }
0x2f: {  	lr =	sadd.s32 s0, s3;
	s0 =	sld [smem:$0x3FA9]  }
0x30: {  	s3 =	sld [smem:$0x3FAC]  }
0x31: {  	[smem:$0x3FB5] =	sst s10  }
0x32: {  	s10 =	sld [smem:$0x3FB3];
	_ =	sdelay $0x3  }
0x33: {  	p0 =	seq.s32 s10, $0x1;
	s10 =	sld [smem:$0x3FB5];
	_ =	sdelay $0x3  }
0x34: {  	[smem:$0x3FB5] =	sst s10  }
0x35: {  	s10 =	sld [smem:$0x3FB4];
	_ =	sdelay $0x3  }
0x36: {  	p1 =	seq.s32 s10, $0x1;
	s10 =	sld [smem:$0x3FB5];
	_ =	sdelay $0x3  }
0x37: {  	[smem:$0x3FB5] =	sst s10  }
0x38: {  	s10 =	sld [smem:$0x3FB6]  }
0x39: {  	_ = 	snop;
	(pc) =	sbr.ind lr, $3  }
0x3a: {  	_ = 	snop  }
0x3b: {  	_ = 	snop  }
0x3c: {  	p2 =	seq.s32 s10, $0x1;
	s10 =	sld [smem:$0x3FB5]  }
0x3d: {  	_ =	shalt  }
0x3e: {  	_ =	shalt  }
0x3f: {  	_ =	shalt  }
0x40: {  	_ =	shalt  }
0x41: {  	_ =	shalt  }
0x42: {  	_ =	shalt  }
0x43: {  	_ =	shalt  }
0x44: {  	_ =	shalt  }
0x45: {  	_ =	shalt  }
0x46: {  	_ =	shalt  }
0x47: {  	_ =	shalt  }
0x48: {  	_ =	shalt  }
0x49: {  	_ =	shalt  }
0x4a: {  	_ =	shalt  }
0x4b: {  	_ =	shalt  }
0x4c: {  	_ =	shalt  }
0x4d: {  	_ =	shalt  }
0x4e: {  	_ =	shalt  }
0x4f: {  	_ =	shalt  }
0x50: {  	_ =	shalt  }
0x51: {  	_ =	shalt  }
0x52: {  	_ =	shalt  }
0x53: {  	_ =	shalt  }
0x54: {  	_ =	shalt  }
0x55: {  	_ =	shalt  }
0x56: {  	_ =	shalt  }
0x57: {  	_ =	shalt  }
0x58: {  	_ =	shalt  }
0x59: {  	_ =	shalt  }
0x5a: {  	_ =	shalt  }
0x5b: {  	_ =	shalt  }
0x5c: {  	_ =	shalt  }
0x5d: {  	_ =	shalt  }
0x5e: {  	_ =	shalt  }
0x5f: {  	_ =	shalt  }
0x60: {  	_ =	shalt  }
0x61: {  	_ =	shalt  }
0x62: {  	_ =	shalt  }
0x63: {  	_ =	shalt  }
0x64: {  	_ =	shalt  }
0x65: {  	_ =	shalt  }
0x66: {  	_ =	shalt  }
0x67: {  	_ =	shalt  }
0x68: {  	_ =	shalt  }
0x69: {  	_ =	shalt  }
0x6a: {  	_ =	shalt  }
0x6b: {  	_ =	shalt  }
0x6c: {  	_ =	shalt  }
0x6d: {  	_ =	shalt  }
0x6e: {  	_ =	shalt  }
0x6f: {  	_ =	shalt  }
0x70: {  	_ =	shalt  }
0x71: {  	_ =	shalt  }
0x72: {  	_ =	shalt  }
0x73: {  	_ =	shalt  }
0x74: {  	_ =	shalt  }
0x75: {  	_ =	shalt  }
0x76: {  	_ =	shalt  }
0x77: {  	_ =	shalt  }
0x78: {  	_ =	shalt  }
0x79: {  	_ =	shalt  }
0x7a: {  	_ =	shalt  }
0x7b: {  	_ =	shalt  }
0x7c: {  	_ =	shalt  }
0x7d: {  	_ =	shalt  }
0x7e: {  	_ =	shalt  }
0x7f: {  	_ =	shalt  }
0x80: {  	_ =	shalt  }
0x81: {  	_ =	shalt  }
0x82: {  	_ =	shalt  }
0x83: {  	_ =	shalt  }
0x84: {  	_ =	shalt  }
0x85: {  	_ =	shalt  }
0x86: {  	_ =	shalt  }
0x87: {  	_ =	shalt  }
.Lfunc_end0:
.L_simem_size_0:
called_computation.1_lowered:
.L_overlay_start_0:
0x88: {  	s2 =	sld [smem:$0x3FD9]  }
0x89: {  	s3 =	sld [smem:$0x3FFE];
	_ =	sdelay $0x1  }
0x8a: {  	s1 =	srdreg.scid  }
0x8b: {  	s0 =	sand.u32 $0x1, s1  }
0x8c: {  	s17 =	sshll.u32 s0, $0xA;
	s2 =	sadd.s32 s3, s2  }
0x8d: {  	s2 =	sadd.s32 s2, s17  }
0x8e: {  	[smem:$0x3FC1] =	sst s2  }
0x8f: {  	_ = 	snop  }
0x90: {  	s2 =	sld [smem:$0x3FD0];
	(tm) =	ssettm $0x1  }
0x91: {  	s18 =	sld [smem:$0x3FFB];
	_ =	sdelay $0x3  }
0x92: {  	_ =	strace s18  }
0x93: {  	s3 =	sld [smem:$0x3FFC];
	_ =	sdelay $0x3  }
0x94: {  	_ =	strace s3  }
0x95: {  	s3 =	sld [smem:$0x3FFD];
	_ =	sdelay $0x3  }
0x96: {  	_ =	strace s3  }
0x97: {  	_ =	strace $0x8FFFFFFF  }
0x98: {  	s19 =	sld [smem:$0x3FDB];
	_ =	sdelay $0x1  }
0x99: {  	s4 =	simm.s32 $_scs_section_size  }
0x9a: {  	s5 =	simm.s32 $_size__tile_overlayer_lowered;
	s6 =	simm.s32 $_tile_overlayer_lowered  }
0x9b: {  	s22 =	simm.s32 $0x1BFF;
	s21 =	sshll.u32 s6, $0x1;
	s3 =	sadd.s32 s4, s19  }
0x9c: {  	s7 =	simm.s32 $0x0;
	s20 =	sshll.u32 s5, $0x1;
	s5 =	sadd.s32 s21, s3  }
0x9d: {  	[timem:s7], [sflag:s22] =	dma.local [hbm:s5], s20  }
0x9e: {  	_ =	swait.ge [sflag:s22], s20  }
0x9f: {  	s4 =	ssub.s32 $0x0, s20;
	[sflag:s22] =	ssyncset.done $0x0  }
0xa0: {  	[sflag:s22] =	ssyncadd.s32 s4;
	_ =	sdelay $0x1  }
0xa1: {  	s23 =	simm.s32 $0x1B8B  }
0xa2: {  	_ =	swait.ge [sflag:s23], $0x1  }
0xa3: {  	[sflag:s23] =	ssyncset.done $0x0  }
0xa4: {  	s25 =	simm.s32 $0x1B8E;
	s24 =	sld [smem:$0x3FFE];
	[sflag:s23] =	ssyncadd.s32 $0xFFFFFFFF  }
0xa5: {  	s26 =	simm.s32 $execute0_lowered;
	[smem:$0x3FD2] =	sst s25  }
0xa6: {  	s5 =	sshll.u32 s26, $0x1;
	_ =	strace $0x80000049;
	[dreg:$0x1] =	wrdreg $0xFFFFFFFF  }
0xa7: {  	s28 =	simm.s32 $_size_execute0_lowered;
	s3 =	sadd.s32 s3, s5;
	[dreg:$0x0] =	wrdreg $0x0  }
0xa8: {  	s5 =	sshll.u32 s28, $0x1;
	[dreg:$0x2] =	wrdreg s3  }
0xa9: {  	[dreg:$0x3] =	wrdreg s5  }
0xaa: {  	[dreg:$0x4] =	wrdreg $0xC0  }
0xab: {  	_ =	task [dreg:s7], $0x5FFFF  }
0xac: {  	[dreg:$0x1] =	wrdreg $0xFFFFFFFF  }
0xad: {  	[dreg:$0x0] =	wrdreg $0x60  }
0xae: {  	[dreg:$0x2] =	wrdreg s24  }
0xaf: {  	[dreg:$0x3] =	wrdreg s2  }
0xb0: {  	[dreg:$0x4] =	wrdreg $0xBA000  }
0xb1: {  	[dreg:$0x5] =	wrdreg $0x9  }
0xb2: {  	_ =	task.clear_ibuf [dreg:s7], $0x6FFFF;
	_ =	strace $0x90000049  }
0xb3: {  	s29 =	simm.s32 $0x9;
	_ =	strace $0x8000004B  }
0xb4: {  	_ =	swait.ge [sflag:s29], $0x1  }
0xb5: {  	[sflag:s29] =	ssyncadd.s32 $0xFFFFFFFF  }
0xb6: {  	_ =	strace $0x9000004B  }
0xb7: {  	_ =	sfence  }
0xb8: {  	s30 =	sld [smem:$0x0];
	_ =	sdelay $0x2  }
0xb9: {  	s31 =	sshll.u32 s1, $0xD;
	s1 =	sshrl.u32 s1, $0x2  }
0xba: {  	s3 =	sand.u32 $0x4000, s31;
	s1 =	sadd.s32 s1, s30  }
0xbb: {  	s0 =	sor.u32 s3, s0;
	s1 =	sshll.u32 s1, $0x11  }
0xbc: {  	s0 =	sor.u32 s1, s0  }
0xbd: {  	s0 =	sadd.s32 $0x8F2B, s0  }
0xbe: {  	[sflag:s0] =	ssyncadd.remote.s32 $0x1  }
0xbf: {  	_ =	sfence.sel $0xFFFF  }
0xc0: {  	[dreg:$0x0] =	wrdreg $0xFFFFFFFF;
	(pc) =	sbr.abs _section_cstart, $3  }
0xc1: {  	[dreg:$0x1] =	wrdreg $0xFFFFFFFF  }
0xc2: {  	_ =	task.clear_ibuf [dreg:s7], $0x2FFFF;
	_ =	strace $0x9FFFFFFF  }
0xc3: {  	(tm) =	ssettm $0x7FFFFFFF  }
tec
execute0_lowered:
.L_overlay_start_1:
0x0: {  	(tag) =	ssettag $0x1  }
0x1: {  	s0 =	rddreg [dreg:$0x0]  }
0x2: {  	s10 =	rddreg [dreg:$0x1];
	s1 =	srdreg.scid  }
0x3: {  	s3 =	rddreg [dreg:$0x2];
	s9 =	stileid.u32;
	s4 =	simm.s32 $0x0  }
0x4: {  	s29 =	simm.s32 $0x78;
	s30 =	simm.s32 $0x600;
	s5 =	smul.u32 $0x13C00, s9  }
0x5: {  	s31 =	simm.s32 $0x4200;
	s1 =	sand.u32 $0x1, s1;
	s8 =	smul.u32 $0x4F000, s9  }
0x6: {  	[smem:$0x7FF] =	sst s4;
	s7 =	sadd.s32 $0x29E00, s0;
	s15 =	smul.u32 $0x5400, s9  }
0x7: {  	s2 =	smul.u32 $0x13C000, s1;
	s6 =	sshll.u32 s1, $0x4;
	_ =	strace $0x8000004A  }
0x8: {  	[dreg:$0x4] =	wrdreg s7;
	s12 =	ssub.s32 $0x2, s1;
	s1 =	smul.u32 $0x54000, s1  }
0x9: {  	s6 =	sor.u32 s9, s6;
	s13 =	sshrl.u32 s12, $0x1;
	s18 =	sshrl.u32 s8, $0x2  }
0xa: {  	s8 =	simm.s32 $0x2;
	s9 =	simm.s32 $0x0;
	s2 =	sadd.s32 s5, s2  }
0xb: {  	s5 =	sadd.s32 $0x2600, s0;
	s6 =	smul.u32 $0x5400, s6;
	s7 =	sadd.s32 s18, s3  }
0xc: {  	s1 =	sadd.s32 s15, s1;
	s2 =	sshrl.u32 s2, $0x3;
	[dreg:$0xb] =	wrdreg s7  }
0xd: {  	s20 =	sadd.s32 $0xA00, s1;
	s22 =	sadd.s32 $0x800, s1;
	s23 =	sadd.s32 $0x700, s1  }
0xe: {  	s24 =	sadd.s32 $0x500, s1;
	s28 =	sadd.s32 $0x600, s1;
	s7 =	simm.s32 $0xD  }
0xf: {  	s0 =	sadd.s32 s2, s0;
	s6 =	sshrl.u32 s6, $0x3;
	s2 =	ssub.s32 s12, s13  }
0x10: {  	s25 =	sshrl.u32 s23, $0x3;
	[dreg:$0xe] =	wrdreg s28;
	s11 =	sadd.s32 s10, s6  }
0x11: {  	s26 =	sshrl.u32 s24, $0x3;
	s0 =	sadd.s32 $0x2C600, s0;
	[dreg:$0x5] =	wrdreg s11  }
0x12: {  	s13 =	simm.s32 $0x5;
	s2 =	smax.u32 s2, $0x1;
	[dreg:$0xc] =	wrdreg s0  }
0x13: {  	s23 =	simm.s32 $0x8;
	s6 =	sadd.s32 $0x20, s11;
	[dreg:$0xd] =	wrdreg s2  }
0x14: {  	s24 =	simm.s32 $0xA;
	s14 =	sadd.s32 $0x40, s11;
	[dreg:$0x6] =	wrdreg s6  }
0x15: {  	s16 =	sadd.s32 $0x60, s11;
	s17 =	sadd.s32 $0x80, s11;
	[dreg:$0x7] =	wrdreg s14  }
0x16: {  	s19 =	sadd.s32 $0xA0, s11;
	s0 =	sshrl.u32 s20, $0x3;
	[dreg:$0x8] =	wrdreg s16  }
0x17: {  	s11 =	simm.s32 $0x3;
	s20 =	simm.s32 $0x6;
	[dreg:$0x9] =	wrdreg s17  }
0x18: {  	s2 =	simm.s32 $0x7;
	[dreg:$0xa] =	wrdreg s19;
	s6 =	sadd.s32 $0x900, s1  }
.Ltmp0:
0x19: {  	s16 =	sadd.s32 s0, s10;
	s0 =	sshrl.u32 s22, $0x3;
	(pc) =	sbr.rel .LBB2_1-.Ltmp0, $4  }
0x1a: {  	s19 =	sadd.s32 s25, s10;
	s25 =	simm.s32 $0x300;
	s14 =	simm.s32 $0xB  }
0x1b: {  	s22 =	simm.s32 $0x100;
	s21 =	sshrl.u32 s6, $0x3;
	s18 =	sadd.s32 s0, s10  }
0x1c: {  	s0 =	simm.s32 $0x1;
	s6 =	simm.s32 $0x7E00;
	s17 =	sadd.s32 s21, s10  }
0x1d: {  	s21 =	sadd.s32 s26, s10;
	s26 =	simm.s32 $0x400;
	s10 =	simm.s32 $0x4  }
.LBB2_4:
0x1e: {  	_ =	swait.ge [sflag:s11], $0x3C00  }
0x1f: {  	[sflag:s11] =	ssyncset.done $0x0  }
0x20: {  	s1 =	simm.s32 $0x580;
	[sflag:s11] =	ssyncadd.s32 $0xFFFFC400  }
0x21: {  	[spmem:s3] =	stream.indirect.scatter.add.f32 [tilespmem:s6], [sflag:$0x6], $0x80, s1, s29, $0xb8;
	[tilespmem:$0x1F600] =	vst v63  }
0x22: {  	_ =	swait.ge [sflag:s13], $0x3C00  }
0x23: {  	[sflag:s13] =	ssyncset.done $0x0  }
0x24: {  	[sflag:s13] =	ssyncadd.s32 $0xFFFFC400  }
0x25: {  	_ =	swait.ge [sflag:s20], $0x3C00  }
0x26: {  	[sflag:s20] =	ssyncset.done $0x0  }
0x27: {  	[sflag:s20] =	ssyncadd.s32 $0xFFFFC400  }
0x28: {  	[bflag:$0x0] =	sbarrier.arrive $0xFFFF  }
0x29: {  	s12 =	rddreg [dreg:$0xc]  }
0x2a: {  	s7 =	rddreg [dreg:$0x10]  }
0x2b: {  	s9 =	rddreg [dreg:$0x11]  }
0x2c: {  	[hbm:s12], [sflag:s7] =	dma.local [spmem:s9], $0x2780  }
0x2d: {  	s7 =	simm.s32 $0xD  }
0x2e: {  	_ =	swait.ge [sflag:s7], $0x2780  }
0x2f: {  	s15 =	rddreg [dreg:$0xf]  }
0x30: {  	s28 =	rddreg [dreg:$0xd];
	s9 =	sadd.s32 $0x1, s15  }
0x31: {  	p0 =	sne.s32 s9, s28  }
.Ltmp1:
0x32: {  	_ = 	snop;
	(pc) =	sbr.rel @!p0 .LBB2_5-.Ltmp1, $3  }
0x33: {  	_ =	sdelay $0x1  }
0x34: {  	[sflag:s7] =	ssyncset.done $0x0  }
0x35: {  	[sflag:s7] =	ssyncadd.s32 $0xFFFFD880  }
.LBB2_1:
0x36: {  	[dreg:$0xf] =	wrdreg s9  }
0x37: {  	s1 =	rddreg [dreg:$0x5]  }
0x38: {  	[tilespmem:s4], [sflag:$0xD] =	stream.linear.gather [hbm4b:s1+s4], $0x100, $0x38;
	[tilespmem:$0x1F600] =	vst v63  }
0x39: {  	_ =	swait.ge [sflag:s7], $0x100  }
0x3a: {  	[sflag:s7] =	ssyncset.done $0x0  }
0x3b: {  	s9 =	simm.s32 $0x100;
	s12 =	rddreg [dreg:$0x6];
	[sflag:s7] =	ssyncadd.s32 $0xFFFFFF00  }
0x3c: {  	[tilespmem:s9], [sflag:$0xD] =	stream.linear.gather [hbm4b:s12+s4], $0x100, $0x38;
	[tilespmem:$0x1F600] =	vst v63  }
0x3d: {  	_ =	swait.ge [sflag:s7], $0x100  }
0x3e: {  	[sflag:s7] =	ssyncset.done $0x0  }
0x3f: {  	s12 =	simm.s32 $0x200;
	s15 =	rddreg [dreg:$0x7];
	[sflag:s7] =	ssyncadd.s32 $0xFFFFFF00  }
0x40: {  	[tilespmem:s12], [sflag:$0xD] =	stream.linear.gather [hbm4b:s15+s4], $0x100, $0x38;
	[tilespmem:$0x1F600] =	vst v63  }
0x41: {  	_ =	swait.ge [sflag:s7], $0x100  }
0x42: {  	[sflag:s7] =	ssyncset.done $0x0  }
0x43: {  	s12 =	rddreg [dreg:$0x8];
	[sflag:s7] =	ssyncadd.s32 $0xFFFFFF00  }
0x44: {  	[tilespmem:s25], [sflag:$0xD] =	stream.linear.gather [hbm4b:s12+s4], $0x100, $0x38;
	[tilespmem:$0x1F600] =	vst v63  }
0x45: {  	_ =	swait.ge [sflag:s7], $0x100  }
0x46: {  	[sflag:s7] =	ssyncset.done $0x0  }
0x47: {  	s15 =	rddreg [dreg:$0x9];
	[sflag:s7] =	ssyncadd.s32 $0xFFFFFF00  }
0x48: {  	[tilespmem:s26], [sflag:$0xD] =	stream.linear.gather [hbm4b:s15+s4], $0x100, $0x38;
	[tilespmem:$0x1F600] =	vst v63  }
0x49: {  	_ =	swait.ge [sflag:s7], $0x100  }
0x4a: {  	[sflag:s7] =	ssyncset.done $0x0  }
0x4b: {  	s15 =	simm.s32 $0x500;
	s12 =	rddreg [dreg:$0xa];
	[sflag:s7] =	ssyncadd.s32 $0xFFFFFF00  }
0x4c: {  	[tilespmem:s15], [sflag:$0xD] =	stream.linear.gather [hbm4b:s12+s4], $0x100, $0x38;
	[tilespmem:$0x1F600] =	vst v63  }
0x4d: {  	_ =	swait.ge [sflag:s7], $0x100  }
0x4e: {  	[sflag:s7] =	ssyncset.done $0x0  }
0x4f: {  	[sflag:s7] =	ssyncadd.s32 $0xFFFFFF00  }
0x50: {  	[tilespmem:s30], [sflag:$0x1] =	stream.indirect.gather [hbm4b:s5+s29], $0x80, s4, s29, $0xb8;
	[tilespmem:$0x1F600] =	vst v63  }
0x51: {  	_ = 	snop  }
0x52: {  	[tilespmem:s31], [sflag:$0x2] =	stream.indirect.gather [hbm4b:s5+s29], $0x80, s9, s29, $0xb8;
	[tilespmem:$0x1F600] =	vst v63  }
0x53: {  	s9 =	stileid.u32  }
0x54: {  	s15 =	rddreg [dreg:$0xb];
	s1 =	sshll.u32 s9, $0x6  }
0x55: {  	s12 =	sor.u32 $0x1C0D, s1;
	s1 =	sshrl.u32 s15, $0x3;
	s15 =	rddreg [dreg:$0x4]  }
0x56: {  	[dreg:$0x10] =	wrdreg s12  }
0x57: {  	[dreg:$0x11] =	wrdreg s1  }
0x58: {  	[spmem:s1], [sflag:s12] =	dma.local [hbm:s15], $0x2780  }
0x59: {  	_ =	swait.ge [sflag:s7], $0x2780  }
0x5a: {  	[sflag:s7] =	ssyncset.done $0x0  }
0x5b: {  	[sflag:s7] =	ssyncadd.s32 $0xFFFFD880  }
0x5c: {  	[bflag:$0x0] =	sbarrier.arrive $0xFFFF  }
0x5d: {  	s9 =	simm.s32 $0x0;
	s1 =	simm.s32 $0xFFFFFFFE;
	s28 =	rddreg [dreg:$0xe]  }
.LBB2_2:
0x5e: {  	_ =	swait.ge [sflag:s0], $0x3C00  }
0x5f: {  	p0 =	seq.s32 s9, $0x0;
	[sflag:s0] =	ssyncset.done $0x0  }
0x60: {  	s7 =	simm.s32 $0x80;
	s12 =	simm.s32 @!p0 $0x6;
	[sflag:s0] =	ssyncadd.s32 $0xFFFFC400  }
0x61: {  	[spmem:s3] =	stream.indirect.scatter.add.f32 [tilespmem:s30], [sflag:$0x4], $0x80, s7, s29, $0xb8;
	[tilespmem:$0x1F600] =	vst v63  }
0x62: {  	_ =	swait.ge @!p0 [sflag:s12], $0x3C00  }
0x63: {  	s15 =	simm.s32 @!p0 $0x0;
	[sflag:s12] =	ssyncset.done @!p0 $0x0  }
0x64: {  	s7 =	simm.s32 @!p0 $0x500;
	[sflag:s12] =	ssyncadd.s32 @!p0 $0xFFFFC400;
	s12 =	sadd.s32 @!p0 s9, s21  }
0x65: {  	[tilespmem:s7], [sflag:$0xC] =	stream.linear.gather @!p0 [hbm4b:s12+s15], $0x100, $0x38;
	[tilespmem:$0x1F600] =	vst v63  }
0x66: {  	s7 =	simm.s32 @!p0 $0x9  }
0x67: {  	_ =	swait.ge @!p0 [sflag:s7], $0x100  }
0x68: {  	[sflag:s7] =	ssyncset.done @!p0 $0x0  }
0x69: {  	s15 =	simm.s32 $0x200;
	[sflag:s7] =	ssyncadd.s32 @!p0 $0xFFFFFF00  }
0x6a: {  	[tilespmem:s6], [sflag:$0x3] =	stream.indirect.gather [hbm4b:s5+s29], $0x80, s15, s29, $0xb8;
	[tilespmem:$0x1F600] =	vst v63  }
0x6b: {  	_ =	swait.ge [sflag:s8], $0x3C00  }
0x6c: {  	[sflag:s8] =	ssyncset.done $0x0  }
0x6d: {  	s12 =	simm.s32 $0x180;
	[sflag:s8] =	ssyncadd.s32 $0xFFFFC400  }
0x6e: {  	[spmem:s3] =	stream.indirect.scatter.add.f32 [tilespmem:s31], [sflag:$0x5], $0x80, s12, s29, $0xb8;
	[tilespmem:$0x1F600] =	vst v63  }
0x6f: {  	_ =	swait.ge [sflag:s10], $0x3C00  }
0x70: {  	[sflag:s10] =	ssyncset.done $0x0  }
0x71: {  	p0 =	seq.s32 s9, $0x9C0;
	[sflag:s10] =	ssyncadd.s32 $0xFFFFC400  }
0x72: {  	s7 =	sshrl.u32 @!p0 s28, $0x3;
	p1 =	seq.s32 @!p0 s9, $0x0;
	s12 =	rddreg [dreg:$0x1]  }
0x73: {  	p1 =	por p0, !p1;
	s7 =	sadd.s32 @!p0 s12, s7;
	s12 =	simm.s32 @!p0 $0x0  }
0x74: {  	[tilespmem:s12], [sflag:$0x7] =	stream.linear.gather @!p0 [hbm4b:s7+s12], $0x100, $0x38;
	[tilespmem:$0x1F600] =	vst v63  }
0x75: {  	_ =	swait.ge @p1 [sflag:s24], $0x100  }
0x76: {  	[sflag:s24] =	ssyncset.done @p1 $0x0  }
0x77: {  	[sflag:s24] =	ssyncadd.s32 @p1 $0xFFFFFF00  }
0x78: {  	[tilespmem:s30], [sflag:$0x1] =	stream.indirect.gather [hbm4b:s5+s29], $0x80, s25, s29, $0xb8;
	[tilespmem:$0x1F600] =	vst v63  }
0x79: {  	_ =	swait.ge [sflag:s11], $0x3C00  }
0x7a: {  	[sflag:s11] =	ssyncset.done $0x0  }
0x7b: {  	s15 =	simm.s32 $0x280;
	[sflag:s11] =	ssyncadd.s32 $0xFFFFC400  }
0x7c: {  	[spmem:s3] =	stream.indirect.scatter.add.f32 [tilespmem:s6], [sflag:$0x6], $0x80, s15, s29, $0xb8;
	[tilespmem:$0x1F600] =	vst v63  }
0x7d: {  	_ =	swait.ge [sflag:s13], $0x3C00  }
0x7e: {  	s7 =	sadd.s32 @!p0 s9, s19;
	p1 =	sgt.u32 @!p0 s1, $0x4D;
	[sflag:s13] =	ssyncset.done $0x0  }
0x7f: {  	p2 =	por p0, !p1;
	s15 =	simm.s32 @!p0 $0x100;
	[sflag:s13] =	ssyncadd.s32 $0xFFFFC400  }
0x80: {  	[tilespmem:s15], [sflag:$0x8] =	stream.linear.gather @!p0 [hbm4b:s7+s12], $0x100, $0x38;
	[tilespmem:$0x1F600] =	vst v63  }
0x81: {  	_ =	swait.ge @p2 [sflag:s14], $0x100  }
0x82: {  	[sflag:s14] =	ssyncset.done @p2 $0x0  }
0x83: {  	[sflag:s14] =	ssyncadd.s32 @p2 $0xFFFFFF00  }
0x84: {  	[tilespmem:s31], [sflag:$0x2] =	stream.indirect.gather [hbm4b:s5+s29], $0x80, s26, s29, $0xb8;
	[tilespmem:$0x1F600] =	vst v63  }
0x85: {  	_ =	swait.ge [sflag:s0], $0x3C00  }
0x86: {  	[sflag:s0] =	ssyncset.done $0x0  }
0x87: {  	s15 =	simm.s32 $0x380;
	[sflag:s0] =	ssyncadd.s32 $0xFFFFC400  }
0x88: {  	[spmem:s3] =	stream.indirect.scatter.add.f32 [tilespmem:s30], [sflag:$0x4], $0x80, s15, s29, $0xb8;
	[tilespmem:$0x1F600] =	vst v63  }
0x89: {  	p1 =	por @!p0 $0x0, $0x0;
	_ =	swait.ge [sflag:s20], $0x3C00  }
0x8a: {  	p1 =	por @p2 $0x1, $0x1;
	s7 =	sadd.s32 @!p0 s9, s18;
	[sflag:s20] =	ssyncset.done $0x0  }
0x8b: {  	s12 =	simm.s32 @!p0 $0x0;
	s15 =	simm.s32 @!p0 $0x200;
	[sflag:s20] =	ssyncadd.s32 $0xFFFFC400  }
0x8c: {  	[tilespmem:s15], [sflag:$0x9] =	stream.linear.gather @!p0 [hbm4b:s7+s12], $0x100, $0x38;
	[tilespmem:$0x1F600] =	vst v63  }
0x8d: {  	s7 =	simm.s32 @p1 $0xC  }
0x8e: {  	_ =	swait.ge @p1 [sflag:s7], $0x100  }
0x8f: {  	[sflag:s7] =	ssyncset.done @p1 $0x0  }
0x90: {  	s12 =	simm.s32 $0x500;
	[sflag:s7] =	ssyncadd.s32 @p1 $0xFFFFFF00  }
0x91: {  	[tilespmem:s6], [sflag:$0x3] =	stream.indirect.gather [hbm4b:s5+s29], $0x80, s12, s29, $0xb8;
	[tilespmem:$0x1F600] =	vst v63  }
0x92: {  	_ =	swait.ge [sflag:s8], $0x3C00  }
0x93: {  	[sflag:s8] =	ssyncset.done $0x0  }
.Ltmp2:
0x94: {  	s15 =	simm.s32 $0x480;
	[sflag:s8] =	ssyncadd.s32 $0xFFFFC400;
	(pc) =	sbr.rel @p0 .LBB2_4-.Ltmp2, $4  }
0x95: {  	[spmem:s3] =	stream.indirect.scatter.add.f32 [tilespmem:s31], [sflag:$0x5], $0x80, s15, s29, $0xb8;
	[tilespmem:$0x1F600] =	vst v63  }
0x96: {  	_ =	swait.ge [sflag:s10], $0x3C00  }
0x97: {  	[sflag:s10] =	ssyncset.done $0x0  }
0x98: {  	[sflag:s10] =	ssyncadd.s32 $0xFFFFC400  }
0x99: {  	s7 =	sadd.s32 s9, s17  }
0x9a: {  	[tilespmem:s25], [sflag:$0xA] =	stream.linear.gather [hbm4b:s7+s4], $0x100, $0x38;
	[tilespmem:$0x1F600] =	vst v63  }
0x9b: {  	_ =	swait.ge [sflag:s2], $0x100  }
0x9c: {  	[sflag:s2] =	ssyncset.done $0x0  }
0x9d: {  	[sflag:s2] =	ssyncadd.s32 $0xFFFFFF00  }
0x9e: {  	[tilespmem:s30], [sflag:$0x1] =	stream.indirect.gather [hbm4b:s5+s29], $0x80, s4, s29, $0xb8;
	[tilespmem:$0x1F600] =	vst v63  }
0x9f: {  	_ =	swait.ge [sflag:s11], $0x3C00  }
0xa0: {  	[sflag:s11] =	ssyncset.done $0x0  }
0xa1: {  	s12 =	simm.s32 $0x580;
	[sflag:s11] =	ssyncadd.s32 $0xFFFFC400  }
0xa2: {  	[spmem:s3] =	stream.indirect.scatter.add.f32 [tilespmem:s6], [sflag:$0x6], $0x80, s12, s29, $0xb8;
	[tilespmem:$0x1F600] =	vst v63  }
0xa3: {  	_ =	swait.ge [sflag:s13], $0x3C00  }
0xa4: {  	[sflag:s13] =	ssyncset.done $0x0  }
0xa5: {  	s15 =	sadd.s32 s9, s16;
	[sflag:s13] =	ssyncadd.s32 $0xFFFFC400  }
0xa6: {  	[tilespmem:s26], [sflag:$0xB] =	stream.linear.gather [hbm4b:s15+s4], $0x100, $0x38;
	[tilespmem:$0x1F600] =	vst v63  }
.Ltmp3:
0xa7: {  	_ = 	snop;
	(pc) =	sbr.rel .LBB2_2-.Ltmp3, $4  }
0xa8: {  	_ =	swait.ge [sflag:s23], $0x100  }
0xa9: {  	s9 =	sadd.s32 $0xC0, s9;
	[sflag:s23] =	ssyncset.done $0x0  }
0xaa: {  	s28 =	sadd.s32 $0x600, s28;
	s1 =	sadd.s32 $0x6, s1;
	[sflag:s23] =	ssyncadd.s32 $0xFFFFFF00  }
0xab: {  	[tilespmem:s31], [sflag:$0x2] =	stream.indirect.gather [hbm4b:s5+s29], $0x80, s22, s29, $0xb8;
	[tilespmem:$0x1F600] =	vst v63  }
.LBB2_5:
0xac: {  	_ =	sfence.sel $0x180000  }
0xad: {  	[bflag:$0x0] =	sbarrier.arrive $0xFFFF  }
0xae: {  	_ =	strace $0x9000004A  }
0xaf: {  	s0 =	stileid.u32;
	[bflag:$0x2] =	sbarrier.arrive $0xFFFF  }
0xb0: {  	p0 =	sne.s32 s0, $0x0;
	s0 =	rddreg [dreg:$0x3]  }
0xb1: {  	s0 =	sadd.s32 @!p0 $0x100000, s0  }
0xb2: {  	[sflag:s0] =	ssyncadd.tile.s32 @!p0 $0x1;
	_ =	shalt  }
.Lfunc_end2:
_tile_overlayer_lowered:
.L_overlay_start_2:
0xb3: {  	(tag) =	ssettag $0x2  }
0xb4: {  	s0 =	rddreg [dreg:$0x0];
	s2 =	stileid.u32  }
0xb5: {  	s1 =	rddreg [dreg:$0x1];
	p0 =	sne.s32 s2, $0x0  }
0xb6: {  	s3 =	rddreg [dreg:$0x2];
	[bflag:$0x3] =	sbarrier.arrive $0xFFFF;
	s2 =	simm.s32 @!p0 $0x1C0D  }
0xb7: {  	[timem:s3], [sflag:s2] =	dma.local @!p0 [hbm:s0], s1  }
0xb8: {  	s0 =	simm.s32 @!p0 $0xD  }
0xb9: {  	_ =	swait.ge @!p0 [sflag:s0], s1  }
0xba: {  	s1 =	ssub.s32 @!p0 $0x0, s1;
	[sflag:s0] =	ssyncset.done @!p0 $0x0  }
0xbb: {  	[sflag:s0] =	ssyncadd.s32 @!p0 s1  }
0xbc: {  	[bflag:$0x3] =	sbarrier.arrive $0xFFFF  }
0xbd: {  	_ =	shalt  }

// kernel: kernel.14.cloned.1.call-start
scs
__scs_entry_jumppad:
0x0: {  	(pc) =	sbr.rel $0x88, $3  }
0x1: {  	(tag) =	ssettag $0x0;
	lr =	simm.s32 $0x1  }
0x2: {  	[smem:$0x3F9A] =	sst lr;
	_ =	strace $0xD0000000  }
0x3: {  	_ = 	snop  }
0x4: {  	_ = 	snop  }
0x5: {  	_ = 	snop  }
0x6: {  	_ = 	snop  }
0x7: {  	_ = 	snop  }
__scs_overlays_trampoline_lowered:
0x8: {  	[smem:$0x3FA9] =	sst s0  }
0x9: {  	[smem:$0x3FAA] =	sst s1  }
0xa: {  	[smem:$0x3FAB] =	sst s2  }
0xb: {  	[smem:$0x3FAC] =	sst s3  }
0xc: {  	[smem:$0x3FAD] =	sst s4  }
0xd: {  	[smem:$0x3FAE] =	sst s5  }
0xe: {  	[smem:$0x3FAF] =	sst s6  }
0xf: {  	[smem:$0x3FB0] =	sst s7  }
0x10: {  	[smem:$0x3FB1] =	sst s8  }
0x11: {  	[smem:$0x3FB2] =	sst s9;
	s0 =	simm.s32 @!p0 $0x0  }
0x12: {  	s1 =	sld [smem:$0x3F98];
	s0 =	simm.s32 @p0 $0x1  }
0x13: {  	[smem:$0x3FB3] =	sst s0;
	s0 =	simm.s32 @!p1 $0x0  }
0x14: {  	s2 =	sld [smem:$0x3F97];
	s0 =	simm.s32 @p1 $0x1  }
0x15: {  	[smem:$0x3FB4] =	sst s0;
	s0 =	simm.s32 @!p2 $0x0  }
0x16: {  	s3 =	sld [smem:$0x3FDB];
	s0 =	simm.s32 @p2 $0x1  }
0x17: {  	s4 =	simm.s32 $0x1BF5;
	[smem:$0x3FB6] =	sst s0  }
0x18: {  	s0 =	sld [smem:$0x3F99];
	_ =	swait.ge [sflag:s4], $0x0  }
0x19: {  	s7 =	sld [smem:$0x3F9A]  }
0x1a: {  	s8 =	sadd.s32 $0xFFFFE003, lr  }
0x1b: {  	s9 =	sadd.s32 $0xFFFFFEF7, lr;
	s5 =	simm.s32 $0xFFFFFFFF;
	p2 =	slt.u32 s8, $0xFFFFF086  }
0x1c: {  	p1 =	slt.u32 s9, $0xF7A;
	s5 =	simm.s32 @!p2 $0x0  }
0x1d: {  	s5 =	simm.s32 @p1 $0x1;
	p0 =	seq.s32 s7, s2  }
0x1e: {  	s7 =	smul.u32 @!p0 $0xF7A, s2;
	p2 =	seq.s32 @!p0 s5, $0x0  }
0x1f: {  	s9 =	smul.u32 $0xF7A, s1;
	s8 =	simm.s32 @!p0 $0x1BF5;
	p2 =	por !p2, p0  }
0x20: {  	[sflag:s8] =	ssyncset.s32 @!p0 $0xFFFFF086;
	s6 =	sadd.s32 @!p0 s3, s7;
	s7 =	simm.s32 @!p0 $0x108  }
0x21: {  	s3 =	sadd.s32 s3, s9;
	s6 =	sadd.s32 @!p0 $0x88, s6;
	s7 =	simm.s32 @p2 $0x1082  }
0x22: {  	[simem:s7], [sflag:s8] =	dma.local @!p0 [hbm:s6], $0xF7A  }
0x23: {  	s9 =	sor.u32 $0xD0000000, s2;
	s6 =	simm.s32 $0x108;
	_ =	swait.ge @!p0 [sflag:s8], $0x0  }
0x24: {  	s3 =	sadd.s32 $0x88, s3;
	s6 =	simm.s32 @!p1 $0x1082;
	[sflag:s4] =	ssyncset.s32 $0xFFFFF086  }
0x25: {  	[simem:s6], [sflag:s4] =	dma.local [hbm:s3], $0xF7A  }
0x26: {  	[smem:$0x3F9A] =	sst s1;
	(tag) =	ssettag s2;
	_ =	strace s9  }
0x27: {  	s1 =	sld [smem:$0x3FAA]  }
0x28: {  	s2 =	sld [smem:$0x3FAB]  }
0x29: {  	s4 =	sld [smem:$0x3FAD]  }
0x2a: {  	p0 =	seq.s32 s5, $0x0;
	s5 =	sld [smem:$0x3FAE]  }
0x2b: {  	s6 =	sld [smem:$0x3FAF]  }
0x2c: {  	s7 =	sld [smem:$0x3FB0]  }
0x2d: {  	s3 =	simm.s32 $0x108;
	s8 =	sld [smem:$0x3FB1]  }
0x2e: {  	s3 =	simm.s32 @!p0 $0x1082;
	s9 =	sld [smem:$0x3FB2]  }
0x2f: {  	lr =	sadd.s32 s0, s3;
	s0 =	sld [smem:$0x3FA9]  }
0x30: {  	s3 =	sld [smem:$0x3FAC]  }
0x31: {  	[smem:$0x3FB5] =	sst s10  }
0x32: {  	s10 =	sld [smem:$0x3FB3];
	_ =	sdelay $0x3  }
0x33: {  	p0 =	seq.s32 s10, $0x1;
	s10 =	sld [smem:$0x3FB5];
	_ =	sdelay $0x3  }
0x34: {  	[smem:$0x3FB5] =	sst s10  }
0x35: {  	s10 =	sld [smem:$0x3FB4];
	_ =	sdelay $0x3  }
0x36: {  	p1 =	seq.s32 s10, $0x1;
	s10 =	sld [smem:$0x3FB5];
	_ =	sdelay $0x3  }
0x37: {  	[smem:$0x3FB5] =	sst s10  }
0x38: {  	s10 =	sld [smem:$0x3FB6]  }
0x39: {  	_ = 	snop;
	(pc) =	sbr.ind lr, $3  }
0x3a: {  	_ = 	snop  }
0x3b: {  	_ = 	snop  }
0x3c: {  	p2 =	seq.s32 s10, $0x1;
	s10 =	sld [smem:$0x3FB5]  }
0x3d: {  	_ =	shalt  }
0x3e: {  	_ =	shalt  }
0x3f: {  	_ =	shalt  }
0x40: {  	_ =	shalt  }
0x41: {  	_ =	shalt  }
0x42: {  	_ =	shalt  }
0x43: {  	_ =	shalt  }
0x44: {  	_ =	shalt  }
0x45: {  	_ =	shalt  }
0x46: {  	_ =	shalt  }
0x47: {  	_ =	shalt  }
0x48: {  	_ =	shalt  }
0x49: {  	_ =	shalt  }
0x4a: {  	_ =	shalt  }
0x4b: {  	_ =	shalt  }
0x4c: {  	_ =	shalt  }
0x4d: {  	_ =	shalt  }
0x4e: {  	_ =	shalt  }
0x4f: {  	_ =	shalt  }
0x50: {  	_ =	shalt  }
0x51: {  	_ =	shalt  }
0x52: {  	_ =	shalt  }
0x53: {  	_ =	shalt  }
0x54: {  	_ =	shalt  }
0x55: {  	_ =	shalt  }
0x56: {  	_ =	shalt  }
0x57: {  	_ =	shalt  }
0x58: {  	_ =	shalt  }
0x59: {  	_ =	shalt  }
0x5a: {  	_ =	shalt  }
0x5b: {  	_ =	shalt  }
0x5c: {  	_ =	shalt  }
0x5d: {  	_ =	shalt  }
0x5e: {  	_ =	shalt  }
0x5f: {  	_ =	shalt  }
0x60: {  	_ =	shalt  }
0x61: {  	_ =	shalt  }
0x62: {  	_ =	shalt  }
0x63: {  	_ =	shalt  }
0x64: {  	_ =	shalt  }
0x65: {  	_ =	shalt  }
0x66: {  	_ =	shalt  }
0x67: {  	_ =	shalt  }
0x68: {  	_ =	shalt  }
0x69: {  	_ =	shalt  }
0x6a: {  	_ =	shalt  }
0x6b: {  	_ =	shalt  }
0x6c: {  	_ =	shalt  }
0x6d: {  	_ =	shalt  }
0x6e: {  	_ =	shalt  }
0x6f: {  	_ =	shalt  }
0x70: {  	_ =	shalt  }
0x71: {  	_ =	shalt  }
0x72: {  	_ =	shalt  }
0x73: {  	_ =	shalt  }
0x74: {  	_ =	shalt  }
0x75: {  	_ =	shalt  }
0x76: {  	_ =	shalt  }
0x77: {  	_ =	shalt  }
0x78: {  	_ =	shalt  }
0x79: {  	_ =	shalt  }
0x7a: {  	_ =	shalt  }
0x7b: {  	_ =	shalt  }
0x7c: {  	_ =	shalt  }
0x7d: {  	_ =	shalt  }
0x7e: {  	_ =	shalt  }
0x7f: {  	_ =	shalt  }
0x80: {  	_ =	shalt  }
0x81: {  	_ =	shalt  }
0x82: {  	_ =	shalt  }
0x83: {  	_ =	shalt  }
0x84: {  	_ =	shalt  }
0x85: {  	_ =	shalt  }
0x86: {  	_ =	shalt  }
0x87: {  	_ =	shalt  }
.Lfunc_end0:
.L_simem_size_0:
called_computation.2_lowered:
.L_overlay_start_0:
0x88: {  	s2 =	sld [smem:$0x3FD9]  }
0x89: {  	s3 =	sld [smem:$0x3FFE];
	_ =	sdelay $0x1  }
0x8a: {  	s1 =	srdreg.scid  }
0x8b: {  	s0 =	sand.u32 $0x1, s1  }
0x8c: {  	s17 =	sshll.u32 s0, $0xA;
	s2 =	sadd.s32 s3, s2  }
0x8d: {  	s2 =	sadd.s32 s2, s17  }
0x8e: {  	[smem:$0x3FC1] =	sst s2  }
0x8f: {  	_ = 	snop  }
0x90: {  	s2 =	sld [smem:$0x3FD0];
	(tm) =	ssettm $0x1  }
0x91: {  	s18 =	sld [smem:$0x3FFB];
	_ =	sdelay $0x3  }
0x92: {  	_ =	strace s18  }
0x93: {  	s3 =	sld [smem:$0x3FFC];
	_ =	sdelay $0x3  }
0x94: {  	_ =	strace s3  }
0x95: {  	s3 =	sld [smem:$0x3FFD];
	_ =	sdelay $0x3  }
0x96: {  	_ =	strace s3  }
0x97: {  	_ =	strace $0x8FFFFFFF  }
0x98: {  	s19 =	sld [smem:$0x3FDB];
	_ =	sdelay $0x1  }
0x99: {  	s4 =	simm.s32 $_scs_section_size  }
0x9a: {  	s5 =	simm.s32 $_size__tile_overlayer_lowered;
	s6 =	simm.s32 $_tile_overlayer_lowered  }
0x9b: {  	s22 =	simm.s32 $0x1BFF;
	s21 =	sshll.u32 s6, $0x1;
	s3 =	sadd.s32 s4, s19  }
0x9c: {  	s7 =	simm.s32 $0x0;
	s20 =	sshll.u32 s5, $0x1;
	s5 =	sadd.s32 s21, s3  }
0x9d: {  	[timem:s7], [sflag:s22] =	dma.local [hbm:s5], s20  }
0x9e: {  	_ =	swait.ge [sflag:s22], s20  }
0x9f: {  	s4 =	ssub.s32 $0x0, s20;
	[sflag:s22] =	ssyncset.done $0x0  }
0xa0: {  	[sflag:s22] =	ssyncadd.s32 s4;
	_ =	sdelay $0x1  }
0xa1: {  	s23 =	simm.s32 $0x1B8B  }
0xa2: {  	_ =	swait.ge [sflag:s23], $0x1  }
0xa3: {  	[sflag:s23] =	ssyncset.done $0x0  }
0xa4: {  	s25 =	simm.s32 $0x1B8E;
	s24 =	sld [smem:$0x3FFE];
	[sflag:s23] =	ssyncadd.s32 $0xFFFFFFFF  }
0xa5: {  	s26 =	simm.s32 $execute0_lowered;
	[smem:$0x3FD2] =	sst s25  }
0xa6: {  	s5 =	sshll.u32 s26, $0x1;
	_ =	strace $0x8000004C;
	[dreg:$0x1] =	wrdreg $0xFFFFFFFF  }
0xa7: {  	s28 =	simm.s32 $_size_execute0_lowered;
	s3 =	sadd.s32 s3, s5;
	[dreg:$0x0] =	wrdreg $0x0  }
0xa8: {  	s5 =	sshll.u32 s28, $0x1;
	[dreg:$0x2] =	wrdreg s3  }
0xa9: {  	[dreg:$0x3] =	wrdreg s5  }
0xaa: {  	[dreg:$0x4] =	wrdreg $0xC0  }
0xab: {  	_ =	task [dreg:s7], $0x5FFFF  }
0xac: {  	[dreg:$0x1] =	wrdreg $0xFFFFFFFF  }
0xad: {  	[dreg:$0x0] =	wrdreg $0x60  }
0xae: {  	[dreg:$0x2] =	wrdreg s24  }
0xaf: {  	[dreg:$0x3] =	wrdreg s2  }
0xb0: {  	[dreg:$0x4] =	wrdreg $0xBA000  }
0xb1: {  	[dreg:$0x5] =	wrdreg $0x9  }
0xb2: {  	_ =	task.clear_ibuf [dreg:s7], $0x6FFFF;
	_ =	strace $0x9000004C  }
0xb3: {  	s29 =	simm.s32 $0x9;
	_ =	strace $0x8000004E  }
0xb4: {  	_ =	swait.ge [sflag:s29], $0x1  }
0xb5: {  	[sflag:s29] =	ssyncadd.s32 $0xFFFFFFFF  }
0xb6: {  	_ =	strace $0x9000004E  }
0xb7: {  	_ =	sfence  }
0xb8: {  	s30 =	sld [smem:$0x0];
	_ =	sdelay $0x2  }
0xb9: {  	s31 =	sshll.u32 s1, $0xD;
	s1 =	sshrl.u32 s1, $0x2  }
0xba: {  	s3 =	sand.u32 $0x4000, s31;
	s1 =	sadd.s32 s1, s30  }
0xbb: {  	s0 =	sor.u32 s3, s0;
	s1 =	sshll.u32 s1, $0x11  }
0xbc: {  	s0 =	sor.u32 s1, s0  }
0xbd: {  	s0 =	sadd.s32 $0x8F2B, s0  }
0xbe: {  	[sflag:s0] =	ssyncadd.remote.s32 $0x1  }
0xbf: {  	_ =	sfence.sel $0xFFFF  }
0xc0: {  	[dreg:$0x0] =	wrdreg $0xFFFFFFFF;
	(pc) =	sbr.abs _section_cstart, $3  }
0xc1: {  	[dreg:$0x1] =	wrdreg $0xFFFFFFFF  }
0xc2: {  	_ =	task.clear_ibuf [dreg:s7], $0x2FFFF;
	_ =	strace $0x9FFFFFFF  }
0xc3: {  	(tm) =	ssettm $0x7FFFFFFF  }
tec
execute0_lowered:
.L_overlay_start_1:
0x0: {  	(tag) =	ssettag $0x1  }
0x1: {  	s0 =	rddreg [dreg:$0x0]  }
0x2: {  	s10 =	rddreg [dreg:$0x1];
	s1 =	srdreg.scid  }
0x3: {  	s3 =	rddreg [dreg:$0x2];
	s9 =	stileid.u32;
	s4 =	simm.s32 $0x0  }
0x4: {  	s29 =	simm.s32 $0x78;
	s30 =	simm.s32 $0x600;
	s5 =	smul.u32 $0x13C00, s9  }
0x5: {  	s31 =	simm.s32 $0x4200;
	s1 =	sand.u32 $0x1, s1;
	s8 =	smul.u32 $0x4F000, s9  }
0x6: {  	[smem:$0x7FF] =	sst s4;
	s7 =	sadd.s32 $0x29E00, s0;
	s15 =	smul.u32 $0x5400, s9  }
0x7: {  	s2 =	smul.u32 $0x13C000, s1;
	s6 =	sshll.u32 s1, $0x4;
	_ =	strace $0x8000004D  }
0x8: {  	[dreg:$0x4] =	wrdreg s7;
	s12 =	ssub.s32 $0x2, s1;
	s1 =	smul.u32 $0x54000, s1  }
0x9: {  	s6 =	sor.u32 s9, s6;
	s13 =	sshrl.u32 s12, $0x1;
	s18 =	sshrl.u32 s8, $0x2  }
0xa: {  	s8 =	simm.s32 $0x2;
	s9 =	simm.s32 $0x0;
	s2 =	sadd.s32 s5, s2  }
0xb: {  	s5 =	sadd.s32 $0x2600, s0;
	s6 =	smul.u32 $0x5400, s6;
	s7 =	sadd.s32 s18, s3  }
0xc: {  	s1 =	sadd.s32 s15, s1;
	s2 =	sshrl.u32 s2, $0x3;
	[dreg:$0xb] =	wrdreg s7  }
0xd: {  	s20 =	sadd.s32 $0xA00, s1;
	s22 =	sadd.s32 $0x800, s1;
	s23 =	sadd.s32 $0x700, s1  }
0xe: {  	s24 =	sadd.s32 $0x500, s1;
	s28 =	sadd.s32 $0x600, s1;
	s7 =	simm.s32 $0xD  }
0xf: {  	s0 =	sadd.s32 s2, s0;
	s6 =	sshrl.u32 s6, $0x3;
	s2 =	ssub.s32 s12, s13  }
0x10: {  	s25 =	sshrl.u32 s23, $0x3;
	[dreg:$0xe] =	wrdreg s28;
	s11 =	sadd.s32 s10, s6  }
0x11: {  	s26 =	sshrl.u32 s24, $0x3;
	s0 =	sadd.s32 $0x2C600, s0;
	[dreg:$0x5] =	wrdreg s11  }
0x12: {  	s13 =	simm.s32 $0x5;
	s2 =	smax.u32 s2, $0x1;
	[dreg:$0xc] =	wrdreg s0  }
0x13: {  	s23 =	simm.s32 $0x8;
	s6 =	sadd.s32 $0x20, s11;
	[dreg:$0xd] =	wrdreg s2  }
0x14: {  	s24 =	simm.s32 $0xA;
	s14 =	sadd.s32 $0x40, s11;
	[dreg:$0x6] =	wrdreg s6  }
0x15: {  	s16 =	sadd.s32 $0x60, s11;
	s17 =	sadd.s32 $0x80, s11;
	[dreg:$0x7] =	wrdreg s14  }
0x16: {  	s19 =	sadd.s32 $0xA0, s11;
	s0 =	sshrl.u32 s20, $0x3;
	[dreg:$0x8] =	wrdreg s16  }
0x17: {  	s11 =	simm.s32 $0x3;
	s20 =	simm.s32 $0x6;
	[dreg:$0x9] =	wrdreg s17  }
0x18: {  	s2 =	simm.s32 $0x7;
	[dreg:$0xa] =	wrdreg s19;
	s6 =	sadd.s32 $0x900, s1  }
.Ltmp0:
0x19: {  	s16 =	sadd.s32 s0, s10;
	s0 =	sshrl.u32 s22, $0x3;
	(pc) =	sbr.rel .LBB2_1-.Ltmp0, $4  }
0x1a: {  	s19 =	sadd.s32 s25, s10;
	s25 =	simm.s32 $0x300;
	s14 =	simm.s32 $0xB  }
0x1b: {  	s22 =	simm.s32 $0x100;
	s21 =	sshrl.u32 s6, $0x3;
	s18 =	sadd.s32 s0, s10  }
0x1c: {  	s0 =	simm.s32 $0x1;
	s6 =	simm.s32 $0x7E00;
	s17 =	sadd.s32 s21, s10  }
0x1d: {  	s21 =	sadd.s32 s26, s10;
	s26 =	simm.s32 $0x400;
	s10 =	simm.s32 $0x4  }
.LBB2_4:
0x1e: {  	_ =	swait.ge [sflag:s11], $0x3C00  }
0x1f: {  	[sflag:s11] =	ssyncset.done $0x0  }
0x20: {  	s1 =	simm.s32 $0x580;
	[sflag:s11] =	ssyncadd.s32 $0xFFFFC400  }
0x21: {  	[spmem:s3] =	stream.indirect.scatter.add.f32 [tilespmem:s6], [sflag:$0x6], $0x80, s1, s29, $0xb8;
	[tilespmem:$0x1F600] =	vst v63  }
0x22: {  	_ =	swait.ge [sflag:s13], $0x3C00  }
0x23: {  	[sflag:s13] =	ssyncset.done $0x0  }
0x24: {  	[sflag:s13] =	ssyncadd.s32 $0xFFFFC400  }
0x25: {  	_ =	swait.ge [sflag:s20], $0x3C00  }
0x26: {  	[sflag:s20] =	ssyncset.done $0x0  }
0x27: {  	[sflag:s20] =	ssyncadd.s32 $0xFFFFC400  }
0x28: {  	[bflag:$0x0] =	sbarrier.arrive $0xFFFF  }
0x29: {  	s12 =	rddreg [dreg:$0xc]  }
0x2a: {  	s7 =	rddreg [dreg:$0x10]  }
0x2b: {  	s9 =	rddreg [dreg:$0x11]  }
0x2c: {  	[hbm:s12], [sflag:s7] =	dma.local [spmem:s9], $0x2780  }
0x2d: {  	s7 =	simm.s32 $0xD  }
0x2e: {  	_ =	swait.ge [sflag:s7], $0x2780  }
0x2f: {  	s15 =	rddreg [dreg:$0xf]  }
0x30: {  	s28 =	rddreg [dreg:$0xd];
	s9 =	sadd.s32 $0x1, s15  }
0x31: {  	p0 =	sne.s32 s9, s28  }
.Ltmp1:
0x32: {  	_ = 	snop;
	(pc) =	sbr.rel @!p0 .LBB2_5-.Ltmp1, $3  }
0x33: {  	_ =	sdelay $0x1  }
0x34: {  	[sflag:s7] =	ssyncset.done $0x0  }
0x35: {  	[sflag:s7] =	ssyncadd.s32 $0xFFFFD880  }
.LBB2_1:
0x36: {  	[dreg:$0xf] =	wrdreg s9  }
0x37: {  	s1 =	rddreg [dreg:$0x5]  }
0x38: {  	[tilespmem:s4], [sflag:$0xD] =	stream.linear.gather [hbm4b:s1+s4], $0x100, $0x38;
	[tilespmem:$0x1F600] =	vst v63  }
0x39: {  	_ =	swait.ge [sflag:s7], $0x100  }
0x3a: {  	[sflag:s7] =	ssyncset.done $0x0  }
0x3b: {  	s9 =	simm.s32 $0x100;
	s12 =	rddreg [dreg:$0x6];
	[sflag:s7] =	ssyncadd.s32 $0xFFFFFF00  }
0x3c: {  	[tilespmem:s9], [sflag:$0xD] =	stream.linear.gather [hbm4b:s12+s4], $0x100, $0x38;
	[tilespmem:$0x1F600] =	vst v63  }
0x3d: {  	_ =	swait.ge [sflag:s7], $0x100  }
0x3e: {  	[sflag:s7] =	ssyncset.done $0x0  }
0x3f: {  	s12 =	simm.s32 $0x200;
	s15 =	rddreg [dreg:$0x7];
	[sflag:s7] =	ssyncadd.s32 $0xFFFFFF00  }
0x40: {  	[tilespmem:s12], [sflag:$0xD] =	stream.linear.gather [hbm4b:s15+s4], $0x100, $0x38;
	[tilespmem:$0x1F600] =	vst v63  }
0x41: {  	_ =	swait.ge [sflag:s7], $0x100  }
0x42: {  	[sflag:s7] =	ssyncset.done $0x0  }
0x43: {  	s12 =	rddreg [dreg:$0x8];
	[sflag:s7] =	ssyncadd.s32 $0xFFFFFF00  }
0x44: {  	[tilespmem:s25], [sflag:$0xD] =	stream.linear.gather [hbm4b:s12+s4], $0x100, $0x38;
	[tilespmem:$0x1F600] =	vst v63  }
0x45: {  	_ =	swait.ge [sflag:s7], $0x100  }
0x46: {  	[sflag:s7] =	ssyncset.done $0x0  }
0x47: {  	s15 =	rddreg [dreg:$0x9];
	[sflag:s7] =	ssyncadd.s32 $0xFFFFFF00  }
0x48: {  	[tilespmem:s26], [sflag:$0xD] =	stream.linear.gather [hbm4b:s15+s4], $0x100, $0x38;
	[tilespmem:$0x1F600] =	vst v63  }
0x49: {  	_ =	swait.ge [sflag:s7], $0x100  }
0x4a: {  	[sflag:s7] =	ssyncset.done $0x0  }
0x4b: {  	s15 =	simm.s32 $0x500;
	s12 =	rddreg [dreg:$0xa];
	[sflag:s7] =	ssyncadd.s32 $0xFFFFFF00  }
0x4c: {  	[tilespmem:s15], [sflag:$0xD] =	stream.linear.gather [hbm4b:s12+s4], $0x100, $0x38;
	[tilespmem:$0x1F600] =	vst v63  }
0x4d: {  	_ =	swait.ge [sflag:s7], $0x100  }
0x4e: {  	[sflag:s7] =	ssyncset.done $0x0  }
0x4f: {  	[sflag:s7] =	ssyncadd.s32 $0xFFFFFF00  }
0x50: {  	[tilespmem:s30], [sflag:$0x1] =	stream.indirect.gather [hbm4b:s5+s29], $0x80, s4, s29, $0xb8;
	[tilespmem:$0x1F600] =	vst v63  }
0x51: {  	_ = 	snop  }
0x52: {  	[tilespmem:s31], [sflag:$0x2] =	stream.indirect.gather [hbm4b:s5+s29], $0x80, s9, s29, $0xb8;
	[tilespmem:$0x1F600] =	vst v63  }
0x53: {  	s9 =	stileid.u32  }
0x54: {  	s15 =	rddreg [dreg:$0xb];
	s1 =	sshll.u32 s9, $0x6  }
0x55: {  	s12 =	sor.u32 $0x1C0D, s1;
	s1 =	sshrl.u32 s15, $0x3;
	s15 =	rddreg [dreg:$0x4]  }
0x56: {  	[dreg:$0x10] =	wrdreg s12  }
0x57: {  	[dreg:$0x11] =	wrdreg s1  }
0x58: {  	[spmem:s1], [sflag:s12] =	dma.local [hbm:s15], $0x2780  }
0x59: {  	_ =	swait.ge [sflag:s7], $0x2780  }
0x5a: {  	[sflag:s7] =	ssyncset.done $0x0  }
0x5b: {  	[sflag:s7] =	ssyncadd.s32 $0xFFFFD880  }
0x5c: {  	[bflag:$0x0] =	sbarrier.arrive $0xFFFF  }
0x5d: {  	s9 =	simm.s32 $0x0;
	s1 =	simm.s32 $0xFFFFFFFE;
	s28 =	rddreg [dreg:$0xe]  }
.LBB2_2:
0x5e: {  	_ =	swait.ge [sflag:s0], $0x3C00  }
0x5f: {  	p0 =	seq.s32 s9, $0x0;
	[sflag:s0] =	ssyncset.done $0x0  }
0x60: {  	s7 =	simm.s32 $0x80;
	s12 =	simm.s32 @!p0 $0x6;
	[sflag:s0] =	ssyncadd.s32 $0xFFFFC400  }
0x61: {  	[spmem:s3] =	stream.indirect.scatter.add.f32 [tilespmem:s30], [sflag:$0x4], $0x80, s7, s29, $0xb8;
	[tilespmem:$0x1F600] =	vst v63  }
0x62: {  	_ =	swait.ge @!p0 [sflag:s12], $0x3C00  }
0x63: {  	s15 =	simm.s32 @!p0 $0x0;
	[sflag:s12] =	ssyncset.done @!p0 $0x0  }
0x64: {  	s7 =	simm.s32 @!p0 $0x500;
	[sflag:s12] =	ssyncadd.s32 @!p0 $0xFFFFC400;
	s12 =	sadd.s32 @!p0 s9, s21  }
0x65: {  	[tilespmem:s7], [sflag:$0xC] =	stream.linear.gather @!p0 [hbm4b:s12+s15], $0x100, $0x38;
	[tilespmem:$0x1F600] =	vst v63  }
0x66: {  	s7 =	simm.s32 @!p0 $0x9  }
0x67: {  	_ =	swait.ge @!p0 [sflag:s7], $0x100  }
0x68: {  	[sflag:s7] =	ssyncset.done @!p0 $0x0  }
0x69: {  	s15 =	simm.s32 $0x200;
	[sflag:s7] =	ssyncadd.s32 @!p0 $0xFFFFFF00  }
0x6a: {  	[tilespmem:s6], [sflag:$0x3] =	stream.indirect.gather [hbm4b:s5+s29], $0x80, s15, s29, $0xb8;
	[tilespmem:$0x1F600] =	vst v63  }
0x6b: {  	_ =	swait.ge [sflag:s8], $0x3C00  }
0x6c: {  	[sflag:s8] =	ssyncset.done $0x0  }
0x6d: {  	s12 =	simm.s32 $0x180;
	[sflag:s8] =	ssyncadd.s32 $0xFFFFC400  }
0x6e: {  	[spmem:s3] =	stream.indirect.scatter.add.f32 [tilespmem:s31], [sflag:$0x5], $0x80, s12, s29, $0xb8;
	[tilespmem:$0x1F600] =	vst v63  }
0x6f: {  	_ =	swait.ge [sflag:s10], $0x3C00  }
0x70: {  	[sflag:s10] =	ssyncset.done $0x0  }
0x71: {  	p0 =	seq.s32 s9, $0x9C0;
	[sflag:s10] =	ssyncadd.s32 $0xFFFFC400  }
0x72: {  	s7 =	sshrl.u32 @!p0 s28, $0x3;
	p1 =	seq.s32 @!p0 s9, $0x0;
	s12 =	rddreg [dreg:$0x1]  }
0x73: {  	p1 =	por p0, !p1;
	s7 =	sadd.s32 @!p0 s12, s7;
	s12 =	simm.s32 @!p0 $0x0  }
0x74: {  	[tilespmem:s12], [sflag:$0x7] =	stream.linear.gather @!p0 [hbm4b:s7+s12], $0x100, $0x38;
	[tilespmem:$0x1F600] =	vst v63  }
0x75: {  	_ =	swait.ge @p1 [sflag:s24], $0x100  }
0x76: {  	[sflag:s24] =	ssyncset.done @p1 $0x0  }
0x77: {  	[sflag:s24] =	ssyncadd.s32 @p1 $0xFFFFFF00  }
0x78: {  	[tilespmem:s30], [sflag:$0x1] =	stream.indirect.gather [hbm4b:s5+s29], $0x80, s25, s29, $0xb8;
	[tilespmem:$0x1F600] =	vst v63  }
0x79: {  	_ =	swait.ge [sflag:s11], $0x3C00  }
0x7a: {  	[sflag:s11] =	ssyncset.done $0x0  }
0x7b: {  	s15 =	simm.s32 $0x280;
	[sflag:s11] =	ssyncadd.s32 $0xFFFFC400  }
0x7c: {  	[spmem:s3] =	stream.indirect.scatter.add.f32 [tilespmem:s6], [sflag:$0x6], $0x80, s15, s29, $0xb8;
	[tilespmem:$0x1F600] =	vst v63  }
0x7d: {  	_ =	swait.ge [sflag:s13], $0x3C00  }
0x7e: {  	s7 =	sadd.s32 @!p0 s9, s19;
	p1 =	sgt.u32 @!p0 s1, $0x4D;
	[sflag:s13] =	ssyncset.done $0x0  }
0x7f: {  	p2 =	por p0, !p1;
	s15 =	simm.s32 @!p0 $0x100;
	[sflag:s13] =	ssyncadd.s32 $0xFFFFC400  }
0x80: {  	[tilespmem:s15], [sflag:$0x8] =	stream.linear.gather @!p0 [hbm4b:s7+s12], $0x100, $0x38;
	[tilespmem:$0x1F600] =	vst v63  }
0x81: {  	_ =	swait.ge @p2 [sflag:s14], $0x100  }
0x82: {  	[sflag:s14] =	ssyncset.done @p2 $0x0  }
0x83: {  	[sflag:s14] =	ssyncadd.s32 @p2 $0xFFFFFF00  }
0x84: {  	[tilespmem:s31], [sflag:$0x2] =	stream.indirect.gather [hbm4b:s5+s29], $0x80, s26, s29, $0xb8;
	[tilespmem:$0x1F600] =	vst v63  }
0x85: {  	_ =	swait.ge [sflag:s0], $0x3C00  }
0x86: {  	[sflag:s0] =	ssyncset.done $0x0  }
0x87: {  	s15 =	simm.s32 $0x380;
	[sflag:s0] =	ssyncadd.s32 $0xFFFFC400  }
0x88: {  	[spmem:s3] =	stream.indirect.scatter.add.f32 [tilespmem:s30], [sflag:$0x4], $0x80, s15, s29, $0xb8;
	[tilespmem:$0x1F600] =	vst v63  }
0x89: {  	p1 =	por @!p0 $0x0, $0x0;
	_ =	swait.ge [sflag:s20], $0x3C00  }
0x8a: {  	p1 =	por @p2 $0x1, $0x1;
	s7 =	sadd.s32 @!p0 s9, s18;
	[sflag:s20] =	ssyncset.done $0x0  }
0x8b: {  	s12 =	simm.s32 @!p0 $0x0;
	s15 =	simm.s32 @!p0 $0x200;
	[sflag:s20] =	ssyncadd.s32 $0xFFFFC400  }
0x8c: {  	[tilespmem:s15], [sflag:$0x9] =	stream.linear.gather @!p0 [hbm4b:s7+s12], $0x100, $0x38;
	[tilespmem:$0x1F600] =	vst v63  }
0x8d: {  	s7 =	simm.s32 @p1 $0xC  }
0x8e: {  	_ =	swait.ge @p1 [sflag:s7], $0x100  }
0x8f: {  	[sflag:s7] =	ssyncset.done @p1 $0x0  }
0x90: {  	s12 =	simm.s32 $0x500;
	[sflag:s7] =	ssyncadd.s32 @p1 $0xFFFFFF00  }
0x91: {  	[tilespmem:s6], [sflag:$0x3] =	stream.indirect.gather [hbm4b:s5+s29], $0x80, s12, s29, $0xb8;
	[tilespmem:$0x1F600] =	vst v63  }
0x92: {  	_ =	swait.ge [sflag:s8], $0x3C00  }
0x93: {  	[sflag:s8] =	ssyncset.done $0x0  }
.Ltmp2:
0x94: {  	s15 =	simm.s32 $0x480;
	[sflag:s8] =	ssyncadd.s32 $0xFFFFC400;
	(pc) =	sbr.rel @p0 .LBB2_4-.Ltmp2, $4  }
0x95: {  	[spmem:s3] =	stream.indirect.scatter.add.f32 [tilespmem:s31], [sflag:$0x5], $0x80, s15, s29, $0xb8;
	[tilespmem:$0x1F600] =	vst v63  }
0x96: {  	_ =	swait.ge [sflag:s10], $0x3C00  }
0x97: {  	[sflag:s10] =	ssyncset.done $0x0  }
0x98: {  	[sflag:s10] =	ssyncadd.s32 $0xFFFFC400  }
0x99: {  	s7 =	sadd.s32 s9, s17  }
0x9a: {  	[tilespmem:s25], [sflag:$0xA] =	stream.linear.gather [hbm4b:s7+s4], $0x100, $0x38;
	[tilespmem:$0x1F600] =	vst v63  }
0x9b: {  	_ =	swait.ge [sflag:s2], $0x100  }
0x9c: {  	[sflag:s2] =	ssyncset.done $0x0  }
0x9d: {  	[sflag:s2] =	ssyncadd.s32 $0xFFFFFF00  }
0x9e: {  	[tilespmem:s30], [sflag:$0x1] =	stream.indirect.gather [hbm4b:s5+s29], $0x80, s4, s29, $0xb8;
	[tilespmem:$0x1F600] =	vst v63  }
0x9f: {  	_ =	swait.ge [sflag:s11], $0x3C00  }
0xa0: {  	[sflag:s11] =	ssyncset.done $0x0  }
0xa1: {  	s12 =	simm.s32 $0x580;
	[sflag:s11] =	ssyncadd.s32 $0xFFFFC400  }
0xa2: {  	[spmem:s3] =	stream.indirect.scatter.add.f32 [tilespmem:s6], [sflag:$0x6], $0x80, s12, s29, $0xb8;
	[tilespmem:$0x1F600] =	vst v63  }
0xa3: {  	_ =	swait.ge [sflag:s13], $0x3C00  }
0xa4: {  	[sflag:s13] =	ssyncset.done $0x0  }
0xa5: {  	s15 =	sadd.s32 s9, s16;
	[sflag:s13] =	ssyncadd.s32 $0xFFFFC400  }
0xa6: {  	[tilespmem:s26], [sflag:$0xB] =	stream.linear.gather [hbm4b:s15+s4], $0x100, $0x38;
	[tilespmem:$0x1F600] =	vst v63  }
.Ltmp3:
0xa7: {  	_ = 	snop;
	(pc) =	sbr.rel .LBB2_2-.Ltmp3, $4  }
0xa8: {  	_ =	swait.ge [sflag:s23], $0x100  }
0xa9: {  	s9 =	sadd.s32 $0xC0, s9;
	[sflag:s23] =	ssyncset.done $0x0  }
0xaa: {  	s28 =	sadd.s32 $0x600, s28;
	s1 =	sadd.s32 $0x6, s1;
	[sflag:s23] =	ssyncadd.s32 $0xFFFFFF00  }
0xab: {  	[tilespmem:s31], [sflag:$0x2] =	stream.indirect.gather [hbm4b:s5+s29], $0x80, s22, s29, $0xb8;
	[tilespmem:$0x1F600] =	vst v63  }
.LBB2_5:
0xac: {  	_ =	sfence.sel $0x180000  }
0xad: {  	[bflag:$0x0] =	sbarrier.arrive $0xFFFF  }
0xae: {  	_ =	strace $0x9000004D  }
0xaf: {  	s0 =	stileid.u32;
	[bflag:$0x2] =	sbarrier.arrive $0xFFFF  }
0xb0: {  	p0 =	sne.s32 s0, $0x0;
	s0 =	rddreg [dreg:$0x3]  }
0xb1: {  	s0 =	sadd.s32 @!p0 $0x100000, s0  }
0xb2: {  	[sflag:s0] =	ssyncadd.tile.s32 @!p0 $0x1;
	_ =	shalt  }
.Lfunc_end2:
_tile_overlayer_lowered:
.L_overlay_start_2:
0xb3: {  	(tag) =	ssettag $0x2  }
0xb4: {  	s0 =	rddreg [dreg:$0x0];
	s2 =	stileid.u32  }
0xb5: {  	s1 =	rddreg [dreg:$0x1];
	p0 =	sne.s32 s2, $0x0  }
0xb6: {  	s3 =	rddreg [dreg:$0x2];
	[bflag:$0x3] =	sbarrier.arrive $0xFFFF;
	s2 =	simm.s32 @!p0 $0x1C0D  }
0xb7: {  	[timem:s3], [sflag:s2] =	dma.local @!p0 [hbm:s0], s1  }
0xb8: {  	s0 =	simm.s32 @!p0 $0xD  }
0xb9: {  	_ =	swait.ge @!p0 [sflag:s0], s1  }
0xba: {  	s1 =	ssub.s32 @!p0 $0x0, s1;
	[sflag:s0] =	ssyncset.done @!p0 $0x0  }
0xbb: {  	[sflag:s0] =	ssyncadd.s32 @!p0 s1  }
0xbc: {  	[bflag:$0x3] =	sbarrier.arrive $0xFFFF  }
0xbd: {  	_ =	shalt  }

// kernel: kernel.8.cloned.1.call-start
scs
__scs_entry_jumppad:
0x0: {  	(pc) =	sbr.rel $0x88, $3  }
0x1: {  	(tag) =	ssettag $0x0;
	lr =	simm.s32 $0x1  }
0x2: {  	[smem:$0x3F9A] =	sst lr;
	_ =	strace $0xD0000000  }
0x3: {  	_ = 	snop  }
0x4: {  	_ = 	snop  }
0x5: {  	_ = 	snop  }
0x6: {  	_ = 	snop  }
0x7: {  	_ = 	snop  }
__scs_overlays_trampoline_lowered:
0x8: {  	[smem:$0x3FA9] =	sst s0  }
0x9: {  	[smem:$0x3FAA] =	sst s1  }
0xa: {  	[smem:$0x3FAB] =	sst s2  }
0xb: {  	[smem:$0x3FAC] =	sst s3  }
0xc: {  	[smem:$0x3FAD] =	sst s4  }
0xd: {  	[smem:$0x3FAE] =	sst s5  }
0xe: {  	[smem:$0x3FAF] =	sst s6  }
0xf: {  	[smem:$0x3FB0] =	sst s7  }
0x10: {  	[smem:$0x3FB1] =	sst s8  }
0x11: {  	[smem:$0x3FB2] =	sst s9;
	s0 =	simm.s32 @!p0 $0x0  }
0x12: {  	s1 =	sld [smem:$0x3F98];
	s0 =	simm.s32 @p0 $0x1  }
0x13: {  	[smem:$0x3FB3] =	sst s0;
	s0 =	simm.s32 @!p1 $0x0  }
0x14: {  	s2 =	sld [smem:$0x3F97];
	s0 =	simm.s32 @p1 $0x1  }
0x15: {  	[smem:$0x3FB4] =	sst s0;
	s0 =	simm.s32 @!p2 $0x0  }
0x16: {  	s3 =	sld [smem:$0x3FDB];
	s0 =	simm.s32 @p2 $0x1  }
0x17: {  	s4 =	simm.s32 $0x1BF5;
	[smem:$0x3FB6] =	sst s0  }
0x18: {  	s0 =	sld [smem:$0x3F99];
	_ =	swait.ge [sflag:s4], $0x0  }
0x19: {  	s7 =	sld [smem:$0x3F9A]  }
0x1a: {  	s8 =	sadd.s32 $0xFFFFE003, lr  }
0x1b: {  	s9 =	sadd.s32 $0xFFFFFEF7, lr;
	s5 =	simm.s32 $0xFFFFFFFF;
	p2 =	slt.u32 s8, $0xFFFFF086  }
0x1c: {  	p1 =	slt.u32 s9, $0xF7A;
	s5 =	simm.s32 @!p2 $0x0  }
0x1d: {  	s5 =	simm.s32 @p1 $0x1;
	p0 =	seq.s32 s7, s2  }
0x1e: {  	s7 =	smul.u32 @!p0 $0xF7A, s2;
	p2 =	seq.s32 @!p0 s5, $0x0  }
0x1f: {  	s9 =	smul.u32 $0xF7A, s1;
	s8 =	simm.s32 @!p0 $0x1BF5;
	p2 =	por !p2, p0  }
0x20: {  	[sflag:s8] =	ssyncset.s32 @!p0 $0xFFFFF086;
	s6 =	sadd.s32 @!p0 s3, s7;
	s7 =	simm.s32 @!p0 $0x108  }
0x21: {  	s3 =	sadd.s32 s3, s9;
	s6 =	sadd.s32 @!p0 $0x88, s6;
	s7 =	simm.s32 @p2 $0x1082  }
0x22: {  	[simem:s7], [sflag:s8] =	dma.local @!p0 [hbm:s6], $0xF7A  }
0x23: {  	s9 =	sor.u32 $0xD0000000, s2;
	s6 =	simm.s32 $0x108;
	_ =	swait.ge @!p0 [sflag:s8], $0x0  }
0x24: {  	s3 =	sadd.s32 $0x88, s3;
	s6 =	simm.s32 @!p1 $0x1082;
	[sflag:s4] =	ssyncset.s32 $0xFFFFF086  }
0x25: {  	[simem:s6], [sflag:s4] =	dma.local [hbm:s3], $0xF7A  }
0x26: {  	[smem:$0x3F9A] =	sst s1;
	(tag) =	ssettag s2;
	_ =	strace s9  }
0x27: {  	s1 =	sld [smem:$0x3FAA]  }
0x28: {  	s2 =	sld [smem:$0x3FAB]  }
0x29: {  	s4 =	sld [smem:$0x3FAD]  }
0x2a: {  	p0 =	seq.s32 s5, $0x0;
	s5 =	sld [smem:$0x3FAE]  }
0x2b: {  	s6 =	sld [smem:$0x3FAF]  }
0x2c: {  	s7 =	sld [smem:$0x3FB0]  }
0x2d: {  	s3 =	simm.s32 $0x108;
	s8 =	sld [smem:$0x3FB1]  }
0x2e: {  	s3 =	simm.s32 @!p0 $0x1082;
	s9 =	sld [smem:$0x3FB2]  }
0x2f: {  	lr =	sadd.s32 s0, s3;
	s0 =	sld [smem:$0x3FA9]  }
0x30: {  	s3 =	sld [smem:$0x3FAC]  }
0x31: {  	[smem:$0x3FB5] =	sst s10  }
0x32: {  	s10 =	sld [smem:$0x3FB3];
	_ =	sdelay $0x3  }
0x33: {  	p0 =	seq.s32 s10, $0x1;
	s10 =	sld [smem:$0x3FB5];
	_ =	sdelay $0x3  }
0x34: {  	[smem:$0x3FB5] =	sst s10  }
0x35: {  	s10 =	sld [smem:$0x3FB4];
	_ =	sdelay $0x3  }
0x36: {  	p1 =	seq.s32 s10, $0x1;
	s10 =	sld [smem:$0x3FB5];
	_ =	sdelay $0x3  }
0x37: {  	[smem:$0x3FB5] =	sst s10  }
0x38: {  	s10 =	sld [smem:$0x3FB6]  }
0x39: {  	_ = 	snop;
	(pc) =	sbr.ind lr, $3  }
0x3a: {  	_ = 	snop  }
0x3b: {  	_ = 	snop  }
0x3c: {  	p2 =	seq.s32 s10, $0x1;
	s10 =	sld [smem:$0x3FB5]  }
0x3d: {  	_ =	shalt  }
0x3e: {  	_ =	shalt  }
0x3f: {  	_ =	shalt  }
0x40: {  	_ =	shalt  }
0x41: {  	_ =	shalt  }
0x42: {  	_ =	shalt  }
0x43: {  	_ =	shalt  }
0x44: {  	_ =	shalt  }
0x45: {  	_ =	shalt  }
0x46: {  	_ =	shalt  }
0x47: {  	_ =	shalt  }
0x48: {  	_ =	shalt  }
0x49: {  	_ =	shalt  }
0x4a: {  	_ =	shalt  }
0x4b: {  	_ =	shalt  }
0x4c: {  	_ =	shalt  }
0x4d: {  	_ =	shalt  }
0x4e: {  	_ =	shalt  }
0x4f: {  	_ =	shalt  }
0x50: {  	_ =	shalt  }
0x51: {  	_ =	shalt  }
0x52: {  	_ =	shalt  }
0x53: {  	_ =	shalt  }
0x54: {  	_ =	shalt  }
0x55: {  	_ =	shalt  }
0x56: {  	_ =	shalt  }
0x57: {  	_ =	shalt  }
0x58: {  	_ =	shalt  }
0x59: {  	_ =	shalt  }
0x5a: {  	_ =	shalt  }
0x5b: {  	_ =	shalt  }
0x5c: {  	_ =	shalt  }
0x5d: {  	_ =	shalt  }
0x5e: {  	_ =	shalt  }
0x5f: {  	_ =	shalt  }
0x60: {  	_ =	shalt  }
0x61: {  	_ =	shalt  }
0x62: {  	_ =	shalt  }
0x63: {  	_ =	shalt  }
0x64: {  	_ =	shalt  }
0x65: {  	_ =	shalt  }
0x66: {  	_ =	shalt  }
0x67: {  	_ =	shalt  }
0x68: {  	_ =	shalt  }
0x69: {  	_ =	shalt  }
0x6a: {  	_ =	shalt  }
0x6b: {  	_ =	shalt  }
0x6c: {  	_ =	shalt  }
0x6d: {  	_ =	shalt  }
0x6e: {  	_ =	shalt  }
0x6f: {  	_ =	shalt  }
0x70: {  	_ =	shalt  }
0x71: {  	_ =	shalt  }
0x72: {  	_ =	shalt  }
0x73: {  	_ =	shalt  }
0x74: {  	_ =	shalt  }
0x75: {  	_ =	shalt  }
0x76: {  	_ =	shalt  }
0x77: {  	_ =	shalt  }
0x78: {  	_ =	shalt  }
0x79: {  	_ =	shalt  }
0x7a: {  	_ =	shalt  }
0x7b: {  	_ =	shalt  }
0x7c: {  	_ =	shalt  }
0x7d: {  	_ =	shalt  }
0x7e: {  	_ =	shalt  }
0x7f: {  	_ =	shalt  }
0x80: {  	_ =	shalt  }
0x81: {  	_ =	shalt  }
0x82: {  	_ =	shalt  }
0x83: {  	_ =	shalt  }
0x84: {  	_ =	shalt  }
0x85: {  	_ =	shalt  }
0x86: {  	_ =	shalt  }
0x87: {  	_ =	shalt  }
.Lfunc_end0:
.L_simem_size_0:
called_computation_lowered:
.L_overlay_start_0:
0x88: {  	s2 =	sld [smem:$0x3FD9]  }
0x89: {  	s3 =	sld [smem:$0x3FFE];
	_ =	sdelay $0x1  }
0x8a: {  	s1 =	srdreg.scid  }
0x8b: {  	s0 =	sand.u32 $0x1, s1  }
0x8c: {  	s17 =	sshll.u32 s0, $0xA;
	s2 =	sadd.s32 s3, s2  }
0x8d: {  	s2 =	sadd.s32 s2, s17  }
0x8e: {  	[smem:$0x3FC1] =	sst s2  }
0x8f: {  	_ = 	snop  }
0x90: {  	s2 =	sld [smem:$0x3FD0];
	(tm) =	ssettm $0x1  }
0x91: {  	s18 =	sld [smem:$0x3FFB];
	_ =	sdelay $0x3  }
0x92: {  	_ =	strace s18  }
0x93: {  	s3 =	sld [smem:$0x3FFC];
	_ =	sdelay $0x3  }
0x94: {  	_ =	strace s3  }
0x95: {  	s3 =	sld [smem:$0x3FFD];
	_ =	sdelay $0x3  }
0x96: {  	_ =	strace s3  }
0x97: {  	_ =	strace $0x8FFFFFFF  }
0x98: {  	s19 =	sld [smem:$0x3FDB];
	_ =	sdelay $0x1  }
0x99: {  	s4 =	simm.s32 $_scs_section_size  }
0x9a: {  	s5 =	simm.s32 $_size__tile_overlayer_lowered;
	s6 =	simm.s32 $_tile_overlayer_lowered  }
0x9b: {  	s22 =	simm.s32 $0x1BFF;
	s21 =	sshll.u32 s6, $0x1;
	s3 =	sadd.s32 s4, s19  }
0x9c: {  	s7 =	simm.s32 $0x0;
	s20 =	sshll.u32 s5, $0x1;
	s5 =	sadd.s32 s21, s3  }
0x9d: {  	[timem:s7], [sflag:s22] =	dma.local [hbm:s5], s20  }
0x9e: {  	_ =	swait.ge [sflag:s22], s20  }
0x9f: {  	s4 =	ssub.s32 $0x0, s20;
	[sflag:s22] =	ssyncset.done $0x0  }
0xa0: {  	[sflag:s22] =	ssyncadd.s32 s4;
	_ =	sdelay $0x1  }
0xa1: {  	s23 =	simm.s32 $0x1B8B  }
0xa2: {  	_ =	swait.ge [sflag:s23], $0x1  }
0xa3: {  	[sflag:s23] =	ssyncset.done $0x0  }
0xa4: {  	s25 =	simm.s32 $0x1B8E;
	s24 =	sld [smem:$0x3FFE];
	[sflag:s23] =	ssyncadd.s32 $0xFFFFFFFF  }
0xa5: {  	s26 =	simm.s32 $execute0_lowered;
	[smem:$0x3FD2] =	sst s25  }
0xa6: {  	s5 =	sshll.u32 s26, $0x1;
	_ =	strace $0x80000046;
	[dreg:$0x1] =	wrdreg $0xFFFFFFFF  }
0xa7: {  	s28 =	simm.s32 $_size_execute0_lowered;
	s3 =	sadd.s32 s3, s5;
	[dreg:$0x0] =	wrdreg $0x0  }
0xa8: {  	s5 =	sshll.u32 s28, $0x1;
	[dreg:$0x2] =	wrdreg s3  }
0xa9: {  	[dreg:$0x3] =	wrdreg s5  }
0xaa: {  	[dreg:$0x4] =	wrdreg $0xC0  }
0xab: {  	_ =	task [dreg:s7], $0x5FFFF  }
0xac: {  	[dreg:$0x1] =	wrdreg $0xFFFFFFFF  }
0xad: {  	[dreg:$0x0] =	wrdreg $0x60  }
0xae: {  	[dreg:$0x2] =	wrdreg s2  }
0xaf: {  	[dreg:$0x3] =	wrdreg s24  }
0xb0: {  	[dreg:$0x4] =	wrdreg $0x90000  }
0xb1: {  	[dreg:$0x5] =	wrdreg $0x9  }
0xb2: {  	_ =	task.clear_ibuf [dreg:s7], $0x6FFFF;
	_ =	strace $0x90000046  }
0xb3: {  	s29 =	simm.s32 $0x9;
	_ =	strace $0x80000048  }
0xb4: {  	_ =	swait.ge [sflag:s29], $0x1  }
0xb5: {  	[sflag:s29] =	ssyncadd.s32 $0xFFFFFFFF  }
0xb6: {  	_ =	strace $0x90000048  }
0xb7: {  	_ =	sfence  }
0xb8: {  	s30 =	sld [smem:$0x0];
	_ =	sdelay $0x2  }
0xb9: {  	s31 =	sshll.u32 s1, $0xD;
	s1 =	sshrl.u32 s1, $0x2  }
0xba: {  	s3 =	sand.u32 $0x4000, s31;
	s1 =	sadd.s32 s1, s30  }
0xbb: {  	s0 =	sor.u32 s3, s0;
	s1 =	sshll.u32 s1, $0x11  }
0xbc: {  	s0 =	sor.u32 s1, s0  }
0xbd: {  	s0 =	sadd.s32 $0x8F2B, s0  }
0xbe: {  	[sflag:s0] =	ssyncadd.remote.s32 $0x1  }
0xbf: {  	_ =	sfence.sel $0xFFFF  }
0xc0: {  	[dreg:$0x0] =	wrdreg $0xFFFFFFFF;
	(pc) =	sbr.abs _section_cstart, $3  }
0xc1: {  	[dreg:$0x1] =	wrdreg $0xFFFFFFFF  }
0xc2: {  	_ =	task.clear_ibuf [dreg:s7], $0x2FFFF;
	_ =	strace $0x9FFFFFFF  }
0xc3: {  	(tm) =	ssettm $0x7FFFFFFF  }
tec
execute0_lowered:
.L_overlay_start_1:
0x0: {  	(tag) =	ssettag $0x1  }
0x1: {  	s6 =	rddreg [dreg:$0x0]  }
0x2: {  	s7 =	rddreg [dreg:$0x1]  }
0x3: {  	s1 =	rddreg [dreg:$0x2];
	s2 =	srdreg.scid  }
0x4: {  	s0 =	rddreg [dreg:$0x3];
	s3 =	simm.s32 $0x0;
	s13 =	simm.s32 $0x78  }
0x5: {  	s14 =	simm.s32 $0x80;
	s15 =	simm.s32 $0x180;
	s16 =	simm.s32 $0x280  }
0x6: {  	s17 =	simm.s32 $0x380;
	s18 =	simm.s32 $0x480;
	s19 =	simm.s32 $0x580  }
0x7: {  	s20 =	simm.s32 $0x1;
	s8 =	sand.u32 $0x1, s2;
	s2 =	stileid.u32  }
0x8: {  	s21 =	simm.s32 $0x0;
	[smem:$0x7FF] =	sst s3;
	s9 =	smul.u32 $0x13C000, s8  }
0x9: {  	s4 =	sadd.s32 $0x4E00, s7;
	s5 =	sadd.s32 $0x2600, s7;
	s10 =	smul.u32 $0x13C00, s2  }
0xa: {  	_ =	strace $0x80000047;
	s28 =	sshll.u32 s8, $0x4;
	s8 =	ssub.s32 $0x2, s8  }
0xb: {  	s11 =	smul.u32 $0x4F000, s2;
	s31 =	sshll.u32 s2, $0x6;
	s12 =	sshrl.u32 s8, $0x1  }
0xc: {  	s9 =	sadd.s32 s10, s9;
	s10 =	sor.u32 s2, s28;
	s8 =	ssub.s32 s8, s12  }
0xd: {  	s29 =	sshrl.u32 s11, $0x2;
	s11 =	sor.u32 $0x1C02, s31;
	s9 =	sshrl.u32 s9, $0x3  }
0xe: {  	s10 =	smul.u32 $0xA80, s10;
	s30 =	sadd.s32 s29, s1;
	s8 =	smax.u32 s8, $0x1  }
0xf: {  	s7 =	sadd.s32 s9, s7;
	s9 =	simm.s32 $0x2;
	s12 =	sshrl.u32 s30, $0x3  }
0x10: {  	s6 =	sadd.s32 s6, s10;
	s7 =	sadd.s32 $0x5600, s7;
	s10 =	simm.s32 $0x5400  }
.LBB2_1:
0x11: {  	[tilespmem:s3], [sflag:$0x2] =	stream.linear.gather [hbm4b:s6+s3], $0x5400, $0x38;
	[tilespmem:$0xA3C0] =	vst v63  }
0x12: {  	_ =	swait.ge [sflag:s9], $0x5400  }
0x13: {  	[sflag:s9] =	ssyncset.done $0x0  }
0x14: {  	[sflag:s9] =	ssyncadd.s32 $0xFFFFAC00  }
0x15: {  	[tilespmem:s10], [sflag:$0x2] =	stream.linear.gather [hbm4b:s4+s3], $0x3C00, $0x38;
	[tilespmem:$0xA3C0] =	vst v63  }
0x16: {  	_ =	swait.ge [sflag:s9], $0x3C00  }
0x17: {  	[sflag:s9] =	ssyncset.done $0x0  }
0x18: {  	[sflag:s9] =	ssyncadd.s32 $0xFFFFC400  }
0x19: {  	[spmem:s12], [sflag:s11] =	dma.local [hbm:s5], $0x2780  }
0x1a: {  	_ =	swait.ge [sflag:s9], $0x2780  }
0x1b: {  	[sflag:s9] =	ssyncset.done $0x0  }
0x1c: {  	[sflag:s9] =	ssyncadd.s32 $0xFFFFD880  }
0x1d: {  	[bflag:$0x0] =	sbarrier.arrive $0xFFFF  }
0x1e: {  	[spmem:s1] =	stream.indirect.scatter.add.f32 [tilespmem:s10], [sflag:$0x1], $0x8, s14, s13, $0xb8;
	[tilespmem:$0xA3C0] =	vst v63  }
0x1f: {  	_ = 	snop  }
0x20: {  	[spmem:s1] =	stream.indirect.scatter.add.f32 [tilespmem:s10], [sflag:$0x1], $0x8, s15, s13, $0xb8;
	[tilespmem:$0xA3C0] =	vst v63  }
0x21: {  	_ = 	snop  }
0x22: {  	[spmem:s1] =	stream.indirect.scatter.add.f32 [tilespmem:s10], [sflag:$0x1], $0x8, s16, s13, $0xb8;
	[tilespmem:$0xA3C0] =	vst v63  }
0x23: {  	_ = 	snop  }
0x24: {  	[spmem:s1] =	stream.indirect.scatter.add.f32 [tilespmem:s10], [sflag:$0x1], $0x8, s17, s13, $0xb8;
	[tilespmem:$0xA3C0] =	vst v63  }
0x25: {  	_ = 	snop  }
0x26: {  	[spmem:s1] =	stream.indirect.scatter.add.f32 [tilespmem:s10], [sflag:$0x1], $0x8, s18, s13, $0xb8;
	[tilespmem:$0xA3C0] =	vst v63  }
0x27: {  	_ = 	snop  }
0x28: {  	[spmem:s1] =	stream.indirect.scatter.add.f32 [tilespmem:s10], [sflag:$0x1], $0x8, s19, s13, $0xb8;
	[tilespmem:$0xA3C0] =	vst v63  }
0x29: {  	s22 =	simm.s32 $0x680  }
0x2a: {  	[spmem:s1] =	stream.indirect.scatter.add.f32 [tilespmem:s10], [sflag:$0x1], $0x8, s22, s13, $0xb8;
	[tilespmem:$0xA3C0] =	vst v63  }
0x2b: {  	_ =	swait.ge [sflag:s20], $0x3C0  }
0x2c: {  	s22 =	simm.s32 $0x1E00;
	[sflag:s20] =	ssyncset.done $0x0  }
.LBB2_2:
0x2d: {  	s23 =	sshra.s32 s22, $0x2;
	[sflag:s20] =	ssyncadd.s32 $0xFFFFFC40;
	p0 =	sne.s32 s22, $0x14E00  }
0x2e: {  	[spmem:s1] =	stream.indirect.scatter.add.f32 [tilespmem:s10], [sflag:$0x1], $0x8, s23, s13, $0xb8;
	[tilespmem:$0xA3C0] =	vst v63  }
.Ltmp0:
0x2f: {  	_ = 	snop;
	(pc) =	sbr.rel @p0 .LBB2_2-.Ltmp0, $4  }
0x30: {  	_ = 	snop  }
0x31: {  	s22 =	sadd.s32 $0x400, s22  }
0x32: {  	_ =	swait.ge [sflag:s20], $0x3C0  }
0x33: {  	[sflag:s20] =	ssyncset.done $0x0  }
0x34: {  	[sflag:s20] =	ssyncadd.s32 $0xFFFFFC40  }
0x35: {  	_ =	swait.ge [sflag:s20], $0x3C0  }
0x36: {  	[sflag:s20] =	ssyncset.done $0x0  }
0x37: {  	[sflag:s20] =	ssyncadd.s32 $0xFFFFFC40  }
0x38: {  	_ =	swait.ge [sflag:s20], $0x3C0  }
0x39: {  	[sflag:s20] =	ssyncset.done $0x0  }
0x3a: {  	[sflag:s20] =	ssyncadd.s32 $0xFFFFFC40  }
0x3b: {  	_ =	swait.ge [sflag:s20], $0x3C0  }
0x3c: {  	[sflag:s20] =	ssyncset.done $0x0  }
0x3d: {  	[sflag:s20] =	ssyncadd.s32 $0xFFFFFC40  }
0x3e: {  	_ =	swait.ge [sflag:s20], $0x3C0  }
0x3f: {  	[sflag:s20] =	ssyncset.done $0x0  }
0x40: {  	[sflag:s20] =	ssyncadd.s32 $0xFFFFFC40  }
0x41: {  	_ =	swait.ge [sflag:s20], $0x3C0  }
0x42: {  	[sflag:s20] =	ssyncset.done $0x0  }
0x43: {  	[sflag:s20] =	ssyncadd.s32 $0xFFFFFC40  }
0x44: {  	_ =	swait.ge [sflag:s20], $0x3C0  }
0x45: {  	s21 =	sadd.s32 $0x1, s21;
	[sflag:s20] =	ssyncset.done $0x0  }
0x46: {  	p0 =	sne.s32 s21, s8;
	[sflag:s20] =	ssyncadd.s32 $0xFFFFFC40  }
.Ltmp1:
0x47: {  	[bflag:$0x0] =	sbarrier.arrive $0xFFFF;
	(pc) =	sbr.rel @p0 .LBB2_1-.Ltmp1, $4  }
0x48: {  	[hbm:s7], [sflag:s11] =	dma.local [spmem:s12], $0x2780  }
0x49: {  	_ =	swait.ge [sflag:s9], $0x2780  }
0x4a: {  	[sflag:s9] =	ssyncset.done $0x0  }
0x4b: {  	[sflag:s9] =	ssyncadd.s32 $0xFFFFD880  }
0x4c: {  	_ =	sfence.sel $0x180000  }
0x4d: {  	[bflag:$0x0] =	sbarrier.arrive $0xFFFF  }
0x4e: {  	p0 =	sne.s32 s2, $0x0;
	_ =	strace $0x90000047  }
0x4f: {  	s0 =	sadd.s32 @!p0 $0x100000, s0;
	[bflag:$0x2] =	sbarrier.arrive $0xFFFF  }
0x50: {  	[sflag:s0] =	ssyncadd.tile.s32 @!p0 $0x1;
	_ =	shalt  }
.Lfunc_end2:
_tile_overlayer_lowered:
.L_overlay_start_2:
0x51: {  	(tag) =	ssettag $0x2  }
0x52: {  	s0 =	rddreg [dreg:$0x0];
	s2 =	stileid.u32  }
0x53: {  	s1 =	rddreg [dreg:$0x1];
	p0 =	sne.s32 s2, $0x0  }
0x54: {  	s3 =	rddreg [dreg:$0x2];
	[bflag:$0x3] =	sbarrier.arrive $0xFFFF;
	s2 =	simm.s32 @!p0 $0x1C02  }
0x55: {  	[timem:s3], [sflag:s2] =	dma.local @!p0 [hbm:s0], s1  }
0x56: {  	s0 =	simm.s32 @!p0 $0x2  }
0x57: {  	_ =	swait.ge @!p0 [sflag:s0], s1  }
0x58: {  	s1 =	ssub.s32 @!p0 $0x0, s1;
	[sflag:s0] =	ssyncset.done @!p0 $0x0  }
0x59: {  	[sflag:s0] =	ssyncadd.s32 @!p0 s1  }
0x5a: {  	[bflag:$0x3] =	sbarrier.arrive $0xFFFF  }
0x5b: {  	_ =	shalt  }

</sc_bundles>
